<compile_context>
chip_gen: v7x
topology: tpu7x:2x2x1
jax: 0.10.2.dev20260603
libtpu: 0.0.44.dev20260713+nightly
codegen_flags: <defaults>
</compile_context>

<pallas_src>
import jax
import jax.numpy as jnp
from jax import lax
from jax.experimental import pallas as pl
from jax.experimental.pallas import tpu as pltpu
from jax.experimental.pallas import tpu_sc as plsc

_D = 64
_BATCH = 16384
_L = 16
_NW = 32
_BPW = _BATCH // _NW
_NG = _BPW // _L
_RING = 8
_SLAB = _D * 128


def _extract_body(usid_hbm, upos_hbm, isid_hbm, ipos_hbm, ut_hbm, it_hbm,
                  ue_hbm, ie_hbm,
                  sid_v, pos_v, slabq_v, startq_v, slab_v, stage_v,
                  fsem, osem):
    wid = lax.axis_index("c") * 16 + lax.axis_index("s")
    base = wid * _BPW
    cvec = lax.iota(jnp.int32, _L)

    def phase(sid_hbm, pos_hbm, tab_hbm, dst_hbm):
        pltpu.sync_copy(sid_hbm.at[pl.ds(base, _BPW)], sid_v.at[pl.ds(0, _BPW)])
        pltpu.sync_copy(pos_hbm.at[pl.ds(base, _BPW)], pos_v.at[pl.ds(0, _BPW)])

        def scan(v, carry):
            off, last = carry
            idv = sid_v[pl.ds(v * _L, _L)]
            tv = idv >> 7
            shifted = tv[jnp.maximum(cvec - 1, 0)]
            rolled = jnp.where(cvec == 0, last, shifted)
            m = tv != rolled
            plsc.store_compressed(slabq_v.at[pl.ds(off, _L)], tv, mask=m)
            plsc.store_compressed(startq_v.at[pl.ds(off, _L)],
                                  v * _L + cvec, mask=m)
            cnt = plsc.all_reduce_population_count(m)[0]
            return off + cnt, tv[_L - 1]

        nslab, _last = lax.fori_loop(
            0, _NG, scan, (jnp.int32(0), jnp.int32(-1)))
        startq_v[pl.ds(nslab, _L)] = jnp.full((_L,), 1, jnp.int32) * _BPW

        def fire(s):
            t = slabq_v[pl.ds(s, _L)][0]
            off = pl.multiple_of(t * 128, 128)
            slot = lax.rem(s, _RING)
            pltpu.async_copy(tab_hbm.at[:, pl.ds(off, 128)],
                             slab_v.at[slot], fsem)

        def prime(s, carry):
            fire(s)
            return carry

        lax.fori_loop(0, jnp.minimum(nslab, _RING - 1), prime, 0)

        def do_slab(s, nfired):
            pltpu.make_async_copy(
                tab_hbm.at[:, pl.ds(0, 128)], slab_v.at[0], fsem).wait()
            slot = lax.rem(s, _RING)

            @pl.when(s + _RING - 1 < nslab)
            def _ahead():
                fire(s + _RING - 1)

            b0 = startq_v[pl.ds(s, _L)][0]
            b1 = startq_v[pl.ds(s + 1, _L)][0]

            def item(b, nfired):
                sslot = lax.rem(b, _L)

                @pl.when(jnp.logical_and(sslot == 0, nfired > 0))
                def _drain():
                    def d(i, c):
                        pltpu.make_async_copy(
                            ue_hbm.at[pl.ds(0, _D)],
                            stage_v.at[pl.ds(0, _D)], osem).wait()
                        return c
                    lax.fori_loop(0, nfired, d, 0)

                nfired = jnp.where(sslot == 0, 0, nfired)
                idw = sid_v[pl.ds(b, _L)][0]
                pos = pos_v[pl.ds(b, _L)][0]
                lvv = jnp.full((_L,), 1, jnp.int32) * (idw & 127)
                for k in range(4):
                    col = plsc.load_gather(
                        slab_v, [jnp.full((_L,), 1, jnp.int32) * slot,
                                 cvec + k * _L, lvv])
                    stage_v[pl.ds(sslot * _D + k * _L, _L)] = col
                pltpu.async_copy(stage_v.at[pl.ds(sslot * _D, _D)],
                                 dst_hbm.at[pl.ds(pos * _D, _D)], osem)
                return nfired + 1

            nfired = lax.fori_loop(b0, b1, item, nfired)
            return nfired

        nfired = lax.fori_loop(0, nslab, do_slab, jnp.int32(0))

        def dtail(i, c):
            pltpu.make_async_copy(ue_hbm.at[pl.ds(0, _D)],
                                  stage_v.at[pl.ds(0, _D)], osem).wait()
            return c

        lax.fori_loop(0, nfired, dtail, 0)

    phase(usid_hbm, upos_hbm, ut_hbm, ue_hbm)
    phase(isid_hbm, ipos_hbm, it_hbm, ie_hbm)


def _dot_body(ue_hbm, ie_hbm, out_hbm, uv, iv, ov):
    wid = lax.axis_index("c") * 16 + lax.axis_index("s")
    pltpu.sync_copy(ue_hbm.at[pl.ds(wid * _BPW * _D, _BPW * _D)], uv)
    pltpu.sync_copy(ie_hbm.at[pl.ds(wid * _BPW * _D, _BPW * _D)], iv)
    iota = lax.iota(jnp.int32, _L)

    def group(g, carry):
        acc = jnp.zeros((_L,), jnp.float32)
        for j in range(_L):
            bp = (g * _L + j) * _D
            p = jnp.zeros((_L,), jnp.float32)
            for k in range(4):
                u = uv[pl.ds(bp + k * _L, _L)]
                i2 = iv[pl.ds(bp + k * _L, _L)]
                p = p + u * i2
            s = jnp.sum(p)
            acc = jnp.where(iota == j, s, acc)
        ov[pl.ds(g * _L, _L)] = 1.0 / (1.0 + jnp.exp(-acc))
        return carry

    lax.fori_loop(0, _NG, group, 0)
    pltpu.sync_copy(ov, out_hbm.at[pl.ds(wid * _BPW, _BPW)])


@jax.jit
def kernel(user, item_i, embed_user_weight, embed_item_weight):
    u32 = user.astype(jnp.int32)
    i32 = item_i.astype(jnp.int32)
    posa = lax.iota(jnp.int32, _BATCH)
    usid, upos = lax.sort_key_val(u32, posa)
    isid, ipos = lax.sort_key_val(i32, posa)
    ut = jnp.transpose(embed_user_weight)
    it = jnp.transpose(embed_item_weight)

    mesh = plsc.VectorSubcoreMesh(core_axis_name="c", subcore_axis_name="s")
    params = pltpu.CompilerParams(
        needs_layout_passes=False, disable_bounds_checks=True)

    extract = pl.kernel(
        _extract_body,
        out_type=(jax.ShapeDtypeStruct((_BATCH * _D,), jnp.float32),
                  jax.ShapeDtypeStruct((_BATCH * _D,), jnp.float32)),
        mesh=mesh,
        compiler_params=params,
        scratch_types=[
            pltpu.VMEM((_BPW + _L,), jnp.int32),
            pltpu.VMEM((_BPW + _L,), jnp.int32),
            pltpu.VMEM((_BPW + 3 * _L,), jnp.int32),
            pltpu.VMEM((_BPW + 3 * _L,), jnp.int32),
            pltpu.VMEM((_RING, _D, 128), jnp.float32),
            pltpu.VMEM((_L * _D,), jnp.float32),
            pltpu.SemaphoreType.DMA,
            pltpu.SemaphoreType.DMA,
        ],
    )
    ue, ie = extract(usid, upos, isid, ipos, ut, it)

    dot = pl.kernel(
        _dot_body,
        out_type=jax.ShapeDtypeStruct((_BATCH,), jnp.float32),
        mesh=mesh,
        compiler_params=params,
        scratch_types=[
            pltpu.VMEM((_BPW * _D,), jnp.float32),
            pltpu.VMEM((_BPW * _D,), jnp.float32),
            pltpu.VMEM((_BPW,), jnp.float32),
        ],
    )
    return dot(ue, ie)

# --- scband reference (transcript-rebuilt; emitter-appended) ---
"""Pipeline reference for scband-pmf-91044716740739 (READ-ONLY COPY).

The authoritative reference and input builder live on the scoring server;
editing this copy changes nothing except your own understanding.
"""

import jax, jax.numpy as jnp
import numpy as np

USER_NUM = 1000000
ITEM_NUM = 100000
FACTOR_NUM = 64
BATCH = 16384

def setup_inputs(seed: int = 0) -> dict:
    key = jax.random.key(seed)
    k1, k2, k3, k4 = jax.random.split(key, 4)
    user = jax.random.randint(k1, (BATCH,), 0, USER_NUM, dtype=jnp.int64 if jax.config.jax_enable_x64 else jnp.int32)
    item_i = jax.random.randint(k2, (BATCH,), 0, ITEM_NUM, dtype=jnp.int64 if jax.config.jax_enable_x64 else jnp.int32)
    embed_user_weight = jax.random.normal(k3, (USER_NUM, FACTOR_NUM), dtype=jnp.float32) * 0.01
    embed_item_weight = jax.random.normal(k4, (ITEM_NUM, FACTOR_NUM), dtype=jnp.float32) * 0.01
    return {
        'user': user,
        'item_i': item_i,
        'embed_user_weight': embed_user_weight,
        'embed_item_weight': embed_item_weight,
    }

def reference(user, item_i, embed_user_weight, embed_item_weight):
    # F.embedding -> row gather
    user_e = jnp.take(embed_user_weight, user, axis=0)
    item_i_e = jnp.take(embed_item_weight, item_i, axis=0)
    prediction_i = (user_e * item_i_e).sum(axis=-1)
    prediction_i = jax.nn.sigmoid(prediction_i)
    return prediction_i

if __name__ == "__main__":
    import jax
    _d = setup_inputs()
    print(jax.jit(kernel)(*tuple(_d.values())))

</pallas_src>

<mosaic_0001>
#map = affine_map<(d0, d1) -> (0)>
#map1 = affine_map<(d0, d1) -> (0, 0)>
module attributes {stable_mosaic.version = 14 : i64} {
  func.func @_extract_body(%arg0: i32, %arg1: i32, %arg2: memref<16384xi32, #tpu.memory_space<hbm>>, %arg3: memref<16384xi32, #tpu.memory_space<hbm>>, %arg4: memref<16384xi32, #tpu.memory_space<hbm>>, %arg5: memref<16384xi32, #tpu.memory_space<hbm>>, %arg6: memref<64x1000000xf32, #tpu.memory_space<hbm>>, %arg7: memref<64x100000xf32, #tpu.memory_space<hbm>>, %arg8: memref<1048576xf32, #tpu.memory_space<hbm>>, %arg9: memref<1048576xf32, #tpu.memory_space<hbm>>, %arg10: memref<528xi32, #tpu.memory_space<vmem>>, %arg11: memref<528xi32, #tpu.memory_space<vmem>>, %arg12: memref<560xi32, #tpu.memory_space<vmem>>, %arg13: memref<560xi32, #tpu.memory_space<vmem>>, %arg14: memref<8x64x128xf32, #tpu.memory_space<vmem>>, %arg15: memref<1024xf32, #tpu.memory_space<vmem>>, %arg16: memref<!tpu.dma_semaphore, #tpu.memory_space<semaphore_mem>>, %arg17: memref<!tpu.dma_semaphore, #tpu.memory_space<semaphore_mem>>) attributes {dimension_semantics = [#tpu.dimension_semantics<core_parallel>, #tpu.dimension_semantics<subcore_parallel>], iteration_bounds = array<i64: 2, 16>, scalar_prefetch = 0 : i64, scratch_operands = 8 : i64, tpu.core_type = #tpu.core_type<sc_vector_subcore>, window_params = [{transform_indices = #map}, {transform_indices = #map}, {transform_indices = #map}, {transform_indices = #map}, {transform_indices = #map1}, {transform_indices = #map1}, {transform_indices = #map}, {transform_indices = #map}]} {
    %mul3A = arith.constant 16 : i32
    %mul3A_0 = arith.muli %arg0, %mul3A : i32
    %add3A = arith.addi %mul3A_0, %arg1 : i32
    %mul3A_1 = arith.constant 512 : i32
    %mul3A_2 = arith.muli %add3A, %mul3A_1 : i32
    %iota3A = tpu.iota {dimensions = array<i32: 0>} : vector<16xi32>
    "tpu.region"() ({
      %run_scoped3A = tpu.sem_alloc : memref<!tpu.dma_semaphore, #tpu.memory_space<semaphore_mem>>
      %dma_start3A = arith.constant 0 : i32
      %dma_start3A_96 = tpu.memref_slice %arg10[%dma_start3A] : memref<528xi32, #tpu.memory_space<vmem>> -> memref<512xi32, #tpu.memory_space<vmem>>
      %dma_start3A_97 = tpu.memref_slice %arg2[%mul3A_2] : memref<16384xi32, #tpu.memory_space<hbm>> -> memref<512xi32, #tpu.memory_space<hbm>>
      %dma_start3A_98 = arith.constant 0 : i32
      %dma_start3A_99 = tpu.memref_slice %arg10[%dma_start3A_98] : memref<528xi32, #tpu.memory_space<vmem>> -> memref<512xi32, #tpu.memory_space<vmem>>
      %dma_start3A_100 = tpu.memref_slice %arg2[%mul3A_2] : memref<16384xi32, #tpu.memory_space<hbm>> -> memref<512xi32, #tpu.memory_space<hbm>>
      tpu.enqueue_dma source(%dma_start3A_100 : memref<512xi32, #tpu.memory_space<hbm>>) target(%dma_start3A_99 : memref<512xi32, #tpu.memory_space<vmem>>) target_semaphore(%run_scoped3A : memref<!tpu.dma_semaphore, #tpu.memory_space<semaphore_mem>>)
      %dma_wait3A = arith.constant 0 : i32
      %dma_wait3A_101 = tpu.memref_slice %arg10[%dma_wait3A] : memref<528xi32, #tpu.memory_space<vmem>> -> memref<512xi32, #tpu.memory_space<vmem>>
      %dma_wait3A_102 = tpu.memref_slice %arg2[%mul3A_2] : memref<16384xi32, #tpu.memory_space<hbm>> -> memref<512xi32, #tpu.memory_space<hbm>>
      %dma_wait3A_103 = arith.constant 0 : i32
      %dma_wait3A_104 = tpu.memref_slice %arg10[%dma_wait3A_103] : memref<528xi32, #tpu.memory_space<vmem>> -> memref<512xi32, #tpu.memory_space<vmem>>
      %dma_wait3A_105 = tpu.memref_slice %arg2[%mul3A_2] : memref<16384xi32, #tpu.memory_space<hbm>> -> memref<512xi32, #tpu.memory_space<hbm>>
      tpu.wait_dma2 semaphore(%run_scoped3A : memref<!tpu.dma_semaphore, #tpu.memory_space<semaphore_mem>>) src(%dma_wait3A_105 : memref<512xi32, #tpu.memory_space<hbm>>) dst(%dma_wait3A_104 : memref<512xi32, #tpu.memory_space<vmem>>)
      tpu.yield
    }) : () -> ()
    "tpu.region"() ({
      %run_scoped3A = tpu.sem_alloc : memref<!tpu.dma_semaphore, #tpu.memory_space<semaphore_mem>>
      %dma_start3A = arith.constant 0 : i32
      %dma_start3A_96 = tpu.memref_slice %arg11[%dma_start3A] : memref<528xi32, #tpu.memory_space<vmem>> -> memref<512xi32, #tpu.memory_space<vmem>>
      %dma_start3A_97 = tpu.memref_slice %arg3[%mul3A_2] : memref<16384xi32, #tpu.memory_space<hbm>> -> memref<512xi32, #tpu.memory_space<hbm>>
      %dma_start3A_98 = arith.constant 0 : i32
      %dma_start3A_99 = tpu.memref_slice %arg11[%dma_start3A_98] : memref<528xi32, #tpu.memory_space<vmem>> -> memref<512xi32, #tpu.memory_space<vmem>>
      %dma_start3A_100 = tpu.memref_slice %arg3[%mul3A_2] : memref<16384xi32, #tpu.memory_space<hbm>> -> memref<512xi32, #tpu.memory_space<hbm>>
      tpu.enqueue_dma source(%dma_start3A_100 : memref<512xi32, #tpu.memory_space<hbm>>) target(%dma_start3A_99 : memref<512xi32, #tpu.memory_space<vmem>>) target_semaphore(%run_scoped3A : memref<!tpu.dma_semaphore, #tpu.memory_space<semaphore_mem>>)
      %dma_wait3A = arith.constant 0 : i32
      %dma_wait3A_101 = tpu.memref_slice %arg11[%dma_wait3A] : memref<528xi32, #tpu.memory_space<vmem>> -> memref<512xi32, #tpu.memory_space<vmem>>
      %dma_wait3A_102 = tpu.memref_slice %arg3[%mul3A_2] : memref<16384xi32, #tpu.memory_space<hbm>> -> memref<512xi32, #tpu.memory_space<hbm>>
      %dma_wait3A_103 = arith.constant 0 : i32
      %dma_wait3A_104 = tpu.memref_slice %arg11[%dma_wait3A_103] : memref<528xi32, #tpu.memory_space<vmem>> -> memref<512xi32, #tpu.memory_space<vmem>>
      %dma_wait3A_105 = tpu.memref_slice %arg3[%mul3A_2] : memref<16384xi32, #tpu.memory_space<hbm>> -> memref<512xi32, #tpu.memory_space<hbm>>
      tpu.wait_dma2 semaphore(%run_scoped3A : memref<!tpu.dma_semaphore, #tpu.memory_space<semaphore_mem>>) src(%dma_wait3A_105 : memref<512xi32, #tpu.memory_space<hbm>>) dst(%dma_wait3A_104 : memref<512xi32, #tpu.memory_space<vmem>>)
      tpu.yield
    }) : () -> ()
    %scan3A = arith.constant 0 : i32
    %scan3A_3 = arith.constant -1 : i32
    %scan3A_4 = arith.constant 0 : i32
    %scan3A_5 = arith.constant 32 : i32
    %scan3A_6 = arith.addi %scan3A_4, %scan3A_5 : i32
    %scan3A_7 = arith.constant 1 : i32
    %scan3A_8:2 = scf.for %scan3A_96 = %scan3A_4 to %scan3A_6 step %scan3A_7 iter_args(%scan3A_97 = %scan3A, %scan3A_98 = %scan3A_3) -> (i32, i32)  : i32 {
      %mul3A_99 = arith.constant 16 : i32
      %mul3A_100 = arith.muli %scan3A_96, %mul3A_99 : i32
      %get3A = arith.index_cast %mul3A_100 : i32 to index
      %get3A_101 = tpu.vector_load %arg10[%get3A] {strides = array<i32>} : memref<528xi32, #tpu.memory_space<vmem>>, vector<16xi32>,
      %shift_right_arithmetic3A = arith.constant 7 : i32
      %shift_right_arithmetic3A_102 = vector.broadcast %shift_right_arithmetic3A : i32 to vector<16xi32>
      %shift_right_arithmetic3A_103 = arith.shrsi %get3A_101, %shift_right_arithmetic3A_102 : vector<16xi32>
      %sub3A = arith.constant 1 : i32
      %sub3A_104 = vector.broadcast %sub3A : i32 to vector<16xi32>
      %sub3A_105 = arith.subi %iota3A, %sub3A_104 : vector<16xi32>
      %max3A = arith.constant 0 : i32
      %max3A_106 = vector.broadcast %max3A : i32 to vector<16xi32>
      %max3A_107 = arith.maxsi %sub3A_105, %max3A_106 : vector<16xi32>
      %lt3A = arith.constant 0 : i32
      %lt3A_108 = vector.broadcast %lt3A : i32 to vector<16xi32>
      %lt3A_109 = arith.cmpi slt, %max3A_107, %lt3A_108 : vector<16xi32>
      %add3A_110 = arith.constant 16 : i32
      %add3A_111 = vector.broadcast %add3A_110 : i32 to vector<16xi32>
      %add3A_112 = arith.addi %max3A_107, %add3A_111 : vector<16xi32>
      %select_n3A = arith.select %lt3A_109, %add3A_112, %max3A_107 : vector<16xi1>, vector<16xi32>
      %broadcast_in_dim3A_113 = vector.shape_cast %select_n3A : vector<16xi32> to vector<16x1xi32>
      %gather3A = vector.shape_cast %broadcast_in_dim3A_113 : vector<16x1xi32> to vector<16xi32>
      %gather3A_114 = tpu.dynamic_gather %shift_right_arithmetic3A_103[%gather3A] in [0] : vector<16xi32>, vector<16xi32> -> vector<16xi32>
      %eq3A = arith.constant 0 : i32
      %eq3A_115 = vector.broadcast %eq3A : i32 to vector<16xi32>
      %eq3A_116 = arith.cmpi eq, %iota3A, %eq3A_115 : vector<16xi32>
      %broadcast_in_dim3A_117 = vector.broadcast %scan3A_98 : i32 to vector<16xi32>
      %select_n3A_118 = arith.select %eq3A_116, %broadcast_in_dim3A_117, %gather3A_114 : vector<16xi1>, vector<16xi32>
      %ne3A = arith.cmpi ne, %shift_right_arithmetic3A_103, %select_n3A_118 : vector<16xi32>
      %swap3A_119 = arith.index_cast %scan3A_97 : i32 to index
      %swap3A_120 = tpu.vector_load %arg12[%swap3A_119] masked %ne3A {strides = array<i32>} : memref<560xi32, #tpu.memory_space<vmem>>, vector<16xi32>, vector<16xi1>
      tpu.vector_store %arg12[%swap3A_119], %shift_right_arithmetic3A_103 masked %ne3A {strides = array<i32>} : memref<560xi32, #tpu.memory_space<vmem>>, vector<16xi32>, vector<16xi1>
      %mul3A_121 = arith.constant 16 : i32
      %mul3A_122 = arith.muli %scan3A_96, %mul3A_121 : i32
      %add3A_123 = vector.broadcast %mul3A_122 : i32 to vector<16xi32>
      %add3A_124 = arith.addi %add3A_123, %iota3A : vector<16xi32>
      %swap3A_125 = arith.index_cast %scan3A_97 : i32 to index
      %swap3A_126 = tpu.vector_load %arg13[%swap3A_125] masked %ne3A {strides = array<i32>} : memref<560xi32, #tpu.memory_space<vmem>>, vector<16xi32>, vector<16xi1>
      tpu.vector_store %arg13[%swap3A_125], %add3A_124 masked %ne3A {strides = array<i32>} : memref<560xi32, #tpu.memory_space<vmem>>, vector<16xi32>, vector<16xi1>
      %all_reduce_population_count3A = tpu.all_reduce %ne3A {dim = 0 : i64, kind = #tpu.reduction_kind<sum>} : vector<16xi1> -> vector<16xi32>
      %slice3A = vector.extract_strided_slice %all_reduce_population_count3A {offsets = [0], sizes = [1], strides = [1]} : vector<16xi32> to vector<1xi32>
      %squeeze3A = vector.extract %slice3A[0] : i32 from vector<1xi32>
      %add3A_127 = arith.addi %scan3A_97, %squeeze3A : i32
      %slice3A_128 = vector.extract_strided_slice %shift_right_arithmetic3A_103 {offsets = [15], sizes = [1], strides = [1]} : vector<16xi32> to vector<1xi32>
      %squeeze3A_129 = vector.extract %slice3A_128[0] : i32 from vector<1xi32>
      scf.yield %add3A_127, %squeeze3A_129 : i32, i32
    }
    %scan3A_9 = arith.constant 32 : i32
    %broadcast_in_dim3A = arith.constant 1 : i32
    %broadcast_in_dim3A_10 = vector.broadcast %broadcast_in_dim3A : i32 to vector<16xi32>
    %mul3A_11 = arith.constant 512 : i32
    %mul3A_12 = vector.broadcast %mul3A_11 : i32 to vector<16xi32>
    %mul3A_13 = arith.muli %broadcast_in_dim3A_10, %mul3A_12 : vector<16xi32>
    %swap3A = arith.index_cast %scan3A_8#0 : i32 to index
    %swap3A_14 = tpu.vector_load %arg13[%swap3A] {strides = array<i32>} : memref<560xi32, #tpu.memory_space<vmem>>, vector<16xi32>,
    tpu.vector_store %arg13[%swap3A], %mul3A_13 {strides = array<i32>} : memref<560xi32, #tpu.memory_space<vmem>>, vector<16xi32>,
    %min3A = arith.constant 7 : i32
    %min3A_15 = arith.minsi %scan3A_8#0, %min3A : i32
    %while3A = arith.constant 0 : i32
    %while3A_16 = arith.constant 0 : i32
    %while3A_17 = arith.subi %min3A_15, %while3A_16 : i32
    %while3A_18 = arith.addi %while3A_16, %while3A_17 : i32
    %while3A_19 = arith.constant 1 : i32
    %while3A_20 = arith.divsi %while3A_17, %while3A_19 : i32
    %while3A_21 = arith.muli %while3A_20, %while3A_19 : i32
    %while3A_22 = arith.addi %while3A_16, %while3A_21 : i32
    %while3A_23 = arith.constant 1 : i32
    scf.for %while3A_96 = %while3A_16 to %while3A_22 step %while3A_23  : i32 {
      %get3A = arith.index_cast %while3A_96 : i32 to index
      %get3A_97 = tpu.vector_load %arg12[%get3A] {strides = array<i32>} : memref<560xi32, #tpu.memory_space<vmem>>, vector<16xi32>,
      %slice3A = vector.extract_strided_slice %get3A_97 {offsets = [0], sizes = [1], strides = [1]} : vector<16xi32> to vector<1xi32>
      %squeeze3A = vector.extract %slice3A[0] : i32 from vector<1xi32>
      %mul3A_98 = arith.constant 128 : i32
      %mul3A_99 = arith.muli %squeeze3A, %mul3A_98 : i32
      %multiple_of3A = tpu.assume_multiple %mul3A_99, 128 : i32
      %rem3A = arith.constant 8 : i32
      %rem3A_100 = arith.remsi %while3A_96, %rem3A : i32
      %dma_start3A = arith.constant 0 : i32
      %dma_start3A_101 = arith.constant 0 : i32
      %dma_start3A_102 = tpu.memref_slice %arg14[%rem3A_100, %dma_start3A, %dma_start3A_101] : memref<8x64x128xf32, #tpu.memory_space<vmem>> -> memref<1x64x128xf32, #tpu.memory_space<vmem>>
      %dma_start3A_103 = tpu.memref_squeeze %dma_start3A_102 : memref<1x64x128xf32, #tpu.memory_space<vmem>> -> memref<64x128xf32, #tpu.memory_space<vmem>>
      %dma_start3A_104 = arith.constant 0 : i32
      %dma_start3A_105 = tpu.memref_slice %arg6[%dma_start3A_104, %multiple_of3A] : memref<64x1000000xf32, #tpu.memory_space<hbm>> -> memref<64x128xf32, #tpu.memory_space<hbm>>
      %dma_start3A_106 = arith.constant 0 : i32
      %dma_start3A_107 = arith.constant 0 : i32
      %dma_start3A_108 = tpu.memref_slice %arg14[%rem3A_100, %dma_start3A_106, %dma_start3A_107] : memref<8x64x128xf32, #tpu.memory_space<vmem>> -> memref<1x64x128xf32, #tpu.memory_space<vmem>>
      %dma_start3A_109 = tpu.memref_squeeze %dma_start3A_108 : memref<1x64x128xf32, #tpu.memory_space<vmem>> -> memref<64x128xf32, #tpu.memory_space<vmem>>
      %dma_start3A_110 = arith.constant 0 : i32
      %dma_start3A_111 = tpu.memref_slice %arg6[%dma_start3A_110, %multiple_of3A] : memref<64x1000000xf32, #tpu.memory_space<hbm>> -> memref<64x128xf32, #tpu.memory_space<hbm>>
      tpu.enqueue_dma source(%dma_start3A_111 : memref<64x128xf32, #tpu.memory_space<hbm>>) target(%dma_start3A_109 : memref<64x128xf32, #tpu.memory_space<vmem>>) target_semaphore(%arg16 : memref<!tpu.dma_semaphore, #tpu.memory_space<semaphore_mem>>)
    }
    %while3A_24 = arith.constant 1 : i32
    scf.for %while3A_96 = %while3A_22 to %while3A_18 step %while3A_24  : i32 {
      %get3A = arith.index_cast %while3A_96 : i32 to index
      %get3A_97 = tpu.vector_load %arg12[%get3A] {strides = array<i32>} : memref<560xi32, #tpu.memory_space<vmem>>, vector<16xi32>,
      %slice3A = vector.extract_strided_slice %get3A_97 {offsets = [0], sizes = [1], strides = [1]} : vector<16xi32> to vector<1xi32>
      %squeeze3A = vector.extract %slice3A[0] : i32 from vector<1xi32>
      %mul3A_98 = arith.constant 128 : i32
      %mul3A_99 = arith.muli %squeeze3A, %mul3A_98 : i32
      %multiple_of3A = tpu.assume_multiple %mul3A_99, 128 : i32
      %rem3A = arith.constant 8 : i32
      %rem3A_100 = arith.remsi %while3A_96, %rem3A : i32
      %dma_start3A = arith.constant 0 : i32
      %dma_start3A_101 = arith.constant 0 : i32
      %dma_start3A_102 = tpu.memref_slice %arg14[%rem3A_100, %dma_start3A, %dma_start3A_101] : memref<8x64x128xf32, #tpu.memory_space<vmem>> -> memref<1x64x128xf32, #tpu.memory_space<vmem>>
      %dma_start3A_103 = tpu.memref_squeeze %dma_start3A_102 : memref<1x64x128xf32, #tpu.memory_space<vmem>> -> memref<64x128xf32, #tpu.memory_space<vmem>>
      %dma_start3A_104 = arith.constant 0 : i32
      %dma_start3A_105 = tpu.memref_slice %arg6[%dma_start3A_104, %multiple_of3A] : memref<64x1000000xf32, #tpu.memory_space<hbm>> -> memref<64x128xf32, #tpu.memory_space<hbm>>
      %dma_start3A_106 = arith.constant 0 : i32
      %dma_start3A_107 = arith.constant 0 : i32
      %dma_start3A_108 = tpu.memref_slice %arg14[%rem3A_100, %dma_start3A_106, %dma_start3A_107] : memref<8x64x128xf32, #tpu.memory_space<vmem>> -> memref<1x64x128xf32, #tpu.memory_space<vmem>>
      %dma_start3A_109 = tpu.memref_squeeze %dma_start3A_108 : memref<1x64x128xf32, #tpu.memory_space<vmem>> -> memref<64x128xf32, #tpu.memory_space<vmem>>
      %dma_start3A_110 = arith.constant 0 : i32
      %dma_start3A_111 = tpu.memref_slice %arg6[%dma_start3A_110, %multiple_of3A] : memref<64x1000000xf32, #tpu.memory_space<hbm>> -> memref<64x128xf32, #tpu.memory_space<hbm>>
      tpu.enqueue_dma source(%dma_start3A_111 : memref<64x128xf32, #tpu.memory_space<hbm>>) target(%dma_start3A_109 : memref<64x128xf32, #tpu.memory_space<vmem>>) target_semaphore(%arg16 : memref<!tpu.dma_semaphore, #tpu.memory_space<semaphore_mem>>)
    }
    %while3A_25 = arith.constant 0 : i32
    %while3A_26 = arith.constant 0 : i32
    %while3A_27 = arith.subi %scan3A_8#0, %while3A_25 : i32
    %while3A_28 = arith.addi %while3A_25, %while3A_27 : i32
    %while3A_29 = arith.constant 1 : i32
    %while3A_30 = arith.divsi %while3A_27, %while3A_29 : i32
    %while3A_31 = arith.muli %while3A_30, %while3A_29 : i32
    %while3A_32 = arith.addi %while3A_25, %while3A_31 : i32
    %while3A_33 = arith.constant 1 : i32
    %while3A_34 = scf.for %while3A_96 = %while3A_25 to %while3A_32 step %while3A_33 iter_args(%while3A_97 = %while3A_26) -> (i32)  : i32 {
      %dma_wait3A = arith.constant 0 : i32
      %dma_wait3A_98 = arith.constant 0 : i32
      %dma_wait3A_99 = arith.constant 0 : i32
      %dma_wait3A_100 = tpu.memref_slice %arg14[%dma_wait3A, %dma_wait3A_98, %dma_wait3A_99] : memref<8x64x128xf32, #tpu.memory_space<vmem>> -> memref<1x64x128xf32, #tpu.memory_space<vmem>>
      %dma_wait3A_101 = tpu.memref_squeeze %dma_wait3A_100 : memref<1x64x128xf32, #tpu.memory_space<vmem>> -> memref<64x128xf32, #tpu.memory_space<vmem>>
      %dma_wait3A_102 = arith.constant 0 : i32
      %dma_wait3A_103 = arith.constant 0 : i32
      %dma_wait3A_104 = tpu.memref_slice %arg6[%dma_wait3A_102, %dma_wait3A_103] : memref<64x1000000xf32, #tpu.memory_space<hbm>> -> memref<64x128xf32, #tpu.memory_space<hbm>>
      %dma_wait3A_105 = arith.constant 0 : i32
      %dma_wait3A_106 = arith.constant 0 : i32
      %dma_wait3A_107 = tpu.memref_slice %arg14[%dma_wait3A, %dma_wait3A_105, %dma_wait3A_106] : memref<8x64x128xf32, #tpu.memory_space<vmem>> -> memref<1x64x128xf32, #tpu.memory_space<vmem>>
      %dma_wait3A_108 = tpu.memref_squeeze %dma_wait3A_107 : memref<1x64x128xf32, #tpu.memory_space<vmem>> -> memref<64x128xf32, #tpu.memory_space<vmem>>
      %dma_wait3A_109 = arith.constant 0 : i32
      %dma_wait3A_110 = arith.constant 0 : i32
      %dma_wait3A_111 = tpu.memref_slice %arg6[%dma_wait3A_109, %dma_wait3A_110] : memref<64x1000000xf32, #tpu.memory_space<hbm>> -> memref<64x128xf32, #tpu.memory_space<hbm>>
      tpu.wait_dma2 semaphore(%arg16 : memref<!tpu.dma_semaphore, #tpu.memory_space<semaphore_mem>>) src(%dma_wait3A_111 : memref<64x128xf32, #tpu.memory_space<hbm>>) dst(%dma_wait3A_108 : memref<64x128xf32, #tpu.memory_space<vmem>>)
      %rem3A = arith.constant 8 : i32
      %rem3A_112 = arith.remsi %while3A_96, %rem3A : i32
      %add3A_113 = arith.constant 8 : i32
      %add3A_114 = arith.addi %while3A_96, %add3A_113 : i32
      %sub3A = arith.constant 1 : i32
      %sub3A_115 = arith.subi %add3A_114, %sub3A : i32
      %lt3A = arith.cmpi slt, %sub3A_115, %scan3A_8#0 : i32
      %convert_element_type3A = arith.extui %lt3A : i1 to i32
      %cond3A = arith.constant 0 : i32
      %cond3A_116 = arith.cmpi ne, %convert_element_type3A, %cond3A : i32
      scf.if %cond3A_116 {
        %add3A_134 = arith.constant 8 : i32
        %add3A_135 = arith.addi %while3A_96, %add3A_134 : i32
        %sub3A_136 = arith.constant 1 : i32
        %sub3A_137 = arith.subi %add3A_135, %sub3A_136 : i32
        %get3A_138 = arith.index_cast %sub3A_137 : i32 to index
        %get3A_139 = tpu.vector_load %arg12[%get3A_138] {strides = array<i32>} : memref<560xi32, #tpu.memory_space<vmem>>, vector<16xi32>,
        %slice3A_140 = vector.extract_strided_slice %get3A_139 {offsets = [0], sizes = [1], strides = [1]} : vector<16xi32> to vector<1xi32>
        %squeeze3A_141 = vector.extract %slice3A_140[0] : i32 from vector<1xi32>
        %mul3A_142 = arith.constant 128 : i32
        %mul3A_143 = arith.muli %squeeze3A_141, %mul3A_142 : i32
        %multiple_of3A = tpu.assume_multiple %mul3A_143, 128 : i32
        %rem3A_144 = arith.constant 8 : i32
        %rem3A_145 = arith.remsi %sub3A_137, %rem3A_144 : i32
        %dma_start3A = arith.constant 0 : i32
        %dma_start3A_146 = arith.constant 0 : i32
        %dma_start3A_147 = tpu.memref_slice %arg14[%rem3A_145, %dma_start3A, %dma_start3A_146] : memref<8x64x128xf32, #tpu.memory_space<vmem>> -> memref<1x64x128xf32, #tpu.memory_space<vmem>>
        %dma_start3A_148 = tpu.memref_squeeze %dma_start3A_147 : memref<1x64x128xf32, #tpu.memory_space<vmem>> -> memref<64x128xf32, #tpu.memory_space<vmem>>
        %dma_start3A_149 = arith.constant 0 : i32
        %dma_start3A_150 = tpu.memref_slice %arg6[%dma_start3A_149, %multiple_of3A] : memref<64x1000000xf32, #tpu.memory_space<hbm>> -> memref<64x128xf32, #tpu.memory_space<hbm>>
        %dma_start3A_151 = arith.constant 0 : i32
        %dma_start3A_152 = arith.constant 0 : i32
        %dma_start3A_153 = tpu.memref_slice %arg14[%rem3A_145, %dma_start3A_151, %dma_start3A_152] : memref<8x64x128xf32, #tpu.memory_space<vmem>> -> memref<1x64x128xf32, #tpu.memory_space<vmem>>
        %dma_start3A_154 = tpu.memref_squeeze %dma_start3A_153 : memref<1x64x128xf32, #tpu.memory_space<vmem>> -> memref<64x128xf32, #tpu.memory_space<vmem>>
        %dma_start3A_155 = arith.constant 0 : i32
        %dma_start3A_156 = tpu.memref_slice %arg6[%dma_start3A_155, %multiple_of3A] : memref<64x1000000xf32, #tpu.memory_space<hbm>> -> memref<64x128xf32, #tpu.memory_space<hbm>>
        tpu.enqueue_dma source(%dma_start3A_156 : memref<64x128xf32, #tpu.memory_space<hbm>>) target(%dma_start3A_154 : memref<64x128xf32, #tpu.memory_space<vmem>>) target_semaphore(%arg16 : memref<!tpu.dma_semaphore, #tpu.memory_space<semaphore_mem>>)
      } else {
      }
      %get3A = arith.index_cast %while3A_96 : i32 to index
      %get3A_117 = tpu.vector_load %arg13[%get3A] {strides = array<i32>} : memref<560xi32, #tpu.memory_space<vmem>>, vector<16xi32>,
      %slice3A = vector.extract_strided_slice %get3A_117 {offsets = [0], sizes = [1], strides = [1]} : vector<16xi32> to vector<1xi32>
      %squeeze3A = vector.extract %slice3A[0] : i32 from vector<1xi32>
      %add3A_118 = arith.constant 1 : i32
      %add3A_119 = arith.addi %while3A_96, %add3A_118 : i32
      %get3A_120 = arith.index_cast %add3A_119 : i32 to index
      %get3A_121 = tpu.vector_load %arg13[%get3A_120] {strides = array<i32>} : memref<560xi32, #tpu.memory_space<vmem>>, vector<16xi32>,
      %slice3A_122 = vector.extract_strided_slice %get3A_121 {offsets = [0], sizes = [1], strides = [1]} : vector<16xi32> to vector<1xi32>
      %squeeze3A_123 = vector.extract %slice3A_122[0] : i32 from vector<1xi32>
      %while3A_124 = arith.subi %squeeze3A_123, %squeeze3A : i32
      %while3A_125 = arith.addi %squeeze3A, %while3A_124 : i32
      %while3A_126 = arith.constant 1 : i32
      %while3A_127 = arith.divsi %while3A_124, %while3A_126 : i32
      %while3A_128 = arith.muli %while3A_127, %while3A_126 : i32
      %while3A_129 = arith.addi %squeeze3A, %while3A_128 : i32
      %while3A_130 = arith.constant 1 : i32
      %while3A_131 = scf.for %while3A_134 = %squeeze3A to %while3A_129 step %while3A_130 iter_args(%while3A_135 = %while3A_97) -> (i32)  : i32 {
        %rem3A_136 = arith.constant 16 : i32
        %rem3A_137 = arith.remsi %while3A_134, %rem3A_136 : i32
        %eq3A = arith.constant 0 : i32
        %eq3A_138 = arith.cmpi eq, %rem3A_137, %eq3A : i32
        %gt3A = arith.constant 0 : i32
        %gt3A_139 = arith.cmpi sgt, %while3A_135, %gt3A : i32
        %and3A = arith.andi %eq3A_138, %gt3A_139 : i1
        %convert_element_type3A_140 = arith.extui %and3A : i1 to i32
        %cond3A_141 = arith.constant 0 : i32
        %cond3A_142 = arith.cmpi ne, %convert_element_type3A_140, %cond3A_141 : i32
        scf.if %cond3A_142 {
          %while3A_223 = arith.constant 0 : i32
          %while3A_224 = arith.constant 0 : i32
          %while3A_225 = arith.subi %while3A_135, %while3A_224 : i32
          %while3A_226 = arith.addi %while3A_224, %while3A_225 : i32
          %while3A_227 = arith.constant 1 : i32
          %while3A_228 = arith.divsi %while3A_225, %while3A_227 : i32
          %while3A_229 = arith.muli %while3A_228, %while3A_227 : i32
          %while3A_230 = arith.addi %while3A_224, %while3A_229 : i32
          %while3A_231 = arith.constant 1 : i32
          scf.for %while3A_233 = %while3A_224 to %while3A_230 step %while3A_231  : i32 {
            %dma_wait3A_234 = arith.constant 0 : i32
            %dma_wait3A_235 = tpu.memref_slice %arg15[%dma_wait3A_234] : memref<1024xf32, #tpu.memory_space<vmem>> -> memref<64xf32, #tpu.memory_space<vmem>>
            %dma_wait3A_236 = arith.constant 0 : i32
            %dma_wait3A_237 = tpu.memref_slice %arg8[%dma_wait3A_236] : memref<1048576xf32, #tpu.memory_space<hbm>> -> memref<64xf32, #tpu.memory_space<hbm>>
            %dma_wait3A_238 = arith.constant 0 : i32
            %dma_wait3A_239 = tpu.memref_slice %arg15[%dma_wait3A_238] : memref<1024xf32, #tpu.memory_space<vmem>> -> memref<64xf32, #tpu.memory_space<vmem>>
            %dma_wait3A_240 = arith.constant 0 : i32
            %dma_wait3A_241 = tpu.memref_slice %arg8[%dma_wait3A_240] : memref<1048576xf32, #tpu.memory_space<hbm>> -> memref<64xf32, #tpu.memory_space<hbm>>
            tpu.wait_dma2 semaphore(%arg17 : memref<!tpu.dma_semaphore, #tpu.memory_space<semaphore_mem>>) src(%dma_wait3A_241 : memref<64xf32, #tpu.memory_space<hbm>>) dst(%dma_wait3A_239 : memref<64xf32, #tpu.memory_space<vmem>>)
          }
          %while3A_232 = arith.constant 1 : i32
          scf.for %while3A_233 = %while3A_230 to %while3A_226 step %while3A_232  : i32 {
            %dma_wait3A_234 = arith.constant 0 : i32
            %dma_wait3A_235 = tpu.memref_slice %arg15[%dma_wait3A_234] : memref<1024xf32, #tpu.memory_space<vmem>> -> memref<64xf32, #tpu.memory_space<vmem>>
            %dma_wait3A_236 = arith.constant 0 : i32
            %dma_wait3A_237 = tpu.memref_slice %arg8[%dma_wait3A_236] : memref<1048576xf32, #tpu.memory_space<hbm>> -> memref<64xf32, #tpu.memory_space<hbm>>
            %dma_wait3A_238 = arith.constant 0 : i32
            %dma_wait3A_239 = tpu.memref_slice %arg15[%dma_wait3A_238] : memref<1024xf32, #tpu.memory_space<vmem>> -> memref<64xf32, #tpu.memory_space<vmem>>
            %dma_wait3A_240 = arith.constant 0 : i32
            %dma_wait3A_241 = tpu.memref_slice %arg8[%dma_wait3A_240] : memref<1048576xf32, #tpu.memory_space<hbm>> -> memref<64xf32, #tpu.memory_space<hbm>>
            tpu.wait_dma2 semaphore(%arg17 : memref<!tpu.dma_semaphore, #tpu.memory_space<semaphore_mem>>) src(%dma_wait3A_241 : memref<64xf32, #tpu.memory_space<hbm>>) dst(%dma_wait3A_239 : memref<64xf32, #tpu.memory_space<vmem>>)
          }
        } else {
        }
        %eq3A_143 = arith.constant 0 : i32
        %eq3A_144 = arith.cmpi eq, %rem3A_137, %eq3A_143 : i32
        %jit3A = arith.constant 0 : i32
        %select_n3A = arith.select %eq3A_144, %jit3A, %while3A_135 : i32
        %get3A_145 = arith.index_cast %while3A_134 : i32 to index
        %get3A_146 = tpu.vector_load %arg10[%get3A_145] {strides = array<i32>} : memref<528xi32, #tpu.memory_space<vmem>>, vector<16xi32>,
        %slice3A_147 = vector.extract_strided_slice %get3A_146 {offsets = [0], sizes = [1], strides = [1]} : vector<16xi32> to vector<1xi32>
        %squeeze3A_148 = vector.extract %slice3A_147[0] : i32 from vector<1xi32>
        %get3A_149 = arith.index_cast %while3A_134 : i32 to index
        %get3A_150 = tpu.vector_load %arg11[%get3A_149] {strides = array<i32>} : memref<528xi32, #tpu.memory_space<vmem>>, vector<16xi32>,
        %slice3A_151 = vector.extract_strided_slice %get3A_150 {offsets = [0], sizes = [1], strides = [1]} : vector<16xi32> to vector<1xi32>
        %squeeze3A_152 = vector.extract %slice3A_151[0] : i32 from vector<1xi32>
        %broadcast_in_dim3A_153 = arith.constant 1 : i32
        %broadcast_in_dim3A_154 = vector.broadcast %broadcast_in_dim3A_153 : i32 to vector<16xi32>
        %and3A_155 = arith.constant 127 : i32
        %and3A_156 = arith.andi %squeeze3A_148, %and3A_155 : i32
        %mul3A_157 = vector.broadcast %and3A_156 : i32 to vector<16xi32>
        %mul3A_158 = arith.muli %broadcast_in_dim3A_154, %mul3A_157 : vector<16xi32>
        %broadcast_in_dim3A_159 = arith.constant 1 : i32
        %broadcast_in_dim3A_160 = vector.broadcast %broadcast_in_dim3A_159 : i32 to vector<16xi32>
        %mul3A_161 = vector.broadcast %rem3A_112 : i32 to vector<16xi32>
        %mul3A_162 = arith.muli %broadcast_in_dim3A_160, %mul3A_161 : vector<16xi32>
        %add3A_163 = arith.constant 0 : i32
        %add3A_164 = vector.broadcast %add3A_163 : i32 to vector<16xi32>
        %add3A_165 = arith.addi %iota3A, %add3A_164 : vector<16xi32>
        %gather3A = tpu.vector_load_idx %arg14[%mul3A_162, %add3A_165, %mul3A_158] : memref<8x64x128xf32, #tpu.memory_space<vmem>>[vector<16xi32>, vector<16xi32>, vector<16xi32>], vector<16xf32>,
        %mul3A_166 = arith.constant 64 : i32
        %mul3A_167 = arith.muli %rem3A_137, %mul3A_166 : i32
        %add3A_168 = arith.constant 0 : i32
        %add3A_169 = arith.addi %mul3A_167, %add3A_168 : i32
        %swap3A_170 = arith.index_cast %add3A_169 : i32 to index
        %swap3A_171 = tpu.vector_load %arg15[%swap3A_170] {strides = array<i32>} : memref<1024xf32, #tpu.memory_space<vmem>>, vector<16xf32>,
        tpu.vector_store %arg15[%swap3A_170], %gather3A {strides = array<i32>} : memref<1024xf32, #tpu.memory_space<vmem>>, vector<16xf32>,
        %broadcast_in_dim3A_172 = arith.constant 1 : i32
        %broadcast_in_dim3A_173 = vector.broadcast %broadcast_in_dim3A_172 : i32 to vector<16xi32>
        %mul3A_174 = vector.broadcast %rem3A_112 : i32 to vector<16xi32>
        %mul3A_175 = arith.muli %broadcast_in_dim3A_173, %mul3A_174 : vector<16xi32>
        %add3A_176 = arith.constant 16 : i32
        %add3A_177 = vector.broadcast %add3A_176 : i32 to vector<16xi32>
        %add3A_178 = arith.addi %iota3A, %add3A_177 : vector<16xi32>
        %gather3A_179 = tpu.vector_load_idx %arg14[%mul3A_175, %add3A_178, %mul3A_158] : memref<8x64x128xf32, #tpu.memory_space<vmem>>[vector<16xi32>, vector<16xi32>, vector<16xi32>], vector<16xf32>,
        %mul3A_180 = arith.constant 64 : i32
        %mul3A_181 = arith.muli %rem3A_137, %mul3A_180 : i32
        %add3A_182 = arith.constant 16 : i32
        %add3A_183 = arith.addi %mul3A_181, %add3A_182 : i32
        %swap3A_184 = arith.index_cast %add3A_183 : i32 to index
        %swap3A_185 = tpu.vector_load %arg15[%swap3A_184] {strides = array<i32>} : memref<1024xf32, #tpu.memory_space<vmem>>, vector<16xf32>,
        tpu.vector_store %arg15[%swap3A_184], %gather3A_179 {strides = array<i32>} : memref<1024xf32, #tpu.memory_space<vmem>>, vector<16xf32>,
        %broadcast_in_dim3A_186 = arith.constant 1 : i32
        %broadcast_in_dim3A_187 = vector.broadcast %broadcast_in_dim3A_186 : i32 to vector<16xi32>
        %mul3A_188 = vector.broadcast %rem3A_112 : i32 to vector<16xi32>
        %mul3A_189 = arith.muli %broadcast_in_dim3A_187, %mul3A_188 : vector<16xi32>
        %add3A_190 = arith.constant 32 : i32
        %add3A_191 = vector.broadcast %add3A_190 : i32 to vector<16xi32>
        %add3A_192 = arith.addi %iota3A, %add3A_191 : vector<16xi32>
        %gather3A_193 = tpu.vector_load_idx %arg14[%mul3A_189, %add3A_192, %mul3A_158] : memref<8x64x128xf32, #tpu.memory_space<vmem>>[vector<16xi32>, vector<16xi32>, vector<16xi32>], vector<16xf32>,
        %mul3A_194 = arith.constant 64 : i32
        %mul3A_195 = arith.muli %rem3A_137, %mul3A_194 : i32
        %add3A_196 = arith.constant 32 : i32
        %add3A_197 = arith.addi %mul3A_195, %add3A_196 : i32
        %swap3A_198 = arith.index_cast %add3A_197 : i32 to index
        %swap3A_199 = tpu.vector_load %arg15[%swap3A_198] {strides = array<i32>} : memref<1024xf32, #tpu.memory_space<vmem>>, vector<16xf32>,
        tpu.vector_store %arg15[%swap3A_198], %gather3A_193 {strides = array<i32>} : memref<1024xf32, #tpu.memory_space<vmem>>, vector<16xf32>,
        %broadcast_in_dim3A_200 = arith.constant 1 : i32
        %broadcast_in_dim3A_201 = vector.broadcast %broadcast_in_dim3A_200 : i32 to vector<16xi32>
        %mul3A_202 = vector.broadcast %rem3A_112 : i32 to vector<16xi32>
        %mul3A_203 = arith.muli %broadcast_in_dim3A_201, %mul3A_202 : vector<16xi32>
        %add3A_204 = arith.constant 48 : i32
        %add3A_205 = vector.broadcast %add3A_204 : i32 to vector<16xi32>
        %add3A_206 = arith.addi %iota3A, %add3A_205 : vector<16xi32>
        %gather3A_207 = tpu.vector_load_idx %arg14[%mul3A_203, %add3A_206, %mul3A_158] : memref<8x64x128xf32, #tpu.memory_space<vmem>>[vector<16xi32>, vector<16xi32>, vector<16xi32>], vector<16xf32>,
        %mul3A_208 = arith.constant 64 : i32
        %mul3A_209 = arith.muli %rem3A_137, %mul3A_208 : i32
        %add3A_210 = arith.constant 48 : i32
        %add3A_211 = arith.addi %mul3A_209, %add3A_210 : i32
        %swap3A_212 = arith.index_cast %add3A_211 : i32 to index
        %swap3A_213 = tpu.vector_load %arg15[%swap3A_212] {strides = array<i32>} : memref<1024xf32, #tpu.memory_space<vmem>>, vector<16xf32>,
        tpu.vector_store %arg15[%swap3A_212], %gather3A_207 {strides = array<i32>} : memref<1024xf32, #tpu.memory_space<vmem>>, vector<16xf32>,
        %mul3A_214 = arith.constant 64 : i32
        %mul3A_215 = arith.muli %rem3A_137, %mul3A_214 : i32
        %mul3A_216 = arith.constant 64 : i32
        %mul3A_217 = arith.muli %squeeze3A_152, %mul3A_216 : i32
        %dma_start3A = tpu.memref_slice %arg15[%mul3A_215] : memref<1024xf32, #tpu.memory_space<vmem>> -> memref<64xf32, #tpu.memory_space<vmem>>
        %dma_start3A_218 = tpu.memref_slice %arg8[%mul3A_217] : memref<1048576xf32, #tpu.memory_space<hbm>> -> memref<64xf32, #tpu.memory_space<hbm>>
        %dma_start3A_219 = tpu.memref_slice %arg8[%mul3A_217] : memref<1048576xf32, #tpu.memory_space<hbm>> -> memref<64xf32, #tpu.memory_space<hbm>>
        %dma_start3A_220 = tpu.memref_slice %arg15[%mul3A_215] : memref<1024xf32, #tpu.memory_space<vmem>> -> memref<64xf32, #tpu.memory_space<vmem>>
        tpu.enqueue_dma source(%dma_start3A_220 : memref<64xf32, #tpu.memory_space<vmem>>) target(%dma_start3A_219 : memref<64xf32, #tpu.memory_space<hbm>>) target_semaphore(%arg17 : memref<!tpu.dma_semaphore, #tpu.memory_space<semaphore_mem>>)
        %add3A_221 = arith.constant 1 : i32
        %add3A_222 = arith.addi %select_n3A, %add3A_221 : i32
        scf.yield %add3A_222 : i32
      }
      %while3A_132 = arith.constant 1 : i32
      %while3A_133 = scf.for %while3A_134 = %while3A_129 to %while3A_125 step %while3A_132 iter_args(%while3A_135 = %while3A_131) -> (i32)  : i32 {
        %rem3A_136 = arith.constant 16 : i32
        %rem3A_137 = arith.remsi %while3A_134, %rem3A_136 : i32
        %eq3A = arith.constant 0 : i32
        %eq3A_138 = arith.cmpi eq, %rem3A_137, %eq3A : i32
        %gt3A = arith.constant 0 : i32
        %gt3A_139 = arith.cmpi sgt, %while3A_135, %gt3A : i32
        %and3A = arith.andi %eq3A_138, %gt3A_139 : i1
        %convert_element_type3A_140 = arith.extui %and3A : i1 to i32
        %cond3A_141 = arith.constant 0 : i32
        %cond3A_142 = arith.cmpi ne, %convert_element_type3A_140, %cond3A_141 : i32
        scf.if %cond3A_142 {
          %while3A_223 = arith.constant 0 : i32
          %while3A_224 = arith.constant 0 : i32
          %while3A_225 = arith.subi %while3A_135, %while3A_224 : i32
          %while3A_226 = arith.addi %while3A_224, %while3A_225 : i32
          %while3A_227 = arith.constant 1 : i32
          %while3A_228 = arith.divsi %while3A_225, %while3A_227 : i32
          %while3A_229 = arith.muli %while3A_228, %while3A_227 : i32
          %while3A_230 = arith.addi %while3A_224, %while3A_229 : i32
          %while3A_231 = arith.constant 1 : i32
          scf.for %while3A_233 = %while3A_224 to %while3A_230 step %while3A_231  : i32 {
            %dma_wait3A_234 = arith.constant 0 : i32
            %dma_wait3A_235 = tpu.memref_slice %arg15[%dma_wait3A_234] : memref<1024xf32, #tpu.memory_space<vmem>> -> memref<64xf32, #tpu.memory_space<vmem>>
            %dma_wait3A_236 = arith.constant 0 : i32
            %dma_wait3A_237 = tpu.memref_slice %arg8[%dma_wait3A_236] : memref<1048576xf32, #tpu.memory_space<hbm>> -> memref<64xf32, #tpu.memory_space<hbm>>
            %dma_wait3A_238 = arith.constant 0 : i32
            %dma_wait3A_239 = tpu.memref_slice %arg15[%dma_wait3A_238] : memref<1024xf32, #tpu.memory_space<vmem>> -> memref<64xf32, #tpu.memory_space<vmem>>
            %dma_wait3A_240 = arith.constant 0 : i32
            %dma_wait3A_241 = tpu.memref_slice %arg8[%dma_wait3A_240] : memref<1048576xf32, #tpu.memory_space<hbm>> -> memref<64xf32, #tpu.memory_space<hbm>>
            tpu.wait_dma2 semaphore(%arg17 : memref<!tpu.dma_semaphore, #tpu.memory_space<semaphore_mem>>) src(%dma_wait3A_241 : memref<64xf32, #tpu.memory_space<hbm>>) dst(%dma_wait3A_239 : memref<64xf32, #tpu.memory_space<vmem>>)
          }
          %while3A_232 = arith.constant 1 : i32
          scf.for %while3A_233 = %while3A_230 to %while3A_226 step %while3A_232  : i32 {
            %dma_wait3A_234 = arith.constant 0 : i32
            %dma_wait3A_235 = tpu.memref_slice %arg15[%dma_wait3A_234] : memref<1024xf32, #tpu.memory_space<vmem>> -> memref<64xf32, #tpu.memory_space<vmem>>
            %dma_wait3A_236 = arith.constant 0 : i32
            %dma_wait3A_237 = tpu.memref_slice %arg8[%dma_wait3A_236] : memref<1048576xf32, #tpu.memory_space<hbm>> -> memref<64xf32, #tpu.memory_space<hbm>>
            %dma_wait3A_238 = arith.constant 0 : i32
            %dma_wait3A_239 = tpu.memref_slice %arg15[%dma_wait3A_238] : memref<1024xf32, #tpu.memory_space<vmem>> -> memref<64xf32, #tpu.memory_space<vmem>>
            %dma_wait3A_240 = arith.constant 0 : i32
            %dma_wait3A_241 = tpu.memref_slice %arg8[%dma_wait3A_240] : memref<1048576xf32, #tpu.memory_space<hbm>> -> memref<64xf32, #tpu.memory_space<hbm>>
            tpu.wait_dma2 semaphore(%arg17 : memref<!tpu.dma_semaphore, #tpu.memory_space<semaphore_mem>>) src(%dma_wait3A_241 : memref<64xf32, #tpu.memory_space<hbm>>) dst(%dma_wait3A_239 : memref<64xf32, #tpu.memory_space<vmem>>)
          }
        } else {
        }
        %eq3A_143 = arith.constant 0 : i32
        %eq3A_144 = arith.cmpi eq, %rem3A_137, %eq3A_143 : i32
        %jit3A = arith.constant 0 : i32
        %select_n3A = arith.select %eq3A_144, %jit3A, %while3A_135 : i32
        %get3A_145 = arith.index_cast %while3A_134 : i32 to index
        %get3A_146 = tpu.vector_load %arg10[%get3A_145] {strides = array<i32>} : memref<528xi32, #tpu.memory_space<vmem>>, vector<16xi32>,
        %slice3A_147 = vector.extract_strided_slice %get3A_146 {offsets = [0], sizes = [1], strides = [1]} : vector<16xi32> to vector<1xi32>
        %squeeze3A_148 = vector.extract %slice3A_147[0] : i32 from vector<1xi32>
        %get3A_149 = arith.index_cast %while3A_134 : i32 to index
        %get3A_150 = tpu.vector_load %arg11[%get3A_149] {strides = array<i32>} : memref<528xi32, #tpu.memory_space<vmem>>, vector<16xi32>,
        %slice3A_151 = vector.extract_strided_slice %get3A_150 {offsets = [0], sizes = [1], strides = [1]} : vector<16xi32> to vector<1xi32>
        %squeeze3A_152 = vector.extract %slice3A_151[0] : i32 from vector<1xi32>
        %broadcast_in_dim3A_153 = arith.constant 1 : i32
        %broadcast_in_dim3A_154 = vector.broadcast %broadcast_in_dim3A_153 : i32 to vector<16xi32>
        %and3A_155 = arith.constant 127 : i32
        %and3A_156 = arith.andi %squeeze3A_148, %and3A_155 : i32
        %mul3A_157 = vector.broadcast %and3A_156 : i32 to vector<16xi32>
        %mul3A_158 = arith.muli %broadcast_in_dim3A_154, %mul3A_157 : vector<16xi32>
        %broadcast_in_dim3A_159 = arith.constant 1 : i32
        %broadcast_in_dim3A_160 = vector.broadcast %broadcast_in_dim3A_159 : i32 to vector<16xi32>
        %mul3A_161 = vector.broadcast %rem3A_112 : i32 to vector<16xi32>
        %mul3A_162 = arith.muli %broadcast_in_dim3A_160, %mul3A_161 : vector<16xi32>
        %add3A_163 = arith.constant 0 : i32
        %add3A_164 = vector.broadcast %add3A_163 : i32 to vector<16xi32>
        %add3A_165 = arith.addi %iota3A, %add3A_164 : vector<16xi32>
        %gather3A = tpu.vector_load_idx %arg14[%mul3A_162, %add3A_165, %mul3A_158] : memref<8x64x128xf32, #tpu.memory_space<vmem>>[vector<16xi32>, vector<16xi32>, vector<16xi32>], vector<16xf32>,
        %mul3A_166 = arith.constant 64 : i32
        %mul3A_167 = arith.muli %rem3A_137, %mul3A_166 : i32
        %add3A_168 = arith.constant 0 : i32
        %add3A_169 = arith.addi %mul3A_167, %add3A_168 : i32
        %swap3A_170 = arith.index_cast %add3A_169 : i32 to index
        %swap3A_171 = tpu.vector_load %arg15[%swap3A_170] {strides = array<i32>} : memref<1024xf32, #tpu.memory_space<vmem>>, vector<16xf32>,
        tpu.vector_store %arg15[%swap3A_170], %gather3A {strides = array<i32>} : memref<1024xf32, #tpu.memory_space<vmem>>, vector<16xf32>,
        %broadcast_in_dim3A_172 = arith.constant 1 : i32
        %broadcast_in_dim3A_173 = vector.broadcast %broadcast_in_dim3A_172 : i32 to vector<16xi32>
        %mul3A_174 = vector.broadcast %rem3A_112 : i32 to vector<16xi32>
        %mul3A_175 = arith.muli %broadcast_in_dim3A_173, %mul3A_174 : vector<16xi32>
        %add3A_176 = arith.constant 16 : i32
        %add3A_177 = vector.broadcast %add3A_176 : i32 to vector<16xi32>
        %add3A_178 = arith.addi %iota3A, %add3A_177 : vector<16xi32>
        %gather3A_179 = tpu.vector_load_idx %arg14[%mul3A_175, %add3A_178, %mul3A_158] : memref<8x64x128xf32, #tpu.memory_space<vmem>>[vector<16xi32>, vector<16xi32>, vector<16xi32>], vector<16xf32>,
        %mul3A_180 = arith.constant 64 : i32
        %mul3A_181 = arith.muli %rem3A_137, %mul3A_180 : i32
        %add3A_182 = arith.constant 16 : i32
        %add3A_183 = arith.addi %mul3A_181, %add3A_182 : i32
        %swap3A_184 = arith.index_cast %add3A_183 : i32 to index
        %swap3A_185 = tpu.vector_load %arg15[%swap3A_184] {strides = array<i32>} : memref<1024xf32, #tpu.memory_space<vmem>>, vector<16xf32>,
        tpu.vector_store %arg15[%swap3A_184], %gather3A_179 {strides = array<i32>} : memref<1024xf32, #tpu.memory_space<vmem>>, vector<16xf32>,
        %broadcast_in_dim3A_186 = arith.constant 1 : i32
        %broadcast_in_dim3A_187 = vector.broadcast %broadcast_in_dim3A_186 : i32 to vector<16xi32>
        %mul3A_188 = vector.broadcast %rem3A_112 : i32 to vector<16xi32>
        %mul3A_189 = arith.muli %broadcast_in_dim3A_187, %mul3A_188 : vector<16xi32>
        %add3A_190 = arith.constant 32 : i32
        %add3A_191 = vector.broadcast %add3A_190 : i32 to vector<16xi32>
        %add3A_192 = arith.addi %iota3A, %add3A_191 : vector<16xi32>
        %gather3A_193 = tpu.vector_load_idx %arg14[%mul3A_189, %add3A_192, %mul3A_158] : memref<8x64x128xf32, #tpu.memory_space<vmem>>[vector<16xi32>, vector<16xi32>, vector<16xi32>], vector<16xf32>,
        %mul3A_194 = arith.constant 64 : i32
        %mul3A_195 = arith.muli %rem3A_137, %mul3A_194 : i32
        %add3A_196 = arith.constant 32 : i32
        %add3A_197 = arith.addi %mul3A_195, %add3A_196 : i32
        %swap3A_198 = arith.index_cast %add3A_197 : i32 to index
        %swap3A_199 = tpu.vector_load %arg15[%swap3A_198] {strides = array<i32>} : memref<1024xf32, #tpu.memory_space<vmem>>, vector<16xf32>,
        tpu.vector_store %arg15[%swap3A_198], %gather3A_193 {strides = array<i32>} : memref<1024xf32, #tpu.memory_space<vmem>>, vector<16xf32>,
        %broadcast_in_dim3A_200 = arith.constant 1 : i32
        %broadcast_in_dim3A_201 = vector.broadcast %broadcast_in_dim3A_200 : i32 to vector<16xi32>
        %mul3A_202 = vector.broadcast %rem3A_112 : i32 to vector<16xi32>
        %mul3A_203 = arith.muli %broadcast_in_dim3A_201, %mul3A_202 : vector<16xi32>
        %add3A_204 = arith.constant 48 : i32
        %add3A_205 = vector.broadcast %add3A_204 : i32 to vector<16xi32>
        %add3A_206 = arith.addi %iota3A, %add3A_205 : vector<16xi32>
        %gather3A_207 = tpu.vector_load_idx %arg14[%mul3A_203, %add3A_206, %mul3A_158] : memref<8x64x128xf32, #tpu.memory_space<vmem>>[vector<16xi32>, vector<16xi32>, vector<16xi32>], vector<16xf32>,
        %mul3A_208 = arith.constant 64 : i32
        %mul3A_209 = arith.muli %rem3A_137, %mul3A_208 : i32
        %add3A_210 = arith.constant 48 : i32
        %add3A_211 = arith.addi %mul3A_209, %add3A_210 : i32
        %swap3A_212 = arith.index_cast %add3A_211 : i32 to index
        %swap3A_213 = tpu.vector_load %arg15[%swap3A_212] {strides = array<i32>} : memref<1024xf32, #tpu.memory_space<vmem>>, vector<16xf32>,
        tpu.vector_store %arg15[%swap3A_212], %gather3A_207 {strides = array<i32>} : memref<1024xf32, #tpu.memory_space<vmem>>, vector<16xf32>,
        %mul3A_214 = arith.constant 64 : i32
        %mul3A_215 = arith.muli %rem3A_137, %mul3A_214 : i32
        %mul3A_216 = arith.constant 64 : i32
        %mul3A_217 = arith.muli %squeeze3A_152, %mul3A_216 : i32
        %dma_start3A = tpu.memref_slice %arg15[%mul3A_215] : memref<1024xf32, #tpu.memory_space<vmem>> -> memref<64xf32, #tpu.memory_space<vmem>>
        %dma_start3A_218 = tpu.memref_slice %arg8[%mul3A_217] : memref<1048576xf32, #tpu.memory_space<hbm>> -> memref<64xf32, #tpu.memory_space<hbm>>
        %dma_start3A_219 = tpu.memref_slice %arg8[%mul3A_217] : memref<1048576xf32, #tpu.memory_space<hbm>> -> memref<64xf32, #tpu.memory_space<hbm>>
        %dma_start3A_220 = tpu.memref_slice %arg15[%mul3A_215] : memref<1024xf32, #tpu.memory_space<vmem>> -> memref<64xf32, #tpu.memory_space<vmem>>
        tpu.enqueue_dma source(%dma_start3A_220 : memref<64xf32, #tpu.memory_space<vmem>>) target(%dma_start3A_219 : memref<64xf32, #tpu.memory_space<hbm>>) target_semaphore(%arg17 : memref<!tpu.dma_semaphore, #tpu.memory_space<semaphore_mem>>)
        %add3A_221 = arith.constant 1 : i32
        %add3A_222 = arith.addi %select_n3A, %add3A_221 : i32
        scf.yield %add3A_222 : i32
      }
      scf.yield %while3A_133 : i32
    }
    %while3A_35 = arith.constant 1 : i32
    %while3A_36 = scf.for %while3A_96 = %while3A_32 to %while3A_28 step %while3A_35 iter_args(%while3A_97 = %while3A_34) -> (i32)  : i32 {
      %dma_wait3A = arith.constant 0 : i32
      %dma_wait3A_98 = arith.constant 0 : i32
      %dma_wait3A_99 = arith.constant 0 : i32
      %dma_wait3A_100 = tpu.memref_slice %arg14[%dma_wait3A, %dma_wait3A_98, %dma_wait3A_99] : memref<8x64x128xf32, #tpu.memory_space<vmem>> -> memref<1x64x128xf32, #tpu.memory_space<vmem>>
      %dma_wait3A_101 = tpu.memref_squeeze %dma_wait3A_100 : memref<1x64x128xf32, #tpu.memory_space<vmem>> -> memref<64x128xf32, #tpu.memory_space<vmem>>
      %dma_wait3A_102 = arith.constant 0 : i32
      %dma_wait3A_103 = arith.constant 0 : i32
      %dma_wait3A_104 = tpu.memref_slice %arg6[%dma_wait3A_102, %dma_wait3A_103] : memref<64x1000000xf32, #tpu.memory_space<hbm>> -> memref<64x128xf32, #tpu.memory_space<hbm>>
      %dma_wait3A_105 = arith.constant 0 : i32
      %dma_wait3A_106 = arith.constant 0 : i32
      %dma_wait3A_107 = tpu.memref_slice %arg14[%dma_wait3A, %dma_wait3A_105, %dma_wait3A_106] : memref<8x64x128xf32, #tpu.memory_space<vmem>> -> memref<1x64x128xf32, #tpu.memory_space<vmem>>
      %dma_wait3A_108 = tpu.memref_squeeze %dma_wait3A_107 : memref<1x64x128xf32, #tpu.memory_space<vmem>> -> memref<64x128xf32, #tpu.memory_space<vmem>>
      %dma_wait3A_109 = arith.constant 0 : i32
      %dma_wait3A_110 = arith.constant 0 : i32
      %dma_wait3A_111 = tpu.memref_slice %arg6[%dma_wait3A_109, %dma_wait3A_110] : memref<64x1000000xf32, #tpu.memory_space<hbm>> -> memref<64x128xf32, #tpu.memory_space<hbm>>
      tpu.wait_dma2 semaphore(%arg16 : memref<!tpu.dma_semaphore, #tpu.memory_space<semaphore_mem>>) src(%dma_wait3A_111 : memref<64x128xf32, #tpu.memory_space<hbm>>) dst(%dma_wait3A_108 : memref<64x128xf32, #tpu.memory_space<vmem>>)
      %rem3A = arith.constant 8 : i32
      %rem3A_112 = arith.remsi %while3A_96, %rem3A : i32
      %add3A_113 = arith.constant 8 : i32
      %add3A_114 = arith.addi %while3A_96, %add3A_113 : i32
      %sub3A = arith.constant 1 : i32
      %sub3A_115 = arith.subi %add3A_114, %sub3A : i32
      %lt3A = arith.cmpi slt, %sub3A_115, %scan3A_8#0 : i32
      %convert_element_type3A = arith.extui %lt3A : i1 to i32
      %cond3A = arith.constant 0 : i32
      %cond3A_116 = arith.cmpi ne, %convert_element_type3A, %cond3A : i32
      scf.if %cond3A_116 {
        %add3A_134 = arith.constant 8 : i32
        %add3A_135 = arith.addi %while3A_96, %add3A_134 : i32
        %sub3A_136 = arith.constant 1 : i32
        %sub3A_137 = arith.subi %add3A_135, %sub3A_136 : i32
        %get3A_138 = arith.index_cast %sub3A_137 : i32 to index
        %get3A_139 = tpu.vector_load %arg12[%get3A_138] {strides = array<i32>} : memref<560xi32, #tpu.memory_space<vmem>>, vector<16xi32>,
        %slice3A_140 = vector.extract_strided_slice %get3A_139 {offsets = [0], sizes = [1], strides = [1]} : vector<16xi32> to vector<1xi32>
        %squeeze3A_141 = vector.extract %slice3A_140[0] : i32 from vector<1xi32>
        %mul3A_142 = arith.constant 128 : i32
        %mul3A_143 = arith.muli %squeeze3A_141, %mul3A_142 : i32
        %multiple_of3A = tpu.assume_multiple %mul3A_143, 128 : i32
        %rem3A_144 = arith.constant 8 : i32
        %rem3A_145 = arith.remsi %sub3A_137, %rem3A_144 : i32
        %dma_start3A = arith.constant 0 : i32
        %dma_start3A_146 = arith.constant 0 : i32
        %dma_start3A_147 = tpu.memref_slice %arg14[%rem3A_145, %dma_start3A, %dma_start3A_146] : memref<8x64x128xf32, #tpu.memory_space<vmem>> -> memref<1x64x128xf32, #tpu.memory_space<vmem>>
        %dma_start3A_148 = tpu.memref_squeeze %dma_start3A_147 : memref<1x64x128xf32, #tpu.memory_space<vmem>> -> memref<64x128xf32, #tpu.memory_space<vmem>>
        %dma_start3A_149 = arith.constant 0 : i32
        %dma_start3A_150 = tpu.memref_slice %arg6[%dma_start3A_149, %multiple_of3A] : memref<64x1000000xf32, #tpu.memory_space<hbm>> -> memref<64x128xf32, #tpu.memory_space<hbm>>
        %dma_start3A_151 = arith.constant 0 : i32
        %dma_start3A_152 = arith.constant 0 : i32
        %dma_start3A_153 = tpu.memref_slice %arg14[%rem3A_145, %dma_start3A_151, %dma_start3A_152] : memref<8x64x128xf32, #tpu.memory_space<vmem>> -> memref<1x64x128xf32, #tpu.memory_space<vmem>>
        %dma_start3A_154 = tpu.memref_squeeze %dma_start3A_153 : memref<1x64x128xf32, #tpu.memory_space<vmem>> -> memref<64x128xf32, #tpu.memory_space<vmem>>
        %dma_start3A_155 = arith.constant 0 : i32
        %dma_start3A_156 = tpu.memref_slice %arg6[%dma_start3A_155, %multiple_of3A] : memref<64x1000000xf32, #tpu.memory_space<hbm>> -> memref<64x128xf32, #tpu.memory_space<hbm>>
        tpu.enqueue_dma source(%dma_start3A_156 : memref<64x128xf32, #tpu.memory_space<hbm>>) target(%dma_start3A_154 : memref<64x128xf32, #tpu.memory_space<vmem>>) target_semaphore(%arg16 : memref<!tpu.dma_semaphore, #tpu.memory_space<semaphore_mem>>)
      } else {
      }
      %get3A = arith.index_cast %while3A_96 : i32 to index
      %get3A_117 = tpu.vector_load %arg13[%get3A] {strides = array<i32>} : memref<560xi32, #tpu.memory_space<vmem>>, vector<16xi32>,
      %slice3A = vector.extract_strided_slice %get3A_117 {offsets = [0], sizes = [1], strides = [1]} : vector<16xi32> to vector<1xi32>
      %squeeze3A = vector.extract %slice3A[0] : i32 from vector<1xi32>
      %add3A_118 = arith.constant 1 : i32
      %add3A_119 = arith.addi %while3A_96, %add3A_118 : i32
      %get3A_120 = arith.index_cast %add3A_119 : i32 to index
      %get3A_121 = tpu.vector_load %arg13[%get3A_120] {strides = array<i32>} : memref<560xi32, #tpu.memory_space<vmem>>, vector<16xi32>,
      %slice3A_122 = vector.extract_strided_slice %get3A_121 {offsets = [0], sizes = [1], strides = [1]} : vector<16xi32> to vector<1xi32>
      %squeeze3A_123 = vector.extract %slice3A_122[0] : i32 from vector<1xi32>
      %while3A_124 = arith.subi %squeeze3A_123, %squeeze3A : i32
      %while3A_125 = arith.addi %squeeze3A, %while3A_124 : i32
      %while3A_126 = arith.constant 1 : i32
      %while3A_127 = arith.divsi %while3A_124, %while3A_126 : i32
      %while3A_128 = arith.muli %while3A_127, %while3A_126 : i32
      %while3A_129 = arith.addi %squeeze3A, %while3A_128 : i32
      %while3A_130 = arith.constant 1 : i32
      %while3A_131 = scf.for %while3A_134 = %squeeze3A to %while3A_129 step %while3A_130 iter_args(%while3A_135 = %while3A_97) -> (i32)  : i32 {
        %rem3A_136 = arith.constant 16 : i32
        %rem3A_137 = arith.remsi %while3A_134, %rem3A_136 : i32
        %eq3A = arith.constant 0 : i32
        %eq3A_138 = arith.cmpi eq, %rem3A_137, %eq3A : i32
        %gt3A = arith.constant 0 : i32
        %gt3A_139 = arith.cmpi sgt, %while3A_135, %gt3A : i32
        %and3A = arith.andi %eq3A_138, %gt3A_139 : i1
        %convert_element_type3A_140 = arith.extui %and3A : i1 to i32
        %cond3A_141 = arith.constant 0 : i32
        %cond3A_142 = arith.cmpi ne, %convert_element_type3A_140, %cond3A_141 : i32
        scf.if %cond3A_142 {
          %while3A_223 = arith.constant 0 : i32
          %while3A_224 = arith.constant 0 : i32
          %while3A_225 = arith.subi %while3A_135, %while3A_224 : i32
          %while3A_226 = arith.addi %while3A_224, %while3A_225 : i32
          %while3A_227 = arith.constant 1 : i32
          %while3A_228 = arith.divsi %while3A_225, %while3A_227 : i32
          %while3A_229 = arith.muli %while3A_228, %while3A_227 : i32
          %while3A_230 = arith.addi %while3A_224, %while3A_229 : i32
          %while3A_231 = arith.constant 1 : i32
          scf.for %while3A_233 = %while3A_224 to %while3A_230 step %while3A_231  : i32 {
            %dma_wait3A_234 = arith.constant 0 : i32
            %dma_wait3A_235 = tpu.memref_slice %arg15[%dma_wait3A_234] : memref<1024xf32, #tpu.memory_space<vmem>> -> memref<64xf32, #tpu.memory_space<vmem>>
            %dma_wait3A_236 = arith.constant 0 : i32
            %dma_wait3A_237 = tpu.memref_slice %arg8[%dma_wait3A_236] : memref<1048576xf32, #tpu.memory_space<hbm>> -> memref<64xf32, #tpu.memory_space<hbm>>
            %dma_wait3A_238 = arith.constant 0 : i32
            %dma_wait3A_239 = tpu.memref_slice %arg15[%dma_wait3A_238] : memref<1024xf32, #tpu.memory_space<vmem>> -> memref<64xf32, #tpu.memory_space<vmem>>
            %dma_wait3A_240 = arith.constant 0 : i32
            %dma_wait3A_241 = tpu.memref_slice %arg8[%dma_wait3A_240] : memref<1048576xf32, #tpu.memory_space<hbm>> -> memref<64xf32, #tpu.memory_space<hbm>>
            tpu.wait_dma2 semaphore(%arg17 : memref<!tpu.dma_semaphore, #tpu.memory_space<semaphore_mem>>) src(%dma_wait3A_241 : memref<64xf32, #tpu.memory_space<hbm>>) dst(%dma_wait3A_239 : memref<64xf32, #tpu.memory_space<vmem>>)
          }
          %while3A_232 = arith.constant 1 : i32
          scf.for %while3A_233 = %while3A_230 to %while3A_226 step %while3A_232  : i32 {
            %dma_wait3A_234 = arith.constant 0 : i32
            %dma_wait3A_235 = tpu.memref_slice %arg15[%dma_wait3A_234] : memref<1024xf32, #tpu.memory_space<vmem>> -> memref<64xf32, #tpu.memory_space<vmem>>
            %dma_wait3A_236 = arith.constant 0 : i32
            %dma_wait3A_237 = tpu.memref_slice %arg8[%dma_wait3A_236] : memref<1048576xf32, #tpu.memory_space<hbm>> -> memref<64xf32, #tpu.memory_space<hbm>>
            %dma_wait3A_238 = arith.constant 0 : i32
            %dma_wait3A_239 = tpu.memref_slice %arg15[%dma_wait3A_238] : memref<1024xf32, #tpu.memory_space<vmem>> -> memref<64xf32, #tpu.memory_space<vmem>>
            %dma_wait3A_240 = arith.constant 0 : i32
            %dma_wait3A_241 = tpu.memref_slice %arg8[%dma_wait3A_240] : memref<1048576xf32, #tpu.memory_space<hbm>> -> memref<64xf32, #tpu.memory_space<hbm>>
            tpu.wait_dma2 semaphore(%arg17 : memref<!tpu.dma_semaphore, #tpu.memory_space<semaphore_mem>>) src(%dma_wait3A_241 : memref<64xf32, #tpu.memory_space<hbm>>) dst(%dma_wait3A_239 : memref<64xf32, #tpu.memory_space<vmem>>)
          }
        } else {
        }
        %eq3A_143 = arith.constant 0 : i32
        %eq3A_144 = arith.cmpi eq, %rem3A_137, %eq3A_143 : i32
        %jit3A = arith.constant 0 : i32
        %select_n3A = arith.select %eq3A_144, %jit3A, %while3A_135 : i32
        %get3A_145 = arith.index_cast %while3A_134 : i32 to index
        %get3A_146 = tpu.vector_load %arg10[%get3A_145] {strides = array<i32>} : memref<528xi32, #tpu.memory_space<vmem>>, vector<16xi32>,
        %slice3A_147 = vector.extract_strided_slice %get3A_146 {offsets = [0], sizes = [1], strides = [1]} : vector<16xi32> to vector<1xi32>
        %squeeze3A_148 = vector.extract %slice3A_147[0] : i32 from vector<1xi32>
        %get3A_149 = arith.index_cast %while3A_134 : i32 to index
        %get3A_150 = tpu.vector_load %arg11[%get3A_149] {strides = array<i32>} : memref<528xi32, #tpu.memory_space<vmem>>, vector<16xi32>,
        %slice3A_151 = vector.extract_strided_slice %get3A_150 {offsets = [0], sizes = [1], strides = [1]} : vector<16xi32> to vector<1xi32>
        %squeeze3A_152 = vector.extract %slice3A_151[0] : i32 from vector<1xi32>
        %broadcast_in_dim3A_153 = arith.constant 1 : i32
        %broadcast_in_dim3A_154 = vector.broadcast %broadcast_in_dim3A_153 : i32 to vector<16xi32>
        %and3A_155 = arith.constant 127 : i32
        %and3A_156 = arith.andi %squeeze3A_148, %and3A_155 : i32
        %mul3A_157 = vector.broadcast %and3A_156 : i32 to vector<16xi32>
        %mul3A_158 = arith.muli %broadcast_in_dim3A_154, %mul3A_157 : vector<16xi32>
        %broadcast_in_dim3A_159 = arith.constant 1 : i32
        %broadcast_in_dim3A_160 = vector.broadcast %broadcast_in_dim3A_159 : i32 to vector<16xi32>
        %mul3A_161 = vector.broadcast %rem3A_112 : i32 to vector<16xi32>
        %mul3A_162 = arith.muli %broadcast_in_dim3A_160, %mul3A_161 : vector<16xi32>
        %add3A_163 = arith.constant 0 : i32
        %add3A_164 = vector.broadcast %add3A_163 : i32 to vector<16xi32>
        %add3A_165 = arith.addi %iota3A, %add3A_164 : vector<16xi32>
        %gather3A = tpu.vector_load_idx %arg14[%mul3A_162, %add3A_165, %mul3A_158] : memref<8x64x128xf32, #tpu.memory_space<vmem>>[vector<16xi32>, vector<16xi32>, vector<16xi32>], vector<16xf32>,
        %mul3A_166 = arith.constant 64 : i32
        %mul3A_167 = arith.muli %rem3A_137, %mul3A_166 : i32
        %add3A_168 = arith.constant 0 : i32
        %add3A_169 = arith.addi %mul3A_167, %add3A_168 : i32
        %swap3A_170 = arith.index_cast %add3A_169 : i32 to index
        %swap3A_171 = tpu.vector_load %arg15[%swap3A_170] {strides = array<i32>} : memref<1024xf32, #tpu.memory_space<vmem>>, vector<16xf32>,
        tpu.vector_store %arg15[%swap3A_170], %gather3A {strides = array<i32>} : memref<1024xf32, #tpu.memory_space<vmem>>, vector<16xf32>,
        %broadcast_in_dim3A_172 = arith.constant 1 : i32
        %broadcast_in_dim3A_173 = vector.broadcast %broadcast_in_dim3A_172 : i32 to vector<16xi32>
        %mul3A_174 = vector.broadcast %rem3A_112 : i32 to vector<16xi32>
        %mul3A_175 = arith.muli %broadcast_in_dim3A_173, %mul3A_174 : vector<16xi32>
        %add3A_176 = arith.constant 16 : i32
        %add3A_177 = vector.broadcast %add3A_176 : i32 to vector<16xi32>
        %add3A_178 = arith.addi %iota3A, %add3A_177 : vector<16xi32>
        %gather3A_179 = tpu.vector_load_idx %arg14[%mul3A_175, %add3A_178, %mul3A_158] : memref<8x64x128xf32, #tpu.memory_space<vmem>>[vector<16xi32>, vector<16xi32>, vector<16xi32>], vector<16xf32>,
        %mul3A_180 = arith.constant 64 : i32
        %mul3A_181 = arith.muli %rem3A_137, %mul3A_180 : i32
        %add3A_182 = arith.constant 16 : i32
        %add3A_183 = arith.addi %mul3A_181, %add3A_182 : i32
        %swap3A_184 = arith.index_cast %add3A_183 : i32 to index
        %swap3A_185 = tpu.vector_load %arg15[%swap3A_184] {strides = array<i32>} : memref<1024xf32, #tpu.memory_space<vmem>>, vector<16xf32>,
        tpu.vector_store %arg15[%swap3A_184], %gather3A_179 {strides = array<i32>} : memref<1024xf32, #tpu.memory_space<vmem>>, vector<16xf32>,
        %broadcast_in_dim3A_186 = arith.constant 1 : i32
        %broadcast_in_dim3A_187 = vector.broadcast %broadcast_in_dim3A_186 : i32 to vector<16xi32>
        %mul3A_188 = vector.broadcast %rem3A_112 : i32 to vector<16xi32>
        %mul3A_189 = arith.muli %broadcast_in_dim3A_187, %mul3A_188 : vector<16xi32>
        %add3A_190 = arith.constant 32 : i32
        %add3A_191 = vector.broadcast %add3A_190 : i32 to vector<16xi32>
        %add3A_192 = arith.addi %iota3A, %add3A_191 : vector<16xi32>
        %gather3A_193 = tpu.vector_load_idx %arg14[%mul3A_189, %add3A_192, %mul3A_158] : memref<8x64x128xf32, #tpu.memory_space<vmem>>[vector<16xi32>, vector<16xi32>, vector<16xi32>], vector<16xf32>,
        %mul3A_194 = arith.constant 64 : i32
        %mul3A_195 = arith.muli %rem3A_137, %mul3A_194 : i32
        %add3A_196 = arith.constant 32 : i32
        %add3A_197 = arith.addi %mul3A_195, %add3A_196 : i32
        %swap3A_198 = arith.index_cast %add3A_197 : i32 to index
        %swap3A_199 = tpu.vector_load %arg15[%swap3A_198] {strides = array<i32>} : memref<1024xf32, #tpu.memory_space<vmem>>, vector<16xf32>,
        tpu.vector_store %arg15[%swap3A_198], %gather3A_193 {strides = array<i32>} : memref<1024xf32, #tpu.memory_space<vmem>>, vector<16xf32>,
        %broadcast_in_dim3A_200 = arith.constant 1 : i32
        %broadcast_in_dim3A_201 = vector.broadcast %broadcast_in_dim3A_200 : i32 to vector<16xi32>
        %mul3A_202 = vector.broadcast %rem3A_112 : i32 to vector<16xi32>
        %mul3A_203 = arith.muli %broadcast_in_dim3A_201, %mul3A_202 : vector<16xi32>
        %add3A_204 = arith.constant 48 : i32
        %add3A_205 = vector.broadcast %add3A_204 : i32 to vector<16xi32>
        %add3A_206 = arith.addi %iota3A, %add3A_205 : vector<16xi32>
        %gather3A_207 = tpu.vector_load_idx %arg14[%mul3A_203, %add3A_206, %mul3A_158] : memref<8x64x128xf32, #tpu.memory_space<vmem>>[vector<16xi32>, vector<16xi32>, vector<16xi32>], vector<16xf32>,
        %mul3A_208 = arith.constant 64 : i32
        %mul3A_209 = arith.muli %rem3A_137, %mul3A_208 : i32
        %add3A_210 = arith.constant 48 : i32
        %add3A_211 = arith.addi %mul3A_209, %add3A_210 : i32
        %swap3A_212 = arith.index_cast %add3A_211 : i32 to index
        %swap3A_213 = tpu.vector_load %arg15[%swap3A_212] {strides = array<i32>} : memref<1024xf32, #tpu.memory_space<vmem>>, vector<16xf32>,
        tpu.vector_store %arg15[%swap3A_212], %gather3A_207 {strides = array<i32>} : memref<1024xf32, #tpu.memory_space<vmem>>, vector<16xf32>,
        %mul3A_214 = arith.constant 64 : i32
        %mul3A_215 = arith.muli %rem3A_137, %mul3A_214 : i32
        %mul3A_216 = arith.constant 64 : i32
        %mul3A_217 = arith.muli %squeeze3A_152, %mul3A_216 : i32
        %dma_start3A = tpu.memref_slice %arg15[%mul3A_215] : memref<1024xf32, #tpu.memory_space<vmem>> -> memref<64xf32, #tpu.memory_space<vmem>>
        %dma_start3A_218 = tpu.memref_slice %arg8[%mul3A_217] : memref<1048576xf32, #tpu.memory_space<hbm>> -> memref<64xf32, #tpu.memory_space<hbm>>
        %dma_start3A_219 = tpu.memref_slice %arg8[%mul3A_217] : memref<1048576xf32, #tpu.memory_space<hbm>> -> memref<64xf32, #tpu.memory_space<hbm>>
        %dma_start3A_220 = tpu.memref_slice %arg15[%mul3A_215] : memref<1024xf32, #tpu.memory_space<vmem>> -> memref<64xf32, #tpu.memory_space<vmem>>
        tpu.enqueue_dma source(%dma_start3A_220 : memref<64xf32, #tpu.memory_space<vmem>>) target(%dma_start3A_219 : memref<64xf32, #tpu.memory_space<hbm>>) target_semaphore(%arg17 : memref<!tpu.dma_semaphore, #tpu.memory_space<semaphore_mem>>)
        %add3A_221 = arith.constant 1 : i32
        %add3A_222 = arith.addi %select_n3A, %add3A_221 : i32
        scf.yield %add3A_222 : i32
      }
      %while3A_132 = arith.constant 1 : i32
      %while3A_133 = scf.for %while3A_134 = %while3A_129 to %while3A_125 step %while3A_132 iter_args(%while3A_135 = %while3A_131) -> (i32)  : i32 {
        %rem3A_136 = arith.constant 16 : i32
        %rem3A_137 = arith.remsi %while3A_134, %rem3A_136 : i32
        %eq3A = arith.constant 0 : i32
        %eq3A_138 = arith.cmpi eq, %rem3A_137, %eq3A : i32
        %gt3A = arith.constant 0 : i32
        %gt3A_139 = arith.cmpi sgt, %while3A_135, %gt3A : i32
        %and3A = arith.andi %eq3A_138, %gt3A_139 : i1
        %convert_element_type3A_140 = arith.extui %and3A : i1 to i32
        %cond3A_141 = arith.constant 0 : i32
        %cond3A_142 = arith.cmpi ne, %convert_element_type3A_140, %cond3A_141 : i32
        scf.if %cond3A_142 {
          %while3A_223 = arith.constant 0 : i32
          %while3A_224 = arith.constant 0 : i32
          %while3A_225 = arith.subi %while3A_135, %while3A_224 : i32
          %while3A_226 = arith.addi %while3A_224, %while3A_225 : i32
          %while3A_227 = arith.constant 1 : i32
          %while3A_228 = arith.divsi %while3A_225, %while3A_227 : i32
          %while3A_229 = arith.muli %while3A_228, %while3A_227 : i32
          %while3A_230 = arith.addi %while3A_224, %while3A_229 : i32
          %while3A_231 = arith.constant 1 : i32
          scf.for %while3A_233 = %while3A_224 to %while3A_230 step %while3A_231  : i32 {
            %dma_wait3A_234 = arith.constant 0 : i32
            %dma_wait3A_235 = tpu.memref_slice %arg15[%dma_wait3A_234] : memref<1024xf32, #tpu.memory_space<vmem>> -> memref<64xf32, #tpu.memory_space<vmem>>
            %dma_wait3A_236 = arith.constant 0 : i32
            %dma_wait3A_237 = tpu.memref_slice %arg8[%dma_wait3A_236] : memref<1048576xf32, #tpu.memory_space<hbm>> -> memref<64xf32, #tpu.memory_space<hbm>>
            %dma_wait3A_238 = arith.constant 0 : i32
            %dma_wait3A_239 = tpu.memref_slice %arg15[%dma_wait3A_238] : memref<1024xf32, #tpu.memory_space<vmem>> -> memref<64xf32, #tpu.memory_space<vmem>>
            %dma_wait3A_240 = arith.constant 0 : i32
            %dma_wait3A_241 = tpu.memref_slice %arg8[%dma_wait3A_240] : memref<1048576xf32, #tpu.memory_space<hbm>> -> memref<64xf32, #tpu.memory_space<hbm>>
            tpu.wait_dma2 semaphore(%arg17 : memref<!tpu.dma_semaphore, #tpu.memory_space<semaphore_mem>>) src(%dma_wait3A_241 : memref<64xf32, #tpu.memory_space<hbm>>) dst(%dma_wait3A_239 : memref<64xf32, #tpu.memory_space<vmem>>)
          }
          %while3A_232 = arith.constant 1 : i32
          scf.for %while3A_233 = %while3A_230 to %while3A_226 step %while3A_232  : i32 {
            %dma_wait3A_234 = arith.constant 0 : i32
            %dma_wait3A_235 = tpu.memref_slice %arg15[%dma_wait3A_234] : memref<1024xf32, #tpu.memory_space<vmem>> -> memref<64xf32, #tpu.memory_space<vmem>>
            %dma_wait3A_236 = arith.constant 0 : i32
            %dma_wait3A_237 = tpu.memref_slice %arg8[%dma_wait3A_236] : memref<1048576xf32, #tpu.memory_space<hbm>> -> memref<64xf32, #tpu.memory_space<hbm>>
            %dma_wait3A_238 = arith.constant 0 : i32
            %dma_wait3A_239 = tpu.memref_slice %arg15[%dma_wait3A_238] : memref<1024xf32, #tpu.memory_space<vmem>> -> memref<64xf32, #tpu.memory_space<vmem>>
            %dma_wait3A_240 = arith.constant 0 : i32
            %dma_wait3A_241 = tpu.memref_slice %arg8[%dma_wait3A_240] : memref<1048576xf32, #tpu.memory_space<hbm>> -> memref<64xf32, #tpu.memory_space<hbm>>
            tpu.wait_dma2 semaphore(%arg17 : memref<!tpu.dma_semaphore, #tpu.memory_space<semaphore_mem>>) src(%dma_wait3A_241 : memref<64xf32, #tpu.memory_space<hbm>>) dst(%dma_wait3A_239 : memref<64xf32, #tpu.memory_space<vmem>>)
          }
        } else {
        }
        %eq3A_143 = arith.constant 0 : i32
        %eq3A_144 = arith.cmpi eq, %rem3A_137, %eq3A_143 : i32
        %jit3A = arith.constant 0 : i32
        %select_n3A = arith.select %eq3A_144, %jit3A, %while3A_135 : i32
        %get3A_145 = arith.index_cast %while3A_134 : i32 to index
        %get3A_146 = tpu.vector_load %arg10[%get3A_145] {strides = array<i32>} : memref<528xi32, #tpu.memory_space<vmem>>, vector<16xi32>,
        %slice3A_147 = vector.extract_strided_slice %get3A_146 {offsets = [0], sizes = [1], strides = [1]} : vector<16xi32> to vector<1xi32>
        %squeeze3A_148 = vector.extract %slice3A_147[0] : i32 from vector<1xi32>
        %get3A_149 = arith.index_cast %while3A_134 : i32 to index
        %get3A_150 = tpu.vector_load %arg11[%get3A_149] {strides = array<i32>} : memref<528xi32, #tpu.memory_space<vmem>>, vector<16xi32>,
        %slice3A_151 = vector.extract_strided_slice %get3A_150 {offsets = [0], sizes = [1], strides = [1]} : vector<16xi32> to vector<1xi32>
        %squeeze3A_152 = vector.extract %slice3A_151[0] : i32 from vector<1xi32>
        %broadcast_in_dim3A_153 = arith.constant 1 : i32
        %broadcast_in_dim3A_154 = vector.broadcast %broadcast_in_dim3A_153 : i32 to vector<16xi32>
        %and3A_155 = arith.constant 127 : i32
        %and3A_156 = arith.andi %squeeze3A_148, %and3A_155 : i32
        %mul3A_157 = vector.broadcast %and3A_156 : i32 to vector<16xi32>
        %mul3A_158 = arith.muli %broadcast_in_dim3A_154, %mul3A_157 : vector<16xi32>
        %broadcast_in_dim3A_159 = arith.constant 1 : i32
        %broadcast_in_dim3A_160 = vector.broadcast %broadcast_in_dim3A_159 : i32 to vector<16xi32>
        %mul3A_161 = vector.broadcast %rem3A_112 : i32 to vector<16xi32>
        %mul3A_162 = arith.muli %broadcast_in_dim3A_160, %mul3A_161 : vector<16xi32>
        %add3A_163 = arith.constant 0 : i32
        %add3A_164 = vector.broadcast %add3A_163 : i32 to vector<16xi32>
        %add3A_165 = arith.addi %iota3A, %add3A_164 : vector<16xi32>
        %gather3A = tpu.vector_load_idx %arg14[%mul3A_162, %add3A_165, %mul3A_158] : memref<8x64x128xf32, #tpu.memory_space<vmem>>[vector<16xi32>, vector<16xi32>, vector<16xi32>], vector<16xf32>,
        %mul3A_166 = arith.constant 64 : i32
        %mul3A_167 = arith.muli %rem3A_137, %mul3A_166 : i32
        %add3A_168 = arith.constant 0 : i32
        %add3A_169 = arith.addi %mul3A_167, %add3A_168 : i32
        %swap3A_170 = arith.index_cast %add3A_169 : i32 to index
        %swap3A_171 = tpu.vector_load %arg15[%swap3A_170] {strides = array<i32>} : memref<1024xf32, #tpu.memory_space<vmem>>, vector<16xf32>,
        tpu.vector_store %arg15[%swap3A_170], %gather3A {strides = array<i32>} : memref<1024xf32, #tpu.memory_space<vmem>>, vector<16xf32>,
        %broadcast_in_dim3A_172 = arith.constant 1 : i32
        %broadcast_in_dim3A_173 = vector.broadcast %broadcast_in_dim3A_172 : i32 to vector<16xi32>
        %mul3A_174 = vector.broadcast %rem3A_112 : i32 to vector<16xi32>
        %mul3A_175 = arith.muli %broadcast_in_dim3A_173, %mul3A_174 : vector<16xi32>
        %add3A_176 = arith.constant 16 : i32
        %add3A_177 = vector.broadcast %add3A_176 : i32 to vector<16xi32>
        %add3A_178 = arith.addi %iota3A, %add3A_177 : vector<16xi32>
        %gather3A_179 = tpu.vector_load_idx %arg14[%mul3A_175, %add3A_178, %mul3A_158] : memref<8x64x128xf32, #tpu.memory_space<vmem>>[vector<16xi32>, vector<16xi32>, vector<16xi32>], vector<16xf32>,
        %mul3A_180 = arith.constant 64 : i32
        %mul3A_181 = arith.muli %rem3A_137, %mul3A_180 : i32
        %add3A_182 = arith.constant 16 : i32
        %add3A_183 = arith.addi %mul3A_181, %add3A_182 : i32
        %swap3A_184 = arith.index_cast %add3A_183 : i32 to index
        %swap3A_185 = tpu.vector_load %arg15[%swap3A_184] {strides = array<i32>} : memref<1024xf32, #tpu.memory_space<vmem>>, vector<16xf32>,
        tpu.vector_store %arg15[%swap3A_184], %gather3A_179 {strides = array<i32>} : memref<1024xf32, #tpu.memory_space<vmem>>, vector<16xf32>,
        %broadcast_in_dim3A_186 = arith.constant 1 : i32
        %broadcast_in_dim3A_187 = vector.broadcast %broadcast_in_dim3A_186 : i32 to vector<16xi32>
        %mul3A_188 = vector.broadcast %rem3A_112 : i32 to vector<16xi32>
        %mul3A_189 = arith.muli %broadcast_in_dim3A_187, %mul3A_188 : vector<16xi32>
        %add3A_190 = arith.constant 32 : i32
        %add3A_191 = vector.broadcast %add3A_190 : i32 to vector<16xi32>
        %add3A_192 = arith.addi %iota3A, %add3A_191 : vector<16xi32>
        %gather3A_193 = tpu.vector_load_idx %arg14[%mul3A_189, %add3A_192, %mul3A_158] : memref<8x64x128xf32, #tpu.memory_space<vmem>>[vector<16xi32>, vector<16xi32>, vector<16xi32>], vector<16xf32>,
        %mul3A_194 = arith.constant 64 : i32
        %mul3A_195 = arith.muli %rem3A_137, %mul3A_194 : i32
        %add3A_196 = arith.constant 32 : i32
        %add3A_197 = arith.addi %mul3A_195, %add3A_196 : i32
        %swap3A_198 = arith.index_cast %add3A_197 : i32 to index
        %swap3A_199 = tpu.vector_load %arg15[%swap3A_198] {strides = array<i32>} : memref<1024xf32, #tpu.memory_space<vmem>>, vector<16xf32>,
        tpu.vector_store %arg15[%swap3A_198], %gather3A_193 {strides = array<i32>} : memref<1024xf32, #tpu.memory_space<vmem>>, vector<16xf32>,
        %broadcast_in_dim3A_200 = arith.constant 1 : i32
        %broadcast_in_dim3A_201 = vector.broadcast %broadcast_in_dim3A_200 : i32 to vector<16xi32>
        %mul3A_202 = vector.broadcast %rem3A_112 : i32 to vector<16xi32>
        %mul3A_203 = arith.muli %broadcast_in_dim3A_201, %mul3A_202 : vector<16xi32>
        %add3A_204 = arith.constant 48 : i32
        %add3A_205 = vector.broadcast %add3A_204 : i32 to vector<16xi32>
        %add3A_206 = arith.addi %iota3A, %add3A_205 : vector<16xi32>
        %gather3A_207 = tpu.vector_load_idx %arg14[%mul3A_203, %add3A_206, %mul3A_158] : memref<8x64x128xf32, #tpu.memory_space<vmem>>[vector<16xi32>, vector<16xi32>, vector<16xi32>], vector<16xf32>,
        %mul3A_208 = arith.constant 64 : i32
        %mul3A_209 = arith.muli %rem3A_137, %mul3A_208 : i32
        %add3A_210 = arith.constant 48 : i32
        %add3A_211 = arith.addi %mul3A_209, %add3A_210 : i32
        %swap3A_212 = arith.index_cast %add3A_211 : i32 to index
        %swap3A_213 = tpu.vector_load %arg15[%swap3A_212] {strides = array<i32>} : memref<1024xf32, #tpu.memory_space<vmem>>, vector<16xf32>,
        tpu.vector_store %arg15[%swap3A_212], %gather3A_207 {strides = array<i32>} : memref<1024xf32, #tpu.memory_space<vmem>>, vector<16xf32>,
        %mul3A_214 = arith.constant 64 : i32
        %mul3A_215 = arith.muli %rem3A_137, %mul3A_214 : i32
        %mul3A_216 = arith.constant 64 : i32
        %mul3A_217 = arith.muli %squeeze3A_152, %mul3A_216 : i32
        %dma_start3A = tpu.memref_slice %arg15[%mul3A_215] : memref<1024xf32, #tpu.memory_space<vmem>> -> memref<64xf32, #tpu.memory_space<vmem>>
        %dma_start3A_218 = tpu.memref_slice %arg8[%mul3A_217] : memref<1048576xf32, #tpu.memory_space<hbm>> -> memref<64xf32, #tpu.memory_space<hbm>>
        %dma_start3A_219 = tpu.memref_slice %arg8[%mul3A_217] : memref<1048576xf32, #tpu.memory_space<hbm>> -> memref<64xf32, #tpu.memory_space<hbm>>
        %dma_start3A_220 = tpu.memref_slice %arg15[%mul3A_215] : memref<1024xf32, #tpu.memory_space<vmem>> -> memref<64xf32, #tpu.memory_space<vmem>>
        tpu.enqueue_dma source(%dma_start3A_220 : memref<64xf32, #tpu.memory_space<vmem>>) target(%dma_start3A_219 : memref<64xf32, #tpu.memory_space<hbm>>) target_semaphore(%arg17 : memref<!tpu.dma_semaphore, #tpu.memory_space<semaphore_mem>>)
        %add3A_221 = arith.constant 1 : i32
        %add3A_222 = arith.addi %select_n3A, %add3A_221 : i32
        scf.yield %add3A_222 : i32
      }
      scf.yield %while3A_133 : i32
    }
    %while3A_37 = arith.constant 0 : i32
    %while3A_38 = arith.constant 0 : i32
    %while3A_39 = arith.subi %while3A_36, %while3A_38 : i32
    %while3A_40 = arith.addi %while3A_38, %while3A_39 : i32
    %while3A_41 = arith.constant 1 : i32
    %while3A_42 = arith.divsi %while3A_39, %while3A_41 : i32
    %while3A_43 = arith.muli %while3A_42, %while3A_41 : i32
    %while3A_44 = arith.addi %while3A_38, %while3A_43 : i32
    %while3A_45 = arith.constant 1 : i32
    scf.for %while3A_96 = %while3A_38 to %while3A_44 step %while3A_45  : i32 {
      %dma_wait3A = arith.constant 0 : i32
      %dma_wait3A_97 = tpu.memref_slice %arg15[%dma_wait3A] : memref<1024xf32, #tpu.memory_space<vmem>> -> memref<64xf32, #tpu.memory_space<vmem>>
      %dma_wait3A_98 = arith.constant 0 : i32
      %dma_wait3A_99 = tpu.memref_slice %arg8[%dma_wait3A_98] : memref<1048576xf32, #tpu.memory_space<hbm>> -> memref<64xf32, #tpu.memory_space<hbm>>
      %dma_wait3A_100 = arith.constant 0 : i32
      %dma_wait3A_101 = tpu.memref_slice %arg15[%dma_wait3A_100] : memref<1024xf32, #tpu.memory_space<vmem>> -> memref<64xf32, #tpu.memory_space<vmem>>
      %dma_wait3A_102 = arith.constant 0 : i32
      %dma_wait3A_103 = tpu.memref_slice %arg8[%dma_wait3A_102] : memref<1048576xf32, #tpu.memory_space<hbm>> -> memref<64xf32, #tpu.memory_space<hbm>>
      tpu.wait_dma2 semaphore(%arg17 : memref<!tpu.dma_semaphore, #tpu.memory_space<semaphore_mem>>) src(%dma_wait3A_103 : memref<64xf32, #tpu.memory_space<hbm>>) dst(%dma_wait3A_101 : memref<64xf32, #tpu.memory_space<vmem>>)
    }
    %while3A_46 = arith.constant 1 : i32
    scf.for %while3A_96 = %while3A_44 to %while3A_40 step %while3A_46  : i32 {
      %dma_wait3A = arith.constant 0 : i32
      %dma_wait3A_97 = tpu.memref_slice %arg15[%dma_wait3A] : memref<1024xf32, #tpu.memory_space<vmem>> -> memref<64xf32, #tpu.memory_space<vmem>>
      %dma_wait3A_98 = arith.constant 0 : i32
      %dma_wait3A_99 = tpu.memref_slice %arg8[%dma_wait3A_98] : memref<1048576xf32, #tpu.memory_space<hbm>> -> memref<64xf32, #tpu.memory_space<hbm>>
      %dma_wait3A_100 = arith.constant 0 : i32
      %dma_wait3A_101 = tpu.memref_slice %arg15[%dma_wait3A_100] : memref<1024xf32, #tpu.memory_space<vmem>> -> memref<64xf32, #tpu.memory_space<vmem>>
      %dma_wait3A_102 = arith.constant 0 : i32
      %dma_wait3A_103 = tpu.memref_slice %arg8[%dma_wait3A_102] : memref<1048576xf32, #tpu.memory_space<hbm>> -> memref<64xf32, #tpu.memory_space<hbm>>
      tpu.wait_dma2 semaphore(%arg17 : memref<!tpu.dma_semaphore, #tpu.memory_space<semaphore_mem>>) src(%dma_wait3A_103 : memref<64xf32, #tpu.memory_space<hbm>>) dst(%dma_wait3A_101 : memref<64xf32, #tpu.memory_space<vmem>>)
    }
    "tpu.region"() ({
      %run_scoped3A = tpu.sem_alloc : memref<!tpu.dma_semaphore, #tpu.memory_space<semaphore_mem>>
      %dma_start3A = arith.constant 0 : i32
      %dma_start3A_96 = tpu.memref_slice %arg10[%dma_start3A] : memref<528xi32, #tpu.memory_space<vmem>> -> memref<512xi32, #tpu.memory_space<vmem>>
      %dma_start3A_97 = tpu.memref_slice %arg4[%mul3A_2] : memref<16384xi32, #tpu.memory_space<hbm>> -> memref<512xi32, #tpu.memory_space<hbm>>
      %dma_start3A_98 = arith.constant 0 : i32
      %dma_start3A_99 = tpu.memref_slice %arg10[%dma_start3A_98] : memref<528xi32, #tpu.memory_space<vmem>> -> memref<512xi32, #tpu.memory_space<vmem>>
      %dma_start3A_100 = tpu.memref_slice %arg4[%mul3A_2] : memref<16384xi32, #tpu.memory_space<hbm>> -> memref<512xi32, #tpu.memory_space<hbm>>
      tpu.enqueue_dma source(%dma_start3A_100 : memref<512xi32, #tpu.memory_space<hbm>>) target(%dma_start3A_99 : memref<512xi32, #tpu.memory_space<vmem>>) target_semaphore(%run_scoped3A : memref<!tpu.dma_semaphore, #tpu.memory_space<semaphore_mem>>)
      %dma_wait3A = arith.constant 0 : i32
      %dma_wait3A_101 = tpu.memref_slice %arg10[%dma_wait3A] : memref<528xi32, #tpu.memory_space<vmem>> -> memref<512xi32, #tpu.memory_space<vmem>>
      %dma_wait3A_102 = tpu.memref_slice %arg4[%mul3A_2] : memref<16384xi32, #tpu.memory_space<hbm>> -> memref<512xi32, #tpu.memory_space<hbm>>
      %dma_wait3A_103 = arith.constant 0 : i32
      %dma_wait3A_104 = tpu.memref_slice %arg10[%dma_wait3A_103] : memref<528xi32, #tpu.memory_space<vmem>> -> memref<512xi32, #tpu.memory_space<vmem>>
      %dma_wait3A_105 = tpu.memref_slice %arg4[%mul3A_2] : memref<16384xi32, #tpu.memory_space<hbm>> -> memref<512xi32, #tpu.memory_space<hbm>>
      tpu.wait_dma2 semaphore(%run_scoped3A : memref<!tpu.dma_semaphore, #tpu.memory_space<semaphore_mem>>) src(%dma_wait3A_105 : memref<512xi32, #tpu.memory_space<hbm>>) dst(%dma_wait3A_104 : memref<512xi32, #tpu.memory_space<vmem>>)
      tpu.yield
    }) : () -> ()
    "tpu.region"() ({
      %run_scoped3A = tpu.sem_alloc : memref<!tpu.dma_semaphore, #tpu.memory_space<semaphore_mem>>
      %dma_start3A = arith.constant 0 : i32
      %dma_start3A_96 = tpu.memref_slice %arg11[%dma_start3A] : memref<528xi32, #tpu.memory_space<vmem>> -> memref<512xi32, #tpu.memory_space<vmem>>
      %dma_start3A_97 = tpu.memref_slice %arg5[%mul3A_2] : memref<16384xi32, #tpu.memory_space<hbm>> -> memref<512xi32, #tpu.memory_space<hbm>>
      %dma_start3A_98 = arith.constant 0 : i32
      %dma_start3A_99 = tpu.memref_slice %arg11[%dma_start3A_98] : memref<528xi32, #tpu.memory_space<vmem>> -> memref<512xi32, #tpu.memory_space<vmem>>
      %dma_start3A_100 = tpu.memref_slice %arg5[%mul3A_2] : memref<16384xi32, #tpu.memory_space<hbm>> -> memref<512xi32, #tpu.memory_space<hbm>>
      tpu.enqueue_dma source(%dma_start3A_100 : memref<512xi32, #tpu.memory_space<hbm>>) target(%dma_start3A_99 : memref<512xi32, #tpu.memory_space<vmem>>) target_semaphore(%run_scoped3A : memref<!tpu.dma_semaphore, #tpu.memory_space<semaphore_mem>>)
      %dma_wait3A = arith.constant 0 : i32
      %dma_wait3A_101 = tpu.memref_slice %arg11[%dma_wait3A] : memref<528xi32, #tpu.memory_space<vmem>> -> memref<512xi32, #tpu.memory_space<vmem>>
      %dma_wait3A_102 = tpu.memref_slice %arg5[%mul3A_2] : memref<16384xi32, #tpu.memory_space<hbm>> -> memref<512xi32, #tpu.memory_space<hbm>>
      %dma_wait3A_103 = arith.constant 0 : i32
      %dma_wait3A_104 = tpu.memref_slice %arg11[%dma_wait3A_103] : memref<528xi32, #tpu.memory_space<vmem>> -> memref<512xi32, #tpu.memory_space<vmem>>
      %dma_wait3A_105 = tpu.memref_slice %arg5[%mul3A_2] : memref<16384xi32, #tpu.memory_space<hbm>> -> memref<512xi32, #tpu.memory_space<hbm>>
      tpu.wait_dma2 semaphore(%run_scoped3A : memref<!tpu.dma_semaphore, #tpu.memory_space<semaphore_mem>>) src(%dma_wait3A_105 : memref<512xi32, #tpu.memory_space<hbm>>) dst(%dma_wait3A_104 : memref<512xi32, #tpu.memory_space<vmem>>)
      tpu.yield
    }) : () -> ()
    %scan3A_47 = arith.constant 0 : i32
    %scan3A_48 = arith.constant -1 : i32
    %scan3A_49 = arith.constant 0 : i32
    %scan3A_50 = arith.constant 32 : i32
    %scan3A_51 = arith.addi %scan3A_49, %scan3A_50 : i32
    %scan3A_52 = arith.constant 1 : i32
    %scan3A_53:2 = scf.for %scan3A_96 = %scan3A_49 to %scan3A_51 step %scan3A_52 iter_args(%scan3A_97 = %scan3A_47, %scan3A_98 = %scan3A_48) -> (i32, i32)  : i32 {
      %mul3A_99 = arith.constant 16 : i32
      %mul3A_100 = arith.muli %scan3A_96, %mul3A_99 : i32
      %get3A = arith.index_cast %mul3A_100 : i32 to index
      %get3A_101 = tpu.vector_load %arg10[%get3A] {strides = array<i32>} : memref<528xi32, #tpu.memory_space<vmem>>, vector<16xi32>,
      %shift_right_arithmetic3A = arith.constant 7 : i32
      %shift_right_arithmetic3A_102 = vector.broadcast %shift_right_arithmetic3A : i32 to vector<16xi32>
      %shift_right_arithmetic3A_103 = arith.shrsi %get3A_101, %shift_right_arithmetic3A_102 : vector<16xi32>
      %sub3A = arith.constant 1 : i32
      %sub3A_104 = vector.broadcast %sub3A : i32 to vector<16xi32>
      %sub3A_105 = arith.subi %iota3A, %sub3A_104 : vector<16xi32>
      %max3A = arith.constant 0 : i32
      %max3A_106 = vector.broadcast %max3A : i32 to vector<16xi32>
      %max3A_107 = arith.maxsi %sub3A_105, %max3A_106 : vector<16xi32>
      %lt3A = arith.constant 0 : i32
      %lt3A_108 = vector.broadcast %lt3A : i32 to vector<16xi32>
      %lt3A_109 = arith.cmpi slt, %max3A_107, %lt3A_108 : vector<16xi32>
      %add3A_110 = arith.constant 16 : i32
      %add3A_111 = vector.broadcast %add3A_110 : i32 to vector<16xi32>
      %add3A_112 = arith.addi %max3A_107, %add3A_111 : vector<16xi32>
      %select_n3A = arith.select %lt3A_109, %add3A_112, %max3A_107 : vector<16xi1>, vector<16xi32>
      %broadcast_in_dim3A_113 = vector.shape_cast %select_n3A : vector<16xi32> to vector<16x1xi32>
      %gather3A = vector.shape_cast %broadcast_in_dim3A_113 : vector<16x1xi32> to vector<16xi32>
      %gather3A_114 = tpu.dynamic_gather %shift_right_arithmetic3A_103[%gather3A] in [0] : vector<16xi32>, vector<16xi32> -> vector<16xi32>
      %eq3A = arith.constant 0 : i32
      %eq3A_115 = vector.broadcast %eq3A : i32 to vector<16xi32>
      %eq3A_116 = arith.cmpi eq, %iota3A, %eq3A_115 : vector<16xi32>
      %broadcast_in_dim3A_117 = vector.broadcast %scan3A_98 : i32 to vector<16xi32>
      %select_n3A_118 = arith.select %eq3A_116, %broadcast_in_dim3A_117, %gather3A_114 : vector<16xi1>, vector<16xi32>
      %ne3A = arith.cmpi ne, %shift_right_arithmetic3A_103, %select_n3A_118 : vector<16xi32>
      %swap3A_119 = arith.index_cast %scan3A_97 : i32 to index
      %swap3A_120 = tpu.vector_load %arg12[%swap3A_119] masked %ne3A {strides = array<i32>} : memref<560xi32, #tpu.memory_space<vmem>>, vector<16xi32>, vector<16xi1>
      tpu.vector_store %arg12[%swap3A_119], %shift_right_arithmetic3A_103 masked %ne3A {strides = array<i32>} : memref<560xi32, #tpu.memory_space<vmem>>, vector<16xi32>, vector<16xi1>
      %mul3A_121 = arith.constant 16 : i32
      %mul3A_122 = arith.muli %scan3A_96, %mul3A_121 : i32
      %add3A_123 = vector.broadcast %mul3A_122 : i32 to vector<16xi32>
      %add3A_124 = arith.addi %add3A_123, %iota3A : vector<16xi32>
      %swap3A_125 = arith.index_cast %scan3A_97 : i32 to index
      %swap3A_126 = tpu.vector_load %arg13[%swap3A_125] masked %ne3A {strides = array<i32>} : memref<560xi32, #tpu.memory_space<vmem>>, vector<16xi32>, vector<16xi1>
      tpu.vector_store %arg13[%swap3A_125], %add3A_124 masked %ne3A {strides = array<i32>} : memref<560xi32, #tpu.memory_space<vmem>>, vector<16xi32>, vector<16xi1>
      %all_reduce_population_count3A = tpu.all_reduce %ne3A {dim = 0 : i64, kind = #tpu.reduction_kind<sum>} : vector<16xi1> -> vector<16xi32>
      %slice3A = vector.extract_strided_slice %all_reduce_population_count3A {offsets = [0], sizes = [1], strides = [1]} : vector<16xi32> to vector<1xi32>
      %squeeze3A = vector.extract %slice3A[0] : i32 from vector<1xi32>
      %add3A_127 = arith.addi %scan3A_97, %squeeze3A : i32
      %slice3A_128 = vector.extract_strided_slice %shift_right_arithmetic3A_103 {offsets = [15], sizes = [1], strides = [1]} : vector<16xi32> to vector<1xi32>
      %squeeze3A_129 = vector.extract %slice3A_128[0] : i32 from vector<1xi32>
      scf.yield %add3A_127, %squeeze3A_129 : i32, i32
    }
    %scan3A_54 = arith.constant 32 : i32
    %broadcast_in_dim3A_55 = arith.constant 1 : i32
    %broadcast_in_dim3A_56 = vector.broadcast %broadcast_in_dim3A_55 : i32 to vector<16xi32>
    %mul3A_57 = arith.constant 512 : i32
    %mul3A_58 = vector.broadcast %mul3A_57 : i32 to vector<16xi32>
    %mul3A_59 = arith.muli %broadcast_in_dim3A_56, %mul3A_58 : vector<16xi32>
    %swap3A_60 = arith.index_cast %scan3A_53#0 : i32 to index
    %swap3A_61 = tpu.vector_load %arg13[%swap3A_60] {strides = array<i32>} : memref<560xi32, #tpu.memory_space<vmem>>, vector<16xi32>,
    tpu.vector_store %arg13[%swap3A_60], %mul3A_59 {strides = array<i32>} : memref<560xi32, #tpu.memory_space<vmem>>, vector<16xi32>,
    %min3A_62 = arith.constant 7 : i32
    %min3A_63 = arith.minsi %scan3A_53#0, %min3A_62 : i32
    %while3A_64 = arith.constant 0 : i32
    %while3A_65 = arith.constant 0 : i32
    %while3A_66 = arith.subi %min3A_63, %while3A_65 : i32
    %while3A_67 = arith.addi %while3A_65, %while3A_66 : i32
    %while3A_68 = arith.constant 1 : i32
    %while3A_69 = arith.divsi %while3A_66, %while3A_68 : i32
    %while3A_70 = arith.muli %while3A_69, %while3A_68 : i32
    %while3A_71 = arith.addi %while3A_65, %while3A_70 : i32
    %while3A_72 = arith.constant 1 : i32
    scf.for %while3A_96 = %while3A_65 to %while3A_71 step %while3A_72  : i32 {
      %get3A = arith.index_cast %while3A_96 : i32 to index
      %get3A_97 = tpu.vector_load %arg12[%get3A] {strides = array<i32>} : memref<560xi32, #tpu.memory_space<vmem>>, vector<16xi32>,
      %slice3A = vector.extract_strided_slice %get3A_97 {offsets = [0], sizes = [1], strides = [1]} : vector<16xi32> to vector<1xi32>
      %squeeze3A = vector.extract %slice3A[0] : i32 from vector<1xi32>
      %mul3A_98 = arith.constant 128 : i32
      %mul3A_99 = arith.muli %squeeze3A, %mul3A_98 : i32
      %multiple_of3A = tpu.assume_multiple %mul3A_99, 128 : i32
      %rem3A = arith.constant 8 : i32
      %rem3A_100 = arith.remsi %while3A_96, %rem3A : i32
      %dma_start3A = arith.constant 0 : i32
      %dma_start3A_101 = arith.constant 0 : i32
      %dma_start3A_102 = tpu.memref_slice %arg14[%rem3A_100, %dma_start3A, %dma_start3A_101] : memref<8x64x128xf32, #tpu.memory_space<vmem>> -> memref<1x64x128xf32, #tpu.memory_space<vmem>>
      %dma_start3A_103 = tpu.memref_squeeze %dma_start3A_102 : memref<1x64x128xf32, #tpu.memory_space<vmem>> -> memref<64x128xf32, #tpu.memory_space<vmem>>
      %dma_start3A_104 = arith.constant 0 : i32
      %dma_start3A_105 = tpu.memref_slice %arg7[%dma_start3A_104, %multiple_of3A] : memref<64x100000xf32, #tpu.memory_space<hbm>> -> memref<64x128xf32, #tpu.memory_space<hbm>>
      %dma_start3A_106 = arith.constant 0 : i32
      %dma_start3A_107 = arith.constant 0 : i32
      %dma_start3A_108 = tpu.memref_slice %arg14[%rem3A_100, %dma_start3A_106, %dma_start3A_107] : memref<8x64x128xf32, #tpu.memory_space<vmem>> -> memref<1x64x128xf32, #tpu.memory_space<vmem>>
      %dma_start3A_109 = tpu.memref_squeeze %dma_start3A_108 : memref<1x64x128xf32, #tpu.memory_space<vmem>> -> memref<64x128xf32, #tpu.memory_space<vmem>>
      %dma_start3A_110 = arith.constant 0 : i32
      %dma_start3A_111 = tpu.memref_slice %arg7[%dma_start3A_110, %multiple_of3A] : memref<64x100000xf32, #tpu.memory_space<hbm>> -> memref<64x128xf32, #tpu.memory_space<hbm>>
      tpu.enqueue_dma source(%dma_start3A_111 : memref<64x128xf32, #tpu.memory_space<hbm>>) target(%dma_start3A_109 : memref<64x128xf32, #tpu.memory_space<vmem>>) target_semaphore(%arg16 : memref<!tpu.dma_semaphore, #tpu.memory_space<semaphore_mem>>)
    }
    %while3A_73 = arith.constant 1 : i32
    scf.for %while3A_96 = %while3A_71 to %while3A_67 step %while3A_73  : i32 {
      %get3A = arith.index_cast %while3A_96 : i32 to index
      %get3A_97 = tpu.vector_load %arg12[%get3A] {strides = array<i32>} : memref<560xi32, #tpu.memory_space<vmem>>, vector<16xi32>,
      %slice3A = vector.extract_strided_slice %get3A_97 {offsets = [0], sizes = [1], strides = [1]} : vector<16xi32> to vector<1xi32>
      %squeeze3A = vector.extract %slice3A[0] : i32 from vector<1xi32>
      %mul3A_98 = arith.constant 128 : i32
      %mul3A_99 = arith.muli %squeeze3A, %mul3A_98 : i32
      %multiple_of3A = tpu.assume_multiple %mul3A_99, 128 : i32
      %rem3A = arith.constant 8 : i32
      %rem3A_100 = arith.remsi %while3A_96, %rem3A : i32
      %dma_start3A = arith.constant 0 : i32
      %dma_start3A_101 = arith.constant 0 : i32
      %dma_start3A_102 = tpu.memref_slice %arg14[%rem3A_100, %dma_start3A, %dma_start3A_101] : memref<8x64x128xf32, #tpu.memory_space<vmem>> -> memref<1x64x128xf32, #tpu.memory_space<vmem>>
      %dma_start3A_103 = tpu.memref_squeeze %dma_start3A_102 : memref<1x64x128xf32, #tpu.memory_space<vmem>> -> memref<64x128xf32, #tpu.memory_space<vmem>>
      %dma_start3A_104 = arith.constant 0 : i32
      %dma_start3A_105 = tpu.memref_slice %arg7[%dma_start3A_104, %multiple_of3A] : memref<64x100000xf32, #tpu.memory_space<hbm>> -> memref<64x128xf32, #tpu.memory_space<hbm>>
      %dma_start3A_106 = arith.constant 0 : i32
      %dma_start3A_107 = arith.constant 0 : i32
      %dma_start3A_108 = tpu.memref_slice %arg14[%rem3A_100, %dma_start3A_106, %dma_start3A_107] : memref<8x64x128xf32, #tpu.memory_space<vmem>> -> memref<1x64x128xf32, #tpu.memory_space<vmem>>
      %dma_start3A_109 = tpu.memref_squeeze %dma_start3A_108 : memref<1x64x128xf32, #tpu.memory_space<vmem>> -> memref<64x128xf32, #tpu.memory_space<vmem>>
      %dma_start3A_110 = arith.constant 0 : i32
      %dma_start3A_111 = tpu.memref_slice %arg7[%dma_start3A_110, %multiple_of3A] : memref<64x100000xf32, #tpu.memory_space<hbm>> -> memref<64x128xf32, #tpu.memory_space<hbm>>
      tpu.enqueue_dma source(%dma_start3A_111 : memref<64x128xf32, #tpu.memory_space<hbm>>) target(%dma_start3A_109 : memref<64x128xf32, #tpu.memory_space<vmem>>) target_semaphore(%arg16 : memref<!tpu.dma_semaphore, #tpu.memory_space<semaphore_mem>>)
    }
    %while3A_74 = arith.constant 0 : i32
    %while3A_75 = arith.constant 0 : i32
    %while3A_76 = arith.subi %scan3A_53#0, %while3A_74 : i32
    %while3A_77 = arith.addi %while3A_74, %while3A_76 : i32
    %while3A_78 = arith.constant 1 : i32
    %while3A_79 = arith.divsi %while3A_76, %while3A_78 : i32
    %while3A_80 = arith.muli %while3A_79, %while3A_78 : i32
    %while3A_81 = arith.addi %while3A_74, %while3A_80 : i32
    %while3A_82 = arith.constant 1 : i32
    %while3A_83 = scf.for %while3A_96 = %while3A_74 to %while3A_81 step %while3A_82 iter_args(%while3A_97 = %while3A_75) -> (i32)  : i32 {
      %dma_wait3A = arith.constant 0 : i32
      %dma_wait3A_98 = arith.constant 0 : i32
      %dma_wait3A_99 = arith.constant 0 : i32
      %dma_wait3A_100 = tpu.memref_slice %arg14[%dma_wait3A, %dma_wait3A_98, %dma_wait3A_99] : memref<8x64x128xf32, #tpu.memory_space<vmem>> -> memref<1x64x128xf32, #tpu.memory_space<vmem>>
      %dma_wait3A_101 = tpu.memref_squeeze %dma_wait3A_100 : memref<1x64x128xf32, #tpu.memory_space<vmem>> -> memref<64x128xf32, #tpu.memory_space<vmem>>
      %dma_wait3A_102 = arith.constant 0 : i32
      %dma_wait3A_103 = arith.constant 0 : i32
      %dma_wait3A_104 = tpu.memref_slice %arg7[%dma_wait3A_102, %dma_wait3A_103] : memref<64x100000xf32, #tpu.memory_space<hbm>> -> memref<64x128xf32, #tpu.memory_space<hbm>>
      %dma_wait3A_105 = arith.constant 0 : i32
      %dma_wait3A_106 = arith.constant 0 : i32
      %dma_wait3A_107 = tpu.memref_slice %arg14[%dma_wait3A, %dma_wait3A_105, %dma_wait3A_106] : memref<8x64x128xf32, #tpu.memory_space<vmem>> -> memref<1x64x128xf32, #tpu.memory_space<vmem>>
      %dma_wait3A_108 = tpu.memref_squeeze %dma_wait3A_107 : memref<1x64x128xf32, #tpu.memory_space<vmem>> -> memref<64x128xf32, #tpu.memory_space<vmem>>
      %dma_wait3A_109 = arith.constant 0 : i32
      %dma_wait3A_110 = arith.constant 0 : i32
      %dma_wait3A_111 = tpu.memref_slice %arg7[%dma_wait3A_109, %dma_wait3A_110] : memref<64x100000xf32, #tpu.memory_space<hbm>> -> memref<64x128xf32, #tpu.memory_space<hbm>>
      tpu.wait_dma2 semaphore(%arg16 : memref<!tpu.dma_semaphore, #tpu.memory_space<semaphore_mem>>) src(%dma_wait3A_111 : memref<64x128xf32, #tpu.memory_space<hbm>>) dst(%dma_wait3A_108 : memref<64x128xf32, #tpu.memory_space<vmem>>)
      %rem3A = arith.constant 8 : i32
      %rem3A_112 = arith.remsi %while3A_96, %rem3A : i32
      %add3A_113 = arith.constant 8 : i32
      %add3A_114 = arith.addi %while3A_96, %add3A_113 : i32
      %sub3A = arith.constant 1 : i32
      %sub3A_115 = arith.subi %add3A_114, %sub3A : i32
      %lt3A = arith.cmpi slt, %sub3A_115, %scan3A_53#0 : i32
      %convert_element_type3A = arith.extui %lt3A : i1 to i32
      %cond3A = arith.constant 0 : i32
      %cond3A_116 = arith.cmpi ne, %convert_element_type3A, %cond3A : i32
      scf.if %cond3A_116 {
        %add3A_134 = arith.constant 8 : i32
        %add3A_135 = arith.addi %while3A_96, %add3A_134 : i32
        %sub3A_136 = arith.constant 1 : i32
        %sub3A_137 = arith.subi %add3A_135, %sub3A_136 : i32
        %get3A_138 = arith.index_cast %sub3A_137 : i32 to index
        %get3A_139 = tpu.vector_load %arg12[%get3A_138] {strides = array<i32>} : memref<560xi32, #tpu.memory_space<vmem>>, vector<16xi32>,
        %slice3A_140 = vector.extract_strided_slice %get3A_139 {offsets = [0], sizes = [1], strides = [1]} : vector<16xi32> to vector<1xi32>
        %squeeze3A_141 = vector.extract %slice3A_140[0] : i32 from vector<1xi32>
        %mul3A_142 = arith.constant 128 : i32
        %mul3A_143 = arith.muli %squeeze3A_141, %mul3A_142 : i32
        %multiple_of3A = tpu.assume_multiple %mul3A_143, 128 : i32
        %rem3A_144 = arith.constant 8 : i32
        %rem3A_145 = arith.remsi %sub3A_137, %rem3A_144 : i32
        %dma_start3A = arith.constant 0 : i32
        %dma_start3A_146 = arith.constant 0 : i32
        %dma_start3A_147 = tpu.memref_slice %arg14[%rem3A_145, %dma_start3A, %dma_start3A_146] : memref<8x64x128xf32, #tpu.memory_space<vmem>> -> memref<1x64x128xf32, #tpu.memory_space<vmem>>
        %dma_start3A_148 = tpu.memref_squeeze %dma_start3A_147 : memref<1x64x128xf32, #tpu.memory_space<vmem>> -> memref<64x128xf32, #tpu.memory_space<vmem>>
        %dma_start3A_149 = arith.constant 0 : i32
        %dma_start3A_150 = tpu.memref_slice %arg7[%dma_start3A_149, %multiple_of3A] : memref<64x100000xf32, #tpu.memory_space<hbm>> -> memref<64x128xf32, #tpu.memory_space<hbm>>
        %dma_start3A_151 = arith.constant 0 : i32
        %dma_start3A_152 = arith.constant 0 : i32
        %dma_start3A_153 = tpu.memref_slice %arg14[%rem3A_145, %dma_start3A_151, %dma_start3A_152] : memref<8x64x128xf32, #tpu.memory_space<vmem>> -> memref<1x64x128xf32, #tpu.memory_space<vmem>>
        %dma_start3A_154 = tpu.memref_squeeze %dma_start3A_153 : memref<1x64x128xf32, #tpu.memory_space<vmem>> -> memref<64x128xf32, #tpu.memory_space<vmem>>
        %dma_start3A_155 = arith.constant 0 : i32
        %dma_start3A_156 = tpu.memref_slice %arg7[%dma_start3A_155, %multiple_of3A] : memref<64x100000xf32, #tpu.memory_space<hbm>> -> memref<64x128xf32, #tpu.memory_space<hbm>>
        tpu.enqueue_dma source(%dma_start3A_156 : memref<64x128xf32, #tpu.memory_space<hbm>>) target(%dma_start3A_154 : memref<64x128xf32, #tpu.memory_space<vmem>>) target_semaphore(%arg16 : memref<!tpu.dma_semaphore, #tpu.memory_space<semaphore_mem>>)
      } else {
      }
      %get3A = arith.index_cast %while3A_96 : i32 to index
      %get3A_117 = tpu.vector_load %arg13[%get3A] {strides = array<i32>} : memref<560xi32, #tpu.memory_space<vmem>>, vector<16xi32>,
      %slice3A = vector.extract_strided_slice %get3A_117 {offsets = [0], sizes = [1], strides = [1]} : vector<16xi32> to vector<1xi32>
      %squeeze3A = vector.extract %slice3A[0] : i32 from vector<1xi32>
      %add3A_118 = arith.constant 1 : i32
      %add3A_119 = arith.addi %while3A_96, %add3A_118 : i32
      %get3A_120 = arith.index_cast %add3A_119 : i32 to index
      %get3A_121 = tpu.vector_load %arg13[%get3A_120] {strides = array<i32>} : memref<560xi32, #tpu.memory_space<vmem>>, vector<16xi32>,
      %slice3A_122 = vector.extract_strided_slice %get3A_121 {offsets = [0], sizes = [1], strides = [1]} : vector<16xi32> to vector<1xi32>
      %squeeze3A_123 = vector.extract %slice3A_122[0] : i32 from vector<1xi32>
      %while3A_124 = arith.subi %squeeze3A_123, %squeeze3A : i32
      %while3A_125 = arith.addi %squeeze3A, %while3A_124 : i32
      %while3A_126 = arith.constant 1 : i32
      %while3A_127 = arith.divsi %while3A_124, %while3A_126 : i32
      %while3A_128 = arith.muli %while3A_127, %while3A_126 : i32
      %while3A_129 = arith.addi %squeeze3A, %while3A_128 : i32
      %while3A_130 = arith.constant 1 : i32
      %while3A_131 = scf.for %while3A_134 = %squeeze3A to %while3A_129 step %while3A_130 iter_args(%while3A_135 = %while3A_97) -> (i32)  : i32 {
        %rem3A_136 = arith.constant 16 : i32
        %rem3A_137 = arith.remsi %while3A_134, %rem3A_136 : i32
        %eq3A = arith.constant 0 : i32
        %eq3A_138 = arith.cmpi eq, %rem3A_137, %eq3A : i32
        %gt3A = arith.constant 0 : i32
        %gt3A_139 = arith.cmpi sgt, %while3A_135, %gt3A : i32
        %and3A = arith.andi %eq3A_138, %gt3A_139 : i1
        %convert_element_type3A_140 = arith.extui %and3A : i1 to i32
        %cond3A_141 = arith.constant 0 : i32
        %cond3A_142 = arith.cmpi ne, %convert_element_type3A_140, %cond3A_141 : i32
        scf.if %cond3A_142 {
          %while3A_223 = arith.constant 0 : i32
          %while3A_224 = arith.constant 0 : i32
          %while3A_225 = arith.subi %while3A_135, %while3A_224 : i32
          %while3A_226 = arith.addi %while3A_224, %while3A_225 : i32
          %while3A_227 = arith.constant 1 : i32
          %while3A_228 = arith.divsi %while3A_225, %while3A_227 : i32
          %while3A_229 = arith.muli %while3A_228, %while3A_227 : i32
          %while3A_230 = arith.addi %while3A_224, %while3A_229 : i32
          %while3A_231 = arith.constant 1 : i32
          scf.for %while3A_233 = %while3A_224 to %while3A_230 step %while3A_231  : i32 {
            %dma_wait3A_234 = arith.constant 0 : i32
            %dma_wait3A_235 = tpu.memref_slice %arg15[%dma_wait3A_234] : memref<1024xf32, #tpu.memory_space<vmem>> -> memref<64xf32, #tpu.memory_space<vmem>>
            %dma_wait3A_236 = arith.constant 0 : i32
            %dma_wait3A_237 = tpu.memref_slice %arg8[%dma_wait3A_236] : memref<1048576xf32, #tpu.memory_space<hbm>> -> memref<64xf32, #tpu.memory_space<hbm>>
            %dma_wait3A_238 = arith.constant 0 : i32
            %dma_wait3A_239 = tpu.memref_slice %arg15[%dma_wait3A_238] : memref<1024xf32, #tpu.memory_space<vmem>> -> memref<64xf32, #tpu.memory_space<vmem>>
            %dma_wait3A_240 = arith.constant 0 : i32
            %dma_wait3A_241 = tpu.memref_slice %arg8[%dma_wait3A_240] : memref<1048576xf32, #tpu.memory_space<hbm>> -> memref<64xf32, #tpu.memory_space<hbm>>
            tpu.wait_dma2 semaphore(%arg17 : memref<!tpu.dma_semaphore, #tpu.memory_space<semaphore_mem>>) src(%dma_wait3A_241 : memref<64xf32, #tpu.memory_space<hbm>>) dst(%dma_wait3A_239 : memref<64xf32, #tpu.memory_space<vmem>>)
          }
          %while3A_232 = arith.constant 1 : i32
          scf.for %while3A_233 = %while3A_230 to %while3A_226 step %while3A_232  : i32 {
            %dma_wait3A_234 = arith.constant 0 : i32
            %dma_wait3A_235 = tpu.memref_slice %arg15[%dma_wait3A_234] : memref<1024xf32, #tpu.memory_space<vmem>> -> memref<64xf32, #tpu.memory_space<vmem>>
            %dma_wait3A_236 = arith.constant 0 : i32
            %dma_wait3A_237 = tpu.memref_slice %arg8[%dma_wait3A_236] : memref<1048576xf32, #tpu.memory_space<hbm>> -> memref<64xf32, #tpu.memory_space<hbm>>
            %dma_wait3A_238 = arith.constant 0 : i32
            %dma_wait3A_239 = tpu.memref_slice %arg15[%dma_wait3A_238] : memref<1024xf32, #tpu.memory_space<vmem>> -> memref<64xf32, #tpu.memory_space<vmem>>
            %dma_wait3A_240 = arith.constant 0 : i32
            %dma_wait3A_241 = tpu.memref_slice %arg8[%dma_wait3A_240] : memref<1048576xf32, #tpu.memory_space<hbm>> -> memref<64xf32, #tpu.memory_space<hbm>>
            tpu.wait_dma2 semaphore(%arg17 : memref<!tpu.dma_semaphore, #tpu.memory_space<semaphore_mem>>) src(%dma_wait3A_241 : memref<64xf32, #tpu.memory_space<hbm>>) dst(%dma_wait3A_239 : memref<64xf32, #tpu.memory_space<vmem>>)
          }
        } else {
        }
        %eq3A_143 = arith.constant 0 : i32
        %eq3A_144 = arith.cmpi eq, %rem3A_137, %eq3A_143 : i32
        %jit3A = arith.constant 0 : i32
        %select_n3A = arith.select %eq3A_144, %jit3A, %while3A_135 : i32
        %get3A_145 = arith.index_cast %while3A_134 : i32 to index
        %get3A_146 = tpu.vector_load %arg10[%get3A_145] {strides = array<i32>} : memref<528xi32, #tpu.memory_space<vmem>>, vector<16xi32>,
        %slice3A_147 = vector.extract_strided_slice %get3A_146 {offsets = [0], sizes = [1], strides = [1]} : vector<16xi32> to vector<1xi32>
        %squeeze3A_148 = vector.extract %slice3A_147[0] : i32 from vector<1xi32>
        %get3A_149 = arith.index_cast %while3A_134 : i32 to index
        %get3A_150 = tpu.vector_load %arg11[%get3A_149] {strides = array<i32>} : memref<528xi32, #tpu.memory_space<vmem>>, vector<16xi32>,
        %slice3A_151 = vector.extract_strided_slice %get3A_150 {offsets = [0], sizes = [1], strides = [1]} : vector<16xi32> to vector<1xi32>
        %squeeze3A_152 = vector.extract %slice3A_151[0] : i32 from vector<1xi32>
        %broadcast_in_dim3A_153 = arith.constant 1 : i32
        %broadcast_in_dim3A_154 = vector.broadcast %broadcast_in_dim3A_153 : i32 to vector<16xi32>
        %and3A_155 = arith.constant 127 : i32
        %and3A_156 = arith.andi %squeeze3A_148, %and3A_155 : i32
        %mul3A_157 = vector.broadcast %and3A_156 : i32 to vector<16xi32>
        %mul3A_158 = arith.muli %broadcast_in_dim3A_154, %mul3A_157 : vector<16xi32>
        %broadcast_in_dim3A_159 = arith.constant 1 : i32
        %broadcast_in_dim3A_160 = vector.broadcast %broadcast_in_dim3A_159 : i32 to vector<16xi32>
        %mul3A_161 = vector.broadcast %rem3A_112 : i32 to vector<16xi32>
        %mul3A_162 = arith.muli %broadcast_in_dim3A_160, %mul3A_161 : vector<16xi32>
        %add3A_163 = arith.constant 0 : i32
        %add3A_164 = vector.broadcast %add3A_163 : i32 to vector<16xi32>
        %add3A_165 = arith.addi %iota3A, %add3A_164 : vector<16xi32>
        %gather3A = tpu.vector_load_idx %arg14[%mul3A_162, %add3A_165, %mul3A_158] : memref<8x64x128xf32, #tpu.memory_space<vmem>>[vector<16xi32>, vector<16xi32>, vector<16xi32>], vector<16xf32>,
        %mul3A_166 = arith.constant 64 : i32
        %mul3A_167 = arith.muli %rem3A_137, %mul3A_166 : i32
        %add3A_168 = arith.constant 0 : i32
        %add3A_169 = arith.addi %mul3A_167, %add3A_168 : i32
        %swap3A_170 = arith.index_cast %add3A_169 : i32 to index
        %swap3A_171 = tpu.vector_load %arg15[%swap3A_170] {strides = array<i32>} : memref<1024xf32, #tpu.memory_space<vmem>>, vector<16xf32>,
        tpu.vector_store %arg15[%swap3A_170], %gather3A {strides = array<i32>} : memref<1024xf32, #tpu.memory_space<vmem>>, vector<16xf32>,
        %broadcast_in_dim3A_172 = arith.constant 1 : i32
        %broadcast_in_dim3A_173 = vector.broadcast %broadcast_in_dim3A_172 : i32 to vector<16xi32>
        %mul3A_174 = vector.broadcast %rem3A_112 : i32 to vector<16xi32>
        %mul3A_175 = arith.muli %broadcast_in_dim3A_173, %mul3A_174 : vector<16xi32>
        %add3A_176 = arith.constant 16 : i32
        %add3A_177 = vector.broadcast %add3A_176 : i32 to vector<16xi32>
        %add3A_178 = arith.addi %iota3A, %add3A_177 : vector<16xi32>
        %gather3A_179 = tpu.vector_load_idx %arg14[%mul3A_175, %add3A_178, %mul3A_158] : memref<8x64x128xf32, #tpu.memory_space<vmem>>[vector<16xi32>, vector<16xi32>, vector<16xi32>], vector<16xf32>,
        %mul3A_180 = arith.constant 64 : i32
        %mul3A_181 = arith.muli %rem3A_137, %mul3A_180 : i32
        %add3A_182 = arith.constant 16 : i32
        %add3A_183 = arith.addi %mul3A_181, %add3A_182 : i32
        %swap3A_184 = arith.index_cast %add3A_183 : i32 to index
        %swap3A_185 = tpu.vector_load %arg15[%swap3A_184] {strides = array<i32>} : memref<1024xf32, #tpu.memory_space<vmem>>, vector<16xf32>,
        tpu.vector_store %arg15[%swap3A_184], %gather3A_179 {strides = array<i32>} : memref<1024xf32, #tpu.memory_space<vmem>>, vector<16xf32>,
        %broadcast_in_dim3A_186 = arith.constant 1 : i32
        %broadcast_in_dim3A_187 = vector.broadcast %broadcast_in_dim3A_186 : i32 to vector<16xi32>
        %mul3A_188 = vector.broadcast %rem3A_112 : i32 to vector<16xi32>
        %mul3A_189 = arith.muli %broadcast_in_dim3A_187, %mul3A_188 : vector<16xi32>
        %add3A_190 = arith.constant 32 : i32
        %add3A_191 = vector.broadcast %add3A_190 : i32 to vector<16xi32>
        %add3A_192 = arith.addi %iota3A, %add3A_191 : vector<16xi32>
        %gather3A_193 = tpu.vector_load_idx %arg14[%mul3A_189, %add3A_192, %mul3A_158] : memref<8x64x128xf32, #tpu.memory_space<vmem>>[vector<16xi32>, vector<16xi32>, vector<16xi32>], vector<16xf32>,
        %mul3A_194 = arith.constant 64 : i32
        %mul3A_195 = arith.muli %rem3A_137, %mul3A_194 : i32
        %add3A_196 = arith.constant 32 : i32
        %add3A_197 = arith.addi %mul3A_195, %add3A_196 : i32
        %swap3A_198 = arith.index_cast %add3A_197 : i32 to index
        %swap3A_199 = tpu.vector_load %arg15[%swap3A_198] {strides = array<i32>} : memref<1024xf32, #tpu.memory_space<vmem>>, vector<16xf32>,
        tpu.vector_store %arg15[%swap3A_198], %gather3A_193 {strides = array<i32>} : memref<1024xf32, #tpu.memory_space<vmem>>, vector<16xf32>,
        %broadcast_in_dim3A_200 = arith.constant 1 : i32
        %broadcast_in_dim3A_201 = vector.broadcast %broadcast_in_dim3A_200 : i32 to vector<16xi32>
        %mul3A_202 = vector.broadcast %rem3A_112 : i32 to vector<16xi32>
        %mul3A_203 = arith.muli %broadcast_in_dim3A_201, %mul3A_202 : vector<16xi32>
        %add3A_204 = arith.constant 48 : i32
        %add3A_205 = vector.broadcast %add3A_204 : i32 to vector<16xi32>
        %add3A_206 = arith.addi %iota3A, %add3A_205 : vector<16xi32>
        %gather3A_207 = tpu.vector_load_idx %arg14[%mul3A_203, %add3A_206, %mul3A_158] : memref<8x64x128xf32, #tpu.memory_space<vmem>>[vector<16xi32>, vector<16xi32>, vector<16xi32>], vector<16xf32>,
        %mul3A_208 = arith.constant 64 : i32
        %mul3A_209 = arith.muli %rem3A_137, %mul3A_208 : i32
        %add3A_210 = arith.constant 48 : i32
        %add3A_211 = arith.addi %mul3A_209, %add3A_210 : i32
        %swap3A_212 = arith.index_cast %add3A_211 : i32 to index
        %swap3A_213 = tpu.vector_load %arg15[%swap3A_212] {strides = array<i32>} : memref<1024xf32, #tpu.memory_space<vmem>>, vector<16xf32>,
        tpu.vector_store %arg15[%swap3A_212], %gather3A_207 {strides = array<i32>} : memref<1024xf32, #tpu.memory_space<vmem>>, vector<16xf32>,
        %mul3A_214 = arith.constant 64 : i32
        %mul3A_215 = arith.muli %rem3A_137, %mul3A_214 : i32
        %mul3A_216 = arith.constant 64 : i32
        %mul3A_217 = arith.muli %squeeze3A_152, %mul3A_216 : i32
        %dma_start3A = tpu.memref_slice %arg15[%mul3A_215] : memref<1024xf32, #tpu.memory_space<vmem>> -> memref<64xf32, #tpu.memory_space<vmem>>
        %dma_start3A_218 = tpu.memref_slice %arg9[%mul3A_217] : memref<1048576xf32, #tpu.memory_space<hbm>> -> memref<64xf32, #tpu.memory_space<hbm>>
        %dma_start3A_219 = tpu.memref_slice %arg9[%mul3A_217] : memref<1048576xf32, #tpu.memory_space<hbm>> -> memref<64xf32, #tpu.memory_space<hbm>>
        %dma_start3A_220 = tpu.memref_slice %arg15[%mul3A_215] : memref<1024xf32, #tpu.memory_space<vmem>> -> memref<64xf32, #tpu.memory_space<vmem>>
        tpu.enqueue_dma source(%dma_start3A_220 : memref<64xf32, #tpu.memory_space<vmem>>) target(%dma_start3A_219 : memref<64xf32, #tpu.memory_space<hbm>>) target_semaphore(%arg17 : memref<!tpu.dma_semaphore, #tpu.memory_space<semaphore_mem>>)
        %add3A_221 = arith.constant 1 : i32
        %add3A_222 = arith.addi %select_n3A, %add3A_221 : i32
        scf.yield %add3A_222 : i32
      }
      %while3A_132 = arith.constant 1 : i32
      %while3A_133 = scf.for %while3A_134 = %while3A_129 to %while3A_125 step %while3A_132 iter_args(%while3A_135 = %while3A_131) -> (i32)  : i32 {
        %rem3A_136 = arith.constant 16 : i32
        %rem3A_137 = arith.remsi %while3A_134, %rem3A_136 : i32
        %eq3A = arith.constant 0 : i32
        %eq3A_138 = arith.cmpi eq, %rem3A_137, %eq3A : i32
        %gt3A = arith.constant 0 : i32
        %gt3A_139 = arith.cmpi sgt, %while3A_135, %gt3A : i32
        %and3A = arith.andi %eq3A_138, %gt3A_139 : i1
        %convert_element_type3A_140 = arith.extui %and3A : i1 to i32
        %cond3A_141 = arith.constant 0 : i32
        %cond3A_142 = arith.cmpi ne, %convert_element_type3A_140, %cond3A_141 : i32
        scf.if %cond3A_142 {
          %while3A_223 = arith.constant 0 : i32
          %while3A_224 = arith.constant 0 : i32
          %while3A_225 = arith.subi %while3A_135, %while3A_224 : i32
          %while3A_226 = arith.addi %while3A_224, %while3A_225 : i32
          %while3A_227 = arith.constant 1 : i32
          %while3A_228 = arith.divsi %while3A_225, %while3A_227 : i32
          %while3A_229 = arith.muli %while3A_228, %while3A_227 : i32
          %while3A_230 = arith.addi %while3A_224, %while3A_229 : i32
          %while3A_231 = arith.constant 1 : i32
          scf.for %while3A_233 = %while3A_224 to %while3A_230 step %while3A_231  : i32 {
            %dma_wait3A_234 = arith.constant 0 : i32
            %dma_wait3A_235 = tpu.memref_slice %arg15[%dma_wait3A_234] : memref<1024xf32, #tpu.memory_space<vmem>> -> memref<64xf32, #tpu.memory_space<vmem>>
            %dma_wait3A_236 = arith.constant 0 : i32
            %dma_wait3A_237 = tpu.memref_slice %arg8[%dma_wait3A_236] : memref<1048576xf32, #tpu.memory_space<hbm>> -> memref<64xf32, #tpu.memory_space<hbm>>
            %dma_wait3A_238 = arith.constant 0 : i32
            %dma_wait3A_239 = tpu.memref_slice %arg15[%dma_wait3A_238] : memref<1024xf32, #tpu.memory_space<vmem>> -> memref<64xf32, #tpu.memory_space<vmem>>
            %dma_wait3A_240 = arith.constant 0 : i32
            %dma_wait3A_241 = tpu.memref_slice %arg8[%dma_wait3A_240] : memref<1048576xf32, #tpu.memory_space<hbm>> -> memref<64xf32, #tpu.memory_space<hbm>>
            tpu.wait_dma2 semaphore(%arg17 : memref<!tpu.dma_semaphore, #tpu.memory_space<semaphore_mem>>) src(%dma_wait3A_241 : memref<64xf32, #tpu.memory_space<hbm>>) dst(%dma_wait3A_239 : memref<64xf32, #tpu.memory_space<vmem>>)
          }
          %while3A_232 = arith.constant 1 : i32
          scf.for %while3A_233 = %while3A_230 to %while3A_226 step %while3A_232  : i32 {
            %dma_wait3A_234 = arith.constant 0 : i32
            %dma_wait3A_235 = tpu.memref_slice %arg15[%dma_wait3A_234] : memref<1024xf32, #tpu.memory_space<vmem>> -> memref<64xf32, #tpu.memory_space<vmem>>
            %dma_wait3A_236 = arith.constant 0 : i32
            %dma_wait3A_237 = tpu.memref_slice %arg8[%dma_wait3A_236] : memref<1048576xf32, #tpu.memory_space<hbm>> -> memref<64xf32, #tpu.memory_space<hbm>>
            %dma_wait3A_238 = arith.constant 0 : i32
            %dma_wait3A_239 = tpu.memref_slice %arg15[%dma_wait3A_238] : memref<1024xf32, #tpu.memory_space<vmem>> -> memref<64xf32, #tpu.memory_space<vmem>>
            %dma_wait3A_240 = arith.constant 0 : i32
            %dma_wait3A_241 = tpu.memref_slice %arg8[%dma_wait3A_240] : memref<1048576xf32, #tpu.memory_space<hbm>> -> memref<64xf32, #tpu.memory_space<hbm>>
            tpu.wait_dma2 semaphore(%arg17 : memref<!tpu.dma_semaphore, #tpu.memory_space<semaphore_mem>>) src(%dma_wait3A_241 : memref<64xf32, #tpu.memory_space<hbm>>) dst(%dma_wait3A_239 : memref<64xf32, #tpu.memory_space<vmem>>)
          }
        } else {
        }
        %eq3A_143 = arith.constant 0 : i32
        %eq3A_144 = arith.cmpi eq, %rem3A_137, %eq3A_143 : i32
        %jit3A = arith.constant 0 : i32
        %select_n3A = arith.select %eq3A_144, %jit3A, %while3A_135 : i32
        %get3A_145 = arith.index_cast %while3A_134 : i32 to index
        %get3A_146 = tpu.vector_load %arg10[%get3A_145] {strides = array<i32>} : memref<528xi32, #tpu.memory_space<vmem>>, vector<16xi32>,
        %slice3A_147 = vector.extract_strided_slice %get3A_146 {offsets = [0], sizes = [1], strides = [1]} : vector<16xi32> to vector<1xi32>
        %squeeze3A_148 = vector.extract %slice3A_147[0] : i32 from vector<1xi32>
        %get3A_149 = arith.index_cast %while3A_134 : i32 to index
        %get3A_150 = tpu.vector_load %arg11[%get3A_149] {strides = array<i32>} : memref<528xi32, #tpu.memory_space<vmem>>, vector<16xi32>,
        %slice3A_151 = vector.extract_strided_slice %get3A_150 {offsets = [0], sizes = [1], strides = [1]} : vector<16xi32> to vector<1xi32>
        %squeeze3A_152 = vector.extract %slice3A_151[0] : i32 from vector<1xi32>
        %broadcast_in_dim3A_153 = arith.constant 1 : i32
        %broadcast_in_dim3A_154 = vector.broadcast %broadcast_in_dim3A_153 : i32 to vector<16xi32>
        %and3A_155 = arith.constant 127 : i32
        %and3A_156 = arith.andi %squeeze3A_148, %and3A_155 : i32
        %mul3A_157 = vector.broadcast %and3A_156 : i32 to vector<16xi32>
        %mul3A_158 = arith.muli %broadcast_in_dim3A_154, %mul3A_157 : vector<16xi32>
        %broadcast_in_dim3A_159 = arith.constant 1 : i32
        %broadcast_in_dim3A_160 = vector.broadcast %broadcast_in_dim3A_159 : i32 to vector<16xi32>
        %mul3A_161 = vector.broadcast %rem3A_112 : i32 to vector<16xi32>
        %mul3A_162 = arith.muli %broadcast_in_dim3A_160, %mul3A_161 : vector<16xi32>
        %add3A_163 = arith.constant 0 : i32
        %add3A_164 = vector.broadcast %add3A_163 : i32 to vector<16xi32>
        %add3A_165 = arith.addi %iota3A, %add3A_164 : vector<16xi32>
        %gather3A = tpu.vector_load_idx %arg14[%mul3A_162, %add3A_165, %mul3A_158] : memref<8x64x128xf32, #tpu.memory_space<vmem>>[vector<16xi32>, vector<16xi32>, vector<16xi32>], vector<16xf32>,
        %mul3A_166 = arith.constant 64 : i32
        %mul3A_167 = arith.muli %rem3A_137, %mul3A_166 : i32
        %add3A_168 = arith.constant 0 : i32
        %add3A_169 = arith.addi %mul3A_167, %add3A_168 : i32
        %swap3A_170 = arith.index_cast %add3A_169 : i32 to index
        %swap3A_171 = tpu.vector_load %arg15[%swap3A_170] {strides = array<i32>} : memref<1024xf32, #tpu.memory_space<vmem>>, vector<16xf32>,
        tpu.vector_store %arg15[%swap3A_170], %gather3A {strides = array<i32>} : memref<1024xf32, #tpu.memory_space<vmem>>, vector<16xf32>,
        %broadcast_in_dim3A_172 = arith.constant 1 : i32
        %broadcast_in_dim3A_173 = vector.broadcast %broadcast_in_dim3A_172 : i32 to vector<16xi32>
        %mul3A_174 = vector.broadcast %rem3A_112 : i32 to vector<16xi32>
        %mul3A_175 = arith.muli %broadcast_in_dim3A_173, %mul3A_174 : vector<16xi32>
        %add3A_176 = arith.constant 16 : i32
        %add3A_177 = vector.broadcast %add3A_176 : i32 to vector<16xi32>
        %add3A_178 = arith.addi %iota3A, %add3A_177 : vector<16xi32>
        %gather3A_179 = tpu.vector_load_idx %arg14[%mul3A_175, %add3A_178, %mul3A_158] : memref<8x64x128xf32, #tpu.memory_space<vmem>>[vector<16xi32>, vector<16xi32>, vector<16xi32>], vector<16xf32>,
        %mul3A_180 = arith.constant 64 : i32
        %mul3A_181 = arith.muli %rem3A_137, %mul3A_180 : i32
        %add3A_182 = arith.constant 16 : i32
        %add3A_183 = arith.addi %mul3A_181, %add3A_182 : i32
        %swap3A_184 = arith.index_cast %add3A_183 : i32 to index
        %swap3A_185 = tpu.vector_load %arg15[%swap3A_184] {strides = array<i32>} : memref<1024xf32, #tpu.memory_space<vmem>>, vector<16xf32>,
        tpu.vector_store %arg15[%swap3A_184], %gather3A_179 {strides = array<i32>} : memref<1024xf32, #tpu.memory_space<vmem>>, vector<16xf32>,
        %broadcast_in_dim3A_186 = arith.constant 1 : i32
        %broadcast_in_dim3A_187 = vector.broadcast %broadcast_in_dim3A_186 : i32 to vector<16xi32>
        %mul3A_188 = vector.broadcast %rem3A_112 : i32 to vector<16xi32>
        %mul3A_189 = arith.muli %broadcast_in_dim3A_187, %mul3A_188 : vector<16xi32>
        %add3A_190 = arith.constant 32 : i32
        %add3A_191 = vector.broadcast %add3A_190 : i32 to vector<16xi32>
        %add3A_192 = arith.addi %iota3A, %add3A_191 : vector<16xi32>
        %gather3A_193 = tpu.vector_load_idx %arg14[%mul3A_189, %add3A_192, %mul3A_158] : memref<8x64x128xf32, #tpu.memory_space<vmem>>[vector<16xi32>, vector<16xi32>, vector<16xi32>], vector<16xf32>,
        %mul3A_194 = arith.constant 64 : i32
        %mul3A_195 = arith.muli %rem3A_137, %mul3A_194 : i32
        %add3A_196 = arith.constant 32 : i32
        %add3A_197 = arith.addi %mul3A_195, %add3A_196 : i32
        %swap3A_198 = arith.index_cast %add3A_197 : i32 to index
        %swap3A_199 = tpu.vector_load %arg15[%swap3A_198] {strides = array<i32>} : memref<1024xf32, #tpu.memory_space<vmem>>, vector<16xf32>,
        tpu.vector_store %arg15[%swap3A_198], %gather3A_193 {strides = array<i32>} : memref<1024xf32, #tpu.memory_space<vmem>>, vector<16xf32>,
        %broadcast_in_dim3A_200 = arith.constant 1 : i32
        %broadcast_in_dim3A_201 = vector.broadcast %broadcast_in_dim3A_200 : i32 to vector<16xi32>
        %mul3A_202 = vector.broadcast %rem3A_112 : i32 to vector<16xi32>
        %mul3A_203 = arith.muli %broadcast_in_dim3A_201, %mul3A_202 : vector<16xi32>
        %add3A_204 = arith.constant 48 : i32
        %add3A_205 = vector.broadcast %add3A_204 : i32 to vector<16xi32>
        %add3A_206 = arith.addi %iota3A, %add3A_205 : vector<16xi32>
        %gather3A_207 = tpu.vector_load_idx %arg14[%mul3A_203, %add3A_206, %mul3A_158] : memref<8x64x128xf32, #tpu.memory_space<vmem>>[vector<16xi32>, vector<16xi32>, vector<16xi32>], vector<16xf32>,
        %mul3A_208 = arith.constant 64 : i32
        %mul3A_209 = arith.muli %rem3A_137, %mul3A_208 : i32
        %add3A_210 = arith.constant 48 : i32
        %add3A_211 = arith.addi %mul3A_209, %add3A_210 : i32
        %swap3A_212 = arith.index_cast %add3A_211 : i32 to index
        %swap3A_213 = tpu.vector_load %arg15[%swap3A_212] {strides = array<i32>} : memref<1024xf32, #tpu.memory_space<vmem>>, vector<16xf32>,
        tpu.vector_store %arg15[%swap3A_212], %gather3A_207 {strides = array<i32>} : memref<1024xf32, #tpu.memory_space<vmem>>, vector<16xf32>,
        %mul3A_214 = arith.constant 64 : i32
        %mul3A_215 = arith.muli %rem3A_137, %mul3A_214 : i32
        %mul3A_216 = arith.constant 64 : i32
        %mul3A_217 = arith.muli %squeeze3A_152, %mul3A_216 : i32
        %dma_start3A = tpu.memref_slice %arg15[%mul3A_215] : memref<1024xf32, #tpu.memory_space<vmem>> -> memref<64xf32, #tpu.memory_space<vmem>>
        %dma_start3A_218 = tpu.memref_slice %arg9[%mul3A_217] : memref<1048576xf32, #tpu.memory_space<hbm>> -> memref<64xf32, #tpu.memory_space<hbm>>
        %dma_start3A_219 = tpu.memref_slice %arg9[%mul3A_217] : memref<1048576xf32, #tpu.memory_space<hbm>> -> memref<64xf32, #tpu.memory_space<hbm>>
        %dma_start3A_220 = tpu.memref_slice %arg15[%mul3A_215] : memref<1024xf32, #tpu.memory_space<vmem>> -> memref<64xf32, #tpu.memory_space<vmem>>
        tpu.enqueue_dma source(%dma_start3A_220 : memref<64xf32, #tpu.memory_space<vmem>>) target(%dma_start3A_219 : memref<64xf32, #tpu.memory_space<hbm>>) target_semaphore(%arg17 : memref<!tpu.dma_semaphore, #tpu.memory_space<semaphore_mem>>)
        %add3A_221 = arith.constant 1 : i32
        %add3A_222 = arith.addi %select_n3A, %add3A_221 : i32
        scf.yield %add3A_222 : i32
      }
      scf.yield %while3A_133 : i32
    }
    %while3A_84 = arith.constant 1 : i32
    %while3A_85 = scf.for %while3A_96 = %while3A_81 to %while3A_77 step %while3A_84 iter_args(%while3A_97 = %while3A_83) -> (i32)  : i32 {
      %dma_wait3A = arith.constant 0 : i32
      %dma_wait3A_98 = arith.constant 0 : i32
      %dma_wait3A_99 = arith.constant 0 : i32
      %dma_wait3A_100 = tpu.memref_slice %arg14[%dma_wait3A, %dma_wait3A_98, %dma_wait3A_99] : memref<8x64x128xf32, #tpu.memory_space<vmem>> -> memref<1x64x128xf32, #tpu.memory_space<vmem>>
      %dma_wait3A_101 = tpu.memref_squeeze %dma_wait3A_100 : memref<1x64x128xf32, #tpu.memory_space<vmem>> -> memref<64x128xf32, #tpu.memory_space<vmem>>
      %dma_wait3A_102 = arith.constant 0 : i32
      %dma_wait3A_103 = arith.constant 0 : i32
      %dma_wait3A_104 = tpu.memref_slice %arg7[%dma_wait3A_102, %dma_wait3A_103] : memref<64x100000xf32, #tpu.memory_space<hbm>> -> memref<64x128xf32, #tpu.memory_space<hbm>>
      %dma_wait3A_105 = arith.constant 0 : i32
      %dma_wait3A_106 = arith.constant 0 : i32
      %dma_wait3A_107 = tpu.memref_slice %arg14[%dma_wait3A, %dma_wait3A_105, %dma_wait3A_106] : memref<8x64x128xf32, #tpu.memory_space<vmem>> -> memref<1x64x128xf32, #tpu.memory_space<vmem>>
      %dma_wait3A_108 = tpu.memref_squeeze %dma_wait3A_107 : memref<1x64x128xf32, #tpu.memory_space<vmem>> -> memref<64x128xf32, #tpu.memory_space<vmem>>
      %dma_wait3A_109 = arith.constant 0 : i32
      %dma_wait3A_110 = arith.constant 0 : i32
      %dma_wait3A_111 = tpu.memref_slice %arg7[%dma_wait3A_109, %dma_wait3A_110] : memref<64x100000xf32, #tpu.memory_space<hbm>> -> memref<64x128xf32, #tpu.memory_space<hbm>>
      tpu.wait_dma2 semaphore(%arg16 : memref<!tpu.dma_semaphore, #tpu.memory_space<semaphore_mem>>) src(%dma_wait3A_111 : memref<64x128xf32, #tpu.memory_space<hbm>>) dst(%dma_wait3A_108 : memref<64x128xf32, #tpu.memory_space<vmem>>)
      %rem3A = arith.constant 8 : i32
      %rem3A_112 = arith.remsi %while3A_96, %rem3A : i32
      %add3A_113 = arith.constant 8 : i32
      %add3A_114 = arith.addi %while3A_96, %add3A_113 : i32
      %sub3A = arith.constant 1 : i32
      %sub3A_115 = arith.subi %add3A_114, %sub3A : i32
      %lt3A = arith.cmpi slt, %sub3A_115, %scan3A_53#0 : i32
      %convert_element_type3A = arith.extui %lt3A : i1 to i32
      %cond3A = arith.constant 0 : i32
      %cond3A_116 = arith.cmpi ne, %convert_element_type3A, %cond3A : i32
      scf.if %cond3A_116 {
        %add3A_134 = arith.constant 8 : i32
        %add3A_135 = arith.addi %while3A_96, %add3A_134 : i32
        %sub3A_136 = arith.constant 1 : i32
        %sub3A_137 = arith.subi %add3A_135, %sub3A_136 : i32
        %get3A_138 = arith.index_cast %sub3A_137 : i32 to index
        %get3A_139 = tpu.vector_load %arg12[%get3A_138] {strides = array<i32>} : memref<560xi32, #tpu.memory_space<vmem>>, vector<16xi32>,
        %slice3A_140 = vector.extract_strided_slice %get3A_139 {offsets = [0], sizes = [1], strides = [1]} : vector<16xi32> to vector<1xi32>
        %squeeze3A_141 = vector.extract %slice3A_140[0] : i32 from vector<1xi32>
        %mul3A_142 = arith.constant 128 : i32
        %mul3A_143 = arith.muli %squeeze3A_141, %mul3A_142 : i32
        %multiple_of3A = tpu.assume_multiple %mul3A_143, 128 : i32
        %rem3A_144 = arith.constant 8 : i32
        %rem3A_145 = arith.remsi %sub3A_137, %rem3A_144 : i32
        %dma_start3A = arith.constant 0 : i32
        %dma_start3A_146 = arith.constant 0 : i32
        %dma_start3A_147 = tpu.memref_slice %arg14[%rem3A_145, %dma_start3A, %dma_start3A_146] : memref<8x64x128xf32, #tpu.memory_space<vmem>> -> memref<1x64x128xf32, #tpu.memory_space<vmem>>
        %dma_start3A_148 = tpu.memref_squeeze %dma_start3A_147 : memref<1x64x128xf32, #tpu.memory_space<vmem>> -> memref<64x128xf32, #tpu.memory_space<vmem>>
        %dma_start3A_149 = arith.constant 0 : i32
        %dma_start3A_150 = tpu.memref_slice %arg7[%dma_start3A_149, %multiple_of3A] : memref<64x100000xf32, #tpu.memory_space<hbm>> -> memref<64x128xf32, #tpu.memory_space<hbm>>
        %dma_start3A_151 = arith.constant 0 : i32
        %dma_start3A_152 = arith.constant 0 : i32
        %dma_start3A_153 = tpu.memref_slice %arg14[%rem3A_145, %dma_start3A_151, %dma_start3A_152] : memref<8x64x128xf32, #tpu.memory_space<vmem>> -> memref<1x64x128xf32, #tpu.memory_space<vmem>>
        %dma_start3A_154 = tpu.memref_squeeze %dma_start3A_153 : memref<1x64x128xf32, #tpu.memory_space<vmem>> -> memref<64x128xf32, #tpu.memory_space<vmem>>
        %dma_start3A_155 = arith.constant 0 : i32
        %dma_start3A_156 = tpu.memref_slice %arg7[%dma_start3A_155, %multiple_of3A] : memref<64x100000xf32, #tpu.memory_space<hbm>> -> memref<64x128xf32, #tpu.memory_space<hbm>>
        tpu.enqueue_dma source(%dma_start3A_156 : memref<64x128xf32, #tpu.memory_space<hbm>>) target(%dma_start3A_154 : memref<64x128xf32, #tpu.memory_space<vmem>>) target_semaphore(%arg16 : memref<!tpu.dma_semaphore, #tpu.memory_space<semaphore_mem>>)
      } else {
      }
      %get3A = arith.index_cast %while3A_96 : i32 to index
      %get3A_117 = tpu.vector_load %arg13[%get3A] {strides = array<i32>} : memref<560xi32, #tpu.memory_space<vmem>>, vector<16xi32>,
      %slice3A = vector.extract_strided_slice %get3A_117 {offsets = [0], sizes = [1], strides = [1]} : vector<16xi32> to vector<1xi32>
      %squeeze3A = vector.extract %slice3A[0] : i32 from vector<1xi32>
      %add3A_118 = arith.constant 1 : i32
      %add3A_119 = arith.addi %while3A_96, %add3A_118 : i32
      %get3A_120 = arith.index_cast %add3A_119 : i32 to index
      %get3A_121 = tpu.vector_load %arg13[%get3A_120] {strides = array<i32>} : memref<560xi32, #tpu.memory_space<vmem>>, vector<16xi32>,
      %slice3A_122 = vector.extract_strided_slice %get3A_121 {offsets = [0], sizes = [1], strides = [1]} : vector<16xi32> to vector<1xi32>
      %squeeze3A_123 = vector.extract %slice3A_122[0] : i32 from vector<1xi32>
      %while3A_124 = arith.subi %squeeze3A_123, %squeeze3A : i32
      %while3A_125 = arith.addi %squeeze3A, %while3A_124 : i32
      %while3A_126 = arith.constant 1 : i32
      %while3A_127 = arith.divsi %while3A_124, %while3A_126 : i32
      %while3A_128 = arith.muli %while3A_127, %while3A_126 : i32
      %while3A_129 = arith.addi %squeeze3A, %while3A_128 : i32
      %while3A_130 = arith.constant 1 : i32
      %while3A_131 = scf.for %while3A_134 = %squeeze3A to %while3A_129 step %while3A_130 iter_args(%while3A_135 = %while3A_97) -> (i32)  : i32 {
        %rem3A_136 = arith.constant 16 : i32
        %rem3A_137 = arith.remsi %while3A_134, %rem3A_136 : i32
        %eq3A = arith.constant 0 : i32
        %eq3A_138 = arith.cmpi eq, %rem3A_137, %eq3A : i32
        %gt3A = arith.constant 0 : i32
        %gt3A_139 = arith.cmpi sgt, %while3A_135, %gt3A : i32
        %and3A = arith.andi %eq3A_138, %gt3A_139 : i1
        %convert_element_type3A_140 = arith.extui %and3A : i1 to i32
        %cond3A_141 = arith.constant 0 : i32
        %cond3A_142 = arith.cmpi ne, %convert_element_type3A_140, %cond3A_141 : i32
        scf.if %cond3A_142 {
          %while3A_223 = arith.constant 0 : i32
          %while3A_224 = arith.constant 0 : i32
          %while3A_225 = arith.subi %while3A_135, %while3A_224 : i32
          %while3A_226 = arith.addi %while3A_224, %while3A_225 : i32
          %while3A_227 = arith.constant 1 : i32
          %while3A_228 = arith.divsi %while3A_225, %while3A_227 : i32
          %while3A_229 = arith.muli %while3A_228, %while3A_227 : i32
          %while3A_230 = arith.addi %while3A_224, %while3A_229 : i32
          %while3A_231 = arith.constant 1 : i32
          scf.for %while3A_233 = %while3A_224 to %while3A_230 step %while3A_231  : i32 {
            %dma_wait3A_234 = arith.constant 0 : i32
            %dma_wait3A_235 = tpu.memref_slice %arg15[%dma_wait3A_234] : memref<1024xf32, #tpu.memory_space<vmem>> -> memref<64xf32, #tpu.memory_space<vmem>>
            %dma_wait3A_236 = arith.constant 0 : i32
            %dma_wait3A_237 = tpu.memref_slice %arg8[%dma_wait3A_236] : memref<1048576xf32, #tpu.memory_space<hbm>> -> memref<64xf32, #tpu.memory_space<hbm>>
            %dma_wait3A_238 = arith.constant 0 : i32
            %dma_wait3A_239 = tpu.memref_slice %arg15[%dma_wait3A_238] : memref<1024xf32, #tpu.memory_space<vmem>> -> memref<64xf32, #tpu.memory_space<vmem>>
            %dma_wait3A_240 = arith.constant 0 : i32
            %dma_wait3A_241 = tpu.memref_slice %arg8[%dma_wait3A_240] : memref<1048576xf32, #tpu.memory_space<hbm>> -> memref<64xf32, #tpu.memory_space<hbm>>
            tpu.wait_dma2 semaphore(%arg17 : memref<!tpu.dma_semaphore, #tpu.memory_space<semaphore_mem>>) src(%dma_wait3A_241 : memref<64xf32, #tpu.memory_space<hbm>>) dst(%dma_wait3A_239 : memref<64xf32, #tpu.memory_space<vmem>>)
          }
          %while3A_232 = arith.constant 1 : i32
          scf.for %while3A_233 = %while3A_230 to %while3A_226 step %while3A_232  : i32 {
            %dma_wait3A_234 = arith.constant 0 : i32
            %dma_wait3A_235 = tpu.memref_slice %arg15[%dma_wait3A_234] : memref<1024xf32, #tpu.memory_space<vmem>> -> memref<64xf32, #tpu.memory_space<vmem>>
            %dma_wait3A_236 = arith.constant 0 : i32
            %dma_wait3A_237 = tpu.memref_slice %arg8[%dma_wait3A_236] : memref<1048576xf32, #tpu.memory_space<hbm>> -> memref<64xf32, #tpu.memory_space<hbm>>
            %dma_wait3A_238 = arith.constant 0 : i32
            %dma_wait3A_239 = tpu.memref_slice %arg15[%dma_wait3A_238] : memref<1024xf32, #tpu.memory_space<vmem>> -> memref<64xf32, #tpu.memory_space<vmem>>
            %dma_wait3A_240 = arith.constant 0 : i32
            %dma_wait3A_241 = tpu.memref_slice %arg8[%dma_wait3A_240] : memref<1048576xf32, #tpu.memory_space<hbm>> -> memref<64xf32, #tpu.memory_space<hbm>>
            tpu.wait_dma2 semaphore(%arg17 : memref<!tpu.dma_semaphore, #tpu.memory_space<semaphore_mem>>) src(%dma_wait3A_241 : memref<64xf32, #tpu.memory_space<hbm>>) dst(%dma_wait3A_239 : memref<64xf32, #tpu.memory_space<vmem>>)
          }
        } else {
        }
        %eq3A_143 = arith.constant 0 : i32
        %eq3A_144 = arith.cmpi eq, %rem3A_137, %eq3A_143 : i32
        %jit3A = arith.constant 0 : i32
        %select_n3A = arith.select %eq3A_144, %jit3A, %while3A_135 : i32
        %get3A_145 = arith.index_cast %while3A_134 : i32 to index
        %get3A_146 = tpu.vector_load %arg10[%get3A_145] {strides = array<i32>} : memref<528xi32, #tpu.memory_space<vmem>>, vector<16xi32>,
        %slice3A_147 = vector.extract_strided_slice %get3A_146 {offsets = [0], sizes = [1], strides = [1]} : vector<16xi32> to vector<1xi32>
        %squeeze3A_148 = vector.extract %slice3A_147[0] : i32 from vector<1xi32>
        %get3A_149 = arith.index_cast %while3A_134 : i32 to index
        %get3A_150 = tpu.vector_load %arg11[%get3A_149] {strides = array<i32>} : memref<528xi32, #tpu.memory_space<vmem>>, vector<16xi32>,
        %slice3A_151 = vector.extract_strided_slice %get3A_150 {offsets = [0], sizes = [1], strides = [1]} : vector<16xi32> to vector<1xi32>
        %squeeze3A_152 = vector.extract %slice3A_151[0] : i32 from vector<1xi32>
        %broadcast_in_dim3A_153 = arith.constant 1 : i32
        %broadcast_in_dim3A_154 = vector.broadcast %broadcast_in_dim3A_153 : i32 to vector<16xi32>
        %and3A_155 = arith.constant 127 : i32
        %and3A_156 = arith.andi %squeeze3A_148, %and3A_155 : i32
        %mul3A_157 = vector.broadcast %and3A_156 : i32 to vector<16xi32>
        %mul3A_158 = arith.muli %broadcast_in_dim3A_154, %mul3A_157 : vector<16xi32>
        %broadcast_in_dim3A_159 = arith.constant 1 : i32
        %broadcast_in_dim3A_160 = vector.broadcast %broadcast_in_dim3A_159 : i32 to vector<16xi32>
        %mul3A_161 = vector.broadcast %rem3A_112 : i32 to vector<16xi32>
        %mul3A_162 = arith.muli %broadcast_in_dim3A_160, %mul3A_161 : vector<16xi32>
        %add3A_163 = arith.constant 0 : i32
        %add3A_164 = vector.broadcast %add3A_163 : i32 to vector<16xi32>
        %add3A_165 = arith.addi %iota3A, %add3A_164 : vector<16xi32>
        %gather3A = tpu.vector_load_idx %arg14[%mul3A_162, %add3A_165, %mul3A_158] : memref<8x64x128xf32, #tpu.memory_space<vmem>>[vector<16xi32>, vector<16xi32>, vector<16xi32>], vector<16xf32>,
        %mul3A_166 = arith.constant 64 : i32
        %mul3A_167 = arith.muli %rem3A_137, %mul3A_166 : i32
        %add3A_168 = arith.constant 0 : i32
        %add3A_169 = arith.addi %mul3A_167, %add3A_168 : i32
        %swap3A_170 = arith.index_cast %add3A_169 : i32 to index
        %swap3A_171 = tpu.vector_load %arg15[%swap3A_170] {strides = array<i32>} : memref<1024xf32, #tpu.memory_space<vmem>>, vector<16xf32>,
        tpu.vector_store %arg15[%swap3A_170], %gather3A {strides = array<i32>} : memref<1024xf32, #tpu.memory_space<vmem>>, vector<16xf32>,
        %broadcast_in_dim3A_172 = arith.constant 1 : i32
        %broadcast_in_dim3A_173 = vector.broadcast %broadcast_in_dim3A_172 : i32 to vector<16xi32>
        %mul3A_174 = vector.broadcast %rem3A_112 : i32 to vector<16xi32>
        %mul3A_175 = arith.muli %broadcast_in_dim3A_173, %mul3A_174 : vector<16xi32>
        %add3A_176 = arith.constant 16 : i32
        %add3A_177 = vector.broadcast %add3A_176 : i32 to vector<16xi32>
        %add3A_178 = arith.addi %iota3A, %add3A_177 : vector<16xi32>
        %gather3A_179 = tpu.vector_load_idx %arg14[%mul3A_175, %add3A_178, %mul3A_158] : memref<8x64x128xf32, #tpu.memory_space<vmem>>[vector<16xi32>, vector<16xi32>, vector<16xi32>], vector<16xf32>,
        %mul3A_180 = arith.constant 64 : i32
        %mul3A_181 = arith.muli %rem3A_137, %mul3A_180 : i32
        %add3A_182 = arith.constant 16 : i32
        %add3A_183 = arith.addi %mul3A_181, %add3A_182 : i32
        %swap3A_184 = arith.index_cast %add3A_183 : i32 to index
        %swap3A_185 = tpu.vector_load %arg15[%swap3A_184] {strides = array<i32>} : memref<1024xf32, #tpu.memory_space<vmem>>, vector<16xf32>,
        tpu.vector_store %arg15[%swap3A_184], %gather3A_179 {strides = array<i32>} : memref<1024xf32, #tpu.memory_space<vmem>>, vector<16xf32>,
        %broadcast_in_dim3A_186 = arith.constant 1 : i32
        %broadcast_in_dim3A_187 = vector.broadcast %broadcast_in_dim3A_186 : i32 to vector<16xi32>
        %mul3A_188 = vector.broadcast %rem3A_112 : i32 to vector<16xi32>
        %mul3A_189 = arith.muli %broadcast_in_dim3A_187, %mul3A_188 : vector<16xi32>
        %add3A_190 = arith.constant 32 : i32
        %add3A_191 = vector.broadcast %add3A_190 : i32 to vector<16xi32>
        %add3A_192 = arith.addi %iota3A, %add3A_191 : vector<16xi32>
        %gather3A_193 = tpu.vector_load_idx %arg14[%mul3A_189, %add3A_192, %mul3A_158] : memref<8x64x128xf32, #tpu.memory_space<vmem>>[vector<16xi32>, vector<16xi32>, vector<16xi32>], vector<16xf32>,
        %mul3A_194 = arith.constant 64 : i32
        %mul3A_195 = arith.muli %rem3A_137, %mul3A_194 : i32
        %add3A_196 = arith.constant 32 : i32
        %add3A_197 = arith.addi %mul3A_195, %add3A_196 : i32
        %swap3A_198 = arith.index_cast %add3A_197 : i32 to index
        %swap3A_199 = tpu.vector_load %arg15[%swap3A_198] {strides = array<i32>} : memref<1024xf32, #tpu.memory_space<vmem>>, vector<16xf32>,
        tpu.vector_store %arg15[%swap3A_198], %gather3A_193 {strides = array<i32>} : memref<1024xf32, #tpu.memory_space<vmem>>, vector<16xf32>,
        %broadcast_in_dim3A_200 = arith.constant 1 : i32
        %broadcast_in_dim3A_201 = vector.broadcast %broadcast_in_dim3A_200 : i32 to vector<16xi32>
        %mul3A_202 = vector.broadcast %rem3A_112 : i32 to vector<16xi32>
        %mul3A_203 = arith.muli %broadcast_in_dim3A_201, %mul3A_202 : vector<16xi32>
        %add3A_204 = arith.constant 48 : i32
        %add3A_205 = vector.broadcast %add3A_204 : i32 to vector<16xi32>
        %add3A_206 = arith.addi %iota3A, %add3A_205 : vector<16xi32>
        %gather3A_207 = tpu.vector_load_idx %arg14[%mul3A_203, %add3A_206, %mul3A_158] : memref<8x64x128xf32, #tpu.memory_space<vmem>>[vector<16xi32>, vector<16xi32>, vector<16xi32>], vector<16xf32>,
        %mul3A_208 = arith.constant 64 : i32
        %mul3A_209 = arith.muli %rem3A_137, %mul3A_208 : i32
        %add3A_210 = arith.constant 48 : i32
        %add3A_211 = arith.addi %mul3A_209, %add3A_210 : i32
        %swap3A_212 = arith.index_cast %add3A_211 : i32 to index
        %swap3A_213 = tpu.vector_load %arg15[%swap3A_212] {strides = array<i32>} : memref<1024xf32, #tpu.memory_space<vmem>>, vector<16xf32>,
        tpu.vector_store %arg15[%swap3A_212], %gather3A_207 {strides = array<i32>} : memref<1024xf32, #tpu.memory_space<vmem>>, vector<16xf32>,
        %mul3A_214 = arith.constant 64 : i32
        %mul3A_215 = arith.muli %rem3A_137, %mul3A_214 : i32
        %mul3A_216 = arith.constant 64 : i32
        %mul3A_217 = arith.muli %squeeze3A_152, %mul3A_216 : i32
        %dma_start3A = tpu.memref_slice %arg15[%mul3A_215] : memref<1024xf32, #tpu.memory_space<vmem>> -> memref<64xf32, #tpu.memory_space<vmem>>
        %dma_start3A_218 = tpu.memref_slice %arg9[%mul3A_217] : memref<1048576xf32, #tpu.memory_space<hbm>> -> memref<64xf32, #tpu.memory_space<hbm>>
        %dma_start3A_219 = tpu.memref_slice %arg9[%mul3A_217] : memref<1048576xf32, #tpu.memory_space<hbm>> -> memref<64xf32, #tpu.memory_space<hbm>>
        %dma_start3A_220 = tpu.memref_slice %arg15[%mul3A_215] : memref<1024xf32, #tpu.memory_space<vmem>> -> memref<64xf32, #tpu.memory_space<vmem>>
        tpu.enqueue_dma source(%dma_start3A_220 : memref<64xf32, #tpu.memory_space<vmem>>) target(%dma_start3A_219 : memref<64xf32, #tpu.memory_space<hbm>>) target_semaphore(%arg17 : memref<!tpu.dma_semaphore, #tpu.memory_space<semaphore_mem>>)
        %add3A_221 = arith.constant 1 : i32
        %add3A_222 = arith.addi %select_n3A, %add3A_221 : i32
        scf.yield %add3A_222 : i32
      }
      %while3A_132 = arith.constant 1 : i32
      %while3A_133 = scf.for %while3A_134 = %while3A_129 to %while3A_125 step %while3A_132 iter_args(%while3A_135 = %while3A_131) -> (i32)  : i32 {
        %rem3A_136 = arith.constant 16 : i32
        %rem3A_137 = arith.remsi %while3A_134, %rem3A_136 : i32
        %eq3A = arith.constant 0 : i32
        %eq3A_138 = arith.cmpi eq, %rem3A_137, %eq3A : i32
        %gt3A = arith.constant 0 : i32
        %gt3A_139 = arith.cmpi sgt, %while3A_135, %gt3A : i32
        %and3A = arith.andi %eq3A_138, %gt3A_139 : i1
        %convert_element_type3A_140 = arith.extui %and3A : i1 to i32
        %cond3A_141 = arith.constant 0 : i32
        %cond3A_142 = arith.cmpi ne, %convert_element_type3A_140, %cond3A_141 : i32
        scf.if %cond3A_142 {
          %while3A_223 = arith.constant 0 : i32
          %while3A_224 = arith.constant 0 : i32
          %while3A_225 = arith.subi %while3A_135, %while3A_224 : i32
          %while3A_226 = arith.addi %while3A_224, %while3A_225 : i32
          %while3A_227 = arith.constant 1 : i32
          %while3A_228 = arith.divsi %while3A_225, %while3A_227 : i32
          %while3A_229 = arith.muli %while3A_228, %while3A_227 : i32
          %while3A_230 = arith.addi %while3A_224, %while3A_229 : i32
          %while3A_231 = arith.constant 1 : i32
          scf.for %while3A_233 = %while3A_224 to %while3A_230 step %while3A_231  : i32 {
            %dma_wait3A_234 = arith.constant 0 : i32
            %dma_wait3A_235 = tpu.memref_slice %arg15[%dma_wait3A_234] : memref<1024xf32, #tpu.memory_space<vmem>> -> memref<64xf32, #tpu.memory_space<vmem>>
            %dma_wait3A_236 = arith.constant 0 : i32
            %dma_wait3A_237 = tpu.memref_slice %arg8[%dma_wait3A_236] : memref<1048576xf32, #tpu.memory_space<hbm>> -> memref<64xf32, #tpu.memory_space<hbm>>
            %dma_wait3A_238 = arith.constant 0 : i32
            %dma_wait3A_239 = tpu.memref_slice %arg15[%dma_wait3A_238] : memref<1024xf32, #tpu.memory_space<vmem>> -> memref<64xf32, #tpu.memory_space<vmem>>
            %dma_wait3A_240 = arith.constant 0 : i32
            %dma_wait3A_241 = tpu.memref_slice %arg8[%dma_wait3A_240] : memref<1048576xf32, #tpu.memory_space<hbm>> -> memref<64xf32, #tpu.memory_space<hbm>>
            tpu.wait_dma2 semaphore(%arg17 : memref<!tpu.dma_semaphore, #tpu.memory_space<semaphore_mem>>) src(%dma_wait3A_241 : memref<64xf32, #tpu.memory_space<hbm>>) dst(%dma_wait3A_239 : memref<64xf32, #tpu.memory_space<vmem>>)
          }
          %while3A_232 = arith.constant 1 : i32
          scf.for %while3A_233 = %while3A_230 to %while3A_226 step %while3A_232  : i32 {
            %dma_wait3A_234 = arith.constant 0 : i32
            %dma_wait3A_235 = tpu.memref_slice %arg15[%dma_wait3A_234] : memref<1024xf32, #tpu.memory_space<vmem>> -> memref<64xf32, #tpu.memory_space<vmem>>
            %dma_wait3A_236 = arith.constant 0 : i32
            %dma_wait3A_237 = tpu.memref_slice %arg8[%dma_wait3A_236] : memref<1048576xf32, #tpu.memory_space<hbm>> -> memref<64xf32, #tpu.memory_space<hbm>>
            %dma_wait3A_238 = arith.constant 0 : i32
            %dma_wait3A_239 = tpu.memref_slice %arg15[%dma_wait3A_238] : memref<1024xf32, #tpu.memory_space<vmem>> -> memref<64xf32, #tpu.memory_space<vmem>>
            %dma_wait3A_240 = arith.constant 0 : i32
            %dma_wait3A_241 = tpu.memref_slice %arg8[%dma_wait3A_240] : memref<1048576xf32, #tpu.memory_space<hbm>> -> memref<64xf32, #tpu.memory_space<hbm>>
            tpu.wait_dma2 semaphore(%arg17 : memref<!tpu.dma_semaphore, #tpu.memory_space<semaphore_mem>>) src(%dma_wait3A_241 : memref<64xf32, #tpu.memory_space<hbm>>) dst(%dma_wait3A_239 : memref<64xf32, #tpu.memory_space<vmem>>)
          }
        } else {
        }
        %eq3A_143 = arith.constant 0 : i32
        %eq3A_144 = arith.cmpi eq, %rem3A_137, %eq3A_143 : i32
        %jit3A = arith.constant 0 : i32
        %select_n3A = arith.select %eq3A_144, %jit3A, %while3A_135 : i32
        %get3A_145 = arith.index_cast %while3A_134 : i32 to index
        %get3A_146 = tpu.vector_load %arg10[%get3A_145] {strides = array<i32>} : memref<528xi32, #tpu.memory_space<vmem>>, vector<16xi32>,
        %slice3A_147 = vector.extract_strided_slice %get3A_146 {offsets = [0], sizes = [1], strides = [1]} : vector<16xi32> to vector<1xi32>
        %squeeze3A_148 = vector.extract %slice3A_147[0] : i32 from vector<1xi32>
        %get3A_149 = arith.index_cast %while3A_134 : i32 to index
        %get3A_150 = tpu.vector_load %arg11[%get3A_149] {strides = array<i32>} : memref<528xi32, #tpu.memory_space<vmem>>, vector<16xi32>,
        %slice3A_151 = vector.extract_strided_slice %get3A_150 {offsets = [0], sizes = [1], strides = [1]} : vector<16xi32> to vector<1xi32>
        %squeeze3A_152 = vector.extract %slice3A_151[0] : i32 from vector<1xi32>
        %broadcast_in_dim3A_153 = arith.constant 1 : i32
        %broadcast_in_dim3A_154 = vector.broadcast %broadcast_in_dim3A_153 : i32 to vector<16xi32>
        %and3A_155 = arith.constant 127 : i32
        %and3A_156 = arith.andi %squeeze3A_148, %and3A_155 : i32
        %mul3A_157 = vector.broadcast %and3A_156 : i32 to vector<16xi32>
        %mul3A_158 = arith.muli %broadcast_in_dim3A_154, %mul3A_157 : vector<16xi32>
        %broadcast_in_dim3A_159 = arith.constant 1 : i32
        %broadcast_in_dim3A_160 = vector.broadcast %broadcast_in_dim3A_159 : i32 to vector<16xi32>
        %mul3A_161 = vector.broadcast %rem3A_112 : i32 to vector<16xi32>
        %mul3A_162 = arith.muli %broadcast_in_dim3A_160, %mul3A_161 : vector<16xi32>
        %add3A_163 = arith.constant 0 : i32
        %add3A_164 = vector.broadcast %add3A_163 : i32 to vector<16xi32>
        %add3A_165 = arith.addi %iota3A, %add3A_164 : vector<16xi32>
        %gather3A = tpu.vector_load_idx %arg14[%mul3A_162, %add3A_165, %mul3A_158] : memref<8x64x128xf32, #tpu.memory_space<vmem>>[vector<16xi32>, vector<16xi32>, vector<16xi32>], vector<16xf32>,
        %mul3A_166 = arith.constant 64 : i32
        %mul3A_167 = arith.muli %rem3A_137, %mul3A_166 : i32
        %add3A_168 = arith.constant 0 : i32
        %add3A_169 = arith.addi %mul3A_167, %add3A_168 : i32
        %swap3A_170 = arith.index_cast %add3A_169 : i32 to index
        %swap3A_171 = tpu.vector_load %arg15[%swap3A_170] {strides = array<i32>} : memref<1024xf32, #tpu.memory_space<vmem>>, vector<16xf32>,
        tpu.vector_store %arg15[%swap3A_170], %gather3A {strides = array<i32>} : memref<1024xf32, #tpu.memory_space<vmem>>, vector<16xf32>,
        %broadcast_in_dim3A_172 = arith.constant 1 : i32
        %broadcast_in_dim3A_173 = vector.broadcast %broadcast_in_dim3A_172 : i32 to vector<16xi32>
        %mul3A_174 = vector.broadcast %rem3A_112 : i32 to vector<16xi32>
        %mul3A_175 = arith.muli %broadcast_in_dim3A_173, %mul3A_174 : vector<16xi32>
        %add3A_176 = arith.constant 16 : i32
        %add3A_177 = vector.broadcast %add3A_176 : i32 to vector<16xi32>
        %add3A_178 = arith.addi %iota3A, %add3A_177 : vector<16xi32>
        %gather3A_179 = tpu.vector_load_idx %arg14[%mul3A_175, %add3A_178, %mul3A_158] : memref<8x64x128xf32, #tpu.memory_space<vmem>>[vector<16xi32>, vector<16xi32>, vector<16xi32>], vector<16xf32>,
        %mul3A_180 = arith.constant 64 : i32
        %mul3A_181 = arith.muli %rem3A_137, %mul3A_180 : i32
        %add3A_182 = arith.constant 16 : i32
        %add3A_183 = arith.addi %mul3A_181, %add3A_182 : i32
        %swap3A_184 = arith.index_cast %add3A_183 : i32 to index
        %swap3A_185 = tpu.vector_load %arg15[%swap3A_184] {strides = array<i32>} : memref<1024xf32, #tpu.memory_space<vmem>>, vector<16xf32>,
        tpu.vector_store %arg15[%swap3A_184], %gather3A_179 {strides = array<i32>} : memref<1024xf32, #tpu.memory_space<vmem>>, vector<16xf32>,
        %broadcast_in_dim3A_186 = arith.constant 1 : i32
        %broadcast_in_dim3A_187 = vector.broadcast %broadcast_in_dim3A_186 : i32 to vector<16xi32>
        %mul3A_188 = vector.broadcast %rem3A_112 : i32 to vector<16xi32>
        %mul3A_189 = arith.muli %broadcast_in_dim3A_187, %mul3A_188 : vector<16xi32>
        %add3A_190 = arith.constant 32 : i32
        %add3A_191 = vector.broadcast %add3A_190 : i32 to vector<16xi32>
        %add3A_192 = arith.addi %iota3A, %add3A_191 : vector<16xi32>
        %gather3A_193 = tpu.vector_load_idx %arg14[%mul3A_189, %add3A_192, %mul3A_158] : memref<8x64x128xf32, #tpu.memory_space<vmem>>[vector<16xi32>, vector<16xi32>, vector<16xi32>], vector<16xf32>,
        %mul3A_194 = arith.constant 64 : i32
        %mul3A_195 = arith.muli %rem3A_137, %mul3A_194 : i32
        %add3A_196 = arith.constant 32 : i32
        %add3A_197 = arith.addi %mul3A_195, %add3A_196 : i32
        %swap3A_198 = arith.index_cast %add3A_197 : i32 to index
        %swap3A_199 = tpu.vector_load %arg15[%swap3A_198] {strides = array<i32>} : memref<1024xf32, #tpu.memory_space<vmem>>, vector<16xf32>,
        tpu.vector_store %arg15[%swap3A_198], %gather3A_193 {strides = array<i32>} : memref<1024xf32, #tpu.memory_space<vmem>>, vector<16xf32>,
        %broadcast_in_dim3A_200 = arith.constant 1 : i32
        %broadcast_in_dim3A_201 = vector.broadcast %broadcast_in_dim3A_200 : i32 to vector<16xi32>
        %mul3A_202 = vector.broadcast %rem3A_112 : i32 to vector<16xi32>
        %mul3A_203 = arith.muli %broadcast_in_dim3A_201, %mul3A_202 : vector<16xi32>
        %add3A_204 = arith.constant 48 : i32
        %add3A_205 = vector.broadcast %add3A_204 : i32 to vector<16xi32>
        %add3A_206 = arith.addi %iota3A, %add3A_205 : vector<16xi32>
        %gather3A_207 = tpu.vector_load_idx %arg14[%mul3A_203, %add3A_206, %mul3A_158] : memref<8x64x128xf32, #tpu.memory_space<vmem>>[vector<16xi32>, vector<16xi32>, vector<16xi32>], vector<16xf32>,
        %mul3A_208 = arith.constant 64 : i32
        %mul3A_209 = arith.muli %rem3A_137, %mul3A_208 : i32
        %add3A_210 = arith.constant 48 : i32
        %add3A_211 = arith.addi %mul3A_209, %add3A_210 : i32
        %swap3A_212 = arith.index_cast %add3A_211 : i32 to index
        %swap3A_213 = tpu.vector_load %arg15[%swap3A_212] {strides = array<i32>} : memref<1024xf32, #tpu.memory_space<vmem>>, vector<16xf32>,
        tpu.vector_store %arg15[%swap3A_212], %gather3A_207 {strides = array<i32>} : memref<1024xf32, #tpu.memory_space<vmem>>, vector<16xf32>,
        %mul3A_214 = arith.constant 64 : i32
        %mul3A_215 = arith.muli %rem3A_137, %mul3A_214 : i32
        %mul3A_216 = arith.constant 64 : i32
        %mul3A_217 = arith.muli %squeeze3A_152, %mul3A_216 : i32
        %dma_start3A = tpu.memref_slice %arg15[%mul3A_215] : memref<1024xf32, #tpu.memory_space<vmem>> -> memref<64xf32, #tpu.memory_space<vmem>>
        %dma_start3A_218 = tpu.memref_slice %arg9[%mul3A_217] : memref<1048576xf32, #tpu.memory_space<hbm>> -> memref<64xf32, #tpu.memory_space<hbm>>
        %dma_start3A_219 = tpu.memref_slice %arg9[%mul3A_217] : memref<1048576xf32, #tpu.memory_space<hbm>> -> memref<64xf32, #tpu.memory_space<hbm>>
        %dma_start3A_220 = tpu.memref_slice %arg15[%mul3A_215] : memref<1024xf32, #tpu.memory_space<vmem>> -> memref<64xf32, #tpu.memory_space<vmem>>
        tpu.enqueue_dma source(%dma_start3A_220 : memref<64xf32, #tpu.memory_space<vmem>>) target(%dma_start3A_219 : memref<64xf32, #tpu.memory_space<hbm>>) target_semaphore(%arg17 : memref<!tpu.dma_semaphore, #tpu.memory_space<semaphore_mem>>)
        %add3A_221 = arith.constant 1 : i32
        %add3A_222 = arith.addi %select_n3A, %add3A_221 : i32
        scf.yield %add3A_222 : i32
      }
      scf.yield %while3A_133 : i32
    }
    %while3A_86 = arith.constant 0 : i32
    %while3A_87 = arith.constant 0 : i32
    %while3A_88 = arith.subi %while3A_85, %while3A_87 : i32
    %while3A_89 = arith.addi %while3A_87, %while3A_88 : i32
    %while3A_90 = arith.constant 1 : i32
    %while3A_91 = arith.divsi %while3A_88, %while3A_90 : i32
    %while3A_92 = arith.muli %while3A_91, %while3A_90 : i32
    %while3A_93 = arith.addi %while3A_87, %while3A_92 : i32
    %while3A_94 = arith.constant 1 : i32
    scf.for %while3A_96 = %while3A_87 to %while3A_93 step %while3A_94  : i32 {
      %dma_wait3A = arith.constant 0 : i32
      %dma_wait3A_97 = tpu.memref_slice %arg15[%dma_wait3A] : memref<1024xf32, #tpu.memory_space<vmem>> -> memref<64xf32, #tpu.memory_space<vmem>>
      %dma_wait3A_98 = arith.constant 0 : i32
      %dma_wait3A_99 = tpu.memref_slice %arg8[%dma_wait3A_98] : memref<1048576xf32, #tpu.memory_space<hbm>> -> memref<64xf32, #tpu.memory_space<hbm>>
      %dma_wait3A_100 = arith.constant 0 : i32
      %dma_wait3A_101 = tpu.memref_slice %arg15[%dma_wait3A_100] : memref<1024xf32, #tpu.memory_space<vmem>> -> memref<64xf32, #tpu.memory_space<vmem>>
      %dma_wait3A_102 = arith.constant 0 : i32
      %dma_wait3A_103 = tpu.memref_slice %arg8[%dma_wait3A_102] : memref<1048576xf32, #tpu.memory_space<hbm>> -> memref<64xf32, #tpu.memory_space<hbm>>
      tpu.wait_dma2 semaphore(%arg17 : memref<!tpu.dma_semaphore, #tpu.memory_space<semaphore_mem>>) src(%dma_wait3A_103 : memref<64xf32, #tpu.memory_space<hbm>>) dst(%dma_wait3A_101 : memref<64xf32, #tpu.memory_space<vmem>>)
    }
    %while3A_95 = arith.constant 1 : i32
    scf.for %while3A_96 = %while3A_93 to %while3A_89 step %while3A_95  : i32 {
      %dma_wait3A = arith.constant 0 : i32
      %dma_wait3A_97 = tpu.memref_slice %arg15[%dma_wait3A] : memref<1024xf32, #tpu.memory_space<vmem>> -> memref<64xf32, #tpu.memory_space<vmem>>
      %dma_wait3A_98 = arith.constant 0 : i32
      %dma_wait3A_99 = tpu.memref_slice %arg8[%dma_wait3A_98] : memref<1048576xf32, #tpu.memory_space<hbm>> -> memref<64xf32, #tpu.memory_space<hbm>>
      %dma_wait3A_100 = arith.constant 0 : i32
      %dma_wait3A_101 = tpu.memref_slice %arg15[%dma_wait3A_100] : memref<1024xf32, #tpu.memory_space<vmem>> -> memref<64xf32, #tpu.memory_space<vmem>>
      %dma_wait3A_102 = arith.constant 0 : i32
      %dma_wait3A_103 = tpu.memref_slice %arg8[%dma_wait3A_102] : memref<1048576xf32, #tpu.memory_space<hbm>> -> memref<64xf32, #tpu.memory_space<hbm>>
      tpu.wait_dma2 semaphore(%arg17 : memref<!tpu.dma_semaphore, #tpu.memory_space<semaphore_mem>>) src(%dma_wait3A_103 : memref<64xf32, #tpu.memory_space<hbm>>) dst(%dma_wait3A_101 : memref<64xf32, #tpu.memory_space<vmem>>)
    }
    return
  }
}

#map = affine_map<(d0, d1) -> (0)>
module attributes {stable_mosaic.version = 14 : i64} {
  func.func @_dot_body(%arg0: i32, %arg1: i32, %arg2: memref<1048576xf32, #tpu.memory_space<hbm>>, %arg3: memref<1048576xf32, #tpu.memory_space<hbm>>, %arg4: memref<16384xf32, #tpu.memory_space<hbm>>, %arg5: memref<32768xf32, #tpu.memory_space<vmem>>, %arg6: memref<32768xf32, #tpu.memory_space<vmem>>, %arg7: memref<512xf32, #tpu.memory_space<vmem>>) attributes {dimension_semantics = [#tpu.dimension_semantics<core_parallel>, #tpu.dimension_semantics<subcore_parallel>], iteration_bounds = array<i64: 2, 16>, scalar_prefetch = 0 : i64, scratch_operands = 3 : i64, tpu.core_type = #tpu.core_type<sc_vector_subcore>, window_params = [{transform_indices = #map}, {transform_indices = #map}, {transform_indices = #map}]} {
    %mul3A = arith.constant 16 : i32
    %mul3A_0 = arith.muli %arg0, %mul3A : i32
    %add3A = arith.addi %mul3A_0, %arg1 : i32
    %mul3A_1 = arith.constant 512 : i32
    %mul3A_2 = arith.muli %add3A, %mul3A_1 : i32
    %mul3A_3 = arith.constant 64 : i32
    %mul3A_4 = arith.muli %mul3A_2, %mul3A_3 : i32
    "tpu.region"() ({
      %run_scoped3A = tpu.sem_alloc : memref<!tpu.dma_semaphore, #tpu.memory_space<semaphore_mem>>
      %dma_start3A = tpu.memref_slice %arg2[%mul3A_4] : memref<1048576xf32, #tpu.memory_space<hbm>> -> memref<32768xf32, #tpu.memory_space<hbm>>
      %dma_start3A_16 = tpu.memref_slice %arg2[%mul3A_4] : memref<1048576xf32, #tpu.memory_space<hbm>> -> memref<32768xf32, #tpu.memory_space<hbm>>
      tpu.enqueue_dma source(%dma_start3A_16 : memref<32768xf32, #tpu.memory_space<hbm>>) target(%arg5 : memref<32768xf32, #tpu.memory_space<vmem>>) target_semaphore(%run_scoped3A : memref<!tpu.dma_semaphore, #tpu.memory_space<semaphore_mem>>)
      %dma_wait3A = tpu.memref_slice %arg2[%mul3A_4] : memref<1048576xf32, #tpu.memory_space<hbm>> -> memref<32768xf32, #tpu.memory_space<hbm>>
      %dma_wait3A_17 = tpu.memref_slice %arg2[%mul3A_4] : memref<1048576xf32, #tpu.memory_space<hbm>> -> memref<32768xf32, #tpu.memory_space<hbm>>
      tpu.wait_dma2 semaphore(%run_scoped3A : memref<!tpu.dma_semaphore, #tpu.memory_space<semaphore_mem>>) src(%dma_wait3A_17 : memref<32768xf32, #tpu.memory_space<hbm>>) dst(%arg5 : memref<32768xf32, #tpu.memory_space<vmem>>)
      tpu.yield
    }) : () -> ()
    %mul3A_5 = arith.constant 512 : i32
    %mul3A_6 = arith.muli %add3A, %mul3A_5 : i32
    %mul3A_7 = arith.constant 64 : i32
    %mul3A_8 = arith.muli %mul3A_6, %mul3A_7 : i32
    "tpu.region"() ({
      %run_scoped3A = tpu.sem_alloc : memref<!tpu.dma_semaphore, #tpu.memory_space<semaphore_mem>>
      %dma_start3A = tpu.memref_slice %arg3[%mul3A_8] : memref<1048576xf32, #tpu.memory_space<hbm>> -> memref<32768xf32, #tpu.memory_space<hbm>>
      %dma_start3A_16 = tpu.memref_slice %arg3[%mul3A_8] : memref<1048576xf32, #tpu.memory_space<hbm>> -> memref<32768xf32, #tpu.memory_space<hbm>>
      tpu.enqueue_dma source(%dma_start3A_16 : memref<32768xf32, #tpu.memory_space<hbm>>) target(%arg6 : memref<32768xf32, #tpu.memory_space<vmem>>) target_semaphore(%run_scoped3A : memref<!tpu.dma_semaphore, #tpu.memory_space<semaphore_mem>>)
      %dma_wait3A = tpu.memref_slice %arg3[%mul3A_8] : memref<1048576xf32, #tpu.memory_space<hbm>> -> memref<32768xf32, #tpu.memory_space<hbm>>
      %dma_wait3A_17 = tpu.memref_slice %arg3[%mul3A_8] : memref<1048576xf32, #tpu.memory_space<hbm>> -> memref<32768xf32, #tpu.memory_space<hbm>>
      tpu.wait_dma2 semaphore(%run_scoped3A : memref<!tpu.dma_semaphore, #tpu.memory_space<semaphore_mem>>) src(%dma_wait3A_17 : memref<32768xf32, #tpu.memory_space<hbm>>) dst(%arg6 : memref<32768xf32, #tpu.memory_space<vmem>>)
      tpu.yield
    }) : () -> ()
    %iota3A = tpu.iota {dimensions = array<i32: 0>} : vector<16xi32>
    %scan3A = arith.constant 0 : i32
    %scan3A_9 = arith.constant 0 : i32
    %scan3A_10 = arith.constant 32 : i32
    %scan3A_11 = arith.addi %scan3A_9, %scan3A_10 : i32
    %scan3A_12 = arith.constant 1 : i32
    scf.for %scan3A_16 = %scan3A_9 to %scan3A_11 step %scan3A_12  : i32 {
      %broadcast_in_dim3A = arith.constant 0.000000e+00 : f32
      %broadcast_in_dim3A_17 = vector.broadcast %broadcast_in_dim3A : f32 to vector<16xf32>
      %mul3A_18 = arith.constant 16 : i32
      %mul3A_19 = arith.muli %scan3A_16, %mul3A_18 : i32
      %add3A_20 = arith.constant 0 : i32
      %add3A_21 = arith.addi %mul3A_19, %add3A_20 : i32
      %mul3A_22 = arith.constant 64 : i32
      %mul3A_23 = arith.muli %add3A_21, %mul3A_22 : i32
      %broadcast_in_dim3A_24 = arith.constant 0.000000e+00 : f32
      %broadcast_in_dim3A_25 = vector.broadcast %broadcast_in_dim3A_24 : f32 to vector<16xf32>
      %add3A_26 = arith.constant 0 : i32
      %add3A_27 = arith.addi %mul3A_23, %add3A_26 : i32
      %get3A = arith.index_cast %add3A_27 : i32 to index
      %get3A_28 = tpu.vector_load %arg5[%get3A] {strides = array<i32>} : memref<32768xf32, #tpu.memory_space<vmem>>, vector<16xf32>,
      %add3A_29 = arith.constant 0 : i32
      %add3A_30 = arith.addi %mul3A_23, %add3A_29 : i32
      %get3A_31 = arith.index_cast %add3A_30 : i32 to index
      %get3A_32 = tpu.vector_load %arg6[%get3A_31] {strides = array<i32>} : memref<32768xf32, #tpu.memory_space<vmem>>, vector<16xf32>,
      %mul3A_33 = arith.mulf %get3A_28, %get3A_32 : vector<16xf32>
      %add3A_34 = arith.addf %broadcast_in_dim3A_25, %mul3A_33 : vector<16xf32>
      %add3A_35 = arith.constant 16 : i32
      %add3A_36 = arith.addi %mul3A_23, %add3A_35 : i32
      %get3A_37 = arith.index_cast %add3A_36 : i32 to index
      %get3A_38 = tpu.vector_load %arg5[%get3A_37] {strides = array<i32>} : memref<32768xf32, #tpu.memory_space<vmem>>, vector<16xf32>,
      %add3A_39 = arith.constant 16 : i32
      %add3A_40 = arith.addi %mul3A_23, %add3A_39 : i32
      %get3A_41 = arith.index_cast %add3A_40 : i32 to index
      %get3A_42 = tpu.vector_load %arg6[%get3A_41] {strides = array<i32>} : memref<32768xf32, #tpu.memory_space<vmem>>, vector<16xf32>,
      %mul3A_43 = arith.mulf %get3A_38, %get3A_42 : vector<16xf32>
      %add3A_44 = arith.addf %add3A_34, %mul3A_43 : vector<16xf32>
      %add3A_45 = arith.constant 32 : i32
      %add3A_46 = arith.addi %mul3A_23, %add3A_45 : i32
      %get3A_47 = arith.index_cast %add3A_46 : i32 to index
      %get3A_48 = tpu.vector_load %arg5[%get3A_47] {strides = array<i32>} : memref<32768xf32, #tpu.memory_space<vmem>>, vector<16xf32>,
      %add3A_49 = arith.constant 32 : i32
      %add3A_50 = arith.addi %mul3A_23, %add3A_49 : i32
      %get3A_51 = arith.index_cast %add3A_50 : i32 to index
      %get3A_52 = tpu.vector_load %arg6[%get3A_51] {strides = array<i32>} : memref<32768xf32, #tpu.memory_space<vmem>>, vector<16xf32>,
      %mul3A_53 = arith.mulf %get3A_48, %get3A_52 : vector<16xf32>
      %add3A_54 = arith.addf %add3A_44, %mul3A_53 : vector<16xf32>
      %add3A_55 = arith.constant 48 : i32
      %add3A_56 = arith.addi %mul3A_23, %add3A_55 : i32
      %get3A_57 = arith.index_cast %add3A_56 : i32 to index
      %get3A_58 = tpu.vector_load %arg5[%get3A_57] {strides = array<i32>} : memref<32768xf32, #tpu.memory_space<vmem>>, vector<16xf32>,
      %add3A_59 = arith.constant 48 : i32
      %add3A_60 = arith.addi %mul3A_23, %add3A_59 : i32
      %get3A_61 = arith.index_cast %add3A_60 : i32 to index
      %get3A_62 = tpu.vector_load %arg6[%get3A_61] {strides = array<i32>} : memref<32768xf32, #tpu.memory_space<vmem>>, vector<16xf32>,
      %mul3A_63 = arith.mulf %get3A_58, %get3A_62 : vector<16xf32>
      %add3A_64 = arith.addf %add3A_54, %mul3A_63 : vector<16xf32>
      %reduce_sum3A = arith.constant true
      %reduce_sum3A_65 = vector.broadcast %reduce_sum3A : i1 to vector<16xi1>
      %reduce_sum3A_66 = tpu.scan <sum>, %add3A_64 masked %reduce_sum3A_65 : vector<16xf32>, vector<16xi1> -> vector<16xf32>
      %reduce_sum3A_67 = vector.extract %reduce_sum3A_66[15] : f32 from vector<16xf32>
      %eq3A = arith.constant 0 : i32
      %eq3A_68 = vector.broadcast %eq3A : i32 to vector<16xi32>
      %eq3A_69 = arith.cmpi eq, %iota3A, %eq3A_68 : vector<16xi32>
      %broadcast_in_dim3A_70 = vector.broadcast %reduce_sum3A_67 : f32 to vector<16xf32>
      %select_n3A = arith.select %eq3A_69, %broadcast_in_dim3A_70, %broadcast_in_dim3A_17 : vector<16xi1>, vector<16xf32>
      %mul3A_71 = arith.constant 16 : i32
      %mul3A_72 = arith.muli %scan3A_16, %mul3A_71 : i32
      %add3A_73 = arith.constant 1 : i32
      %add3A_74 = arith.addi %mul3A_72, %add3A_73 : i32
      %mul3A_75 = arith.constant 64 : i32
      %mul3A_76 = arith.muli %add3A_74, %mul3A_75 : i32
      %broadcast_in_dim3A_77 = arith.constant 0.000000e+00 : f32
      %broadcast_in_dim3A_78 = vector.broadcast %broadcast_in_dim3A_77 : f32 to vector<16xf32>
      %add3A_79 = arith.constant 0 : i32
      %add3A_80 = arith.addi %mul3A_76, %add3A_79 : i32
      %get3A_81 = arith.index_cast %add3A_80 : i32 to index
      %get3A_82 = tpu.vector_load %arg5[%get3A_81] {strides = array<i32>} : memref<32768xf32, #tpu.memory_space<vmem>>, vector<16xf32>,
      %add3A_83 = arith.constant 0 : i32
      %add3A_84 = arith.addi %mul3A_76, %add3A_83 : i32
      %get3A_85 = arith.index_cast %add3A_84 : i32 to index
      %get3A_86 = tpu.vector_load %arg6[%get3A_85] {strides = array<i32>} : memref<32768xf32, #tpu.memory_space<vmem>>, vector<16xf32>,
      %mul3A_87 = arith.mulf %get3A_82, %get3A_86 : vector<16xf32>
      %add3A_88 = arith.addf %broadcast_in_dim3A_78, %mul3A_87 : vector<16xf32>
      %add3A_89 = arith.constant 16 : i32
      %add3A_90 = arith.addi %mul3A_76, %add3A_89 : i32
      %get3A_91 = arith.index_cast %add3A_90 : i32 to index
      %get3A_92 = tpu.vector_load %arg5[%get3A_91] {strides = array<i32>} : memref<32768xf32, #tpu.memory_space<vmem>>, vector<16xf32>,
      %add3A_93 = arith.constant 16 : i32
      %add3A_94 = arith.addi %mul3A_76, %add3A_93 : i32
      %get3A_95 = arith.index_cast %add3A_94 : i32 to index
      %get3A_96 = tpu.vector_load %arg6[%get3A_95] {strides = array<i32>} : memref<32768xf32, #tpu.memory_space<vmem>>, vector<16xf32>,
      %mul3A_97 = arith.mulf %get3A_92, %get3A_96 : vector<16xf32>
      %add3A_98 = arith.addf %add3A_88, %mul3A_97 : vector<16xf32>
      %add3A_99 = arith.constant 32 : i32
      %add3A_100 = arith.addi %mul3A_76, %add3A_99 : i32
      %get3A_101 = arith.index_cast %add3A_100 : i32 to index
      %get3A_102 = tpu.vector_load %arg5[%get3A_101] {strides = array<i32>} : memref<32768xf32, #tpu.memory_space<vmem>>, vector<16xf32>,
      %add3A_103 = arith.constant 32 : i32
      %add3A_104 = arith.addi %mul3A_76, %add3A_103 : i32
      %get3A_105 = arith.index_cast %add3A_104 : i32 to index
      %get3A_106 = tpu.vector_load %arg6[%get3A_105] {strides = array<i32>} : memref<32768xf32, #tpu.memory_space<vmem>>, vector<16xf32>,
      %mul3A_107 = arith.mulf %get3A_102, %get3A_106 : vector<16xf32>
      %add3A_108 = arith.addf %add3A_98, %mul3A_107 : vector<16xf32>
      %add3A_109 = arith.constant 48 : i32
      %add3A_110 = arith.addi %mul3A_76, %add3A_109 : i32
      %get3A_111 = arith.index_cast %add3A_110 : i32 to index
      %get3A_112 = tpu.vector_load %arg5[%get3A_111] {strides = array<i32>} : memref<32768xf32, #tpu.memory_space<vmem>>, vector<16xf32>,
      %add3A_113 = arith.constant 48 : i32
      %add3A_114 = arith.addi %mul3A_76, %add3A_113 : i32
      %get3A_115 = arith.index_cast %add3A_114 : i32 to index
      %get3A_116 = tpu.vector_load %arg6[%get3A_115] {strides = array<i32>} : memref<32768xf32, #tpu.memory_space<vmem>>, vector<16xf32>,
      %mul3A_117 = arith.mulf %get3A_112, %get3A_116 : vector<16xf32>
      %add3A_118 = arith.addf %add3A_108, %mul3A_117 : vector<16xf32>
      %reduce_sum3A_119 = arith.constant true
      %reduce_sum3A_120 = vector.broadcast %reduce_sum3A_119 : i1 to vector<16xi1>
      %reduce_sum3A_121 = tpu.scan <sum>, %add3A_118 masked %reduce_sum3A_120 : vector<16xf32>, vector<16xi1> -> vector<16xf32>
      %reduce_sum3A_122 = vector.extract %reduce_sum3A_121[15] : f32 from vector<16xf32>
      %eq3A_123 = arith.constant 1 : i32
      %eq3A_124 = vector.broadcast %eq3A_123 : i32 to vector<16xi32>
      %eq3A_125 = arith.cmpi eq, %iota3A, %eq3A_124 : vector<16xi32>
      %broadcast_in_dim3A_126 = vector.broadcast %reduce_sum3A_122 : f32 to vector<16xf32>
      %select_n3A_127 = arith.select %eq3A_125, %broadcast_in_dim3A_126, %select_n3A : vector<16xi1>, vector<16xf32>
      %mul3A_128 = arith.constant 16 : i32
      %mul3A_129 = arith.muli %scan3A_16, %mul3A_128 : i32
      %add3A_130 = arith.constant 2 : i32
      %add3A_131 = arith.addi %mul3A_129, %add3A_130 : i32
      %mul3A_132 = arith.constant 64 : i32
      %mul3A_133 = arith.muli %add3A_131, %mul3A_132 : i32
      %broadcast_in_dim3A_134 = arith.constant 0.000000e+00 : f32
      %broadcast_in_dim3A_135 = vector.broadcast %broadcast_in_dim3A_134 : f32 to vector<16xf32>
      %add3A_136 = arith.constant 0 : i32
      %add3A_137 = arith.addi %mul3A_133, %add3A_136 : i32
      %get3A_138 = arith.index_cast %add3A_137 : i32 to index
      %get3A_139 = tpu.vector_load %arg5[%get3A_138] {strides = array<i32>} : memref<32768xf32, #tpu.memory_space<vmem>>, vector<16xf32>,
      %add3A_140 = arith.constant 0 : i32
      %add3A_141 = arith.addi %mul3A_133, %add3A_140 : i32
      %get3A_142 = arith.index_cast %add3A_141 : i32 to index
      %get3A_143 = tpu.vector_load %arg6[%get3A_142] {strides = array<i32>} : memref<32768xf32, #tpu.memory_space<vmem>>, vector<16xf32>,
      %mul3A_144 = arith.mulf %get3A_139, %get3A_143 : vector<16xf32>
      %add3A_145 = arith.addf %broadcast_in_dim3A_135, %mul3A_144 : vector<16xf32>
      %add3A_146 = arith.constant 16 : i32
      %add3A_147 = arith.addi %mul3A_133, %add3A_146 : i32
      %get3A_148 = arith.index_cast %add3A_147 : i32 to index
      %get3A_149 = tpu.vector_load %arg5[%get3A_148] {strides = array<i32>} : memref<32768xf32, #tpu.memory_space<vmem>>, vector<16xf32>,
      %add3A_150 = arith.constant 16 : i32
      %add3A_151 = arith.addi %mul3A_133, %add3A_150 : i32
      %get3A_152 = arith.index_cast %add3A_151 : i32 to index
      %get3A_153 = tpu.vector_load %arg6[%get3A_152] {strides = array<i32>} : memref<32768xf32, #tpu.memory_space<vmem>>, vector<16xf32>,
      %mul3A_154 = arith.mulf %get3A_149, %get3A_153 : vector<16xf32>
      %add3A_155 = arith.addf %add3A_145, %mul3A_154 : vector<16xf32>
      %add3A_156 = arith.constant 32 : i32
      %add3A_157 = arith.addi %mul3A_133, %add3A_156 : i32
      %get3A_158 = arith.index_cast %add3A_157 : i32 to index
      %get3A_159 = tpu.vector_load %arg5[%get3A_158] {strides = array<i32>} : memref<32768xf32, #tpu.memory_space<vmem>>, vector<16xf32>,
      %add3A_160 = arith.constant 32 : i32
      %add3A_161 = arith.addi %mul3A_133, %add3A_160 : i32
      %get3A_162 = arith.index_cast %add3A_161 : i32 to index
      %get3A_163 = tpu.vector_load %arg6[%get3A_162] {strides = array<i32>} : memref<32768xf32, #tpu.memory_space<vmem>>, vector<16xf32>,
      %mul3A_164 = arith.mulf %get3A_159, %get3A_163 : vector<16xf32>
      %add3A_165 = arith.addf %add3A_155, %mul3A_164 : vector<16xf32>
      %add3A_166 = arith.constant 48 : i32
      %add3A_167 = arith.addi %mul3A_133, %add3A_166 : i32
      %get3A_168 = arith.index_cast %add3A_167 : i32 to index
      %get3A_169 = tpu.vector_load %arg5[%get3A_168] {strides = array<i32>} : memref<32768xf32, #tpu.memory_space<vmem>>, vector<16xf32>,
      %add3A_170 = arith.constant 48 : i32
      %add3A_171 = arith.addi %mul3A_133, %add3A_170 : i32
      %get3A_172 = arith.index_cast %add3A_171 : i32 to index
      %get3A_173 = tpu.vector_load %arg6[%get3A_172] {strides = array<i32>} : memref<32768xf32, #tpu.memory_space<vmem>>, vector<16xf32>,
      %mul3A_174 = arith.mulf %get3A_169, %get3A_173 : vector<16xf32>
      %add3A_175 = arith.addf %add3A_165, %mul3A_174 : vector<16xf32>
      %reduce_sum3A_176 = arith.constant true
      %reduce_sum3A_177 = vector.broadcast %reduce_sum3A_176 : i1 to vector<16xi1>
      %reduce_sum3A_178 = tpu.scan <sum>, %add3A_175 masked %reduce_sum3A_177 : vector<16xf32>, vector<16xi1> -> vector<16xf32>
      %reduce_sum3A_179 = vector.extract %reduce_sum3A_178[15] : f32 from vector<16xf32>
      %eq3A_180 = arith.constant 2 : i32
      %eq3A_181 = vector.broadcast %eq3A_180 : i32 to vector<16xi32>
      %eq3A_182 = arith.cmpi eq, %iota3A, %eq3A_181 : vector<16xi32>
      %broadcast_in_dim3A_183 = vector.broadcast %reduce_sum3A_179 : f32 to vector<16xf32>
      %select_n3A_184 = arith.select %eq3A_182, %broadcast_in_dim3A_183, %select_n3A_127 : vector<16xi1>, vector<16xf32>
      %mul3A_185 = arith.constant 16 : i32
      %mul3A_186 = arith.muli %scan3A_16, %mul3A_185 : i32
      %add3A_187 = arith.constant 3 : i32
      %add3A_188 = arith.addi %mul3A_186, %add3A_187 : i32
      %mul3A_189 = arith.constant 64 : i32
      %mul3A_190 = arith.muli %add3A_188, %mul3A_189 : i32
      %broadcast_in_dim3A_191 = arith.constant 0.000000e+00 : f32
      %broadcast_in_dim3A_192 = vector.broadcast %broadcast_in_dim3A_191 : f32 to vector<16xf32>
      %add3A_193 = arith.constant 0 : i32
      %add3A_194 = arith.addi %mul3A_190, %add3A_193 : i32
      %get3A_195 = arith.index_cast %add3A_194 : i32 to index
      %get3A_196 = tpu.vector_load %arg5[%get3A_195] {strides = array<i32>} : memref<32768xf32, #tpu.memory_space<vmem>>, vector<16xf32>,
      %add3A_197 = arith.constant 0 : i32
      %add3A_198 = arith.addi %mul3A_190, %add3A_197 : i32
      %get3A_199 = arith.index_cast %add3A_198 : i32 to index
      %get3A_200 = tpu.vector_load %arg6[%get3A_199] {strides = array<i32>} : memref<32768xf32, #tpu.memory_space<vmem>>, vector<16xf32>,
      %mul3A_201 = arith.mulf %get3A_196, %get3A_200 : vector<16xf32>
      %add3A_202 = arith.addf %broadcast_in_dim3A_192, %mul3A_201 : vector<16xf32>
      %add3A_203 = arith.constant 16 : i32
      %add3A_204 = arith.addi %mul3A_190, %add3A_203 : i32
      %get3A_205 = arith.index_cast %add3A_204 : i32 to index
      %get3A_206 = tpu.vector_load %arg5[%get3A_205] {strides = array<i32>} : memref<32768xf32, #tpu.memory_space<vmem>>, vector<16xf32>,
      %add3A_207 = arith.constant 16 : i32
      %add3A_208 = arith.addi %mul3A_190, %add3A_207 : i32
      %get3A_209 = arith.index_cast %add3A_208 : i32 to index
      %get3A_210 = tpu.vector_load %arg6[%get3A_209] {strides = array<i32>} : memref<32768xf32, #tpu.memory_space<vmem>>, vector<16xf32>,
      %mul3A_211 = arith.mulf %get3A_206, %get3A_210 : vector<16xf32>
      %add3A_212 = arith.addf %add3A_202, %mul3A_211 : vector<16xf32>
      %add3A_213 = arith.constant 32 : i32
      %add3A_214 = arith.addi %mul3A_190, %add3A_213 : i32
      %get3A_215 = arith.index_cast %add3A_214 : i32 to index
      %get3A_216 = tpu.vector_load %arg5[%get3A_215] {strides = array<i32>} : memref<32768xf32, #tpu.memory_space<vmem>>, vector<16xf32>,
      %add3A_217 = arith.constant 32 : i32
      %add3A_218 = arith.addi %mul3A_190, %add3A_217 : i32
      %get3A_219 = arith.index_cast %add3A_218 : i32 to index
      %get3A_220 = tpu.vector_load %arg6[%get3A_219] {strides = array<i32>} : memref<32768xf32, #tpu.memory_space<vmem>>, vector<16xf32>,
      %mul3A_221 = arith.mulf %get3A_216, %get3A_220 : vector<16xf32>
      %add3A_222 = arith.addf %add3A_212, %mul3A_221 : vector<16xf32>
      %add3A_223 = arith.constant 48 : i32
      %add3A_224 = arith.addi %mul3A_190, %add3A_223 : i32
      %get3A_225 = arith.index_cast %add3A_224 : i32 to index
      %get3A_226 = tpu.vector_load %arg5[%get3A_225] {strides = array<i32>} : memref<32768xf32, #tpu.memory_space<vmem>>, vector<16xf32>,
      %add3A_227 = arith.constant 48 : i32
      %add3A_228 = arith.addi %mul3A_190, %add3A_227 : i32
      %get3A_229 = arith.index_cast %add3A_228 : i32 to index
      %get3A_230 = tpu.vector_load %arg6[%get3A_229] {strides = array<i32>} : memref<32768xf32, #tpu.memory_space<vmem>>, vector<16xf32>,
      %mul3A_231 = arith.mulf %get3A_226, %get3A_230 : vector<16xf32>
      %add3A_232 = arith.addf %add3A_222, %mul3A_231 : vector<16xf32>
      %reduce_sum3A_233 = arith.constant true
      %reduce_sum3A_234 = vector.broadcast %reduce_sum3A_233 : i1 to vector<16xi1>
      %reduce_sum3A_235 = tpu.scan <sum>, %add3A_232 masked %reduce_sum3A_234 : vector<16xf32>, vector<16xi1> -> vector<16xf32>
      %reduce_sum3A_236 = vector.extract %reduce_sum3A_235[15] : f32 from vector<16xf32>
      %eq3A_237 = arith.constant 3 : i32
      %eq3A_238 = vector.broadcast %eq3A_237 : i32 to vector<16xi32>
      %eq3A_239 = arith.cmpi eq, %iota3A, %eq3A_238 : vector<16xi32>
      %broadcast_in_dim3A_240 = vector.broadcast %reduce_sum3A_236 : f32 to vector<16xf32>
      %select_n3A_241 = arith.select %eq3A_239, %broadcast_in_dim3A_240, %select_n3A_184 : vector<16xi1>, vector<16xf32>
      %mul3A_242 = arith.constant 16 : i32
      %mul3A_243 = arith.muli %scan3A_16, %mul3A_242 : i32
      %add3A_244 = arith.constant 4 : i32
      %add3A_245 = arith.addi %mul3A_243, %add3A_244 : i32
      %mul3A_246 = arith.constant 64 : i32
      %mul3A_247 = arith.muli %add3A_245, %mul3A_246 : i32
      %broadcast_in_dim3A_248 = arith.constant 0.000000e+00 : f32
      %broadcast_in_dim3A_249 = vector.broadcast %broadcast_in_dim3A_248 : f32 to vector<16xf32>
      %add3A_250 = arith.constant 0 : i32
      %add3A_251 = arith.addi %mul3A_247, %add3A_250 : i32
      %get3A_252 = arith.index_cast %add3A_251 : i32 to index
      %get3A_253 = tpu.vector_load %arg5[%get3A_252] {strides = array<i32>} : memref<32768xf32, #tpu.memory_space<vmem>>, vector<16xf32>,
      %add3A_254 = arith.constant 0 : i32
      %add3A_255 = arith.addi %mul3A_247, %add3A_254 : i32
      %get3A_256 = arith.index_cast %add3A_255 : i32 to index
      %get3A_257 = tpu.vector_load %arg6[%get3A_256] {strides = array<i32>} : memref<32768xf32, #tpu.memory_space<vmem>>, vector<16xf32>,
      %mul3A_258 = arith.mulf %get3A_253, %get3A_257 : vector<16xf32>
      %add3A_259 = arith.addf %broadcast_in_dim3A_249, %mul3A_258 : vector<16xf32>
      %add3A_260 = arith.constant 16 : i32
      %add3A_261 = arith.addi %mul3A_247, %add3A_260 : i32
      %get3A_262 = arith.index_cast %add3A_261 : i32 to index
      %get3A_263 = tpu.vector_load %arg5[%get3A_262] {strides = array<i32>} : memref<32768xf32, #tpu.memory_space<vmem>>, vector<16xf32>,
      %add3A_264 = arith.constant 16 : i32
      %add3A_265 = arith.addi %mul3A_247, %add3A_264 : i32
      %get3A_266 = arith.index_cast %add3A_265 : i32 to index
      %get3A_267 = tpu.vector_load %arg6[%get3A_266] {strides = array<i32>} : memref<32768xf32, #tpu.memory_space<vmem>>, vector<16xf32>,
      %mul3A_268 = arith.mulf %get3A_263, %get3A_267 : vector<16xf32>
      %add3A_269 = arith.addf %add3A_259, %mul3A_268 : vector<16xf32>
      %add3A_270 = arith.constant 32 : i32
      %add3A_271 = arith.addi %mul3A_247, %add3A_270 : i32
      %get3A_272 = arith.index_cast %add3A_271 : i32 to index
      %get3A_273 = tpu.vector_load %arg5[%get3A_272] {strides = array<i32>} : memref<32768xf32, #tpu.memory_space<vmem>>, vector<16xf32>,
      %add3A_274 = arith.constant 32 : i32
      %add3A_275 = arith.addi %mul3A_247, %add3A_274 : i32
      %get3A_276 = arith.index_cast %add3A_275 : i32 to index
      %get3A_277 = tpu.vector_load %arg6[%get3A_276] {strides = array<i32>} : memref<32768xf32, #tpu.memory_space<vmem>>, vector<16xf32>,
      %mul3A_278 = arith.mulf %get3A_273, %get3A_277 : vector<16xf32>
      %add3A_279 = arith.addf %add3A_269, %mul3A_278 : vector<16xf32>
      %add3A_280 = arith.constant 48 : i32
      %add3A_281 = arith.addi %mul3A_247, %add3A_280 : i32
      %get3A_282 = arith.index_cast %add3A_281 : i32 to index
      %get3A_283 = tpu.vector_load %arg5[%get3A_282] {strides = array<i32>} : memref<32768xf32, #tpu.memory_space<vmem>>, vector<16xf32>,
      %add3A_284 = arith.constant 48 : i32
      %add3A_285 = arith.addi %mul3A_247, %add3A_284 : i32
      %get3A_286 = arith.index_cast %add3A_285 : i32 to index
      %get3A_287 = tpu.vector_load %arg6[%get3A_286] {strides = array<i32>} : memref<32768xf32, #tpu.memory_space<vmem>>, vector<16xf32>,
      %mul3A_288 = arith.mulf %get3A_283, %get3A_287 : vector<16xf32>
      %add3A_289 = arith.addf %add3A_279, %mul3A_288 : vector<16xf32>
      %reduce_sum3A_290 = arith.constant true
      %reduce_sum3A_291 = vector.broadcast %reduce_sum3A_290 : i1 to vector<16xi1>
      %reduce_sum3A_292 = tpu.scan <sum>, %add3A_289 masked %reduce_sum3A_291 : vector<16xf32>, vector<16xi1> -> vector<16xf32>
      %reduce_sum3A_293 = vector.extract %reduce_sum3A_292[15] : f32 from vector<16xf32>
      %eq3A_294 = arith.constant 4 : i32
      %eq3A_295 = vector.broadcast %eq3A_294 : i32 to vector<16xi32>
      %eq3A_296 = arith.cmpi eq, %iota3A, %eq3A_295 : vector<16xi32>
      %broadcast_in_dim3A_297 = vector.broadcast %reduce_sum3A_293 : f32 to vector<16xf32>
      %select_n3A_298 = arith.select %eq3A_296, %broadcast_in_dim3A_297, %select_n3A_241 : vector<16xi1>, vector<16xf32>
      %mul3A_299 = arith.constant 16 : i32
      %mul3A_300 = arith.muli %scan3A_16, %mul3A_299 : i32
      %add3A_301 = arith.constant 5 : i32
      %add3A_302 = arith.addi %mul3A_300, %add3A_301 : i32
      %mul3A_303 = arith.constant 64 : i32
      %mul3A_304 = arith.muli %add3A_302, %mul3A_303 : i32
      %broadcast_in_dim3A_305 = arith.constant 0.000000e+00 : f32
      %broadcast_in_dim3A_306 = vector.broadcast %broadcast_in_dim3A_305 : f32 to vector<16xf32>
      %add3A_307 = arith.constant 0 : i32
      %add3A_308 = arith.addi %mul3A_304, %add3A_307 : i32
      %get3A_309 = arith.index_cast %add3A_308 : i32 to index
      %get3A_310 = tpu.vector_load %arg5[%get3A_309] {strides = array<i32>} : memref<32768xf32, #tpu.memory_space<vmem>>, vector<16xf32>,
      %add3A_311 = arith.constant 0 : i32
      %add3A_312 = arith.addi %mul3A_304, %add3A_311 : i32
      %get3A_313 = arith.index_cast %add3A_312 : i32 to index
      %get3A_314 = tpu.vector_load %arg6[%get3A_313] {strides = array<i32>} : memref<32768xf32, #tpu.memory_space<vmem>>, vector<16xf32>,
      %mul3A_315 = arith.mulf %get3A_310, %get3A_314 : vector<16xf32>
      %add3A_316 = arith.addf %broadcast_in_dim3A_306, %mul3A_315 : vector<16xf32>
      %add3A_317 = arith.constant 16 : i32
      %add3A_318 = arith.addi %mul3A_304, %add3A_317 : i32
      %get3A_319 = arith.index_cast %add3A_318 : i32 to index
      %get3A_320 = tpu.vector_load %arg5[%get3A_319] {strides = array<i32>} : memref<32768xf32, #tpu.memory_space<vmem>>, vector<16xf32>,
      %add3A_321 = arith.constant 16 : i32
      %add3A_322 = arith.addi %mul3A_304, %add3A_321 : i32
      %get3A_323 = arith.index_cast %add3A_322 : i32 to index
      %get3A_324 = tpu.vector_load %arg6[%get3A_323] {strides = array<i32>} : memref<32768xf32, #tpu.memory_space<vmem>>, vector<16xf32>,
      %mul3A_325 = arith.mulf %get3A_320, %get3A_324 : vector<16xf32>
      %add3A_326 = arith.addf %add3A_316, %mul3A_325 : vector<16xf32>
      %add3A_327 = arith.constant 32 : i32
      %add3A_328 = arith.addi %mul3A_304, %add3A_327 : i32
      %get3A_329 = arith.index_cast %add3A_328 : i32 to index
      %get3A_330 = tpu.vector_load %arg5[%get3A_329] {strides = array<i32>} : memref<32768xf32, #tpu.memory_space<vmem>>, vector<16xf32>,
      %add3A_331 = arith.constant 32 : i32
      %add3A_332 = arith.addi %mul3A_304, %add3A_331 : i32
      %get3A_333 = arith.index_cast %add3A_332 : i32 to index
      %get3A_334 = tpu.vector_load %arg6[%get3A_333] {strides = array<i32>} : memref<32768xf32, #tpu.memory_space<vmem>>, vector<16xf32>,
      %mul3A_335 = arith.mulf %get3A_330, %get3A_334 : vector<16xf32>
      %add3A_336 = arith.addf %add3A_326, %mul3A_335 : vector<16xf32>
      %add3A_337 = arith.constant 48 : i32
      %add3A_338 = arith.addi %mul3A_304, %add3A_337 : i32
      %get3A_339 = arith.index_cast %add3A_338 : i32 to index
      %get3A_340 = tpu.vector_load %arg5[%get3A_339] {strides = array<i32>} : memref<32768xf32, #tpu.memory_space<vmem>>, vector<16xf32>,
      %add3A_341 = arith.constant 48 : i32
      %add3A_342 = arith.addi %mul3A_304, %add3A_341 : i32
      %get3A_343 = arith.index_cast %add3A_342 : i32 to index
      %get3A_344 = tpu.vector_load %arg6[%get3A_343] {strides = array<i32>} : memref<32768xf32, #tpu.memory_space<vmem>>, vector<16xf32>,
      %mul3A_345 = arith.mulf %get3A_340, %get3A_344 : vector<16xf32>
      %add3A_346 = arith.addf %add3A_336, %mul3A_345 : vector<16xf32>
      %reduce_sum3A_347 = arith.constant true
      %reduce_sum3A_348 = vector.broadcast %reduce_sum3A_347 : i1 to vector<16xi1>
      %reduce_sum3A_349 = tpu.scan <sum>, %add3A_346 masked %reduce_sum3A_348 : vector<16xf32>, vector<16xi1> -> vector<16xf32>
      %reduce_sum3A_350 = vector.extract %reduce_sum3A_349[15] : f32 from vector<16xf32>
      %eq3A_351 = arith.constant 5 : i32
      %eq3A_352 = vector.broadcast %eq3A_351 : i32 to vector<16xi32>
      %eq3A_353 = arith.cmpi eq, %iota3A, %eq3A_352 : vector<16xi32>
      %broadcast_in_dim3A_354 = vector.broadcast %reduce_sum3A_350 : f32 to vector<16xf32>
      %select_n3A_355 = arith.select %eq3A_353, %broadcast_in_dim3A_354, %select_n3A_298 : vector<16xi1>, vector<16xf32>
      %mul3A_356 = arith.constant 16 : i32
      %mul3A_357 = arith.muli %scan3A_16, %mul3A_356 : i32
      %add3A_358 = arith.constant 6 : i32
      %add3A_359 = arith.addi %mul3A_357, %add3A_358 : i32
      %mul3A_360 = arith.constant 64 : i32
      %mul3A_361 = arith.muli %add3A_359, %mul3A_360 : i32
      %broadcast_in_dim3A_362 = arith.constant 0.000000e+00 : f32
      %broadcast_in_dim3A_363 = vector.broadcast %broadcast_in_dim3A_362 : f32 to vector<16xf32>
      %add3A_364 = arith.constant 0 : i32
      %add3A_365 = arith.addi %mul3A_361, %add3A_364 : i32
      %get3A_366 = arith.index_cast %add3A_365 : i32 to index
      %get3A_367 = tpu.vector_load %arg5[%get3A_366] {strides = array<i32>} : memref<32768xf32, #tpu.memory_space<vmem>>, vector<16xf32>,
      %add3A_368 = arith.constant 0 : i32
      %add3A_369 = arith.addi %mul3A_361, %add3A_368 : i32
      %get3A_370 = arith.index_cast %add3A_369 : i32 to index
      %get3A_371 = tpu.vector_load %arg6[%get3A_370] {strides = array<i32>} : memref<32768xf32, #tpu.memory_space<vmem>>, vector<16xf32>,
      %mul3A_372 = arith.mulf %get3A_367, %get3A_371 : vector<16xf32>
      %add3A_373 = arith.addf %broadcast_in_dim3A_363, %mul3A_372 : vector<16xf32>
      %add3A_374 = arith.constant 16 : i32
      %add3A_375 = arith.addi %mul3A_361, %add3A_374 : i32
      %get3A_376 = arith.index_cast %add3A_375 : i32 to index
      %get3A_377 = tpu.vector_load %arg5[%get3A_376] {strides = array<i32>} : memref<32768xf32, #tpu.memory_space<vmem>>, vector<16xf32>,
      %add3A_378 = arith.constant 16 : i32
      %add3A_379 = arith.addi %mul3A_361, %add3A_378 : i32
      %get3A_380 = arith.index_cast %add3A_379 : i32 to index
      %get3A_381 = tpu.vector_load %arg6[%get3A_380] {strides = array<i32>} : memref<32768xf32, #tpu.memory_space<vmem>>, vector<16xf32>,
      %mul3A_382 = arith.mulf %get3A_377, %get3A_381 : vector<16xf32>
      %add3A_383 = arith.addf %add3A_373, %mul3A_382 : vector<16xf32>
      %add3A_384 = arith.constant 32 : i32
      %add3A_385 = arith.addi %mul3A_361, %add3A_384 : i32
      %get3A_386 = arith.index_cast %add3A_385 : i32 to index
      %get3A_387 = tpu.vector_load %arg5[%get3A_386] {strides = array<i32>} : memref<32768xf32, #tpu.memory_space<vmem>>, vector<16xf32>,
      %add3A_388 = arith.constant 32 : i32
      %add3A_389 = arith.addi %mul3A_361, %add3A_388 : i32
      %get3A_390 = arith.index_cast %add3A_389 : i32 to index
      %get3A_391 = tpu.vector_load %arg6[%get3A_390] {strides = array<i32>} : memref<32768xf32, #tpu.memory_space<vmem>>, vector<16xf32>,
      %mul3A_392 = arith.mulf %get3A_387, %get3A_391 : vector<16xf32>
      %add3A_393 = arith.addf %add3A_383, %mul3A_392 : vector<16xf32>
      %add3A_394 = arith.constant 48 : i32
      %add3A_395 = arith.addi %mul3A_361, %add3A_394 : i32
      %get3A_396 = arith.index_cast %add3A_395 : i32 to index
      %get3A_397 = tpu.vector_load %arg5[%get3A_396] {strides = array<i32>} : memref<32768xf32, #tpu.memory_space<vmem>>, vector<16xf32>,
      %add3A_398 = arith.constant 48 : i32
      %add3A_399 = arith.addi %mul3A_361, %add3A_398 : i32
      %get3A_400 = arith.index_cast %add3A_399 : i32 to index
      %get3A_401 = tpu.vector_load %arg6[%get3A_400] {strides = array<i32>} : memref<32768xf32, #tpu.memory_space<vmem>>, vector<16xf32>,
      %mul3A_402 = arith.mulf %get3A_397, %get3A_401 : vector<16xf32>
      %add3A_403 = arith.addf %add3A_393, %mul3A_402 : vector<16xf32>
      %reduce_sum3A_404 = arith.constant true
      %reduce_sum3A_405 = vector.broadcast %reduce_sum3A_404 : i1 to vector<16xi1>
      %reduce_sum3A_406 = tpu.scan <sum>, %add3A_403 masked %reduce_sum3A_405 : vector<16xf32>, vector<16xi1> -> vector<16xf32>
      %reduce_sum3A_407 = vector.extract %reduce_sum3A_406[15] : f32 from vector<16xf32>
      %eq3A_408 = arith.constant 6 : i32
      %eq3A_409 = vector.broadcast %eq3A_408 : i32 to vector<16xi32>
      %eq3A_410 = arith.cmpi eq, %iota3A, %eq3A_409 : vector<16xi32>
      %broadcast_in_dim3A_411 = vector.broadcast %reduce_sum3A_407 : f32 to vector<16xf32>
      %select_n3A_412 = arith.select %eq3A_410, %broadcast_in_dim3A_411, %select_n3A_355 : vector<16xi1>, vector<16xf32>
      %mul3A_413 = arith.constant 16 : i32
      %mul3A_414 = arith.muli %scan3A_16, %mul3A_413 : i32
      %add3A_415 = arith.constant 7 : i32
      %add3A_416 = arith.addi %mul3A_414, %add3A_415 : i32
      %mul3A_417 = arith.constant 64 : i32
      %mul3A_418 = arith.muli %add3A_416, %mul3A_417 : i32
      %broadcast_in_dim3A_419 = arith.constant 0.000000e+00 : f32
      %broadcast_in_dim3A_420 = vector.broadcast %broadcast_in_dim3A_419 : f32 to vector<16xf32>
      %add3A_421 = arith.constant 0 : i32
      %add3A_422 = arith.addi %mul3A_418, %add3A_421 : i32
      %get3A_423 = arith.index_cast %add3A_422 : i32 to index
      %get3A_424 = tpu.vector_load %arg5[%get3A_423] {strides = array<i32>} : memref<32768xf32, #tpu.memory_space<vmem>>, vector<16xf32>,
      %add3A_425 = arith.constant 0 : i32
      %add3A_426 = arith.addi %mul3A_418, %add3A_425 : i32
      %get3A_427 = arith.index_cast %add3A_426 : i32 to index
      %get3A_428 = tpu.vector_load %arg6[%get3A_427] {strides = array<i32>} : memref<32768xf32, #tpu.memory_space<vmem>>, vector<16xf32>,
      %mul3A_429 = arith.mulf %get3A_424, %get3A_428 : vector<16xf32>
      %add3A_430 = arith.addf %broadcast_in_dim3A_420, %mul3A_429 : vector<16xf32>
      %add3A_431 = arith.constant 16 : i32
      %add3A_432 = arith.addi %mul3A_418, %add3A_431 : i32
      %get3A_433 = arith.index_cast %add3A_432 : i32 to index
      %get3A_434 = tpu.vector_load %arg5[%get3A_433] {strides = array<i32>} : memref<32768xf32, #tpu.memory_space<vmem>>, vector<16xf32>,
      %add3A_435 = arith.constant 16 : i32
      %add3A_436 = arith.addi %mul3A_418, %add3A_435 : i32
      %get3A_437 = arith.index_cast %add3A_436 : i32 to index
      %get3A_438 = tpu.vector_load %arg6[%get3A_437] {strides = array<i32>} : memref<32768xf32, #tpu.memory_space<vmem>>, vector<16xf32>,
      %mul3A_439 = arith.mulf %get3A_434, %get3A_438 : vector<16xf32>
      %add3A_440 = arith.addf %add3A_430, %mul3A_439 : vector<16xf32>
      %add3A_441 = arith.constant 32 : i32
      %add3A_442 = arith.addi %mul3A_418, %add3A_441 : i32
      %get3A_443 = arith.index_cast %add3A_442 : i32 to index
      %get3A_444 = tpu.vector_load %arg5[%get3A_443] {strides = array<i32>} : memref<32768xf32, #tpu.memory_space<vmem>>, vector<16xf32>,
      %add3A_445 = arith.constant 32 : i32
      %add3A_446 = arith.addi %mul3A_418, %add3A_445 : i32
      %get3A_447 = arith.index_cast %add3A_446 : i32 to index
      %get3A_448 = tpu.vector_load %arg6[%get3A_447] {strides = array<i32>} : memref<32768xf32, #tpu.memory_space<vmem>>, vector<16xf32>,
      %mul3A_449 = arith.mulf %get3A_444, %get3A_448 : vector<16xf32>
      %add3A_450 = arith.addf %add3A_440, %mul3A_449 : vector<16xf32>
      %add3A_451 = arith.constant 48 : i32
      %add3A_452 = arith.addi %mul3A_418, %add3A_451 : i32
      %get3A_453 = arith.index_cast %add3A_452 : i32 to index
      %get3A_454 = tpu.vector_load %arg5[%get3A_453] {strides = array<i32>} : memref<32768xf32, #tpu.memory_space<vmem>>, vector<16xf32>,
      %add3A_455 = arith.constant 48 : i32
      %add3A_456 = arith.addi %mul3A_418, %add3A_455 : i32
      %get3A_457 = arith.index_cast %add3A_456 : i32 to index
      %get3A_458 = tpu.vector_load %arg6[%get3A_457] {strides = array<i32>} : memref<32768xf32, #tpu.memory_space<vmem>>, vector<16xf32>,
      %mul3A_459 = arith.mulf %get3A_454, %get3A_458 : vector<16xf32>
      %add3A_460 = arith.addf %add3A_450, %mul3A_459 : vector<16xf32>
      %reduce_sum3A_461 = arith.constant true
      %reduce_sum3A_462 = vector.broadcast %reduce_sum3A_461 : i1 to vector<16xi1>
      %reduce_sum3A_463 = tpu.scan <sum>, %add3A_460 masked %reduce_sum3A_462 : vector<16xf32>, vector<16xi1> -> vector<16xf32>
      %reduce_sum3A_464 = vector.extract %reduce_sum3A_463[15] : f32 from vector<16xf32>
      %eq3A_465 = arith.constant 7 : i32
      %eq3A_466 = vector.broadcast %eq3A_465 : i32 to vector<16xi32>
      %eq3A_467 = arith.cmpi eq, %iota3A, %eq3A_466 : vector<16xi32>
      %broadcast_in_dim3A_468 = vector.broadcast %reduce_sum3A_464 : f32 to vector<16xf32>
      %select_n3A_469 = arith.select %eq3A_467, %broadcast_in_dim3A_468, %select_n3A_412 : vector<16xi1>, vector<16xf32>
      %mul3A_470 = arith.constant 16 : i32
      %mul3A_471 = arith.muli %scan3A_16, %mul3A_470 : i32
      %add3A_472 = arith.constant 8 : i32
      %add3A_473 = arith.addi %mul3A_471, %add3A_472 : i32
      %mul3A_474 = arith.constant 64 : i32
      %mul3A_475 = arith.muli %add3A_473, %mul3A_474 : i32
      %broadcast_in_dim3A_476 = arith.constant 0.000000e+00 : f32
      %broadcast_in_dim3A_477 = vector.broadcast %broadcast_in_dim3A_476 : f32 to vector<16xf32>
      %add3A_478 = arith.constant 0 : i32
      %add3A_479 = arith.addi %mul3A_475, %add3A_478 : i32
      %get3A_480 = arith.index_cast %add3A_479 : i32 to index
      %get3A_481 = tpu.vector_load %arg5[%get3A_480] {strides = array<i32>} : memref<32768xf32, #tpu.memory_space<vmem>>, vector<16xf32>,
      %add3A_482 = arith.constant 0 : i32
      %add3A_483 = arith.addi %mul3A_475, %add3A_482 : i32
      %get3A_484 = arith.index_cast %add3A_483 : i32 to index
      %get3A_485 = tpu.vector_load %arg6[%get3A_484] {strides = array<i32>} : memref<32768xf32, #tpu.memory_space<vmem>>, vector<16xf32>,
      %mul3A_486 = arith.mulf %get3A_481, %get3A_485 : vector<16xf32>
      %add3A_487 = arith.addf %broadcast_in_dim3A_477, %mul3A_486 : vector<16xf32>
      %add3A_488 = arith.constant 16 : i32
      %add3A_489 = arith.addi %mul3A_475, %add3A_488 : i32
      %get3A_490 = arith.index_cast %add3A_489 : i32 to index
      %get3A_491 = tpu.vector_load %arg5[%get3A_490] {strides = array<i32>} : memref<32768xf32, #tpu.memory_space<vmem>>, vector<16xf32>,
      %add3A_492 = arith.constant 16 : i32
      %add3A_493 = arith.addi %mul3A_475, %add3A_492 : i32
      %get3A_494 = arith.index_cast %add3A_493 : i32 to index
      %get3A_495 = tpu.vector_load %arg6[%get3A_494] {strides = array<i32>} : memref<32768xf32, #tpu.memory_space<vmem>>, vector<16xf32>,
      %mul3A_496 = arith.mulf %get3A_491, %get3A_495 : vector<16xf32>
      %add3A_497 = arith.addf %add3A_487, %mul3A_496 : vector<16xf32>
      %add3A_498 = arith.constant 32 : i32
      %add3A_499 = arith.addi %mul3A_475, %add3A_498 : i32
      %get3A_500 = arith.index_cast %add3A_499 : i32 to index
      %get3A_501 = tpu.vector_load %arg5[%get3A_500] {strides = array<i32>} : memref<32768xf32, #tpu.memory_space<vmem>>, vector<16xf32>,
      %add3A_502 = arith.constant 32 : i32
      %add3A_503 = arith.addi %mul3A_475, %add3A_502 : i32
      %get3A_504 = arith.index_cast %add3A_503 : i32 to index
      %get3A_505 = tpu.vector_load %arg6[%get3A_504] {strides = array<i32>} : memref<32768xf32, #tpu.memory_space<vmem>>, vector<16xf32>,
      %mul3A_506 = arith.mulf %get3A_501, %get3A_505 : vector<16xf32>
      %add3A_507 = arith.addf %add3A_497, %mul3A_506 : vector<16xf32>
      %add3A_508 = arith.constant 48 : i32
      %add3A_509 = arith.addi %mul3A_475, %add3A_508 : i32
      %get3A_510 = arith.index_cast %add3A_509 : i32 to index
      %get3A_511 = tpu.vector_load %arg5[%get3A_510] {strides = array<i32>} : memref<32768xf32, #tpu.memory_space<vmem>>, vector<16xf32>,
      %add3A_512 = arith.constant 48 : i32
      %add3A_513 = arith.addi %mul3A_475, %add3A_512 : i32
      %get3A_514 = arith.index_cast %add3A_513 : i32 to index
      %get3A_515 = tpu.vector_load %arg6[%get3A_514] {strides = array<i32>} : memref<32768xf32, #tpu.memory_space<vmem>>, vector<16xf32>,
      %mul3A_516 = arith.mulf %get3A_511, %get3A_515 : vector<16xf32>
      %add3A_517 = arith.addf %add3A_507, %mul3A_516 : vector<16xf32>
      %reduce_sum3A_518 = arith.constant true
      %reduce_sum3A_519 = vector.broadcast %reduce_sum3A_518 : i1 to vector<16xi1>
      %reduce_sum3A_520 = tpu.scan <sum>, %add3A_517 masked %reduce_sum3A_519 : vector<16xf32>, vector<16xi1> -> vector<16xf32>
      %reduce_sum3A_521 = vector.extract %reduce_sum3A_520[15] : f32 from vector<16xf32>
      %eq3A_522 = arith.constant 8 : i32
      %eq3A_523 = vector.broadcast %eq3A_522 : i32 to vector<16xi32>
      %eq3A_524 = arith.cmpi eq, %iota3A, %eq3A_523 : vector<16xi32>
      %broadcast_in_dim3A_525 = vector.broadcast %reduce_sum3A_521 : f32 to vector<16xf32>
      %select_n3A_526 = arith.select %eq3A_524, %broadcast_in_dim3A_525, %select_n3A_469 : vector<16xi1>, vector<16xf32>
      %mul3A_527 = arith.constant 16 : i32
      %mul3A_528 = arith.muli %scan3A_16, %mul3A_527 : i32
      %add3A_529 = arith.constant 9 : i32
      %add3A_530 = arith.addi %mul3A_528, %add3A_529 : i32
      %mul3A_531 = arith.constant 64 : i32
      %mul3A_532 = arith.muli %add3A_530, %mul3A_531 : i32
      %broadcast_in_dim3A_533 = arith.constant 0.000000e+00 : f32
      %broadcast_in_dim3A_534 = vector.broadcast %broadcast_in_dim3A_533 : f32 to vector<16xf32>
      %add3A_535 = arith.constant 0 : i32
      %add3A_536 = arith.addi %mul3A_532, %add3A_535 : i32
      %get3A_537 = arith.index_cast %add3A_536 : i32 to index
      %get3A_538 = tpu.vector_load %arg5[%get3A_537] {strides = array<i32>} : memref<32768xf32, #tpu.memory_space<vmem>>, vector<16xf32>,
      %add3A_539 = arith.constant 0 : i32
      %add3A_540 = arith.addi %mul3A_532, %add3A_539 : i32
      %get3A_541 = arith.index_cast %add3A_540 : i32 to index
      %get3A_542 = tpu.vector_load %arg6[%get3A_541] {strides = array<i32>} : memref<32768xf32, #tpu.memory_space<vmem>>, vector<16xf32>,
      %mul3A_543 = arith.mulf %get3A_538, %get3A_542 : vector<16xf32>
      %add3A_544 = arith.addf %broadcast_in_dim3A_534, %mul3A_543 : vector<16xf32>
      %add3A_545 = arith.constant 16 : i32
      %add3A_546 = arith.addi %mul3A_532, %add3A_545 : i32
      %get3A_547 = arith.index_cast %add3A_546 : i32 to index
      %get3A_548 = tpu.vector_load %arg5[%get3A_547] {strides = array<i32>} : memref<32768xf32, #tpu.memory_space<vmem>>, vector<16xf32>,
      %add3A_549 = arith.constant 16 : i32
      %add3A_550 = arith.addi %mul3A_532, %add3A_549 : i32
      %get3A_551 = arith.index_cast %add3A_550 : i32 to index
      %get3A_552 = tpu.vector_load %arg6[%get3A_551] {strides = array<i32>} : memref<32768xf32, #tpu.memory_space<vmem>>, vector<16xf32>,
      %mul3A_553 = arith.mulf %get3A_548, %get3A_552 : vector<16xf32>
      %add3A_554 = arith.addf %add3A_544, %mul3A_553 : vector<16xf32>
      %add3A_555 = arith.constant 32 : i32
      %add3A_556 = arith.addi %mul3A_532, %add3A_555 : i32
      %get3A_557 = arith.index_cast %add3A_556 : i32 to index
      %get3A_558 = tpu.vector_load %arg5[%get3A_557] {strides = array<i32>} : memref<32768xf32, #tpu.memory_space<vmem>>, vector<16xf32>,
      %add3A_559 = arith.constant 32 : i32
      %add3A_560 = arith.addi %mul3A_532, %add3A_559 : i32
      %get3A_561 = arith.index_cast %add3A_560 : i32 to index
      %get3A_562 = tpu.vector_load %arg6[%get3A_561] {strides = array<i32>} : memref<32768xf32, #tpu.memory_space<vmem>>, vector<16xf32>,
      %mul3A_563 = arith.mulf %get3A_558, %get3A_562 : vector<16xf32>
      %add3A_564 = arith.addf %add3A_554, %mul3A_563 : vector<16xf32>
      %add3A_565 = arith.constant 48 : i32
      %add3A_566 = arith.addi %mul3A_532, %add3A_565 : i32
      %get3A_567 = arith.index_cast %add3A_566 : i32 to index
      %get3A_568 = tpu.vector_load %arg5[%get3A_567] {strides = array<i32>} : memref<32768xf32, #tpu.memory_space<vmem>>, vector<16xf32>,
      %add3A_569 = arith.constant 48 : i32
      %add3A_570 = arith.addi %mul3A_532, %add3A_569 : i32
      %get3A_571 = arith.index_cast %add3A_570 : i32 to index
      %get3A_572 = tpu.vector_load %arg6[%get3A_571] {strides = array<i32>} : memref<32768xf32, #tpu.memory_space<vmem>>, vector<16xf32>,
      %mul3A_573 = arith.mulf %get3A_568, %get3A_572 : vector<16xf32>
      %add3A_574 = arith.addf %add3A_564, %mul3A_573 : vector<16xf32>
      %reduce_sum3A_575 = arith.constant true
      %reduce_sum3A_576 = vector.broadcast %reduce_sum3A_575 : i1 to vector<16xi1>
      %reduce_sum3A_577 = tpu.scan <sum>, %add3A_574 masked %reduce_sum3A_576 : vector<16xf32>, vector<16xi1> -> vector<16xf32>
      %reduce_sum3A_578 = vector.extract %reduce_sum3A_577[15] : f32 from vector<16xf32>
      %eq3A_579 = arith.constant 9 : i32
      %eq3A_580 = vector.broadcast %eq3A_579 : i32 to vector<16xi32>
      %eq3A_581 = arith.cmpi eq, %iota3A, %eq3A_580 : vector<16xi32>
      %broadcast_in_dim3A_582 = vector.broadcast %reduce_sum3A_578 : f32 to vector<16xf32>
      %select_n3A_583 = arith.select %eq3A_581, %broadcast_in_dim3A_582, %select_n3A_526 : vector<16xi1>, vector<16xf32>
      %mul3A_584 = arith.constant 16 : i32
      %mul3A_585 = arith.muli %scan3A_16, %mul3A_584 : i32
      %add3A_586 = arith.constant 10 : i32
      %add3A_587 = arith.addi %mul3A_585, %add3A_586 : i32
      %mul3A_588 = arith.constant 64 : i32
      %mul3A_589 = arith.muli %add3A_587, %mul3A_588 : i32
      %broadcast_in_dim3A_590 = arith.constant 0.000000e+00 : f32
      %broadcast_in_dim3A_591 = vector.broadcast %broadcast_in_dim3A_590 : f32 to vector<16xf32>
      %add3A_592 = arith.constant 0 : i32
      %add3A_593 = arith.addi %mul3A_589, %add3A_592 : i32
      %get3A_594 = arith.index_cast %add3A_593 : i32 to index
      %get3A_595 = tpu.vector_load %arg5[%get3A_594] {strides = array<i32>} : memref<32768xf32, #tpu.memory_space<vmem>>, vector<16xf32>,
      %add3A_596 = arith.constant 0 : i32
      %add3A_597 = arith.addi %mul3A_589, %add3A_596 : i32
      %get3A_598 = arith.index_cast %add3A_597 : i32 to index
      %get3A_599 = tpu.vector_load %arg6[%get3A_598] {strides = array<i32>} : memref<32768xf32, #tpu.memory_space<vmem>>, vector<16xf32>,
      %mul3A_600 = arith.mulf %get3A_595, %get3A_599 : vector<16xf32>
      %add3A_601 = arith.addf %broadcast_in_dim3A_591, %mul3A_600 : vector<16xf32>
      %add3A_602 = arith.constant 16 : i32
      %add3A_603 = arith.addi %mul3A_589, %add3A_602 : i32
      %get3A_604 = arith.index_cast %add3A_603 : i32 to index
      %get3A_605 = tpu.vector_load %arg5[%get3A_604] {strides = array<i32>} : memref<32768xf32, #tpu.memory_space<vmem>>, vector<16xf32>,
      %add3A_606 = arith.constant 16 : i32
      %add3A_607 = arith.addi %mul3A_589, %add3A_606 : i32
      %get3A_608 = arith.index_cast %add3A_607 : i32 to index
      %get3A_609 = tpu.vector_load %arg6[%get3A_608] {strides = array<i32>} : memref<32768xf32, #tpu.memory_space<vmem>>, vector<16xf32>,
      %mul3A_610 = arith.mulf %get3A_605, %get3A_609 : vector<16xf32>
      %add3A_611 = arith.addf %add3A_601, %mul3A_610 : vector<16xf32>
      %add3A_612 = arith.constant 32 : i32
      %add3A_613 = arith.addi %mul3A_589, %add3A_612 : i32
      %get3A_614 = arith.index_cast %add3A_613 : i32 to index
      %get3A_615 = tpu.vector_load %arg5[%get3A_614] {strides = array<i32>} : memref<32768xf32, #tpu.memory_space<vmem>>, vector<16xf32>,
      %add3A_616 = arith.constant 32 : i32
      %add3A_617 = arith.addi %mul3A_589, %add3A_616 : i32
      %get3A_618 = arith.index_cast %add3A_617 : i32 to index
      %get3A_619 = tpu.vector_load %arg6[%get3A_618] {strides = array<i32>} : memref<32768xf32, #tpu.memory_space<vmem>>, vector<16xf32>,
      %mul3A_620 = arith.mulf %get3A_615, %get3A_619 : vector<16xf32>
      %add3A_621 = arith.addf %add3A_611, %mul3A_620 : vector<16xf32>
      %add3A_622 = arith.constant 48 : i32
      %add3A_623 = arith.addi %mul3A_589, %add3A_622 : i32
      %get3A_624 = arith.index_cast %add3A_623 : i32 to index
      %get3A_625 = tpu.vector_load %arg5[%get3A_624] {strides = array<i32>} : memref<32768xf32, #tpu.memory_space<vmem>>, vector<16xf32>,
      %add3A_626 = arith.constant 48 : i32
      %add3A_627 = arith.addi %mul3A_589, %add3A_626 : i32
      %get3A_628 = arith.index_cast %add3A_627 : i32 to index
      %get3A_629 = tpu.vector_load %arg6[%get3A_628] {strides = array<i32>} : memref<32768xf32, #tpu.memory_space<vmem>>, vector<16xf32>,
      %mul3A_630 = arith.mulf %get3A_625, %get3A_629 : vector<16xf32>
      %add3A_631 = arith.addf %add3A_621, %mul3A_630 : vector<16xf32>
      %reduce_sum3A_632 = arith.constant true
      %reduce_sum3A_633 = vector.broadcast %reduce_sum3A_632 : i1 to vector<16xi1>
      %reduce_sum3A_634 = tpu.scan <sum>, %add3A_631 masked %reduce_sum3A_633 : vector<16xf32>, vector<16xi1> -> vector<16xf32>
      %reduce_sum3A_635 = vector.extract %reduce_sum3A_634[15] : f32 from vector<16xf32>
      %eq3A_636 = arith.constant 10 : i32
      %eq3A_637 = vector.broadcast %eq3A_636 : i32 to vector<16xi32>
      %eq3A_638 = arith.cmpi eq, %iota3A, %eq3A_637 : vector<16xi32>
      %broadcast_in_dim3A_639 = vector.broadcast %reduce_sum3A_635 : f32 to vector<16xf32>
      %select_n3A_640 = arith.select %eq3A_638, %broadcast_in_dim3A_639, %select_n3A_583 : vector<16xi1>, vector<16xf32>
      %mul3A_641 = arith.constant 16 : i32
      %mul3A_642 = arith.muli %scan3A_16, %mul3A_641 : i32
      %add3A_643 = arith.constant 11 : i32
      %add3A_644 = arith.addi %mul3A_642, %add3A_643 : i32
      %mul3A_645 = arith.constant 64 : i32
      %mul3A_646 = arith.muli %add3A_644, %mul3A_645 : i32
      %broadcast_in_dim3A_647 = arith.constant 0.000000e+00 : f32
      %broadcast_in_dim3A_648 = vector.broadcast %broadcast_in_dim3A_647 : f32 to vector<16xf32>
      %add3A_649 = arith.constant 0 : i32
      %add3A_650 = arith.addi %mul3A_646, %add3A_649 : i32
      %get3A_651 = arith.index_cast %add3A_650 : i32 to index
      %get3A_652 = tpu.vector_load %arg5[%get3A_651] {strides = array<i32>} : memref<32768xf32, #tpu.memory_space<vmem>>, vector<16xf32>,
      %add3A_653 = arith.constant 0 : i32
      %add3A_654 = arith.addi %mul3A_646, %add3A_653 : i32
      %get3A_655 = arith.index_cast %add3A_654 : i32 to index
      %get3A_656 = tpu.vector_load %arg6[%get3A_655] {strides = array<i32>} : memref<32768xf32, #tpu.memory_space<vmem>>, vector<16xf32>,
      %mul3A_657 = arith.mulf %get3A_652, %get3A_656 : vector<16xf32>
      %add3A_658 = arith.addf %broadcast_in_dim3A_648, %mul3A_657 : vector<16xf32>
      %add3A_659 = arith.constant 16 : i32
      %add3A_660 = arith.addi %mul3A_646, %add3A_659 : i32
      %get3A_661 = arith.index_cast %add3A_660 : i32 to index
      %get3A_662 = tpu.vector_load %arg5[%get3A_661] {strides = array<i32>} : memref<32768xf32, #tpu.memory_space<vmem>>, vector<16xf32>,
      %add3A_663 = arith.constant 16 : i32
      %add3A_664 = arith.addi %mul3A_646, %add3A_663 : i32
      %get3A_665 = arith.index_cast %add3A_664 : i32 to index
      %get3A_666 = tpu.vector_load %arg6[%get3A_665] {strides = array<i32>} : memref<32768xf32, #tpu.memory_space<vmem>>, vector<16xf32>,
      %mul3A_667 = arith.mulf %get3A_662, %get3A_666 : vector<16xf32>
      %add3A_668 = arith.addf %add3A_658, %mul3A_667 : vector<16xf32>
      %add3A_669 = arith.constant 32 : i32
      %add3A_670 = arith.addi %mul3A_646, %add3A_669 : i32
      %get3A_671 = arith.index_cast %add3A_670 : i32 to index
      %get3A_672 = tpu.vector_load %arg5[%get3A_671] {strides = array<i32>} : memref<32768xf32, #tpu.memory_space<vmem>>, vector<16xf32>,
      %add3A_673 = arith.constant 32 : i32
      %add3A_674 = arith.addi %mul3A_646, %add3A_673 : i32
      %get3A_675 = arith.index_cast %add3A_674 : i32 to index
      %get3A_676 = tpu.vector_load %arg6[%get3A_675] {strides = array<i32>} : memref<32768xf32, #tpu.memory_space<vmem>>, vector<16xf32>,
      %mul3A_677 = arith.mulf %get3A_672, %get3A_676 : vector<16xf32>
      %add3A_678 = arith.addf %add3A_668, %mul3A_677 : vector<16xf32>
      %add3A_679 = arith.constant 48 : i32
      %add3A_680 = arith.addi %mul3A_646, %add3A_679 : i32
      %get3A_681 = arith.index_cast %add3A_680 : i32 to index
      %get3A_682 = tpu.vector_load %arg5[%get3A_681] {strides = array<i32>} : memref<32768xf32, #tpu.memory_space<vmem>>, vector<16xf32>,
      %add3A_683 = arith.constant 48 : i32
      %add3A_684 = arith.addi %mul3A_646, %add3A_683 : i32
      %get3A_685 = arith.index_cast %add3A_684 : i32 to index
      %get3A_686 = tpu.vector_load %arg6[%get3A_685] {strides = array<i32>} : memref<32768xf32, #tpu.memory_space<vmem>>, vector<16xf32>,
      %mul3A_687 = arith.mulf %get3A_682, %get3A_686 : vector<16xf32>
      %add3A_688 = arith.addf %add3A_678, %mul3A_687 : vector<16xf32>
      %reduce_sum3A_689 = arith.constant true
      %reduce_sum3A_690 = vector.broadcast %reduce_sum3A_689 : i1 to vector<16xi1>
      %reduce_sum3A_691 = tpu.scan <sum>, %add3A_688 masked %reduce_sum3A_690 : vector<16xf32>, vector<16xi1> -> vector<16xf32>
      %reduce_sum3A_692 = vector.extract %reduce_sum3A_691[15] : f32 from vector<16xf32>
      %eq3A_693 = arith.constant 11 : i32
      %eq3A_694 = vector.broadcast %eq3A_693 : i32 to vector<16xi32>
      %eq3A_695 = arith.cmpi eq, %iota3A, %eq3A_694 : vector<16xi32>
      %broadcast_in_dim3A_696 = vector.broadcast %reduce_sum3A_692 : f32 to vector<16xf32>
      %select_n3A_697 = arith.select %eq3A_695, %broadcast_in_dim3A_696, %select_n3A_640 : vector<16xi1>, vector<16xf32>
      %mul3A_698 = arith.constant 16 : i32
      %mul3A_699 = arith.muli %scan3A_16, %mul3A_698 : i32
      %add3A_700 = arith.constant 12 : i32
      %add3A_701 = arith.addi %mul3A_699, %add3A_700 : i32
      %mul3A_702 = arith.constant 64 : i32
      %mul3A_703 = arith.muli %add3A_701, %mul3A_702 : i32
      %broadcast_in_dim3A_704 = arith.constant 0.000000e+00 : f32
      %broadcast_in_dim3A_705 = vector.broadcast %broadcast_in_dim3A_704 : f32 to vector<16xf32>
      %add3A_706 = arith.constant 0 : i32
      %add3A_707 = arith.addi %mul3A_703, %add3A_706 : i32
      %get3A_708 = arith.index_cast %add3A_707 : i32 to index
      %get3A_709 = tpu.vector_load %arg5[%get3A_708] {strides = array<i32>} : memref<32768xf32, #tpu.memory_space<vmem>>, vector<16xf32>,
      %add3A_710 = arith.constant 0 : i32
      %add3A_711 = arith.addi %mul3A_703, %add3A_710 : i32
      %get3A_712 = arith.index_cast %add3A_711 : i32 to index
      %get3A_713 = tpu.vector_load %arg6[%get3A_712] {strides = array<i32>} : memref<32768xf32, #tpu.memory_space<vmem>>, vector<16xf32>,
      %mul3A_714 = arith.mulf %get3A_709, %get3A_713 : vector<16xf32>
      %add3A_715 = arith.addf %broadcast_in_dim3A_705, %mul3A_714 : vector<16xf32>
      %add3A_716 = arith.constant 16 : i32
      %add3A_717 = arith.addi %mul3A_703, %add3A_716 : i32
      %get3A_718 = arith.index_cast %add3A_717 : i32 to index
      %get3A_719 = tpu.vector_load %arg5[%get3A_718] {strides = array<i32>} : memref<32768xf32, #tpu.memory_space<vmem>>, vector<16xf32>,
      %add3A_720 = arith.constant 16 : i32
      %add3A_721 = arith.addi %mul3A_703, %add3A_720 : i32
      %get3A_722 = arith.index_cast %add3A_721 : i32 to index
      %get3A_723 = tpu.vector_load %arg6[%get3A_722] {strides = array<i32>} : memref<32768xf32, #tpu.memory_space<vmem>>, vector<16xf32>,
      %mul3A_724 = arith.mulf %get3A_719, %get3A_723 : vector<16xf32>
      %add3A_725 = arith.addf %add3A_715, %mul3A_724 : vector<16xf32>
      %add3A_726 = arith.constant 32 : i32
      %add3A_727 = arith.addi %mul3A_703, %add3A_726 : i32
      %get3A_728 = arith.index_cast %add3A_727 : i32 to index
      %get3A_729 = tpu.vector_load %arg5[%get3A_728] {strides = array<i32>} : memref<32768xf32, #tpu.memory_space<vmem>>, vector<16xf32>,
      %add3A_730 = arith.constant 32 : i32
      %add3A_731 = arith.addi %mul3A_703, %add3A_730 : i32
      %get3A_732 = arith.index_cast %add3A_731 : i32 to index
      %get3A_733 = tpu.vector_load %arg6[%get3A_732] {strides = array<i32>} : memref<32768xf32, #tpu.memory_space<vmem>>, vector<16xf32>,
      %mul3A_734 = arith.mulf %get3A_729, %get3A_733 : vector<16xf32>
      %add3A_735 = arith.addf %add3A_725, %mul3A_734 : vector<16xf32>
      %add3A_736 = arith.constant 48 : i32
      %add3A_737 = arith.addi %mul3A_703, %add3A_736 : i32
      %get3A_738 = arith.index_cast %add3A_737 : i32 to index
      %get3A_739 = tpu.vector_load %arg5[%get3A_738] {strides = array<i32>} : memref<32768xf32, #tpu.memory_space<vmem>>, vector<16xf32>,
      %add3A_740 = arith.constant 48 : i32
      %add3A_741 = arith.addi %mul3A_703, %add3A_740 : i32
      %get3A_742 = arith.index_cast %add3A_741 : i32 to index
      %get3A_743 = tpu.vector_load %arg6[%get3A_742] {strides = array<i32>} : memref<32768xf32, #tpu.memory_space<vmem>>, vector<16xf32>,
      %mul3A_744 = arith.mulf %get3A_739, %get3A_743 : vector<16xf32>
      %add3A_745 = arith.addf %add3A_735, %mul3A_744 : vector<16xf32>
      %reduce_sum3A_746 = arith.constant true
      %reduce_sum3A_747 = vector.broadcast %reduce_sum3A_746 : i1 to vector<16xi1>
      %reduce_sum3A_748 = tpu.scan <sum>, %add3A_745 masked %reduce_sum3A_747 : vector<16xf32>, vector<16xi1> -> vector<16xf32>
      %reduce_sum3A_749 = vector.extract %reduce_sum3A_748[15] : f32 from vector<16xf32>
      %eq3A_750 = arith.constant 12 : i32
      %eq3A_751 = vector.broadcast %eq3A_750 : i32 to vector<16xi32>
      %eq3A_752 = arith.cmpi eq, %iota3A, %eq3A_751 : vector<16xi32>
      %broadcast_in_dim3A_753 = vector.broadcast %reduce_sum3A_749 : f32 to vector<16xf32>
      %select_n3A_754 = arith.select %eq3A_752, %broadcast_in_dim3A_753, %select_n3A_697 : vector<16xi1>, vector<16xf32>
      %mul3A_755 = arith.constant 16 : i32
      %mul3A_756 = arith.muli %scan3A_16, %mul3A_755 : i32
      %add3A_757 = arith.constant 13 : i32
      %add3A_758 = arith.addi %mul3A_756, %add3A_757 : i32
      %mul3A_759 = arith.constant 64 : i32
      %mul3A_760 = arith.muli %add3A_758, %mul3A_759 : i32
      %broadcast_in_dim3A_761 = arith.constant 0.000000e+00 : f32
      %broadcast_in_dim3A_762 = vector.broadcast %broadcast_in_dim3A_761 : f32 to vector<16xf32>
      %add3A_763 = arith.constant 0 : i32
      %add3A_764 = arith.addi %mul3A_760, %add3A_763 : i32
      %get3A_765 = arith.index_cast %add3A_764 : i32 to index
      %get3A_766 = tpu.vector_load %arg5[%get3A_765] {strides = array<i32>} : memref<32768xf32, #tpu.memory_space<vmem>>, vector<16xf32>,
      %add3A_767 = arith.constant 0 : i32
      %add3A_768 = arith.addi %mul3A_760, %add3A_767 : i32
      %get3A_769 = arith.index_cast %add3A_768 : i32 to index
      %get3A_770 = tpu.vector_load %arg6[%get3A_769] {strides = array<i32>} : memref<32768xf32, #tpu.memory_space<vmem>>, vector<16xf32>,
      %mul3A_771 = arith.mulf %get3A_766, %get3A_770 : vector<16xf32>
      %add3A_772 = arith.addf %broadcast_in_dim3A_762, %mul3A_771 : vector<16xf32>
      %add3A_773 = arith.constant 16 : i32
      %add3A_774 = arith.addi %mul3A_760, %add3A_773 : i32
      %get3A_775 = arith.index_cast %add3A_774 : i32 to index
      %get3A_776 = tpu.vector_load %arg5[%get3A_775] {strides = array<i32>} : memref<32768xf32, #tpu.memory_space<vmem>>, vector<16xf32>,
      %add3A_777 = arith.constant 16 : i32
      %add3A_778 = arith.addi %mul3A_760, %add3A_777 : i32
      %get3A_779 = arith.index_cast %add3A_778 : i32 to index
      %get3A_780 = tpu.vector_load %arg6[%get3A_779] {strides = array<i32>} : memref<32768xf32, #tpu.memory_space<vmem>>, vector<16xf32>,
      %mul3A_781 = arith.mulf %get3A_776, %get3A_780 : vector<16xf32>
      %add3A_782 = arith.addf %add3A_772, %mul3A_781 : vector<16xf32>
      %add3A_783 = arith.constant 32 : i32
      %add3A_784 = arith.addi %mul3A_760, %add3A_783 : i32
      %get3A_785 = arith.index_cast %add3A_784 : i32 to index
      %get3A_786 = tpu.vector_load %arg5[%get3A_785] {strides = array<i32>} : memref<32768xf32, #tpu.memory_space<vmem>>, vector<16xf32>,
      %add3A_787 = arith.constant 32 : i32
      %add3A_788 = arith.addi %mul3A_760, %add3A_787 : i32
      %get3A_789 = arith.index_cast %add3A_788 : i32 to index
      %get3A_790 = tpu.vector_load %arg6[%get3A_789] {strides = array<i32>} : memref<32768xf32, #tpu.memory_space<vmem>>, vector<16xf32>,
      %mul3A_791 = arith.mulf %get3A_786, %get3A_790 : vector<16xf32>
      %add3A_792 = arith.addf %add3A_782, %mul3A_791 : vector<16xf32>
      %add3A_793 = arith.constant 48 : i32
      %add3A_794 = arith.addi %mul3A_760, %add3A_793 : i32
      %get3A_795 = arith.index_cast %add3A_794 : i32 to index
      %get3A_796 = tpu.vector_load %arg5[%get3A_795] {strides = array<i32>} : memref<32768xf32, #tpu.memory_space<vmem>>, vector<16xf32>,
      %add3A_797 = arith.constant 48 : i32
      %add3A_798 = arith.addi %mul3A_760, %add3A_797 : i32
      %get3A_799 = arith.index_cast %add3A_798 : i32 to index
      %get3A_800 = tpu.vector_load %arg6[%get3A_799] {strides = array<i32>} : memref<32768xf32, #tpu.memory_space<vmem>>, vector<16xf32>,
      %mul3A_801 = arith.mulf %get3A_796, %get3A_800 : vector<16xf32>
      %add3A_802 = arith.addf %add3A_792, %mul3A_801 : vector<16xf32>
      %reduce_sum3A_803 = arith.constant true
      %reduce_sum3A_804 = vector.broadcast %reduce_sum3A_803 : i1 to vector<16xi1>
      %reduce_sum3A_805 = tpu.scan <sum>, %add3A_802 masked %reduce_sum3A_804 : vector<16xf32>, vector<16xi1> -> vector<16xf32>
      %reduce_sum3A_806 = vector.extract %reduce_sum3A_805[15] : f32 from vector<16xf32>
      %eq3A_807 = arith.constant 13 : i32
      %eq3A_808 = vector.broadcast %eq3A_807 : i32 to vector<16xi32>
      %eq3A_809 = arith.cmpi eq, %iota3A, %eq3A_808 : vector<16xi32>
      %broadcast_in_dim3A_810 = vector.broadcast %reduce_sum3A_806 : f32 to vector<16xf32>
      %select_n3A_811 = arith.select %eq3A_809, %broadcast_in_dim3A_810, %select_n3A_754 : vector<16xi1>, vector<16xf32>
      %mul3A_812 = arith.constant 16 : i32
      %mul3A_813 = arith.muli %scan3A_16, %mul3A_812 : i32
      %add3A_814 = arith.constant 14 : i32
      %add3A_815 = arith.addi %mul3A_813, %add3A_814 : i32
      %mul3A_816 = arith.constant 64 : i32
      %mul3A_817 = arith.muli %add3A_815, %mul3A_816 : i32
      %broadcast_in_dim3A_818 = arith.constant 0.000000e+00 : f32
      %broadcast_in_dim3A_819 = vector.broadcast %broadcast_in_dim3A_818 : f32 to vector<16xf32>
      %add3A_820 = arith.constant 0 : i32
      %add3A_821 = arith.addi %mul3A_817, %add3A_820 : i32
      %get3A_822 = arith.index_cast %add3A_821 : i32 to index
      %get3A_823 = tpu.vector_load %arg5[%get3A_822] {strides = array<i32>} : memref<32768xf32, #tpu.memory_space<vmem>>, vector<16xf32>,
      %add3A_824 = arith.constant 0 : i32
      %add3A_825 = arith.addi %mul3A_817, %add3A_824 : i32
      %get3A_826 = arith.index_cast %add3A_825 : i32 to index
      %get3A_827 = tpu.vector_load %arg6[%get3A_826] {strides = array<i32>} : memref<32768xf32, #tpu.memory_space<vmem>>, vector<16xf32>,
      %mul3A_828 = arith.mulf %get3A_823, %get3A_827 : vector<16xf32>
      %add3A_829 = arith.addf %broadcast_in_dim3A_819, %mul3A_828 : vector<16xf32>
      %add3A_830 = arith.constant 16 : i32
      %add3A_831 = arith.addi %mul3A_817, %add3A_830 : i32
      %get3A_832 = arith.index_cast %add3A_831 : i32 to index
      %get3A_833 = tpu.vector_load %arg5[%get3A_832] {strides = array<i32>} : memref<32768xf32, #tpu.memory_space<vmem>>, vector<16xf32>,
      %add3A_834 = arith.constant 16 : i32
      %add3A_835 = arith.addi %mul3A_817, %add3A_834 : i32
      %get3A_836 = arith.index_cast %add3A_835 : i32 to index
      %get3A_837 = tpu.vector_load %arg6[%get3A_836] {strides = array<i32>} : memref<32768xf32, #tpu.memory_space<vmem>>, vector<16xf32>,
      %mul3A_838 = arith.mulf %get3A_833, %get3A_837 : vector<16xf32>
      %add3A_839 = arith.addf %add3A_829, %mul3A_838 : vector<16xf32>
      %add3A_840 = arith.constant 32 : i32
      %add3A_841 = arith.addi %mul3A_817, %add3A_840 : i32
      %get3A_842 = arith.index_cast %add3A_841 : i32 to index
      %get3A_843 = tpu.vector_load %arg5[%get3A_842] {strides = array<i32>} : memref<32768xf32, #tpu.memory_space<vmem>>, vector<16xf32>,
      %add3A_844 = arith.constant 32 : i32
      %add3A_845 = arith.addi %mul3A_817, %add3A_844 : i32
      %get3A_846 = arith.index_cast %add3A_845 : i32 to index
      %get3A_847 = tpu.vector_load %arg6[%get3A_846] {strides = array<i32>} : memref<32768xf32, #tpu.memory_space<vmem>>, vector<16xf32>,
      %mul3A_848 = arith.mulf %get3A_843, %get3A_847 : vector<16xf32>
      %add3A_849 = arith.addf %add3A_839, %mul3A_848 : vector<16xf32>
      %add3A_850 = arith.constant 48 : i32
      %add3A_851 = arith.addi %mul3A_817, %add3A_850 : i32
      %get3A_852 = arith.index_cast %add3A_851 : i32 to index
      %get3A_853 = tpu.vector_load %arg5[%get3A_852] {strides = array<i32>} : memref<32768xf32, #tpu.memory_space<vmem>>, vector<16xf32>,
      %add3A_854 = arith.constant 48 : i32
      %add3A_855 = arith.addi %mul3A_817, %add3A_854 : i32
      %get3A_856 = arith.index_cast %add3A_855 : i32 to index
      %get3A_857 = tpu.vector_load %arg6[%get3A_856] {strides = array<i32>} : memref<32768xf32, #tpu.memory_space<vmem>>, vector<16xf32>,
      %mul3A_858 = arith.mulf %get3A_853, %get3A_857 : vector<16xf32>
      %add3A_859 = arith.addf %add3A_849, %mul3A_858 : vector<16xf32>
      %reduce_sum3A_860 = arith.constant true
      %reduce_sum3A_861 = vector.broadcast %reduce_sum3A_860 : i1 to vector<16xi1>
      %reduce_sum3A_862 = tpu.scan <sum>, %add3A_859 masked %reduce_sum3A_861 : vector<16xf32>, vector<16xi1> -> vector<16xf32>
      %reduce_sum3A_863 = vector.extract %reduce_sum3A_862[15] : f32 from vector<16xf32>
      %eq3A_864 = arith.constant 14 : i32
      %eq3A_865 = vector.broadcast %eq3A_864 : i32 to vector<16xi32>
      %eq3A_866 = arith.cmpi eq, %iota3A, %eq3A_865 : vector<16xi32>
      %broadcast_in_dim3A_867 = vector.broadcast %reduce_sum3A_863 : f32 to vector<16xf32>
      %select_n3A_868 = arith.select %eq3A_866, %broadcast_in_dim3A_867, %select_n3A_811 : vector<16xi1>, vector<16xf32>
      %mul3A_869 = arith.constant 16 : i32
      %mul3A_870 = arith.muli %scan3A_16, %mul3A_869 : i32
      %add3A_871 = arith.constant 15 : i32
      %add3A_872 = arith.addi %mul3A_870, %add3A_871 : i32
      %mul3A_873 = arith.constant 64 : i32
      %mul3A_874 = arith.muli %add3A_872, %mul3A_873 : i32
      %broadcast_in_dim3A_875 = arith.constant 0.000000e+00 : f32
      %broadcast_in_dim3A_876 = vector.broadcast %broadcast_in_dim3A_875 : f32 to vector<16xf32>
      %add3A_877 = arith.constant 0 : i32
      %add3A_878 = arith.addi %mul3A_874, %add3A_877 : i32
      %get3A_879 = arith.index_cast %add3A_878 : i32 to index
      %get3A_880 = tpu.vector_load %arg5[%get3A_879] {strides = array<i32>} : memref<32768xf32, #tpu.memory_space<vmem>>, vector<16xf32>,
      %add3A_881 = arith.constant 0 : i32
      %add3A_882 = arith.addi %mul3A_874, %add3A_881 : i32
      %get3A_883 = arith.index_cast %add3A_882 : i32 to index
      %get3A_884 = tpu.vector_load %arg6[%get3A_883] {strides = array<i32>} : memref<32768xf32, #tpu.memory_space<vmem>>, vector<16xf32>,
      %mul3A_885 = arith.mulf %get3A_880, %get3A_884 : vector<16xf32>
      %add3A_886 = arith.addf %broadcast_in_dim3A_876, %mul3A_885 : vector<16xf32>
      %add3A_887 = arith.constant 16 : i32
      %add3A_888 = arith.addi %mul3A_874, %add3A_887 : i32
      %get3A_889 = arith.index_cast %add3A_888 : i32 to index
      %get3A_890 = tpu.vector_load %arg5[%get3A_889] {strides = array<i32>} : memref<32768xf32, #tpu.memory_space<vmem>>, vector<16xf32>,
      %add3A_891 = arith.constant 16 : i32
      %add3A_892 = arith.addi %mul3A_874, %add3A_891 : i32
      %get3A_893 = arith.index_cast %add3A_892 : i32 to index
      %get3A_894 = tpu.vector_load %arg6[%get3A_893] {strides = array<i32>} : memref<32768xf32, #tpu.memory_space<vmem>>, vector<16xf32>,
      %mul3A_895 = arith.mulf %get3A_890, %get3A_894 : vector<16xf32>
      %add3A_896 = arith.addf %add3A_886, %mul3A_895 : vector<16xf32>
      %add3A_897 = arith.constant 32 : i32
      %add3A_898 = arith.addi %mul3A_874, %add3A_897 : i32
      %get3A_899 = arith.index_cast %add3A_898 : i32 to index
      %get3A_900 = tpu.vector_load %arg5[%get3A_899] {strides = array<i32>} : memref<32768xf32, #tpu.memory_space<vmem>>, vector<16xf32>,
      %add3A_901 = arith.constant 32 : i32
      %add3A_902 = arith.addi %mul3A_874, %add3A_901 : i32
      %get3A_903 = arith.index_cast %add3A_902 : i32 to index
      %get3A_904 = tpu.vector_load %arg6[%get3A_903] {strides = array<i32>} : memref<32768xf32, #tpu.memory_space<vmem>>, vector<16xf32>,
      %mul3A_905 = arith.mulf %get3A_900, %get3A_904 : vector<16xf32>
      %add3A_906 = arith.addf %add3A_896, %mul3A_905 : vector<16xf32>
      %add3A_907 = arith.constant 48 : i32
      %add3A_908 = arith.addi %mul3A_874, %add3A_907 : i32
      %get3A_909 = arith.index_cast %add3A_908 : i32 to index
      %get3A_910 = tpu.vector_load %arg5[%get3A_909] {strides = array<i32>} : memref<32768xf32, #tpu.memory_space<vmem>>, vector<16xf32>,
      %add3A_911 = arith.constant 48 : i32
      %add3A_912 = arith.addi %mul3A_874, %add3A_911 : i32
      %get3A_913 = arith.index_cast %add3A_912 : i32 to index
      %get3A_914 = tpu.vector_load %arg6[%get3A_913] {strides = array<i32>} : memref<32768xf32, #tpu.memory_space<vmem>>, vector<16xf32>,
      %mul3A_915 = arith.mulf %get3A_910, %get3A_914 : vector<16xf32>
      %add3A_916 = arith.addf %add3A_906, %mul3A_915 : vector<16xf32>
      %reduce_sum3A_917 = arith.constant true
      %reduce_sum3A_918 = vector.broadcast %reduce_sum3A_917 : i1 to vector<16xi1>
      %reduce_sum3A_919 = tpu.scan <sum>, %add3A_916 masked %reduce_sum3A_918 : vector<16xf32>, vector<16xi1> -> vector<16xf32>
      %reduce_sum3A_920 = vector.extract %reduce_sum3A_919[15] : f32 from vector<16xf32>
      %eq3A_921 = arith.constant 15 : i32
      %eq3A_922 = vector.broadcast %eq3A_921 : i32 to vector<16xi32>
      %eq3A_923 = arith.cmpi eq, %iota3A, %eq3A_922 : vector<16xi32>
      %broadcast_in_dim3A_924 = vector.broadcast %reduce_sum3A_920 : f32 to vector<16xf32>
      %select_n3A_925 = arith.select %eq3A_923, %broadcast_in_dim3A_924, %select_n3A_868 : vector<16xi1>, vector<16xf32>
      %neg3A = arith.constant 0.000000e+00 : f32
      %neg3A_926 = vector.broadcast %neg3A : f32 to vector<16xf32>
      %neg3A_927 = arith.subf %neg3A_926, %select_n3A_925 : vector<16xf32>
      %exp3A = math.exp %neg3A_927 : vector<16xf32>
      %add3A_928 = arith.constant 1.000000e+00 : f32
      %add3A_929 = vector.broadcast %add3A_928 : f32 to vector<16xf32>
      %add3A_930 = arith.addf %add3A_929, %exp3A : vector<16xf32>
      %div3A = arith.constant 1.000000e+00 : f32
      %div3A_931 = vector.broadcast %div3A : f32 to vector<16xf32>
      %div3A_932 = arith.divf %div3A_931, %add3A_930 : vector<16xf32>
      %mul3A_933 = arith.constant 16 : i32
      %mul3A_934 = arith.muli %scan3A_16, %mul3A_933 : i32
      %swap3A = arith.index_cast %mul3A_934 : i32 to index
      %swap3A_935 = tpu.vector_load %arg7[%swap3A] {strides = array<i32>} : memref<512xf32, #tpu.memory_space<vmem>>, vector<16xf32>,
      tpu.vector_store %arg7[%swap3A], %div3A_932 {strides = array<i32>} : memref<512xf32, #tpu.memory_space<vmem>>, vector<16xf32>,
    }
    %scan3A_13 = arith.constant 32 : i32
    %mul3A_14 = arith.constant 512 : i32
    %mul3A_15 = arith.muli %add3A, %mul3A_14 : i32
    "tpu.region"() ({
      %run_scoped3A = tpu.sem_alloc : memref<!tpu.dma_semaphore, #tpu.memory_space<semaphore_mem>>
      %dma_start3A = tpu.memref_slice %arg4[%mul3A_15] : memref<16384xf32, #tpu.memory_space<hbm>> -> memref<512xf32, #tpu.memory_space<hbm>>
      %dma_start3A_16 = tpu.memref_slice %arg4[%mul3A_15] : memref<16384xf32, #tpu.memory_space<hbm>> -> memref<512xf32, #tpu.memory_space<hbm>>
      tpu.enqueue_dma source(%arg7 : memref<512xf32, #tpu.memory_space<vmem>>) target(%dma_start3A_16 : memref<512xf32, #tpu.memory_space<hbm>>) target_semaphore(%run_scoped3A : memref<!tpu.dma_semaphore, #tpu.memory_space<semaphore_mem>>)
      %dma_wait3A = tpu.memref_slice %arg4[%mul3A_15] : memref<16384xf32, #tpu.memory_space<hbm>> -> memref<512xf32, #tpu.memory_space<hbm>>
      %dma_wait3A_17 = tpu.memref_slice %arg4[%mul3A_15] : memref<16384xf32, #tpu.memory_space<hbm>> -> memref<512xf32, #tpu.memory_space<hbm>>
      tpu.wait_dma2 semaphore(%run_scoped3A : memref<!tpu.dma_semaphore, #tpu.memory_space<semaphore_mem>>) src(%arg7 : memref<512xf32, #tpu.memory_space<vmem>>) dst(%dma_wait3A_17 : memref<512xf32, #tpu.memory_space<hbm>>)
      tpu.yield
    }) : () -> ()
    return
  }
}

</mosaic_0001>

<sc_bundles>
// kernel: kernel.4.cloned.1.call-start
scs
__scs_entry_jumppad:
0x0: {  	(pc) =	sbr.rel $0x88, $3  }
0x1: {  	(tag) =	ssettag $0x0;
	lr =	simm.s32 $0x1  }
0x2: {  	[smem:$0x3F9D] =	sst lr;
	_ =	strace $0xD0000000  }
0x3: {  	_ = 	snop  }
0x4: {  	_ = 	snop  }
0x5: {  	_ = 	snop  }
0x6: {  	_ = 	snop  }
0x7: {  	_ = 	snop  }
__scs_overlays_trampoline_lowered:
0x8: {  	[smem:$0x3FAC] =	sst s0  }
0x9: {  	[smem:$0x3FAD] =	sst s1  }
0xa: {  	[smem:$0x3FAE] =	sst s2  }
0xb: {  	[smem:$0x3FAF] =	sst s3  }
0xc: {  	[smem:$0x3FB0] =	sst s4  }
0xd: {  	[smem:$0x3FB1] =	sst s5  }
0xe: {  	[smem:$0x3FB2] =	sst s6  }
0xf: {  	[smem:$0x3FB3] =	sst s7  }
0x10: {  	[smem:$0x3FB4] =	sst s8  }
0x11: {  	[smem:$0x3FB5] =	sst s9;
	s0 =	simm.s32 @!p0 $0x0  }
0x12: {  	s1 =	sld [smem:$0x3F9B];
	s0 =	simm.s32 @p0 $0x1  }
0x13: {  	[smem:$0x3FB6] =	sst s0;
	s0 =	simm.s32 @!p1 $0x0  }
0x14: {  	s2 =	sld [smem:$0x3F9A];
	s0 =	simm.s32 @p1 $0x1  }
0x15: {  	[smem:$0x3FB7] =	sst s0;
	s0 =	simm.s32 @!p2 $0x0  }
0x16: {  	s3 =	sld [smem:$0x3FDB];
	s0 =	simm.s32 @p2 $0x1  }
0x17: {  	s4 =	simm.s32 $0x1BF5;
	[smem:$0x3FB9] =	sst s0  }
0x18: {  	s0 =	sld [smem:$0x3F9C];
	_ =	swait.ge [sflag:s4], $0x0  }
0x19: {  	s7 =	sld [smem:$0x3F9D]  }
0x1a: {  	s8 =	sadd.s32 $0xFFFFE003, lr  }
0x1b: {  	s9 =	sadd.s32 $0xFFFFFEF7, lr;
	s5 =	simm.s32 $0xFFFFFFFF;
	p2 =	slt.u32 s8, $0xFFFFF086  }
0x1c: {  	p1 =	slt.u32 s9, $0xF7A;
	s5 =	simm.s32 @!p2 $0x0  }
0x1d: {  	s5 =	simm.s32 @p1 $0x1;
	p0 =	seq.s32 s7, s2  }
0x1e: {  	s7 =	smul.u32 @!p0 $0xF7A, s2;
	p2 =	seq.s32 @!p0 s5, $0x0  }
0x1f: {  	s9 =	smul.u32 $0xF7A, s1;
	s8 =	simm.s32 @!p0 $0x1BF5;
	p2 =	por !p2, p0  }
0x20: {  	[sflag:s8] =	ssyncset.s32 @!p0 $0xFFFFF086;
	s6 =	sadd.s32 @!p0 s3, s7;
	s7 =	simm.s32 @!p0 $0x108  }
0x21: {  	s3 =	sadd.s32 s3, s9;
	s6 =	sadd.s32 @!p0 $0x88, s6;
	s7 =	simm.s32 @p2 $0x1082  }
0x22: {  	[simem:s7], [sflag:s8] =	dma.local @!p0 [hbm:s6], $0xF7A  }
0x23: {  	s9 =	sor.u32 $0xD0000000, s2;
	s6 =	simm.s32 $0x108;
	_ =	swait.ge @!p0 [sflag:s8], $0x0  }
0x24: {  	s3 =	sadd.s32 $0x88, s3;
	s6 =	simm.s32 @!p1 $0x1082;
	[sflag:s4] =	ssyncset.s32 $0xFFFFF086  }
0x25: {  	[simem:s6], [sflag:s4] =	dma.local [hbm:s3], $0xF7A  }
0x26: {  	[smem:$0x3F9D] =	sst s1;
	(tag) =	ssettag s2;
	_ =	strace s9  }
0x27: {  	s1 =	sld [smem:$0x3FAD]  }
0x28: {  	s2 =	sld [smem:$0x3FAE]  }
0x29: {  	s4 =	sld [smem:$0x3FB0]  }
0x2a: {  	p0 =	seq.s32 s5, $0x0;
	s5 =	sld [smem:$0x3FB1]  }
0x2b: {  	s6 =	sld [smem:$0x3FB2]  }
0x2c: {  	s7 =	sld [smem:$0x3FB3]  }
0x2d: {  	s3 =	simm.s32 $0x108;
	s8 =	sld [smem:$0x3FB4]  }
0x2e: {  	s3 =	simm.s32 @!p0 $0x1082;
	s9 =	sld [smem:$0x3FB5]  }
0x2f: {  	lr =	sadd.s32 s0, s3;
	s0 =	sld [smem:$0x3FAC]  }
0x30: {  	s3 =	sld [smem:$0x3FAF]  }
0x31: {  	[smem:$0x3FB8] =	sst s10  }
0x32: {  	s10 =	sld [smem:$0x3FB6];
	_ =	sdelay $0x3  }
0x33: {  	p0 =	seq.s32 s10, $0x1;
	s10 =	sld [smem:$0x3FB8];
	_ =	sdelay $0x3  }
0x34: {  	[smem:$0x3FB8] =	sst s10  }
0x35: {  	s10 =	sld [smem:$0x3FB7];
	_ =	sdelay $0x3  }
0x36: {  	p1 =	seq.s32 s10, $0x1;
	s10 =	sld [smem:$0x3FB8];
	_ =	sdelay $0x3  }
0x37: {  	[smem:$0x3FB8] =	sst s10  }
0x38: {  	s10 =	sld [smem:$0x3FB9]  }
0x39: {  	_ = 	snop;
	(pc) =	sbr.ind lr, $3  }
0x3a: {  	_ = 	snop  }
0x3b: {  	_ = 	snop  }
0x3c: {  	p2 =	seq.s32 s10, $0x1;
	s10 =	sld [smem:$0x3FB8]  }
0x3d: {  	_ =	shalt  }
0x3e: {  	_ =	shalt  }
0x3f: {  	_ =	shalt  }
0x40: {  	_ =	shalt  }
0x41: {  	_ =	shalt  }
0x42: {  	_ =	shalt  }
0x43: {  	_ =	shalt  }
0x44: {  	_ =	shalt  }
0x45: {  	_ =	shalt  }
0x46: {  	_ =	shalt  }
0x47: {  	_ =	shalt  }
0x48: {  	_ =	shalt  }
0x49: {  	_ =	shalt  }
0x4a: {  	_ =	shalt  }
0x4b: {  	_ =	shalt  }
0x4c: {  	_ =	shalt  }
0x4d: {  	_ =	shalt  }
0x4e: {  	_ =	shalt  }
0x4f: {  	_ =	shalt  }
0x50: {  	_ =	shalt  }
0x51: {  	_ =	shalt  }
0x52: {  	_ =	shalt  }
0x53: {  	_ =	shalt  }
0x54: {  	_ =	shalt  }
0x55: {  	_ =	shalt  }
0x56: {  	_ =	shalt  }
0x57: {  	_ =	shalt  }
0x58: {  	_ =	shalt  }
0x59: {  	_ =	shalt  }
0x5a: {  	_ =	shalt  }
0x5b: {  	_ =	shalt  }
0x5c: {  	_ =	shalt  }
0x5d: {  	_ =	shalt  }
0x5e: {  	_ =	shalt  }
0x5f: {  	_ =	shalt  }
0x60: {  	_ =	shalt  }
0x61: {  	_ =	shalt  }
0x62: {  	_ =	shalt  }
0x63: {  	_ =	shalt  }
0x64: {  	_ =	shalt  }
0x65: {  	_ =	shalt  }
0x66: {  	_ =	shalt  }
0x67: {  	_ =	shalt  }
0x68: {  	_ =	shalt  }
0x69: {  	_ =	shalt  }
0x6a: {  	_ =	shalt  }
0x6b: {  	_ =	shalt  }
0x6c: {  	_ =	shalt  }
0x6d: {  	_ =	shalt  }
0x6e: {  	_ =	shalt  }
0x6f: {  	_ =	shalt  }
0x70: {  	_ =	shalt  }
0x71: {  	_ =	shalt  }
0x72: {  	_ =	shalt  }
0x73: {  	_ =	shalt  }
0x74: {  	_ =	shalt  }
0x75: {  	_ =	shalt  }
0x76: {  	_ =	shalt  }
0x77: {  	_ =	shalt  }
0x78: {  	_ =	shalt  }
0x79: {  	_ =	shalt  }
0x7a: {  	_ =	shalt  }
0x7b: {  	_ =	shalt  }
0x7c: {  	_ =	shalt  }
0x7d: {  	_ =	shalt  }
0x7e: {  	_ =	shalt  }
0x7f: {  	_ =	shalt  }
0x80: {  	_ =	shalt  }
0x81: {  	_ =	shalt  }
0x82: {  	_ =	shalt  }
0x83: {  	_ =	shalt  }
0x84: {  	_ =	shalt  }
0x85: {  	_ =	shalt  }
0x86: {  	_ =	shalt  }
0x87: {  	_ =	shalt  }
.Lfunc_end0:
.L_simem_size_0:
called_computation_lowered:
.L_overlay_start_0:
0x88: {  	s2 =	sld [smem:$0x3FD9]  }
0x89: {  	s3 =	sld [smem:$0x3FFE];
	_ =	sdelay $0x1  }
0x8a: {  	s1 =	srdreg.scid  }
0x8b: {  	s0 =	sand.u32 $0x1, s1  }
0x8c: {  	s17 =	sshll.u32 s0, $0xA;
	s2 =	sadd.s32 s3, s2  }
0x8d: {  	s2 =	sadd.s32 s2, s17  }
0x8e: {  	[smem:$0x3FC4] =	sst s2  }
0x8f: {  	_ = 	snop  }
0x90: {  	s2 =	sld [smem:$0x3FC7]  }
0x91: {  	s18 =	sld [smem:$0x3FC6]  }
0x92: {  	s4 =	sld [smem:$0x3FD0];
	(tm) =	ssettm $0x1  }
0x93: {  	s5 =	sld [smem:$0x3FFB];
	_ =	sdelay $0x3  }
0x94: {  	_ =	strace s5  }
0x95: {  	s5 =	sld [smem:$0x3FFC];
	_ =	sdelay $0x3  }
0x96: {  	_ =	strace s5  }
0x97: {  	s5 =	sld [smem:$0x3FFD];
	_ =	sdelay $0x3  }
0x98: {  	_ =	strace s5  }
0x99: {  	_ =	strace $0x8FFFFFFF  }
0x9a: {  	s19 =	sld [smem:$0x3FDB];
	_ =	sdelay $0x1  }
0x9b: {  	s6 =	simm.s32 $_scs_section_size  }
0x9c: {  	s7 =	simm.s32 $_size__tile_overlayer_lowered;
	s8 =	simm.s32 $_tile_overlayer_lowered  }
0x9d: {  	s22 =	simm.s32 $0x1BFF;
	s21 =	sshll.u32 s8, $0x1;
	s5 =	sadd.s32 s6, s19  }
0x9e: {  	s9 =	simm.s32 $0x0;
	s20 =	sshll.u32 s7, $0x1;
	s7 =	sadd.s32 s21, s5  }
0x9f: {  	[timem:s9], [sflag:s22] =	dma.local [hbm:s7], s20  }
0xa0: {  	_ =	swait.ge [sflag:s22], s20  }
0xa1: {  	s6 =	ssub.s32 $0x0, s20;
	[sflag:s22] =	ssyncset.done $0x0  }
0xa2: {  	[sflag:s22] =	ssyncadd.s32 s6;
	_ =	sdelay $0x1  }
0xa3: {  	s23 =	simm.s32 $0x1B8B  }
0xa4: {  	_ =	swait.ge [sflag:s23], $0x1  }
0xa5: {  	[sflag:s23] =	ssyncset.done $0x0  }
0xa6: {  	s25 =	simm.s32 $0x1B8E;
	s24 =	sld [smem:$0x3FFE];
	[sflag:s23] =	ssyncadd.s32 $0xFFFFFFFF  }
0xa7: {  	s26 =	simm.s32 $execute0_lowered;
	[smem:$0x3FD2] =	sst s25  }
0xa8: {  	s7 =	sshll.u32 s26, $0x1;
	_ =	strace $0x80000046;
	[dreg:$0x1] =	wrdreg $0xFFFFFFFF  }
0xa9: {  	s28 =	simm.s32 $_size_execute0_lowered;
	s5 =	sadd.s32 s5, s7;
	[dreg:$0x0] =	wrdreg $0x0  }
0xaa: {  	s7 =	sshll.u32 s28, $0x1;
	[dreg:$0x2] =	wrdreg s5  }
0xab: {  	[dreg:$0x3] =	wrdreg s7  }
0xac: {  	[dreg:$0x4] =	wrdreg $0xC0  }
0xad: {  	_ =	task [dreg:s9], $0x5FFFF  }
0xae: {  	[dreg:$0x1] =	wrdreg $0xFFFFFFFF  }
0xaf: {  	[dreg:$0x0] =	wrdreg $0x60  }
0xb0: {  	[dreg:$0x2] =	wrdreg s4  }
0xb1: {  	[dreg:$0x3] =	wrdreg s24  }
0xb2: {  	[dreg:$0x4] =	wrdreg s2  }
0xb3: {  	[dreg:$0x5] =	wrdreg s18  }
0xb4: {  	[dreg:$0x6] =	wrdreg $0x9  }
0xb5: {  	_ =	task.clear_ibuf [dreg:s9], $0x7FFFF;
	_ =	strace $0x90000046  }
0xb6: {  	s29 =	simm.s32 $0x9;
	_ =	strace $0x80000048  }
0xb7: {  	_ =	swait.ge [sflag:s29], $0x1  }
0xb8: {  	[sflag:s29] =	ssyncadd.s32 $0xFFFFFFFF  }
0xb9: {  	_ =	strace $0x90000048  }
0xba: {  	_ =	sfence  }
0xbb: {  	s30 =	sld [smem:$0x0];
	_ =	sdelay $0x2  }
0xbc: {  	s31 =	sshll.u32 s1, $0xD;
	s1 =	sshrl.u32 s1, $0x2  }
0xbd: {  	s3 =	sand.u32 $0x4000, s31;
	s1 =	sadd.s32 s1, s30  }
0xbe: {  	s0 =	sor.u32 s3, s0;
	s1 =	sshll.u32 s1, $0x11  }
0xbf: {  	s0 =	sor.u32 s1, s0  }
0xc0: {  	s0 =	sadd.s32 $0x8F2B, s0  }
0xc1: {  	[sflag:s0] =	ssyncadd.remote.s32 $0x1  }
0xc2: {  	_ =	sfence.sel $0xFFFF  }
0xc3: {  	[dreg:$0x0] =	wrdreg $0xFFFFFFFF;
	(pc) =	sbr.abs _section_cstart, $3  }
0xc4: {  	[dreg:$0x1] =	wrdreg $0xFFFFFFFF  }
0xc5: {  	_ =	task.clear_ibuf [dreg:s9], $0x2FFFF;
	_ =	strace $0x9FFFFFFF  }
0xc6: {  	(tm) =	ssettm $0x7FFFFFFF  }
0xc7: {  	_ =	shalt  }
tec
execute0_lowered:
.L_overlay_start_1:
0x0: {  	(tag) =	ssettag $0x1  }
0x1: {  	s7 =	rddreg [dreg:$0x0]  }
0x2: {  	s8 =	rddreg [dreg:$0x1]  }
0x3: {  	s1 =	rddreg [dreg:$0x2]  }
0x4: {  	s2 =	rddreg [dreg:$0x3]  }
0x5: {  	s0 =	rddreg [dreg:$0x4];
	s3 =	simm.s32 $0x0;
	s6 =	srdreg.scid  }
0x6: {  	s4 =	stileid.u32;
	s13 =	simm.s32 $0x280;
	s14 =	simm.s32 $0x400  }
0x7: {  	v0 =	vimm.s32 $0xEDCBA987;
	s15 =	simm.s32 $0x7A1400;
	s16 =	simm.s32 $0x1;
	s17 =	simm.s32 $0x2  }
0x8: {  	v1 =	vimm.s32 $0x65432100;
	s18 =	simm.s32 $0xA00;
	s19 =	simm.s32 $0xC3800;
	s20 =	simm.s32 $0x0;
	v0 =	vunpack.c.l.s4.s8 v0  }
0x9: {  	[smem:$0x7FF] =	sst s3;
	s5 =	sadd.s32 $0x1800, s8;
	s6 =	sand.u32 $0x1, s6;
	v1 =	vunpack.c.l.s4.s8 v1  }
.Ltmp0:
0xa: {  	s11 =	sshll.u32 s4, $0x6;
	s9 =	ssub.s32 $0x2, s6;
	v2 =	vunpack.c.0.s8.s32 v0;
	(pc) =	sbr.rel .LBB2_1-.Ltmp0, $4  }
0xb: {  	_ =	strace $0x80000047;
	s10 =	sshll.u32 s6, $0xA;
	s12 =	sshrl.u32 s9, $0x1;
	v3 =	vunpack.c.0.s8.s32 v1;
	v0 =	vlaneseq.u32  }
0xc: {  	s6 =	sadd.s32 $0x21800, s8;
	s10 =	sor.u32 s11, s10;
	s31 =	ssub.s32 s9, s12;
	v1 =	vmul.u32 $0x80, v0;
	v2 =	vand.u32 $0xF, v2  }
0xd: {  	s7 =	sadd.s32 s7, s10;
	s8 =	sadd.s32 s8, s10;
	s12 =	simm.s32 $0x3;
	v2 =	vcombine.low v3, v2;
	v3 =	vimm.s32 $0x200  }
0xe: {  	s9 =	sadd.s32 $0x1000, s8;
	s10 =	sadd.s32 $0x800, s8;
	s11 =	smax.u32 s31, $0x1;
	v4 =	vor.u32 $0x800, v1;
	v5 =	vor.u32 $0x1000, v1;
	v6 =	vor.u32 $0x1800, v1  }
.LBB2_36:
0xf: {  	[sflag:s17] =	ssyncadd.s32 $0xFFFFFFC0  }
.LBB2_37:
0x10: {  	s20 =	sadd.s32 $0x1, s20  }
0x11: {  	p0 =	sne.s32 s20, s11  }
.Ltmp1:
0x12: {  	_ = 	snop;
	(pc) =	sbr.rel @!p0 .LBB2_38-.Ltmp1, $1  }
0x13: {  	_ =	sdelay $0x3  }
.LBB2_1:
0x14: {  	[tilespmem:s3], [sflag:$0x3] =	stream.linear.gather [hbm4b:s7+s3], $0x200, $0x38;
	[tilespmem:$0x10E00] =	vst v63  }
0x15: {  	_ =	swait.ge [sflag:s12], $0x200  }
0x16: {  	[sflag:s12] =	ssyncset.done $0x0  }
0x17: {  	[sflag:s12] =	ssyncadd.s32 $0xFFFFFE00  }
0x18: {  	[tilespmem:s13], [sflag:$0x3] =	stream.linear.gather [hbm4b:s9+s3], $0x200, $0x38;
	[tilespmem:$0x10E00] =	vst v63  }
0x19: {  	_ =	swait.ge [sflag:s12], $0x200  }
0x1a: {  	[sflag:s12] =	ssyncset.done $0x0  }
0x1b: {  	[sflag:s12] =	ssyncadd.s32 $0xFFFFFE00  }
0x1c: {  	v7 =	vld [tilespmem:s3+$0x0];
	_ =	sdelay $0x4  }
0x1d: {  	v7 =	vshra.s32 v7, $0x7  }
0x1e: {  	v8 =	vperm.xlane v7, v2  }
0x1f: {  	s21 =	simm.s32 $0xFFFFFFFF;
	vm0 =	veq.s32 v0, $0x0  }
0x20: {  	(v2sf) =	vpush v7, $0xF;
	v8 =	vsel vm0, s21, v8  }
0x21: {  	vm1 =	vne.s32 v7, v8  }
0x22: {  	v8 =	vmpcnt.ones.xlane vm1;
	_ =	sdelay $0x1  }
0x23: {  	(v2sf) =	vpush v8, $0x0;
	_ =	sdelay $0x2  }
0x24: {  	[tilespmem:s3+$0x500] =	vst.msk vm1, v7;
	v7 =	vor.u32 s3, v0  }
0x25: {  	s21 =	simm.s32 $0x10;
	[tilespmem:s3+$0x780] =	vst.msk vm1, v7  }
0x26: {  	v7 =	vld [tilespmem:s21+$0x0];
	_ =	sdelay $0x4  }
0x27: {  	v7 =	vshra.s32 v7, $0x7  }
0x28: {  	v8 =	vperm.xlane v7, v2;
	s22 =	spop (v2sf);
	(v2sf) =	vpush v7, $0xF;
	_ =	sdelay $0x1  }
0x29: {  	v8 =	vsel vm0, s22, v8  }
0x2a: {  	s23 =	simm.s32 $0x0;
	vm1 =	vne.s32 v7, v8  }
0x2b: {  	s24 =	simm.s32 $0x10;
	s22 =	simm.s32 $0x20;
	v8 =	vmpcnt.ones.xlane vm1;
	s25 =	spop (v2sf)  }
.LBB2_2:
0x2c: {  	p0 =	sne.s32 s22, $0x1F0  }
0x2d: {  	(v2sf) =	vpush v8, $0x0;
	s23 =	sadd.s32 s23, s25;
	s25 =	smov.u32 s22;
	s22 =	sadd.s32 $0x10, s22  }
0x2e: {  	[tilespmem:s23+$0x500] =	vst.msk vm1, v7;
	v7 =	vor.u32 s21, v0;
	s21 =	smov.u32 s25  }
0x2f: {  	[tilespmem:s23+$0x780] =	vst.msk vm1, v7  }
0x30: {  	s24 =	sadd.s32 $0x10, s24  }
0x31: {  	v7 =	vld [tilespmem:s24+$0x0];
	_ =	sdelay $0x4  }
0x32: {  	v7 =	vshra.s32 v7, $0x7;
	s25 =	spop (v2sf)  }
0x33: {  	v8 =	vperm.xlane v7, v2;
	(v2sf) =	vpush v7, $0xF  }
.Ltmp2:
0x34: {  	(pc) =	sbr.rel @p0 .LBB2_2-.Ltmp2, $4  }
0x35: {  	v8 =	vsel vm0, s25, v8  }
0x36: {  	vm1 =	vne.s32 v7, v8  }
0x37: {  	v8 =	vmpcnt.ones.xlane vm1  }
0x38: {  	s25 =	spop (v2sf)  }
0x39: {  	(v2sf) =	vpush v8, $0x0;
	_ =	sdelay $0xd  }
0x3a: {  	s22 =	spop (v2sf)  }
0x3b: {  	s22 =	sadd.s32 s23, s25;
	s31 =	spop (v2sf)  }
0x3c: {  	[tilespmem:s22+$0x500] =	vst.msk vm1, v7;
	v7 =	vor.u32 s21, v0;
	s21 =	sadd.s32 s22, s31  }
0x3d: {  	p0 =	slt.s32 s21, $0x1  }
.Ltmp3:
0x3e: {  	_ = 	snop;
	(pc) =	sbr.rel @p0 .LBB2_16-.Ltmp3, $3  }
0x3f: {  	_ =	sdelay $0x1  }
0x40: {  	[tilespmem:s22+$0x780] =	vst.msk vm1, v7  }
0x41: {  	[tilespmem:s21+$0x780] =	vst v3  }
0x42: {  	s23 =	smin.u32 s21, $0x7  }
0x43: {  	p1 =	seq.s32 s23, $0x1  }
.Ltmp4:
0x44: {  	_ = 	snop;
	(pc) =	sbr.rel @p1 .LBB2_5-.Ltmp4, $3  }
0x45: {  	_ =	sdelay $0x1  }
0x46: {  	s24 =	simm.s32 $0x500  }
0x47: {  	s22 =	simm.s32 $0xA00;
	p0 =	por $0x0, $0x0;
	v7 =	vld [tilespmem:s24+$0x0];
	s23 =	sadd.s32 $0xFFFFFFFF, s23  }
0x48: {  	_ =	sdelay $0x3  }
0x49: {  	(v2sf) =	vpush v7, $0x0;
	_ =	sdelay $0xe  }
0x4a: {  	s24 =	spop (v2sf)  }
0x4b: {  	p1 =	seq.s32 s23, $0x1;
	s24 =	sshll.u32 s24, $0x7  }
.Ltmp5:
0x4c: {  	s24 =	sand.u32 $0x1FFFFF80, s24;
	(pc) =	sbr.rel @p1 .LBB2_7-.Ltmp5, $4  }
0x4d: {  	s24 =	sadd.s32 s1, s24  }
0x4e: {  	[tilespmem:s22], [sflag:$0x1] =	stream.strided.gather [hbm4b:s24+s14], $0x2000, s15, s14, $0x38;
	[tilespmem:$0x10E00] =	vst v63  }
0x4f: {  	s24 =	simm.s32 $0x501  }
0x50: {  	s25 =	sadd.s32 $0xFFFFFFFF, s23;
	p0 =	por $0x1, $0x1;
	s23 =	simm.s32 $0xA00;
	v7 =	vld [tilespmem:s24+$0x0]  }
.LBB2_8:
0x51: {  	p1 =	seq.s32 s25, $0x1;
	_ =	sdelay $0x3  }
0x52: {  	(v2sf) =	vpush v7, $0x0;
	_ =	sdelay $0xe  }
0x53: {  	s26 =	spop (v2sf)  }
.Ltmp6:
0x54: {  	s26 =	sshll.u32 s26, $0x7;
	(pc) =	sbr.rel @!p1 .LBB2_8-.Ltmp6, $4  }
0x55: {  	s26 =	sand.u32 $0x1FFFFF80, s26  }
0x56: {  	s24 =	sadd.s32 $0x1, s24;
	s23 =	sadd.s32 $0x2000, s23;
	s26 =	sadd.s32 s1, s26  }
0x57: {  	[tilespmem:s23], [sflag:$0x1] =	stream.strided.gather [hbm4b:s26+s14], $0x2000, s15, s14, $0x38;
	[tilespmem:$0x10E00] =	vst v63  }
0x58: {  	s25 =	sadd.s32 $0xFFFFFFFF, s25;
	v7 =	vld [tilespmem:s24+$0x0]  }
.LBB2_9:
0x59: {  	_ =	sdelay $0x3  }
0x5a: {  	(v2sf) =	vpush v7, $0x0;
	_ =	sdelay $0xe  }
0x5b: {  	s24 =	spop (v2sf)  }
.Ltmp7:
0x5c: {  	s24 =	sshll.u32 s24, $0x7;
	(pc) =	sbr.rel .LBB2_10-.Ltmp7, $4  }
0x5d: {  	s23 =	sadd.s32 @p0 $0x2000, s23;
	s24 =	sand.u32 $0x1FFFFF80, s24  }
0x5e: {  	s22 =	smov.u32 @p0 s23;
	s24 =	sadd.s32 s1, s24  }
0x5f: {  	[tilespmem:s22], [sflag:$0x1] =	stream.strided.gather [hbm4b:s24+s14], $0x2000, s15, s14, $0x38;
	[tilespmem:$0x10E00] =	vst v63  }
0x60: {  	s23 =	simm.s32 $0x0;
	s22 =	simm.s32 $0x0  }
.LBB2_11:
0x61: {  	s23 =	sadd.s32 $0x1, s23  }
0x62: {  	p0 =	sne.s32 s23, s21  }
.Ltmp8:
0x63: {  	_ = 	snop;
	(pc) =	sbr.rel @!p0 .LBB2_12-.Ltmp8, $1  }
0x64: {  	_ =	sdelay $0x3  }
.LBB2_10:
0x65: {  	_ =	swait.ge [sflag:s16], $0x2000  }
0x66: {  	s24 =	sadd.s32 $0x7, s23;
	[sflag:s16] =	ssyncset.done $0x0  }
0x67: {  	p0 =	sge.s32 s24, s21;
	[sflag:s16] =	ssyncadd.s32 $0xFFFFE000  }
0x68: {  	v7 =	vld @!p0 [tilespmem:s24+$0x500];
	_ =	sdelay $0x4  }
0x69: {  	(v2sf) =	vpush @!p0 v7, $0x0;
	_ =	sdelay $0xa  }
0x6a: {  	s25 =	sshra.s32 @!p0 s24, $0x1F  }
0x6b: {  	s25 =	sshrl.u32 @!p0 s25, $0x1D  }
0x6c: {  	s25 =	sadd.s32 @!p0 s25, s24  }
0x6d: {  	s25 =	sand.u32 @!p0 $0x1FFF8, s25  }
0x6e: {  	s24 =	ssub.s32 @!p0 s24, s25;
	s25 =	spop @!p0 (v2sf)  }
0x6f: {  	s24 =	sshll.u32 @!p0 s24, $0xF;
	s25 =	sshll.u32 @!p0 s25, $0x7  }
0x70: {  	s26 =	simm.s32 @!p0 $0x400;
	s24 =	sshra.s32 @!p0 s24, $0x2;
	s25 =	sand.u32 @!p0 $0x1FFFFF80, s25  }
0x71: {  	s28 =	simm.s32 @!p0 $0x7A1400;
	s24 =	sor.u32 @!p0 $0xA00, s24;
	s25 =	sadd.s32 @!p0 s1, s25  }
0x72: {  	[tilespmem:s24], [sflag:$0x1] =	stream.strided.gather @!p0 [hbm4b:s25+s26], $0x2000, s28, s26, $0x38;
	[tilespmem:$0x10E00] =	vst v63  }
0x73: {  	v7 =	vld [tilespmem:s23+$0x780]  }
0x74: {  	v8 =	vld [tilespmem:s23+$0x781];
	_ =	sdelay $0x3  }
0x75: {  	(v2sf) =	vpush v7, $0x0  }
0x76: {  	(v2sf) =	vpush v8, $0x0;
	_ =	sdelay $0xd  }
0x77: {  	s24 =	spop (v2sf)  }
0x78: {  	s25 =	spop (v2sf)  }
0x79: {  	p0 =	sge.s32 s24, s25  }
.Ltmp9:
0x7a: {  	_ = 	snop;
	(pc) =	sbr.rel @p0 .LBB2_11-.Ltmp9, $1  }
0x7b: {  	_ =	sdelay $0x3  }
.Ltmp10:
0x7c: {  	(pc) =	sbr.rel .LBB2_22-.Ltmp10, $4  }
0x7d: {  	s26 =	sand.u32 $0x7, s23  }
0x7e: {  	s26 =	sshll.u32 s26, $0xD  }
0x7f: {  	v7 =	vor.u32 s26, v1  }
0x80: {  	v8 =	vor.u32 s26, v4;
	v9 =	vor.u32 s26, v5;
	v10 =	vor.u32 s26, v6  }
.LBB2_25:
0x81: {  	[sflag:s17] =	ssyncadd.s32 $0xFFFFFFC0  }
.LBB2_26:
0x82: {  	v11 =	vld [tilespmem:s24+$0x0];
	_ =	sdelay $0x4  }
0x83: {  	(v2sf) =	vpush v11, $0x0;
	_ =	sdelay $0xe  }
0x84: {  	s28 =	spop (v2sf)  }
0x85: {  	s28 =	sand.u32 $0x7F, s28  }
0x86: {  	v11 =	vor.u32 s28, v7;
	_ =	sdelay $0x3  }
0x87: {  	v12 =	vld [tilespmem:s24+$0x280]  }
0x88: {  	v11 =	vld.idx.msk [tilespmem:v11+s18+$0x0], $0xffff  }
0x89: {  	v13 =	vor.u32 s28, v8;
	_ =	sdelay $0x1  }
0x8a: {  	s29 =	sshll.u32 s26, $0x8  }
0x8b: {  	s29 =	sshra.s32 s29, $0x2  }
0x8c: {  	(v2sf) =	vpush v12, $0x0;
	[tilespmem:s29+$0x10A00] =	vst v11  }
0x8d: {  	v11 =	vld.idx.msk [tilespmem:v13+s18+$0x0], $0xffff  }
0x8e: {  	v62 =	vor.u32 s28, v9;
	_ =	sdelay $0x3  }
0x8f: {  	[tilespmem:s29+$0x10A10] =	vst v11  }
0x90: {  	v11 =	vld.idx.msk [tilespmem:v62+s18+$0x0], $0xffff  }
0x91: {  	v63 =	vor.u32 s28, v10;
	_ =	sdelay $0x3  }
0x92: {  	[tilespmem:s29+$0x10A20] =	vst v11  }
0x93: {  	s24 =	sadd.s32 $0x1, s24;
	v11 =	vld.idx.msk [tilespmem:v63+s18+$0x0], $0xffff  }
0x94: {  	p1 =	seq.s32 s24, s25  }
.Ltmp11:
0x95: {  	s31 =	spop (v2sf);
	(pc) =	sbr.rel @p1 .LBB2_11-.Ltmp11, $4  }
0x96: {  	s28 =	sshll.u32 s31, $0x3  }
0x97: {  	p0 =	seq.s32 s26, $0x0;
	s22 =	sadd.s32 $0x1, s22;
	s28 =	sand.u32 $0x1FFFFFF8, s28  }
0x98: {  	s22 =	simm.s32 @p0 $0x1;
	s28 =	sadd.s32 s5, s28;
	[tilespmem:s29+$0x10A30] =	vst v11;
	s29 =	sadd.s32 $0x10A00, s29  }
0x99: {  	[hbm4b:s28+s3] =	stream.linear.scatter [tilespmem:s29], [sflag:$0x2], $0x40, $0x38;
	[tilespmem:$0x10E00] =	vst v63  }
.LBB2_22:
0x9a: {  	s26 =	sshra.s32 s24, $0x1F  }
0x9b: {  	s26 =	sshrl.u32 s26, $0x1C  }
0x9c: {  	s26 =	sadd.s32 s26, s24  }
0x9d: {  	s26 =	sand.u32 $0xFFFFFFF0, s26  }
0x9e: {  	s26 =	ssub.s32 s24, s26  }
0x9f: {  	p0 =	sne.s32 s26, $0x0  }
0xa0: {  	p1 =	slt.s32 @!p0 s22, $0x1  }
0xa1: {  	p0 =	por p0, p1  }
.Ltmp12:
0xa2: {  	_ = 	snop;
	(pc) =	sbr.rel @p0 .LBB2_26-.Ltmp12, $1  }
0xa3: {  	_ =	sdelay $0x3  }
0xa4: {  	p0 =	sne.s32 s22, $0x1  }
.Ltmp13:
0xa5: {  	_ = 	snop;
	(pc) =	sbr.rel @!p0 .LBB2_25-.Ltmp13, $3  }
0xa6: {  	_ =	sdelay $0x1  }
0xa7: {  	_ =	swait.ge [sflag:s17], $0x40  }
0xa8: {  	s28 =	sadd.s32 $0xFFFFFFFF, s22;
	[sflag:s17] =	ssyncset.done $0x0  }
.LBB2_24:
0xa9: {  	p0 =	sne.s32 s28, $0x1;
	s28 =	sadd.s32 $0xFFFFFFFF, s28;
	[sflag:s17] =	ssyncadd.s32 $0xFFFFFFC0  }
.Ltmp14:
0xaa: {  	(pc) =	sbr.rel @p0 .LBB2_24-.Ltmp14, $3  }
0xab: {  	_ =	sdelay $0x1  }
0xac: {  	_ =	swait.ge [sflag:s17], $0x40  }
0xad: {  	[sflag:s17] =	ssyncset.done $0x0  }
.Ltmp15:
0xae: {  	_ = 	snop;
	(pc) =	sbr.rel .LBB2_25-.Ltmp15, $1  }
0xaf: {  	_ =	sdelay $0x3  }
.LBB2_12:
0xb0: {  	p0 =	sgt.s32 s22, $0x0  }
.Ltmp16:
0xb1: {  	_ = 	snop;
	(pc) =	sbr.rel @!p0 .LBB2_16-.Ltmp16, $1  }
0xb2: {  	_ =	sdelay $0x3  }
0xb3: {  	p0 =	sne.s32 s22, $0x1  }
.Ltmp17:
0xb4: {  	_ = 	snop;
	(pc) =	sbr.rel @!p0 .LBB2_15-.Ltmp17, $3  }
0xb5: {  	_ =	sdelay $0x1  }
0xb6: {  	_ =	swait.ge [sflag:s17], $0x40  }
0xb7: {  	s21 =	sadd.s32 $0xFFFFFFFF, s22;
	[sflag:s17] =	ssyncset.done $0x0  }
.LBB2_14:
0xb8: {  	p0 =	sne.s32 s21, $0x1;
	s21 =	sadd.s32 $0xFFFFFFFF, s21;
	[sflag:s17] =	ssyncadd.s32 $0xFFFFFFC0  }
.Ltmp18:
0xb9: {  	(pc) =	sbr.rel @p0 .LBB2_14-.Ltmp18, $3  }
0xba: {  	_ =	sdelay $0x1  }
0xbb: {  	_ =	swait.ge [sflag:s17], $0x40  }
0xbc: {  	[sflag:s17] =	ssyncset.done $0x0  }
.LBB2_15:
0xbd: {  	[sflag:s17] =	ssyncadd.s32 $0xFFFFFFC0  }
.LBB2_16:
0xbe: {  	s21 =	simm.s32 $0x0  }
0xbf: {  	[tilespmem:s21], [sflag:$0x3] =	stream.linear.gather [hbm4b:s8+s21], $0x200, $0x38;
	[tilespmem:$0x10E00] =	vst v63  }
0xc0: {  	_ =	swait.ge [sflag:s12], $0x200  }
0xc1: {  	[sflag:s12] =	ssyncset.done $0x0  }
0xc2: {  	[sflag:s12] =	ssyncadd.s32 $0xFFFFFE00  }
0xc3: {  	[tilespmem:s13], [sflag:$0x3] =	stream.linear.gather [hbm4b:s10+s21], $0x200, $0x38;
	[tilespmem:$0x10E00] =	vst v63  }
0xc4: {  	_ =	swait.ge [sflag:s12], $0x200  }
0xc5: {  	[sflag:s12] =	ssyncset.done $0x0  }
0xc6: {  	[sflag:s12] =	ssyncadd.s32 $0xFFFFFE00  }
0xc7: {  	v7 =	vld [tilespmem:s21+$0x0];
	_ =	sdelay $0x4  }
0xc8: {  	v7 =	vshra.s32 v7, $0x7  }
0xc9: {  	v8 =	vperm.xlane v7, v2  }
0xca: {  	s22 =	simm.s32 $0xFFFFFFFF;
	vm0 =	veq.s32 v0, $0x0  }
0xcb: {  	(v2sf) =	vpush v7, $0xF;
	v8 =	vsel vm0, s22, v8  }
0xcc: {  	vm1 =	vne.s32 v7, v8  }
0xcd: {  	v8 =	vmpcnt.ones.xlane vm1;
	_ =	sdelay $0x1  }
0xce: {  	(v2sf) =	vpush v8, $0x0;
	_ =	sdelay $0x2  }
0xcf: {  	[tilespmem:s21+$0x500] =	vst.msk vm1, v7;
	v7 =	vor.u32 s21, v0  }
0xd0: {  	s22 =	simm.s32 $0x10;
	[tilespmem:s21+$0x780] =	vst.msk vm1, v7  }
0xd1: {  	v7 =	vld [tilespmem:s22+$0x0];
	_ =	sdelay $0x4  }
0xd2: {  	v7 =	vshra.s32 v7, $0x7  }
0xd3: {  	v8 =	vperm.xlane v7, v2;
	s23 =	spop (v2sf);
	(v2sf) =	vpush v7, $0xF;
	_ =	sdelay $0x1  }
0xd4: {  	v8 =	vsel vm0, s23, v8  }
0xd5: {  	vm1 =	vne.s32 v7, v8  }
0xd6: {  	s24 =	simm.s32 $0x10;
	s23 =	simm.s32 $0x20;
	v8 =	vmpcnt.ones.xlane vm1;
	s25 =	spop (v2sf)  }
.LBB2_17:
0xd7: {  	p0 =	sne.s32 s23, $0x1F0  }
0xd8: {  	(v2sf) =	vpush v8, $0x0;
	s21 =	sadd.s32 s21, s25;
	s25 =	smov.u32 s23;
	s23 =	sadd.s32 $0x10, s23  }
0xd9: {  	[tilespmem:s21+$0x500] =	vst.msk vm1, v7;
	v7 =	vor.u32 s22, v0;
	s22 =	smov.u32 s25  }
0xda: {  	[tilespmem:s21+$0x780] =	vst.msk vm1, v7  }
0xdb: {  	s24 =	sadd.s32 $0x10, s24  }
0xdc: {  	v7 =	vld [tilespmem:s24+$0x0];
	_ =	sdelay $0x4  }
0xdd: {  	v7 =	vshra.s32 v7, $0x7;
	s25 =	spop (v2sf)  }
0xde: {  	v8 =	vperm.xlane v7, v2;
	(v2sf) =	vpush v7, $0xF  }
.Ltmp19:
0xdf: {  	(pc) =	sbr.rel @p0 .LBB2_17-.Ltmp19, $4  }
0xe0: {  	v8 =	vsel vm0, s25, v8  }
0xe1: {  	vm1 =	vne.s32 v7, v8  }
0xe2: {  	v8 =	vmpcnt.ones.xlane vm1  }
0xe3: {  	s25 =	spop (v2sf)  }
0xe4: {  	(v2sf) =	vpush v8, $0x0;
	_ =	sdelay $0xd  }
0xe5: {  	s23 =	spop (v2sf)  }
0xe6: {  	s23 =	sadd.s32 s21, s25;
	s31 =	spop (v2sf)  }
0xe7: {  	s21 =	sadd.s32 s23, s31  }
0xe8: {  	p0 =	slt.s32 s21, $0x1  }
.Ltmp20:
0xe9: {  	_ = 	snop;
	(pc) =	sbr.rel @p0 .LBB2_37-.Ltmp20, $4  }
0xea: {  	_ = 	snop  }
0xeb: {  	[tilespmem:s23+$0x500] =	vst.msk vm1, v7;
	v7 =	vor.u32 s22, v0  }
0xec: {  	[tilespmem:s23+$0x780] =	vst.msk vm1, v7  }
0xed: {  	[tilespmem:s21+$0x780] =	vst v3  }
0xee: {  	s23 =	smin.u32 s21, $0x7  }
0xef: {  	p1 =	seq.s32 s23, $0x1  }
.Ltmp21:
0xf0: {  	_ = 	snop;
	(pc) =	sbr.rel @p1 .LBB2_20-.Ltmp21, $3  }
0xf1: {  	_ =	sdelay $0x1  }
0xf2: {  	s24 =	simm.s32 $0x500  }
0xf3: {  	s22 =	simm.s32 $0xA00;
	p0 =	por $0x0, $0x0;
	v7 =	vld [tilespmem:s24+$0x0];
	s23 =	sadd.s32 $0xFFFFFFFF, s23  }
0xf4: {  	_ =	sdelay $0x3  }
0xf5: {  	(v2sf) =	vpush v7, $0x0;
	_ =	sdelay $0xe  }
0xf6: {  	s24 =	spop (v2sf)  }
0xf7: {  	p1 =	seq.s32 s23, $0x1;
	s24 =	sshll.u32 s24, $0x7  }
.Ltmp22:
0xf8: {  	s24 =	sand.u32 $0x1FFFFF80, s24;
	(pc) =	sbr.rel @p1 .LBB2_28-.Ltmp22, $4  }
0xf9: {  	s24 =	sadd.s32 s2, s24  }
0xfa: {  	[tilespmem:s22], [sflag:$0x1] =	stream.strided.gather [hbm4b:s24+s14], $0x2000, s19, s14, $0x38;
	[tilespmem:$0x10E00] =	vst v63  }
0xfb: {  	s24 =	simm.s32 $0x501  }
0xfc: {  	s25 =	sadd.s32 $0xFFFFFFFF, s23;
	p0 =	por $0x1, $0x1;
	s23 =	simm.s32 $0xA00;
	v7 =	vld [tilespmem:s24+$0x0]  }
.LBB2_29:
0xfd: {  	p1 =	seq.s32 s25, $0x1;
	_ =	sdelay $0x3  }
0xfe: {  	(v2sf) =	vpush v7, $0x0;
	_ =	sdelay $0xe  }
0xff: {  	s26 =	spop (v2sf)  }
.Ltmp23:
0x100: {  	s26 =	sshll.u32 s26, $0x7;
	(pc) =	sbr.rel @!p1 .LBB2_29-.Ltmp23, $4  }
0x101: {  	s26 =	sand.u32 $0x1FFFFF80, s26  }
0x102: {  	s24 =	sadd.s32 $0x1, s24;
	s23 =	sadd.s32 $0x2000, s23;
	s26 =	sadd.s32 s2, s26  }
0x103: {  	[tilespmem:s23], [sflag:$0x1] =	stream.strided.gather [hbm4b:s26+s14], $0x2000, s19, s14, $0x38;
	[tilespmem:$0x10E00] =	vst v63  }
0x104: {  	s25 =	sadd.s32 $0xFFFFFFFF, s25;
	v7 =	vld [tilespmem:s24+$0x0]  }
.LBB2_30:
0x105: {  	_ =	sdelay $0x3  }
0x106: {  	(v2sf) =	vpush v7, $0x0;
	_ =	sdelay $0xe  }
0x107: {  	s24 =	spop (v2sf)  }
.Ltmp24:
0x108: {  	s24 =	sshll.u32 s24, $0x7;
	(pc) =	sbr.rel .LBB2_31-.Ltmp24, $4  }
0x109: {  	s23 =	sadd.s32 @p0 $0x2000, s23;
	s24 =	sand.u32 $0x1FFFFF80, s24  }
0x10a: {  	s22 =	smov.u32 @p0 s23;
	s24 =	sadd.s32 s2, s24  }
0x10b: {  	[tilespmem:s22], [sflag:$0x1] =	stream.strided.gather [hbm4b:s24+s14], $0x2000, s19, s14, $0x38;
	[tilespmem:$0x10E00] =	vst v63  }
0x10c: {  	s23 =	simm.s32 $0x0;
	s22 =	simm.s32 $0x0  }
.LBB2_32:
0x10d: {  	s23 =	sadd.s32 $0x1, s23  }
0x10e: {  	p0 =	sne.s32 s23, s21  }
.Ltmp25:
0x10f: {  	_ = 	snop;
	(pc) =	sbr.rel @!p0 .LBB2_33-.Ltmp25, $1  }
0x110: {  	_ =	sdelay $0x3  }
.LBB2_31:
0x111: {  	_ =	swait.ge [sflag:s16], $0x2000  }
0x112: {  	s24 =	sadd.s32 $0x7, s23;
	[sflag:s16] =	ssyncset.done $0x0  }
0x113: {  	p0 =	sge.s32 s24, s21;
	[sflag:s16] =	ssyncadd.s32 $0xFFFFE000  }
0x114: {  	v7 =	vld @!p0 [tilespmem:s24+$0x500];
	_ =	sdelay $0x4  }
0x115: {  	(v2sf) =	vpush @!p0 v7, $0x0;
	_ =	sdelay $0xa  }
0x116: {  	s25 =	sshra.s32 @!p0 s24, $0x1F  }
0x117: {  	s25 =	sshrl.u32 @!p0 s25, $0x1D  }
0x118: {  	s25 =	sadd.s32 @!p0 s25, s24  }
0x119: {  	s25 =	sand.u32 @!p0 $0x1FFF8, s25  }
0x11a: {  	s24 =	ssub.s32 @!p0 s24, s25;
	s25 =	spop @!p0 (v2sf)  }
0x11b: {  	s24 =	sshll.u32 @!p0 s24, $0xF;
	s25 =	sshll.u32 @!p0 s25, $0x7  }
0x11c: {  	s26 =	simm.s32 @!p0 $0x400;
	s24 =	sshra.s32 @!p0 s24, $0x2;
	s25 =	sand.u32 @!p0 $0x1FFFFF80, s25  }
0x11d: {  	s28 =	simm.s32 @!p0 $0xC3800;
	s24 =	sor.u32 @!p0 $0xA00, s24;
	s25 =	sadd.s32 @!p0 s2, s25  }
0x11e: {  	[tilespmem:s24], [sflag:$0x1] =	stream.strided.gather @!p0 [hbm4b:s25+s26], $0x2000, s28, s26, $0x38;
	[tilespmem:$0x10E00] =	vst v63  }
0x11f: {  	v7 =	vld [tilespmem:s23+$0x780]  }
0x120: {  	v8 =	vld [tilespmem:s23+$0x781];
	_ =	sdelay $0x3  }
0x121: {  	(v2sf) =	vpush v7, $0x0  }
0x122: {  	(v2sf) =	vpush v8, $0x0;
	_ =	sdelay $0xd  }
0x123: {  	s24 =	spop (v2sf)  }
0x124: {  	s25 =	spop (v2sf)  }
0x125: {  	p0 =	sge.s32 s24, s25  }
.Ltmp26:
0x126: {  	_ = 	snop;
	(pc) =	sbr.rel @p0 .LBB2_32-.Ltmp26, $1  }
0x127: {  	_ =	sdelay $0x3  }
.Ltmp27:
0x128: {  	(pc) =	sbr.rel .LBB2_40-.Ltmp27, $4  }
0x129: {  	s26 =	sand.u32 $0x7, s23  }
0x12a: {  	s26 =	sshll.u32 s26, $0xD  }
0x12b: {  	v7 =	vor.u32 s26, v1  }
0x12c: {  	v8 =	vor.u32 s26, v4;
	v9 =	vor.u32 s26, v5;
	v10 =	vor.u32 s26, v6  }
.LBB2_43:
0x12d: {  	[sflag:s17] =	ssyncadd.s32 $0xFFFFFFC0  }
.LBB2_44:
0x12e: {  	v11 =	vld [tilespmem:s24+$0x0];
	_ =	sdelay $0x4  }
0x12f: {  	(v2sf) =	vpush v11, $0x0;
	_ =	sdelay $0xe  }
0x130: {  	s28 =	spop (v2sf)  }
0x131: {  	s28 =	sand.u32 $0x7F, s28  }
0x132: {  	v11 =	vor.u32 s28, v7;
	_ =	sdelay $0x3  }
0x133: {  	v12 =	vld [tilespmem:s24+$0x280]  }
0x134: {  	v11 =	vld.idx.msk [tilespmem:v11+s18+$0x0], $0xffff  }
0x135: {  	v13 =	vor.u32 s28, v8;
	_ =	sdelay $0x1  }
0x136: {  	s29 =	sshll.u32 s26, $0x8  }
0x137: {  	s29 =	sshra.s32 s29, $0x2  }
0x138: {  	(v2sf) =	vpush v12, $0x0;
	[tilespmem:s29+$0x10A00] =	vst v11  }
0x139: {  	v11 =	vld.idx.msk [tilespmem:v13+s18+$0x0], $0xffff  }
0x13a: {  	v62 =	vor.u32 s28, v9;
	_ =	sdelay $0x3  }
0x13b: {  	[tilespmem:s29+$0x10A10] =	vst v11  }
0x13c: {  	v11 =	vld.idx.msk [tilespmem:v62+s18+$0x0], $0xffff  }
0x13d: {  	v63 =	vor.u32 s28, v10;
	_ =	sdelay $0x3  }
0x13e: {  	[tilespmem:s29+$0x10A20] =	vst v11  }
0x13f: {  	s24 =	sadd.s32 $0x1, s24;
	v11 =	vld.idx.msk [tilespmem:v63+s18+$0x0], $0xffff  }
0x140: {  	p1 =	seq.s32 s24, s25  }
.Ltmp28:
0x141: {  	s31 =	spop (v2sf);
	(pc) =	sbr.rel @p1 .LBB2_32-.Ltmp28, $4  }
0x142: {  	s28 =	sshll.u32 s31, $0x3  }
0x143: {  	p0 =	seq.s32 s26, $0x0;
	s22 =	sadd.s32 $0x1, s22;
	s28 =	sand.u32 $0x1FFFFFF8, s28  }
0x144: {  	s22 =	simm.s32 @p0 $0x1;
	s28 =	sadd.s32 s6, s28;
	[tilespmem:s29+$0x10A30] =	vst v11;
	s29 =	sadd.s32 $0x10A00, s29  }
0x145: {  	[hbm4b:s28+s3] =	stream.linear.scatter [tilespmem:s29], [sflag:$0x2], $0x40, $0x38;
	[tilespmem:$0x10E00] =	vst v63  }
.LBB2_40:
0x146: {  	s26 =	sshra.s32 s24, $0x1F  }
0x147: {  	s26 =	sshrl.u32 s26, $0x1C  }
0x148: {  	s26 =	sadd.s32 s26, s24  }
0x149: {  	s26 =	sand.u32 $0xFFFFFFF0, s26  }
0x14a: {  	s26 =	ssub.s32 s24, s26  }
0x14b: {  	p0 =	sne.s32 s26, $0x0  }
0x14c: {  	p1 =	slt.s32 @!p0 s22, $0x1  }
0x14d: {  	p0 =	por p0, p1  }
.Ltmp29:
0x14e: {  	_ = 	snop;
	(pc) =	sbr.rel @p0 .LBB2_44-.Ltmp29, $1  }
0x14f: {  	_ =	sdelay $0x3  }
0x150: {  	p0 =	sne.s32 s22, $0x1  }
.Ltmp30:
0x151: {  	_ = 	snop;
	(pc) =	sbr.rel @!p0 .LBB2_43-.Ltmp30, $3  }
0x152: {  	_ =	sdelay $0x1  }
0x153: {  	_ =	swait.ge [sflag:s17], $0x40  }
0x154: {  	s28 =	sadd.s32 $0xFFFFFFFF, s22;
	[sflag:s17] =	ssyncset.done $0x0  }
.LBB2_42:
0x155: {  	p0 =	sne.s32 s28, $0x1;
	s28 =	sadd.s32 $0xFFFFFFFF, s28;
	[sflag:s17] =	ssyncadd.s32 $0xFFFFFFC0  }
.Ltmp31:
0x156: {  	(pc) =	sbr.rel @p0 .LBB2_42-.Ltmp31, $3  }
0x157: {  	_ =	sdelay $0x1  }
0x158: {  	_ =	swait.ge [sflag:s17], $0x40  }
0x159: {  	[sflag:s17] =	ssyncset.done $0x0  }
.Ltmp32:
0x15a: {  	_ = 	snop;
	(pc) =	sbr.rel .LBB2_43-.Ltmp32, $1  }
0x15b: {  	_ =	sdelay $0x3  }
.LBB2_33:
0x15c: {  	p0 =	sgt.s32 s22, $0x0  }
.Ltmp33:
0x15d: {  	_ = 	snop;
	(pc) =	sbr.rel @!p0 .LBB2_37-.Ltmp33, $1  }
0x15e: {  	_ =	sdelay $0x3  }
0x15f: {  	p0 =	sne.s32 s22, $0x1  }
.Ltmp34:
0x160: {  	_ = 	snop;
	(pc) =	sbr.rel @!p0 .LBB2_36-.Ltmp34, $3  }
0x161: {  	_ =	sdelay $0x1  }
0x162: {  	_ =	swait.ge [sflag:s17], $0x40  }
0x163: {  	s21 =	sadd.s32 $0xFFFFFFFF, s22;
	[sflag:s17] =	ssyncset.done $0x0  }
.LBB2_35:
0x164: {  	p0 =	sne.s32 s21, $0x1;
	s21 =	sadd.s32 $0xFFFFFFFF, s21;
	[sflag:s17] =	ssyncadd.s32 $0xFFFFFFC0  }
.Ltmp35:
0x165: {  	(pc) =	sbr.rel @p0 .LBB2_35-.Ltmp35, $3  }
0x166: {  	_ =	sdelay $0x1  }
0x167: {  	_ =	swait.ge [sflag:s17], $0x40  }
0x168: {  	[sflag:s17] =	ssyncset.done $0x0  }
.Ltmp36:
0x169: {  	_ = 	snop;
	(pc) =	sbr.rel .LBB2_36-.Ltmp36, $1  }
0x16a: {  	_ =	sdelay $0x3  }
.LBB2_5:
.Ltmp37:
0x16b: {  	(pc) =	sbr.rel .LBB2_9-.Ltmp37, $2  }
0x16c: {  	_ =	sdelay $0x2  }
0x16d: {  	s23 =	simm.s32 $0xA00  }
.LBB2_20:
.Ltmp38:
0x16e: {  	(pc) =	sbr.rel .LBB2_30-.Ltmp38, $2  }
0x16f: {  	_ =	sdelay $0x2  }
0x170: {  	s23 =	simm.s32 $0xA00  }
.LBB2_7:
.Ltmp39:
0x171: {  	(pc) =	sbr.rel .LBB2_9-.Ltmp39, $2  }
0x172: {  	_ =	sdelay $0x2  }
0x173: {  	s23 =	simm.s32 $0xA00  }
.LBB2_28:
.Ltmp40:
0x174: {  	(pc) =	sbr.rel .LBB2_30-.Ltmp40, $2  }
0x175: {  	_ =	sdelay $0x2  }
0x176: {  	s23 =	simm.s32 $0xA00  }
.LBB2_38:
0x177: {  	_ =	sfence.sel $0x180000  }
0x178: {  	[bflag:$0x0] =	sbarrier.arrive $0xFFFF  }
0x179: {  	p0 =	sne.s32 s4, $0x0;
	_ =	strace $0x90000047  }
0x17a: {  	s0 =	sadd.s32 @!p0 $0x100000, s0;
	[bflag:$0x2] =	sbarrier.arrive $0xFFFF  }
0x17b: {  	[sflag:s0] =	ssyncadd.tile.s32 @!p0 $0x1;
	_ =	shalt  }
.Lfunc_end2:
_tile_overlayer_lowered:
.L_overlay_start_2:
0x17c: {  	(tag) =	ssettag $0x2  }
0x17d: {  	s0 =	rddreg [dreg:$0x0];
	s2 =	stileid.u32  }
0x17e: {  	s1 =	rddreg [dreg:$0x1];
	p0 =	sne.s32 s2, $0x0  }
0x17f: {  	s3 =	rddreg [dreg:$0x2];
	[bflag:$0x3] =	sbarrier.arrive $0xFFFF;
	s2 =	simm.s32 @!p0 $0x1C03  }
0x180: {  	[timem:s3], [sflag:s2] =	dma.local @!p0 [hbm:s0], s1  }
0x181: {  	s0 =	simm.s32 @!p0 $0x3  }
0x182: {  	_ =	swait.ge @!p0 [sflag:s0], s1  }
0x183: {  	s1 =	ssub.s32 @!p0 $0x0, s1;
	[sflag:s0] =	ssyncset.done @!p0 $0x0  }
0x184: {  	[sflag:s0] =	ssyncadd.s32 @!p0 s1  }
0x185: {  	[bflag:$0x3] =	sbarrier.arrive $0xFFFF  }
0x186: {  	_ =	shalt  }

// kernel: kernel.7.cloned.1.call-start
scs
__scs_entry_jumppad:
0x0: {  	(pc) =	sbr.rel $0x88, $3  }
0x1: {  	(tag) =	ssettag $0x0;
	lr =	simm.s32 $0x1  }
0x2: {  	[smem:$0x3F9D] =	sst lr;
	_ =	strace $0xD0000000  }
0x3: {  	_ = 	snop  }
0x4: {  	_ = 	snop  }
0x5: {  	_ = 	snop  }
0x6: {  	_ = 	snop  }
0x7: {  	_ = 	snop  }
__scs_overlays_trampoline_lowered:
0x8: {  	[smem:$0x3FAC] =	sst s0  }
0x9: {  	[smem:$0x3FAD] =	sst s1  }
0xa: {  	[smem:$0x3FAE] =	sst s2  }
0xb: {  	[smem:$0x3FAF] =	sst s3  }
0xc: {  	[smem:$0x3FB0] =	sst s4  }
0xd: {  	[smem:$0x3FB1] =	sst s5  }
0xe: {  	[smem:$0x3FB2] =	sst s6  }
0xf: {  	[smem:$0x3FB3] =	sst s7  }
0x10: {  	[smem:$0x3FB4] =	sst s8  }
0x11: {  	[smem:$0x3FB5] =	sst s9;
	s0 =	simm.s32 @!p0 $0x0  }
0x12: {  	s1 =	sld [smem:$0x3F9B];
	s0 =	simm.s32 @p0 $0x1  }
0x13: {  	[smem:$0x3FB6] =	sst s0;
	s0 =	simm.s32 @!p1 $0x0  }
0x14: {  	s2 =	sld [smem:$0x3F9A];
	s0 =	simm.s32 @p1 $0x1  }
0x15: {  	[smem:$0x3FB7] =	sst s0;
	s0 =	simm.s32 @!p2 $0x0  }
0x16: {  	s3 =	sld [smem:$0x3FDB];
	s0 =	simm.s32 @p2 $0x1  }
0x17: {  	s4 =	simm.s32 $0x1BF5;
	[smem:$0x3FB9] =	sst s0  }
0x18: {  	s0 =	sld [smem:$0x3F9C];
	_ =	swait.ge [sflag:s4], $0x0  }
0x19: {  	s7 =	sld [smem:$0x3F9D]  }
0x1a: {  	s8 =	sadd.s32 $0xFFFFE003, lr  }
0x1b: {  	s9 =	sadd.s32 $0xFFFFFEF7, lr;
	s5 =	simm.s32 $0xFFFFFFFF;
	p2 =	slt.u32 s8, $0xFFFFF086  }
0x1c: {  	p1 =	slt.u32 s9, $0xF7A;
	s5 =	simm.s32 @!p2 $0x0  }
0x1d: {  	s5 =	simm.s32 @p1 $0x1;
	p0 =	seq.s32 s7, s2  }
0x1e: {  	s7 =	smul.u32 @!p0 $0xF7A, s2;
	p2 =	seq.s32 @!p0 s5, $0x0  }
0x1f: {  	s9 =	smul.u32 $0xF7A, s1;
	s8 =	simm.s32 @!p0 $0x1BF5;
	p2 =	por !p2, p0  }
0x20: {  	[sflag:s8] =	ssyncset.s32 @!p0 $0xFFFFF086;
	s6 =	sadd.s32 @!p0 s3, s7;
	s7 =	simm.s32 @!p0 $0x108  }
0x21: {  	s3 =	sadd.s32 s3, s9;
	s6 =	sadd.s32 @!p0 $0x88, s6;
	s7 =	simm.s32 @p2 $0x1082  }
0x22: {  	[simem:s7], [sflag:s8] =	dma.local @!p0 [hbm:s6], $0xF7A  }
0x23: {  	s9 =	sor.u32 $0xD0000000, s2;
	s6 =	simm.s32 $0x108;
	_ =	swait.ge @!p0 [sflag:s8], $0x0  }
0x24: {  	s3 =	sadd.s32 $0x88, s3;
	s6 =	simm.s32 @!p1 $0x1082;
	[sflag:s4] =	ssyncset.s32 $0xFFFFF086  }
0x25: {  	[simem:s6], [sflag:s4] =	dma.local [hbm:s3], $0xF7A  }
0x26: {  	[smem:$0x3F9D] =	sst s1;
	(tag) =	ssettag s2;
	_ =	strace s9  }
0x27: {  	s1 =	sld [smem:$0x3FAD]  }
0x28: {  	s2 =	sld [smem:$0x3FAE]  }
0x29: {  	s4 =	sld [smem:$0x3FB0]  }
0x2a: {  	p0 =	seq.s32 s5, $0x0;
	s5 =	sld [smem:$0x3FB1]  }
0x2b: {  	s6 =	sld [smem:$0x3FB2]  }
0x2c: {  	s7 =	sld [smem:$0x3FB3]  }
0x2d: {  	s3 =	simm.s32 $0x108;
	s8 =	sld [smem:$0x3FB4]  }
0x2e: {  	s3 =	simm.s32 @!p0 $0x1082;
	s9 =	sld [smem:$0x3FB5]  }
0x2f: {  	lr =	sadd.s32 s0, s3;
	s0 =	sld [smem:$0x3FAC]  }
0x30: {  	s3 =	sld [smem:$0x3FAF]  }
0x31: {  	[smem:$0x3FB8] =	sst s10  }
0x32: {  	s10 =	sld [smem:$0x3FB6];
	_ =	sdelay $0x3  }
0x33: {  	p0 =	seq.s32 s10, $0x1;
	s10 =	sld [smem:$0x3FB8];
	_ =	sdelay $0x3  }
0x34: {  	[smem:$0x3FB8] =	sst s10  }
0x35: {  	s10 =	sld [smem:$0x3FB7];
	_ =	sdelay $0x3  }
0x36: {  	p1 =	seq.s32 s10, $0x1;
	s10 =	sld [smem:$0x3FB8];
	_ =	sdelay $0x3  }
0x37: {  	[smem:$0x3FB8] =	sst s10  }
0x38: {  	s10 =	sld [smem:$0x3FB9]  }
0x39: {  	_ = 	snop;
	(pc) =	sbr.ind lr, $3  }
0x3a: {  	_ = 	snop  }
0x3b: {  	_ = 	snop  }
0x3c: {  	p2 =	seq.s32 s10, $0x1;
	s10 =	sld [smem:$0x3FB8]  }
0x3d: {  	_ =	shalt  }
0x3e: {  	_ =	shalt  }
0x3f: {  	_ =	shalt  }
0x40: {  	_ =	shalt  }
0x41: {  	_ =	shalt  }
0x42: {  	_ =	shalt  }
0x43: {  	_ =	shalt  }
0x44: {  	_ =	shalt  }
0x45: {  	_ =	shalt  }
0x46: {  	_ =	shalt  }
0x47: {  	_ =	shalt  }
0x48: {  	_ =	shalt  }
0x49: {  	_ =	shalt  }
0x4a: {  	_ =	shalt  }
0x4b: {  	_ =	shalt  }
0x4c: {  	_ =	shalt  }
0x4d: {  	_ =	shalt  }
0x4e: {  	_ =	shalt  }
0x4f: {  	_ =	shalt  }
0x50: {  	_ =	shalt  }
0x51: {  	_ =	shalt  }
0x52: {  	_ =	shalt  }
0x53: {  	_ =	shalt  }
0x54: {  	_ =	shalt  }
0x55: {  	_ =	shalt  }
0x56: {  	_ =	shalt  }
0x57: {  	_ =	shalt  }
0x58: {  	_ =	shalt  }
0x59: {  	_ =	shalt  }
0x5a: {  	_ =	shalt  }
0x5b: {  	_ =	shalt  }
0x5c: {  	_ =	shalt  }
0x5d: {  	_ =	shalt  }
0x5e: {  	_ =	shalt  }
0x5f: {  	_ =	shalt  }
0x60: {  	_ =	shalt  }
0x61: {  	_ =	shalt  }
0x62: {  	_ =	shalt  }
0x63: {  	_ =	shalt  }
0x64: {  	_ =	shalt  }
0x65: {  	_ =	shalt  }
0x66: {  	_ =	shalt  }
0x67: {  	_ =	shalt  }
0x68: {  	_ =	shalt  }
0x69: {  	_ =	shalt  }
0x6a: {  	_ =	shalt  }
0x6b: {  	_ =	shalt  }
0x6c: {  	_ =	shalt  }
0x6d: {  	_ =	shalt  }
0x6e: {  	_ =	shalt  }
0x6f: {  	_ =	shalt  }
0x70: {  	_ =	shalt  }
0x71: {  	_ =	shalt  }
0x72: {  	_ =	shalt  }
0x73: {  	_ =	shalt  }
0x74: {  	_ =	shalt  }
0x75: {  	_ =	shalt  }
0x76: {  	_ =	shalt  }
0x77: {  	_ =	shalt  }
0x78: {  	_ =	shalt  }
0x79: {  	_ =	shalt  }
0x7a: {  	_ =	shalt  }
0x7b: {  	_ =	shalt  }
0x7c: {  	_ =	shalt  }
0x7d: {  	_ =	shalt  }
0x7e: {  	_ =	shalt  }
0x7f: {  	_ =	shalt  }
0x80: {  	_ =	shalt  }
0x81: {  	_ =	shalt  }
0x82: {  	_ =	shalt  }
0x83: {  	_ =	shalt  }
0x84: {  	_ =	shalt  }
0x85: {  	_ =	shalt  }
0x86: {  	_ =	shalt  }
0x87: {  	_ =	shalt  }
.Lfunc_end0:
.L_simem_size_0:
called_computation.1_lowered:
.L_overlay_start_0:
0x88: {  	s2 =	sld [smem:$0x3FD9]  }
0x89: {  	s3 =	sld [smem:$0x3FFE];
	_ =	sdelay $0x1  }
0x8a: {  	s1 =	srdreg.scid  }
0x8b: {  	s0 =	sand.u32 $0x1, s1  }
0x8c: {  	s17 =	sshll.u32 s0, $0xA;
	s2 =	sadd.s32 s3, s2  }
0x8d: {  	s2 =	sadd.s32 s2, s17  }
0x8e: {  	[smem:$0x3FC4] =	sst s2  }
0x8f: {  	_ = 	snop  }
0x90: {  	s2 =	sld [smem:$0x3FD0];
	(tm) =	ssettm $0x1  }
0x91: {  	s18 =	sld [smem:$0x3FFB];
	_ =	sdelay $0x3  }
0x92: {  	_ =	strace s18  }
0x93: {  	s3 =	sld [smem:$0x3FFC];
	_ =	sdelay $0x3  }
0x94: {  	_ =	strace s3  }
0x95: {  	s3 =	sld [smem:$0x3FFD];
	_ =	sdelay $0x3  }
0x96: {  	_ =	strace s3  }
0x97: {  	_ =	strace $0x8FFFFFFF  }
0x98: {  	s19 =	sld [smem:$0x3FDB];
	_ =	sdelay $0x1  }
0x99: {  	s4 =	simm.s32 $_scs_section_size  }
0x9a: {  	s5 =	simm.s32 $_size__tile_overlayer_lowered;
	s6 =	simm.s32 $_tile_overlayer_lowered  }
0x9b: {  	s22 =	simm.s32 $0x1BFF;
	s21 =	sshll.u32 s6, $0x1;
	s3 =	sadd.s32 s4, s19  }
0x9c: {  	s7 =	simm.s32 $0x0;
	s20 =	sshll.u32 s5, $0x1;
	s5 =	sadd.s32 s21, s3  }
0x9d: {  	[timem:s7], [sflag:s22] =	dma.local [hbm:s5], s20  }
0x9e: {  	_ =	swait.ge [sflag:s22], s20  }
0x9f: {  	s4 =	ssub.s32 $0x0, s20;
	[sflag:s22] =	ssyncset.done $0x0  }
0xa0: {  	[sflag:s22] =	ssyncadd.s32 s4;
	_ =	sdelay $0x1  }
0xa1: {  	s23 =	simm.s32 $0x1B8B  }
0xa2: {  	_ =	swait.ge [sflag:s23], $0x1  }
0xa3: {  	[sflag:s23] =	ssyncset.done $0x0  }
0xa4: {  	s25 =	simm.s32 $0x1B8E;
	s24 =	sld [smem:$0x3FFE];
	[sflag:s23] =	ssyncadd.s32 $0xFFFFFFFF  }
0xa5: {  	s26 =	simm.s32 $execute0_lowered;
	[smem:$0x3FD2] =	sst s25  }
0xa6: {  	s5 =	sshll.u32 s26, $0x1;
	_ =	strace $0x80000049;
	[dreg:$0x1] =	wrdreg $0xFFFFFFFF  }
0xa7: {  	s28 =	simm.s32 $_size_execute0_lowered;
	s3 =	sadd.s32 s3, s5;
	[dreg:$0x0] =	wrdreg $0x0  }
0xa8: {  	s5 =	sshll.u32 s28, $0x1;
	[dreg:$0x2] =	wrdreg s3  }
0xa9: {  	[dreg:$0x3] =	wrdreg s5  }
0xaa: {  	[dreg:$0x4] =	wrdreg $0xC0  }
0xab: {  	_ =	task [dreg:s7], $0x5FFFF  }
0xac: {  	[dreg:$0x1] =	wrdreg $0xFFFFFFFF  }
0xad: {  	[dreg:$0x0] =	wrdreg $0x60  }
0xae: {  	[dreg:$0x2] =	wrdreg s24  }
0xaf: {  	[dreg:$0x3] =	wrdreg s2  }
0xb0: {  	[dreg:$0x4] =	wrdreg $0x9  }
0xb1: {  	_ =	task.clear_ibuf [dreg:s7], $0x5FFFF;
	_ =	strace $0x90000049  }
0xb2: {  	s29 =	simm.s32 $0x9;
	_ =	strace $0x8000004B  }
0xb3: {  	_ =	swait.ge [sflag:s29], $0x1  }
0xb4: {  	[sflag:s29] =	ssyncadd.s32 $0xFFFFFFFF  }
0xb5: {  	_ =	strace $0x9000004B  }
0xb6: {  	_ =	sfence  }
0xb7: {  	s30 =	sld [smem:$0x0];
	_ =	sdelay $0x2  }
0xb8: {  	s31 =	sshll.u32 s1, $0xD;
	s1 =	sshrl.u32 s1, $0x2  }
0xb9: {  	s3 =	sand.u32 $0x4000, s31;
	s1 =	sadd.s32 s1, s30  }
0xba: {  	s0 =	sor.u32 s3, s0;
	s1 =	sshll.u32 s1, $0x11  }
0xbb: {  	s0 =	sor.u32 s1, s0  }
0xbc: {  	s0 =	sadd.s32 $0x8F2B, s0  }
0xbd: {  	[sflag:s0] =	ssyncadd.remote.s32 $0x1  }
0xbe: {  	_ =	sfence.sel $0xFFFF  }
0xbf: {  	[dreg:$0x0] =	wrdreg $0xFFFFFFFF;
	(pc) =	sbr.abs _section_cstart, $3  }
0xc0: {  	[dreg:$0x1] =	wrdreg $0xFFFFFFFF  }
0xc1: {  	_ =	task.clear_ibuf [dreg:s7], $0x2FFFF;
	_ =	strace $0x9FFFFFFF  }
0xc2: {  	(tm) =	ssettm $0x7FFFFFFF  }
0xc3: {  	_ =	shalt  }
tec
execute0_lowered:
.L_overlay_start_1:
0x0: {  	(tag) =	ssettag $0x1  }
0x1: {  	s3 =	rddreg [dreg:$0x0];
	s0 =	srdreg.scid  }
0x2: {  	s5 =	rddreg [dreg:$0x1];
	s1 =	stileid.u32  }
0x3: {  	s2 =	simm.s32 $0x0;
	s9 =	simm.s32 $0x10000;
	s4 =	sand.u32 $0x1, s0  }
0x4: {  	s10 =	simm.s32 $0x0;
	s0 =	rddreg [dreg:$0x2];
	s6 =	sshll.u32 s4, $0x4  }
0x5: {  	vm0 =	vmmov $0x1;
	vm1 =	vmmov $0x3;
	vm2 =	vmmov $0x7;
	[smem:$0x7FF] =	sst s2;
	s4 =	ssub.s32 $0x2, s4;
	s6 =	sor.u32 s1, s6  }
0x6: {  	vm3 =	vmmov $0xf;
	vm4 =	vmmov $0x1f;
	vm5 =	vmmov $0x3f;
	_ =	strace $0x8000004A;
	s8 =	sshrl.u32 s4, $0x1;
	s7 =	sshll.u32 s6, $0xC  }
0x7: {  	vm6 =	vmmov $0x7f;
	vm7 =	vmmov $0xff;
	vm8 =	vmmov $0x1ff;
	s8 =	ssub.s32 s4, s8;
	s6 =	sshll.u32 s6, $0x6;
	s7 =	sadd.s32 s7, s3  }
0x8: {  	vm9 =	vmmov $0x3ff;
	vm10 =	vmmov $0x7ff;
	vm11 =	vmmov $0xfff;
	s5 =	sadd.s32 s5, s6;
	s6 =	smax.u32 s8, $0x1;
	s8 =	simm.s32 $0x8000  }
0x9: {  	vm12 =	vmmov $0x1fff;
	vm13 =	vmmov $0x3fff;
	vm14 =	vmmov $0x7fff;
	s3 =	sadd.s32 $0x1800, s7;
	s4 =	sadd.s32 $0x21800, s7;
	s7 =	simm.s32 $0x1  }
.LBB2_1:
0xa: {  	[tilespmem:s2], [sflag:$0x1] =	stream.linear.gather [hbm4b:s3+s2], $0x8000, $0x38;
	[tilespmem:$0x10200] =	vst v63  }
0xb: {  	_ =	swait.ge [sflag:s7], $0x8000  }
0xc: {  	[sflag:s7] =	ssyncset.done $0x0  }
0xd: {  	[sflag:s7] =	ssyncadd.s32 $0xFFFF8000  }
0xe: {  	[tilespmem:s8], [sflag:$0x1] =	stream.linear.gather [hbm4b:s4+s2], $0x8000, $0x38;
	[tilespmem:$0x10200] =	vst v63  }
0xf: {  	_ =	swait.ge [sflag:s7], $0x8000  }
0x10: {  	[sflag:s7] =	ssyncset.done $0x0  }
0x11: {  	s11 =	simm.s32 $0x0;
	[sflag:s7] =	ssyncadd.s32 $0xFFFF8000  }
0x12: {  	v20 =	vld [tilespmem:s11+$0x3B0]  }
0x13: {  	v21 =	vld [tilespmem:s11+$0x83B0]  }
0x14: {  	v0 =	vld [tilespmem:s11+$0x3D0]  }
0x15: {  	v52 =	vld [tilespmem:s11+$0x83D0]  }
0x16: {  	v22 =	vld [tilespmem:s11+$0x3A0]  }
0x17: {  	v23 =	vld [tilespmem:s11+$0x83A0]  }
0x18: {  	v53 =	vld [tilespmem:s11+$0x3C0]  }
0x19: {  	v54 =	vld [tilespmem:s11+$0x83C0]  }
0x1a: {  	v24 =	vld [tilespmem:s11+$0x330]  }
0x1b: {  	v25 =	vld [tilespmem:s11+$0x8330]  }
0x1c: {  	v55 =	vld [tilespmem:s11+$0x360]  }
0x1d: {  	v26 =	vld [tilespmem:s11+$0x390]  }
0x1e: {  	v27 =	vld [tilespmem:s11+$0x8390]  }
0x1f: {  	v28 =	vld [tilespmem:s11+$0x2F0]  }
0x20: {  	v29 =	vld [tilespmem:s11+$0x82F0]  }
0x21: {  	v30 =	vld [tilespmem:s11+$0x320]  }
0x22: {  	v31 =	vld [tilespmem:s11+$0x8320]  }
0x23: {  	v56 =	vld [tilespmem:s11+$0x350]  }
0x24: {  	v57 =	vld [tilespmem:s11+$0x8350]  }
0x25: {  	v32 =	vld [tilespmem:s11+$0x380]  }
0x26: {  	v33 =	vld [tilespmem:s11+$0x8380]  }
0x27: {  	v34 =	vld [tilespmem:s11+$0x2E0]  }
0x28: {  	v35 =	vld [tilespmem:s11+$0x82E0]  }
0x29: {  	v36 =	vld [tilespmem:s11+$0x310]  }
0x2a: {  	v37 =	vld [tilespmem:s11+$0x8310]  }
0x2b: {  	v58 =	vld [tilespmem:s11+$0x340]  }
0x2c: {  	v59 =	vld [tilespmem:s11+$0x8340]  }
0x2d: {  	v38 =	vld [tilespmem:s11+$0x270]  }
0x2e: {  	v39 =	vld [tilespmem:s11+$0x8270]  }
0x2f: {  	v60 =	vld [tilespmem:s11+$0x2A0]  }
0x30: {  	v40 =	vld [tilespmem:s11+$0x2D0]  }
0x31: {  	v41 =	vld [tilespmem:s11+$0x82D0]  }
0x32: {  	v42 =	vld [tilespmem:s11+$0x300]  }
0x33: {  	v43 =	vld [tilespmem:s11+$0x8300]  }
0x34: {  	v44 =	vld [tilespmem:s11+$0x230]  }
0x35: {  	v45 =	vld [tilespmem:s11+$0x8230]  }
0x36: {  	v46 =	vld [tilespmem:s11+$0x260]  }
0x37: {  	v47 =	vld [tilespmem:s11+$0x8260]  }
0x38: {  	v61 =	vld [tilespmem:s11+$0x290]  }
0x39: {  	v62 =	vld [tilespmem:s11+$0x8290]  }
0x3a: {  	v48 =	vld [tilespmem:s11+$0x2C0]  }
0x3b: {  	v49 =	vld [tilespmem:s11+$0x82C0]  }
0x3c: {  	v50 =	vld [tilespmem:s11+$0x220]  }
0x3d: {  	v51 =	vld [tilespmem:s11+$0x8220]  }
0x3e: {  	v63 =	vld [tilespmem:s11+$0x280]  }
0x3f: {  	v4 =	vld [tilespmem:s11+$0x8280]  }
0x40: {  	v5 =	vld [tilespmem:s11+$0x1E0]  }
0x41: {  	v6 =	vld [tilespmem:s11+$0x1D0]  }
0x42: {  	v7 =	vld [tilespmem:s11+$0x81D0]  }
0x43: {  	v3 =	vld [tilespmem:s11+$0x200]  }
0x44: {  	v10 =	vld [tilespmem:s11+$0x160]  }
0x45: {  	v9 =	vld [tilespmem:s11+$0x8160]  }
0x46: {  	v1 =	vld [tilespmem:s11+$0x1C0]  }
0x47: {  	v8 =	vld [tilespmem:s11+$0x81C0]  }
0x48: {  	v16 =	vld [tilespmem:s11+$0xF0]  }
0x49: {  	v15 =	vld [tilespmem:s11+$0x80F0]  }
0x4a: {  	v11 =	vld [tilespmem:s11+$0x120]  }
0x4b: {  	v2 =	vld [tilespmem:s11+$0x180]  }
0x4c: {  	v14 =	vld [tilespmem:s11+$0xB0]  }
0x4d: {  	v13 =	vld [tilespmem:s11+$0x80B0]  }
0x4e: {  	v12 =	vld [tilespmem:s11+$0xE0]  }
0x4f: {  	v19 =	vld [tilespmem:s11+$0x110]  }
0x50: {  	v18 =	vld [tilespmem:s11+$0x8110]  }
0x51: {  	v17 =	vld [tilespmem:s11+$0x30]  }
0x52: {  	[tilespmem:$0x1FEC0] =	vst v52;
	v52 =	vld [tilespmem:s11+$0x250]  }
0x53: {  	[tilespmem:$0x1FE90] =	vst v53;
	v53 =	vld [tilespmem:s11+$0x8250]  }
0x54: {  	[tilespmem:$0x1FEA0] =	vst v54;
	v54 =	vld [tilespmem:s11+$0x1B0]  }
0x55: {  	[tilespmem:$0x1FE80] =	vst v55;
	v55 =	vld [tilespmem:s11+$0x81B0]  }
0x56: {  	[tilespmem:$0x1FE60] =	vst v56;
	v56 =	vld [tilespmem:s11+$0x210]  }
0x57: {  	[tilespmem:$0x1FE70] =	vst v57;
	v57 =	vld [tilespmem:s11+$0x8210]  }
0x58: {  	[tilespmem:$0x1FE30] =	vst v58;
	v58 =	vld [tilespmem:s11+$0x240]  }
0x59: {  	[tilespmem:$0x1FE40] =	vst v59;
	v59 =	vld [tilespmem:s11+$0x8240]  }
0x5a: {  	[tilespmem:$0x1FE50] =	vst v60;
	v60 =	vld [tilespmem:s11+$0x170]  }
0x5b: {  	[tilespmem:$0x1FE10] =	vst v61;
	v61 =	vld [tilespmem:s11+$0x8170]  }
0x5c: {  	[tilespmem:$0x1FE20] =	vst v62;
	v62 =	vld [tilespmem:s11+$0x1A0]  }
0x5d: {  	[tilespmem:$0x1FDE0] =	vst v63;
	v63 =	vld [tilespmem:s11+$0x81A0]  }
0x5e: {  	[tilespmem:$0x1FEB0] =	vst v0;
	v0 =	vld [tilespmem:s11+$0x8200]  }
0x5f: {  	[tilespmem:$0x1FDC0] =	vst v6;
	v6 =	vld [tilespmem:s11+$0x190]  }
0x60: {  	[tilespmem:$0x1FE00] =	vst v5;
	v5 =	vld [tilespmem:s11+$0x8190]  }
0x61: {  	[tilespmem:$0x1FDA0] =	vst v8;
	v8 =	vld [tilespmem:s11+$0x150]  }
0x62: {  	[tilespmem:$0x1FDD0] =	vst v7;
	v7 =	vld [tilespmem:s11+$0x8150]  }
0x63: {  	[tilespmem:$0x1FD90] =	vst v1;
	v1 =	vld [tilespmem:s11+$0x8180]  }
0x64: {  	[tilespmem:$0x1FDB0] =	vst v11;
	v11 =	vld [tilespmem:s11+$0x80E0]  }
0x65: {  	[tilespmem:$0x1FDF0] =	vst v4;
	v4 =	vld [tilespmem:s11+$0x140]  }
0x66: {  	v32 =	vmul.f32 v33, v32;
	v33 =	vld [tilespmem:s11+$0x8140]  }
0x67: {  	v42 =	vmul.f32 v43, v42;
	v43 =	vld [tilespmem:s11+$0xA0]  }
0x68: {  	v22 =	vmul.f32 v23, v22;
	v23 =	vld [tilespmem:s11+$0x80A0]  }
0x69: {  	v48 =	vmul.f32 v49, v48;
	v46 =	vmul.f32 v47, v46;
	v47 =	vld [tilespmem:s11+$0x8090]  }
0x6a: {  	v26 =	vmul.f32 v27, v26;
	v27 =	vadd.f32 $0.0e+00, v32;
	v32 =	vld [tilespmem:s11+$0x8030]  }
0x6b: {  	v49 =	vadd.f32 $0.0e+00, v48;
	v48 =	vld [tilespmem:s11+$0x80]  }
0x6c: {  	v26 =	vadd.f32 v26, v27;
	v27 =	vmul.f32 v37, v36;
	v37 =	vld [tilespmem:s11+$0xD0]  }
0x6d: {  	v36 =	vadd.f32 $0.0e+00, v42;
	v11 =	vmul.f32 v11, v12;
	v12 =	vld [tilespmem:s11+$0x60]  }
0x6e: {  	v22 =	vadd.f32 v22, v26;
	v26 =	vld [tilespmem:s11+$0x80D0]  }
0x6f: {  	v20 =	vmul.f32 v21, v20;
	v21 =	vadd.f32 v27, v36;
	v27 =	vmul.f32 v31, v30;
	v30 =	vld [tilespmem:s11+$0x100]  }
0x70: {  	v31 =	vmul.f32 v41, v40;
	v40 =	vld [tilespmem:s11+$0x8100]  }
0x71: {  	v41 =	vmul.f32 v53, v52;
	v52 =	vmul.f32 v63, v62;
	v63 =	vld [tilespmem:s11+$0x70]  }
0x72: {  	v62 =	vmul.f32 v15, v16;
	v15 =	vld [tilespmem:s11+$0x8120]  }
0x73: {  	v21 =	vadd.f32 v27, v21;
	v27 =	vld [tilespmem:s11+$0x20]  }
0x74: {  	v24 =	vmul.f32 v25, v24;
	v25 =	vadd.f32 v31, v49;
	v31 =	vmul.f32 v35, v34;
	v34 =	vld [tilespmem:s11+$0x8020]  }
0x75: {  	v49 =	vld [tilespmem:s11+$0x8080]  }
0x76: {  	v20 =	vadd.f32 v20, v22;
	v22 =	vmul.f32 v59, v58;
	v58 =	vld [tilespmem:s11+$0x40]  }
0x77: {  	v59 =	vld [tilespmem:s11+$0x8040]  }
0x78: {  	v35 =	vld [tilespmem:s11+$0x8070]  }
0x79: {  	v4 =	vmul.f32 v33, v4;
	v42 =	vadd.f32 $0.0e+00, v22;
	v22 =	vld [tilespmem:s11+$0x90]  }
0x7a: {  	v21 =	vadd.f32 v24, v21;
	v24 =	vadd.f32 v31, v25;
	v25 =	vmul.f32 v29, v28;
	v28 =	vld [tilespmem:s11+$0xC0]  }
0x7b: {  	v7 =	vmul.f32 v7, v8;
	v4 =	vadd.f32 $0.0e+00, v4;
	v31 =	vld [tilespmem:s11+$0x80C0]  }
0x7c: {  	v0 =	vmul.f32 v0, v3;
	v29 =	vmul.f32 v57, v56;
	v56 =	vld [tilespmem:s11+$0x8010]  }
0x7d: {  	v53 =	vmul.f32 v9, v10;
	v4 =	vadd.f32 v7, v4;
	v57 =	vmul.f32 v55, v54;
	v54 =	vld [tilespmem:$0x1FDD0]  }
0x7e: {  	v0 =	vadd.f32 $0.0e+00, v0;
	v55 =	vld [tilespmem:s11+$0x82A0]  }
0x7f: {  	v4 =	vadd.f32 v53, v4;
	v53 =	vld [tilespmem:$0x1FDC0]  }
0x80: {  	v0 =	vadd.f32 v29, v0;
	v29 =	vmul.f32 v51, v50;
	v50 =	vld [tilespmem:s11+$0x10]  }
0x81: {  	v51 =	vld [tilespmem:s11+$0x8000]  }
0x82: {  	v24 =	vadd.f32 v25, v24;
	v25 =	vmul.f32 v39, v38;
	v38 =	vld [tilespmem:s11+$0x130]  }
0x83: {  	v3 =	vadd.f32 v41, v42;
	v41 =	vld [tilespmem:s11+$0x8130]  }
0x84: {  	v42 =	vmul.f32 v32, v17;
	v32 =	vld [tilespmem:$0x1FE10]  }
0x85: {  	v17 =	vld [tilespmem:$0x1FEA0]  }
0x86: {  	v5 =	vmul.f32 v5, v6;
	v6 =	vmul.f32 v49, v48;
	v49 =	vld [tilespmem:$0x1FDB0]  }
0x87: {  	v1 =	vmul.f32 v1, v2;
	v7 =	vmul.f32 v59, v58;
	v58 =	vld [tilespmem:$0x1FDE0];
	v3 =	vadd.f32 v46, v3  }
0x88: {  	v59 =	vld [tilespmem:$0x1FDF0]  }
0x89: {  	v33 =	vmul.f32 v13, v14;
	v1 =	vadd.f32 $0.0e+00, v1;
	v3 =	vadd.f32 v25, v3;
	v25 =	vld [tilespmem:s11+$0x0]  }
0x8a: {  	v13 =	vmul.f32 v34, v27;
	v34 =	vld [tilespmem:$0x1FE40];
	v0 =	vadd.f32 v29, v0;
	v29 =	vmul.f32 v45, v44  }
0x8b: {  	v1 =	vadd.f32 v5, v1;
	v26 =	vmul.f32 v26, v37;
	v28 =	vmul.f32 v31, v28;
	v31 =	vld [tilespmem:s11+$0x50]  }
0x8c: {  	v6 =	vadd.f32 $0.0e+00, v6;
	v2 =	vmul.f32 v47, v22;
	v22 =	vld [tilespmem:s11+$0x8050];
	v0 =	vadd.f32 v29, v0  }
0x8d: {  	v29 =	vmul.f32 v61, v60;
	v61 =	vmul.f32 v23, v43;
	v23 =	vld [tilespmem:s11+$0x8060];
	v28 =	vadd.f32 $0.0e+00, v28  }
0x8e: {  	(xrf2) =	vadd.scan.msk.f32 $0xffff, v20;
	v1 =	vadd.f32 v52, v1;
	v45 =	vld [tilespmem:$0x1FD90];
	v8 =	vmul.f32 v51, v25  }
0x8f: {  	v37 =	vmul.f32 v40, v30;
	(xrf2) =	vadd.scan.msk.f32 $0xffff, v21;
	v46 =	vld [tilespmem:$0x1FDA0];
	v2 =	vadd.f32 v2, v6;
	v60 =	vadd.f32 v26, v28  }
0x90: {  	(xrf2) =	vadd.scan.msk.f32 $0xffff, v24;
	v7 =	vadd.f32 $0.0e+00, v7;
	v47 =	vld [tilespmem:s11+$0x1F0];
	v9 =	vmul.f32 v56, v50;
	v8 =	vadd.f32 $0.0e+00, v8  }
0x91: {  	v50 =	vld [tilespmem:s11+$0x81F0];
	(xrf2) =	vadd.scan.msk.f32 $0xffff, v3;
	v3 =	vmul.f32 v15, v49;
	v2 =	vadd.f32 v61, v2;
	v5 =	vadd.f32 v11, v60  }
0x92: {  	v15 =	vld [tilespmem:$0x1FE70];
	v14 =	vmul.f32 v22, v31;
	v40 =	vmul.f32 v23, v12;
	v8 =	vadd.f32 v9, v8  }
0x93: {  	v61 =	vld [tilespmem:$0x1FE00];
	v12 =	vmul.f32 v18, v19;
	v36 =	vadd.f32 v62, v5;
	v5 =	vadd.f32 $0.0e+00, v37  }
0x94: {  	v1 =	vadd.f32 v57, v1;
	v39 =	vadd.f32 v13, v8;
	v13 =	vld [tilespmem:s11+$0x81E0]  }
0x95: {  	v7 =	vadd.f32 v14, v7;
	v48 =	vadd.f32 v12, v5;
	v12 =	vld [tilespmem:$0x1FE20];
	v8 =	vmul.f32 v46, v45  }
0x96: {  	v44 =	vmul.f32 v35, v63;
	v4 =	vadd.f32 v29, v4;
	v2 =	vadd.f32 v33, v2;
	v33 =	vld [tilespmem:$0x1FE30]  }
0x97: {  	(xrf2) =	vadd.scan.msk.f32 $0xffff, v0;
	v60 =	vld [tilespmem:s11+$0x2B0];
	v43 =	vadd.f32 v40, v7;
	v7 =	vmul.f32 v54, v53;
	v52 =	vadd.f32 $0.0e+00, v8  }
0x98: {  	(xrf2) =	vadd.scan.msk.f32 $0xffff, v1;
	v40 =	vld [tilespmem:$0x1FE60];
	v56 =	vadd.f32 v3, v48;
	v3 =	vmul.f32 v59, v58  }
0x99: {  	(xrf2) =	vadd.scan.msk.f32 $0xffff, v4;
	v51 =	vadd.f32 v44, v43;
	v44 =	vld [tilespmem:$0x1FE80];
	v4 =	vadd.f32 v7, v52;
	v7 =	vmul.f32 v13, v61  }
0x9a: {  	v63 =	vadd.f32 $0.0e+00, v3;
	v3 =	vmul.f32 v12, v32;
	v12 =	vld [tilespmem:s11+$0x8360]  }
0x9b: {  	v18 =	vld [tilespmem:$0x1FEC0];
	(xrf2) =	vadd.scan.msk.f32 $0xffff, v36;
	v0 =	vadd.f32 v42, v39;
	v4 =	vadd.f32 v7, v4;
	v7 =	vmul.f32 v34, v33  }
0x9c: {  	v57 =	vmul.f32 v41, v38;
	v36 =	vld [tilespmem:$0x1FE50];
	(xrf2) =	vadd.scan.msk.f32 $0xffff, v2  }
0x9d: {  	v62 =	vld [tilespmem:s11+$0x82B0];
	v5 =	vmul.f32 v50, v47;
	(xrf2) =	vadd.scan.msk.f32 $0xffff, v0;
	v39 =	vadd.f32 $0.0e+00, v7;
	v7 =	vmul.f32 v15, v40  }
0x9e: {  	v10, _, _ =	vpop (xrf2);
	v46 =	vld [tilespmem:$0x1FEB0];
	v0 =	vadd.f32 v57, v56;
	(xrf2) =	vadd.scan.msk.f32 $0xffff, v51  }
0x9f: {  	v2, _, _ =	vpop (xrf2);
	v4 =	vadd.f32 v5, v4;
	v5 =	vadd.f32 v7, v39;
	v7 =	vmul.f32 v12, v44;
	v12 =	vld [tilespmem:$0x1FE90]  }
0xa0: {  	v35 =	vld [tilespmem:s11+$0x370];
	v13, _, _ =	vpop (xrf2)  }
0xa1: {  	v37 =	vld [tilespmem:s11+$0x8370];
	v1 =	vadd.f32 v3, v63;
	v3 =	vmul.f32 v55, v36;
	v14, _, _ =	vpop (xrf2);
	(xrf2) =	vadd.scan.msk.f32 $0xffff, v0  }
0xa2: {  	v42 =	vld [tilespmem:s11+$0x83E0];
	v38, _, _ =	vpop (xrf2)  }
0xa3: {  	v41 =	vmul.f32 v62, v60;
	v1 =	vadd.f32 v3, v1;
	v16, _, _ =	vpop (xrf2);
	v15 =	vld [tilespmem:s11+$0x3E0]  }
0xa4: {  	v3 =	vmul.f32 v18, v46;
	v18 =	vld [tilespmem:s11+$0x83F0];
	v43, _, _ =	vpop (xrf2);
	(xrf2) =	vadd.scan.msk.f32 $0xffff, v4;
	v12 =	vmul.f32 v17, v12  }
0xa5: {  	v1 =	vadd.f32 v41, v1;
	v45, _, _ =	vpop (xrf2);
	v17 =	vld [tilespmem:s11+$0x3F0]  }
0xa6: {  	v47 =	vmul.f32 v37, v35;
	v19, _, _ =	vpop (xrf2);
	v5 =	vadd.f32 v7, v5;
	v48 =	vadd.f32 $0.0e+00, v12  }
0xa7: {  	(xrf2) =	vadd.scan.msk.f32 $0xffff, v1;
	v49, _, _ =	vpop (xrf2)  }
0xa8: {  	v51 =	vmul.f32 v42, v15;
	v50 =	vadd.f32 v47, v5;
	v52, _, _ =	vpop (xrf2);
	v3 =	vadd.f32 v3, v48  }
0xa9: {  	v53 =	vbroadcast v49, $0xF;
	v6 =	vbroadcast v52, $0xF  }
0xaa: {  	v54 =	vbroadcast v19, $0xF;
	(xrf2) =	vadd.scan.msk.f32 $0xffff, v50;
	v55 =	vmul.f32 v18, v17;
	v3 =	vadd.f32 v51, v3  }
0xab: {  	v4 =	vbroadcast v45, $0xF;
	v57, _, _ =	vpop (xrf2);
	v56 =	vsel vm0, v53, v6  }
0xac: {  	v6 =	vbroadcast v57, $0xF;
	v1 =	vsel vm1, v56, v54;
	v3 =	vadd.f32 v55, v3  }
0xad: {  	v58 =	vbroadcast v43, $0xF;
	v1 =	vsel vm2, v1, v4  }
0xae: {  	v59 =	vbroadcast v16, $0xF;
	v1 =	vsel vm3, v1, v6;
	v60, _, _ =	vpop (xrf2);
	(xrf2) =	vadd.scan.msk.f32 $0xffff, v3  }
0xaf: {  	v1 =	vsel vm4, v1, v58;
	v61 =	vbroadcast v60, $0xF  }
0xb0: {  	v0 =	vbroadcast v38, $0xF;
	v1 =	vsel vm5, v1, v59  }
0xb1: {  	v62 =	vbroadcast v14, $0xF;
	v63, _, _ =	vpop (xrf2);
	v1 =	vsel vm6, v1, v61  }
0xb2: {  	v6 =	vbroadcast v63, $0xF;
	v0 =	vsel vm7, v1, v0  }
0xb3: {  	v7 =	vbroadcast v13, $0xF;
	v0 =	vsel vm8, v0, v62  }
0xb4: {  	v8 =	vbroadcast v2, $0xF;
	v0 =	vsel vm9, v0, v6;
	v9, _, _ =	vpop (xrf2)  }
0xb5: {  	v0 =	vsel vm10, v0, v7;
	v2 =	vbroadcast v9, $0xF  }
0xb6: {  	v11 =	vbroadcast v10, $0xF;
	v0 =	vsel vm11, v0, v8  }
0xb7: {  	v0 =	vsel vm12, v0, v2  }
0xb8: {  	v0 =	vsel vm13, v0, v11;
	v32, _, _ =	vpop (xrf2)  }
0xb9: {  	v0 =	vsel vm14, v0, v32  }
0xba: {  	v0 =	vsub.f32 $0.0e+00, v0;
	_ =	sdelay $0x1  }
0xbb: {  	v0 =	vmul.f32 $1.442695020e+00, v0;
	_ =	sdelay $0x1  }
0xbc: {  	(erf) = vpow2.f32 v0;
	_ =	sdelay $0x8  }
0xbd: {  	v0 =	vpop (erf)  }
0xbe: {  	v0 =	vadd.f32 $1.000000000e+00, v0;
	_ =	sdelay $0x1  }
0xbf: {  	(erf) = vrcp.f32 v0;
	_ =	sdelay $0x8  }
0xc0: {  	v0 =	vpop (erf)  }
0xc1: {  	s11 =	simm.s32 $0x400;
	[tilespmem:s9+$0x0] =	vst v0  }
0xc2: {  	v22 =	vld [tilespmem:s11+$0x3B0]  }
0xc3: {  	v53 =	vld [tilespmem:s11+$0x83B0]  }
0xc4: {  	v17 =	vld [tilespmem:s11+$0x3D0]  }
0xc5: {  	v0 =	vld [tilespmem:s11+$0x83D0]  }
0xc6: {  	v3 =	vld [tilespmem:s11+$0x3A0]  }
0xc7: {  	v29 =	vld [tilespmem:s11+$0x83A0]  }
0xc8: {  	v33 =	vld [tilespmem:s11+$0x3C0]  }
0xc9: {  	v34 =	vld [tilespmem:s11+$0x83C0]  }
0xca: {  	v21 =	vld [tilespmem:s11+$0x330]  }
0xcb: {  	v24 =	vld [tilespmem:s11+$0x8330]  }
0xcc: {  	v35 =	vld [tilespmem:s11+$0x360]  }
0xcd: {  	v27 =	vld [tilespmem:s11+$0x390]  }
0xce: {  	v8 =	vld [tilespmem:s11+$0x2F0]  }
0xcf: {  	v10 =	vld [tilespmem:s11+$0x82F0]  }
0xd0: {  	v52 =	vld [tilespmem:s11+$0x320]  }
0xd1: {  	v37 =	vld [tilespmem:s11+$0x8320]  }
0xd2: {  	v36 =	vld [tilespmem:s11+$0x350]  }
0xd3: {  	v38 =	vld [tilespmem:s11+$0x8350]  }
0xd4: {  	v23 =	vld [tilespmem:s11+$0x380]  }
0xd5: {  	v39 =	vld [tilespmem:s11+$0x2E0]  }
0xd6: {  	v61 =	vld [tilespmem:s11+$0x82E0]  }
0xd7: {  	v43 =	vld [tilespmem:s11+$0x310]  }
0xd8: {  	v44 =	vld [tilespmem:s11+$0x8310]  }
0xd9: {  	v40 =	vld [tilespmem:s11+$0x340]  }
0xda: {  	v41 =	vld [tilespmem:s11+$0x8340]  }
0xdb: {  	v6 =	vld [tilespmem:s11+$0x270]  }
0xdc: {  	v7 =	vld [tilespmem:s11+$0x8270]  }
0xdd: {  	v42 =	vld [tilespmem:s11+$0x2A0]  }
0xde: {  	v32 =	vld [tilespmem:s11+$0x2D0]  }
0xdf: {  	v48 =	vld [tilespmem:s11+$0x82D0]  }
0xe0: {  	v49 =	vld [tilespmem:s11+$0x300]  }
0xe1: {  	v50 =	vld [tilespmem:s11+$0x8300]  }
0xe2: {  	v9 =	vld [tilespmem:s11+$0x230]  }
0xe3: {  	v11 =	vld [tilespmem:s11+$0x8230]  }
0xe4: {  	v45 =	vld [tilespmem:s11+$0x260]  }
0xe5: {  	v62 =	vld [tilespmem:s11+$0x8260]  }
0xe6: {  	v46 =	vld [tilespmem:s11+$0x290]  }
0xe7: {  	v47 =	vld [tilespmem:s11+$0x8290]  }
0xe8: {  	v55 =	vld [tilespmem:s11+$0x2C0]  }
0xe9: {  	v56 =	vld [tilespmem:s11+$0x82C0]  }
0xea: {  	v51 =	vld [tilespmem:s11+$0x220]  }
0xeb: {  	v58 =	vld [tilespmem:s11+$0x8220]  }
0xec: {  	v59 =	vld [tilespmem:s11+$0x250]  }
0xed: {  	v60 =	vld [tilespmem:s11+$0x8250]  }
0xee: {  	v54 =	vld [tilespmem:s11+$0x280]  }
0xef: {  	v57 =	vld [tilespmem:s11+$0x8280]  }
0xf0: {  	v12 =	vld [tilespmem:s11+$0x1B0]  }
0xf1: {  	v13 =	vld [tilespmem:s11+$0x81B0]  }
0xf2: {  	v63 =	vld [tilespmem:s11+$0x1E0]  }
0xf3: {  	v4 =	vld [tilespmem:s11+$0x170]  }
0xf4: {  	v5 =	vld [tilespmem:s11+$0x8170]  }
0xf5: {  	v2 =	vld [tilespmem:s11+$0x81A0]  }
0xf6: {  	v15 =	vld [tilespmem:s11+$0x1D0]  }
0xf7: {  	v16 =	vld [tilespmem:s11+$0x81D0]  }
0xf8: {  	v1 =	vld [tilespmem:s11+$0x200]  }
0xf9: {  	v14 =	vld [tilespmem:s11+$0x160]  }
0xfa: {  	v18 =	vld [tilespmem:s11+$0x1C0]  }
0xfb: {  	v19 =	vld [tilespmem:s11+$0x81C0]  }
0xfc: {  	v26 =	vld [tilespmem:s11+$0x80F0]  }
0xfd: {  	v20 =	vld [tilespmem:s11+$0x120]  }
0xfe: {  	v25 =	vld [tilespmem:s11+$0xB0]  }
0xff: {  	v28 =	vld [tilespmem:s11+$0x80B0]  }
0x100: {  	v30 =	vld [tilespmem:s11+$0xE0]  }
0x101: {  	v31 =	vld [tilespmem:s11+$0x80E0]  }
0x102: {  	[tilespmem:$0x1FEF0] =	vst v34;
	v34 =	vld [tilespmem:s11+$0x8390]  }
0x103: {  	[tilespmem:$0x1FF00] =	vst v35;
	v35 =	vld [tilespmem:s11+$0x8380]  }
0x104: {  	[tilespmem:$0x1FFA0] =	vst v63;
	v63 =	vld [tilespmem:s11+$0x210]  }
0x105: {  	[tilespmem:$0x1FF60] =	vst v46;
	v46 =	vld [tilespmem:s11+$0x8210]  }
0x106: {  	[tilespmem:$0x1FF10] =	vst v36;
	v36 =	vld [tilespmem:s11+$0x240]  }
0x107: {  	[tilespmem:$0x1FEE0] =	vst v33;
	v33 =	vld [tilespmem:s11+$0x8240]  }
0x108: {  	[tilespmem:$0x1FF90] =	vst v57;
	v57 =	vld [tilespmem:s11+$0x1A0]  }
0x109: {  	[tilespmem:$0x1FED0] =	vst v0;
	v0 =	vld [tilespmem:s11+$0x8200]  }
0x10a: {  	[tilespmem:$0x1FFE0] =	vst v14;
	v14 =	vld [tilespmem:s11+$0x8160]  }
0x10b: {  	[tilespmem:$0x1FFC0] =	vst v45;
	v45 =	vld [tilespmem:s11+$0x190]  }
0x10c: {  	[tilespmem:$0x1FF50] =	vst v42;
	v42 =	vld [tilespmem:s11+$0x8190]  }
0x10d: {  	[tilespmem:$0x1FF80] =	vst v54;
	v54 =	vld [tilespmem:s11+$0xF0]  }
0x10e: {  	[tilespmem:$0x1FFD0] =	vst v51;
	v51 =	vld [tilespmem:s11+$0x150]  }
0x10f: {  	[tilespmem:$0x1FF70] =	vst v47;
	v47 =	vld [tilespmem:s11+$0x8150]  }
0x110: {  	[tilespmem:$0x1FF30] =	vst v40;
	v40 =	vld [tilespmem:s11+$0x180]  }
0x111: {  	[tilespmem:$0x1FF20] =	vst v38;
	v38 =	vld [tilespmem:s11+$0x8180]  }
0x112: {  	[tilespmem:$0x1FF40] =	vst v41;
	v41 =	vld [tilespmem:s11+$0x140]  }
0x113: {  	[tilespmem:$0x1FFB0] =	vst v39;
	v39 =	vld [tilespmem:s11+$0x8140];
	v49 =	vmul.f32 v50, v49  }
0x114: {  	v3 =	vmul.f32 v29, v3;
	v29 =	vld [tilespmem:s11+$0x8030];
	v43 =	vmul.f32 v44, v43  }
0x115: {  	v55 =	vmul.f32 v56, v55;
	v37 =	vmul.f32 v37, v52;
	v52 =	vld [tilespmem:s11+$0x80D0]  }
0x116: {  	v56 =	vmul.f32 v53, v22;
	v48 =	vmul.f32 v48, v32;
	v32 =	vld [tilespmem:s11+$0x100];
	v44 =	vadd.f32 $0.0e+00, v49  }
0x117: {  	v53 =	vmul.f32 v24, v21;
	v21 =	vld [tilespmem:$0x1FFB0];
	v49 =	vadd.f32 $0.0e+00, v55;
	v35 =	vmul.f32 v35, v23  }
0x118: {  	v43 =	vadd.f32 v43, v44;
	v44 =	vld [tilespmem:s11+$0xD0]  }
0x119: {  	v48 =	vadd.f32 v48, v49;
	v49 =	vld [tilespmem:$0x1FFC0];
	v34 =	vmul.f32 v34, v27;
	v35 =	vadd.f32 $0.0e+00, v35  }
0x11a: {  	[tilespmem:$0x1FFF0] =	vst v14;
	v14 =	vld [tilespmem:s11+$0x110]  }
0x11b: {  	v23 =	vld [tilespmem:s11+$0x8110];
	v35 =	vadd.f32 v34, v35  }
0x11c: {  	v27 =	vld [tilespmem:s11+$0x30]  }
0x11d: {  	v60 =	vmul.f32 v60, v59;
	v55 =	vmul.f32 v33, v36;
	v33 =	vld [tilespmem:s11+$0x8100];
	v50 =	vadd.f32 v3, v35  }
0x11e: {  	v8 =	vmul.f32 v10, v8;
	v36 =	vld [tilespmem:s11+$0x20];
	v10 =	vmul.f32 v46, v63  }
0x11f: {  	v46 =	vld [tilespmem:s11+$0x90];
	v50 =	vadd.f32 v56, v50;
	v56 =	vmul.f32 v61, v21;
	v61 =	vadd.f32 $0.0e+00, v55  }
0x120: {  	v63 =	vld [tilespmem:s11+$0x80C0]  }
0x121: {  	v0 =	vmul.f32 v0, v1;
	v37 =	vadd.f32 v37, v43;
	v1 =	vadd.f32 v60, v61;
	v61 =	vld [tilespmem:$0x1FFD0]  }
0x122: {  	v55 =	vld [tilespmem:s11+$0xC0]  }
0x123: {  	v42 =	vmul.f32 v42, v45;
	v45 =	vld [tilespmem:s11+$0x80];
	v41 =	vmul.f32 v39, v41;
	v43 =	vadd.f32 v53, v37  }
0x124: {  	v39 =	vld [tilespmem:s11+$0x8090];
	v0 =	vadd.f32 $0.0e+00, v0;
	(xrf2) =	vadd.scan.msk.f32 $0xffff, v50  }
0x125: {  	v38 =	vmul.f32 v38, v40;
	v2 =	vmul.f32 v2, v57;
	v57 =	vadd.f32 $0.0e+00, v41;
	v41 =	vld [tilespmem:s11+$0x8000];
	(xrf2) =	vadd.scan.msk.f32 $0xffff, v43  }
0x126: {  	v37 =	vld [tilespmem:s11+$0x8020];
	v53 =	vmul.f32 v62, v49;
	v0 =	vadd.f32 v10, v0;
	v62 =	vmul.f32 v58, v61  }
0x127: {  	v38 =	vadd.f32 $0.0e+00, v38;
	v61 =	vmul.f32 v63, v55;
	v63 =	vld [tilespmem:$0x1FFF0]  }
0x128: {  	v48 =	vadd.f32 v56, v48;
	v0 =	vadd.f32 v62, v0;
	v62 =	vld [tilespmem:$0x1FFE0]  }
0x129: {  	v47 =	vmul.f32 v47, v51;
	v10 =	vld [tilespmem:s11+$0x8080];
	v42 =	vadd.f32 v42, v38  }
0x12a: {  	v34 =	vld [tilespmem:s11+$0xA0];
	v48 =	vadd.f32 v8, v48;
	v1 =	vadd.f32 v53, v1;
	v8 =	vmul.f32 v7, v6  }
0x12b: {  	v38 =	vld [tilespmem:s11+$0x10];
	v49 =	vadd.f32 v47, v57;
	v56 =	vmul.f32 v11, v9  }
0x12c: {  	v47 =	vld [tilespmem:s11+$0x0];
	v59 =	vadd.f32 v2, v42;
	v60 =	vmul.f32 v13, v12;
	v1 =	vadd.f32 v8, v1  }
0x12d: {  	v35 =	vld [tilespmem:s11+$0x80A0];
	(xrf2) =	vadd.scan.msk.f32 $0xffff, v48;
	v58 =	vadd.f32 v56, v0;
	v3 =	vmul.f32 v63, v62  }
0x12e: {  	v50 =	vmul.f32 v10, v45;
	v45 =	vld [tilespmem:s11+$0x40];
	v40 =	vadd.f32 v60, v59;
	v48 =	vmul.f32 v52, v44;
	(xrf2) =	vadd.scan.msk.f32 $0xffff, v1;
	v52, _, _ =	vpop (xrf2)  }
0x12f: {  	s13 =	simm.s32 $0x2000;
	s12 =	simm.s32 $0x10000;
	v42 =	vmul.f32 v5, v4;
	v44 =	vld [tilespmem:s11+$0x8010];
	v51 =	vadd.f32 $0.0e+00, v61;
	(xrf2) =	vadd.scan.msk.f32 $0xffff, v58;
	v21, _, _ =	vpop (xrf2);
	v49 =	vadd.f32 v3, v49  }
.LBB2_2:
0x130: {  	v43 =	vld [tilespmem:s11+$0x8040]  }
0x131: {  	v55 =	vld [tilespmem:s11+$0x50]  }
0x132: {  	v56 =	vld [tilespmem:s11+$0x8050]  }
0x133: {  	v58 =	vld [tilespmem:s11+$0x8060]  }
0x134: {  	v60 =	vld [tilespmem:s11+$0x70]  }
0x135: {  	v62 =	vld [tilespmem:s11+$0x8070]  }
0x136: {  	v4 =	vld [tilespmem:s11+$0x8120]  }
0x137: {  	v6 =	vld [tilespmem:s11+$0x130]  }
0x138: {  	v7 =	vld [tilespmem:s11+$0x8130]  }
0x139: {  	v15 =	vmul.f32 v16, v15;
	v16 =	vld [tilespmem:s11+$0x82A0]  }
0x13a: {  	v9 =	vld [tilespmem:$0x1FF80]  }
0x13b: {  	v10 =	vld [tilespmem:$0x1FF90]  }
0x13c: {  	v13 =	vld [tilespmem:s11+$0x2B0]  }
0x13d: {  	v11 =	vld [tilespmem:$0x1FFA0];
	v31 =	vmul.f32 v31, v30  }
0x13e: {  	v48 =	vadd.f32 v48, v51;
	(xrf2) =	vadd.scan.msk.f32 $0xffff, v40;
	v40 =	vld [tilespmem:$0x1FF20];
	v39 =	vmul.f32 v39, v46;
	v41 =	vmul.f32 v41, v47  }
0x13f: {  	v50 =	vadd.f32 $0.0e+00, v50;
	v0 =	vmul.f32 v26, v54;
	v26 =	vld [tilespmem:s11+$0x60];
	v34 =	vmul.f32 v35, v34  }
0x140: {  	v42 =	vadd.f32 v42, v49;
	v1 =	vmul.f32 v44, v38;
	v22 =	vmul.f32 v23, v14;
	v23 =	vld [tilespmem:s11+$0x81E0]  }
0x141: {  	v27 =	vmul.f32 v29, v27;
	v18 =	vmul.f32 v19, v18;
	v19 =	vld [tilespmem:s11+$0x1F0];
	v31 =	vadd.f32 v31, v48  }
0x142: {  	v29 =	vmul.f32 v33, v32;
	v32 =	vld [tilespmem:$0x1FF60];
	v39 =	vadd.f32 v39, v50;
	v57 =	vadd.f32 $0.0e+00, v41  }
0x143: {  	v25 =	vmul.f32 v28, v25;
	v33 =	vld [tilespmem:$0x1FF70];
	v30, _, _ =	vpop (xrf2);
	(xrf2) =	vadd.scan.msk.f32 $0xffff, v42;
	v59 =	vmul.f32 v43, v45;
	v31 =	vadd.f32 v0, v31  }
0x144: {  	v61 =	vmul.f32 v37, v36;
	v35 =	vld [tilespmem:$0x1FF30];
	v34 =	vadd.f32 v34, v39;
	v28 =	vadd.f32 v1, v57  }
0x145: {  	v36 =	vld [tilespmem:$0x1FF40];
	v63 =	vmul.f32 v56, v55;
	v24, _, _ =	vpop (xrf2);
	(xrf2) =	vadd.scan.msk.f32 $0xffff, v31;
	v31 =	vadd.f32 $0.0e+00, v59  }
0x146: {  	v37 =	vld [tilespmem:$0x1FF50];
	v25 =	vadd.f32 v25, v34;
	v5 =	vadd.f32 v61, v28  }
0x147: {  	v44 =	vld [tilespmem:$0x1FEF0];
	v26 =	vmul.f32 v58, v26;
	v31 =	vadd.f32 v63, v31  }
0x148: {  	v47 =	vld [tilespmem:$0x1FED0];
	v38, _, _ =	vpop (xrf2);
	(xrf2) =	vadd.scan.msk.f32 $0xffff, v25;
	v25 =	vadd.f32 v27, v5;
	v27 =	vadd.f32 $0.0e+00, v29  }
0x149: {  	v42 =	vld [tilespmem:$0x1FF00];
	v29 =	vmul.f32 v62, v60;
	v8 =	vadd.f32 v26, v31  }
0x14a: {  	v20 =	vmul.f32 v4, v20;
	v12 =	vmul.f32 v10, v9;
	v22 =	vadd.f32 v22, v27;
	v27 =	vld [tilespmem:s11+$0x81F0]  }
0x14b: {  	v43 =	vld [tilespmem:$0x1FEE0];
	v18 =	vadd.f32 $0.0e+00, v18;
	v28, _, _ =	vpop (xrf2);
	(xrf2) =	vadd.scan.msk.f32 $0xffff, v25;
	v25 =	vadd.f32 v29, v8  }
0x14c: {  	v2 =	vmul.f32 v7, v6;
	v12 =	vadd.f32 $0.0e+00, v12;
	v39 =	vld [tilespmem:$0x1FF10];
	v20 =	vadd.f32 v20, v22  }
0x14d: {  	v15 =	vadd.f32 v15, v18;
	v18 =	vld [tilespmem:s11+$0x82B0];
	v14 =	vmul.f32 v23, v11;
	v10 =	vmul.f32 v33, v32;
	v26, _, _ =	vpop (xrf2);
	(xrf2) =	vadd.scan.msk.f32 $0xffff, v25  }
0x14e: {  	v11 =	vld [tilespmem:s11+$0x8360];
	v7 =	vmul.f32 v36, v35;
	v20 =	vadd.f32 v2, v20  }
0x14f: {  	v14 =	vadd.f32 v14, v15;
	v10 =	vadd.f32 v10, v12;
	v12 =	vld [tilespmem:s11+$0x8370];
	v34 =	vmul.f32 v27, v19  }
0x150: {  	v9 =	vmul.f32 v16, v37;
	v8 =	vld [tilespmem:s11+$0x370];
	v22, _, _ =	vpop (xrf2);
	(xrf2) =	vadd.scan.msk.f32 $0xffff, v20  }
0x151: {  	v6 =	vld [tilespmem:s11+$0x3E0];
	v7 =	vadd.f32 $0.0e+00, v7;
	v5 =	vmul.f32 v40, v39;
	v14 =	vadd.f32 v34, v14  }
0x152: {  	v16 =	vadd.f32 v9, v10;
	v41 =	vmul.f32 v18, v13;
	v13 =	vld [tilespmem:s11+$0x83E0]  }
0x153: {  	v3 =	vld [tilespmem:s11+$0x3F0];
	v45 =	vmul.f32 v44, v43;
	v4 =	vmul.f32 v11, v42;
	v5 =	vadd.f32 v5, v7;
	v15, _, _ =	vpop (xrf2);
	(xrf2) =	vadd.scan.msk.f32 $0xffff, v14  }
0x154: {  	v48 =	vld [tilespmem:s11+$0x83F0];
	v0 =	vmul.f32 v47, v17;
	v46 =	vadd.f32 v41, v16  }
0x155: {  	v4 =	vadd.f32 v4, v5;
	v2 =	vadd.f32 $0.0e+00, v45;
	v8 =	vmul.f32 v12, v8  }
0x156: {  	v49, _, _ =	vpop (xrf2);
	(xrf2) =	vadd.scan.msk.f32 $0xffff, v46  }
0x157: {  	v50 =	vmul.f32 v13, v6;
	v0 =	vadd.f32 v0, v2;
	v8 =	vadd.f32 v8, v4;
	v51, _, _ =	vpop (xrf2)  }
0x158: {  	v53 =	vbroadcast v49, $0xF;
	v5 =	vbroadcast v51, $0xF  }
0x159: {  	v1 =	vmul.f32 v48, v3;
	v0 =	vadd.f32 v50, v0;
	v54 =	vbroadcast v15, $0xF;
	(xrf2) =	vadd.scan.msk.f32 $0xffff, v8  }
0x15a: {  	v56 =	vbroadcast v22, $0xF;
	v57, _, _ =	vpop (xrf2);
	v55 =	vsel vm0, v53, v5  }
0x15b: {  	v0 =	vadd.f32 v1, v0;
	v58 =	vbroadcast v57, $0xF;
	v2 =	vsel vm1, v55, v54  }
0x15c: {  	v60 =	vbroadcast v26, $0xF;
	v59 =	vsel vm2, v2, v56  }
0x15d: {  	v61 =	vbroadcast v28, $0xF;
	v62, _, _ =	vpop (xrf2);
	(xrf2) =	vadd.scan.msk.f32 $0xffff, v0;
	v1 =	vsel vm3, v59, v58  }
0x15e: {  	v6 =	vbroadcast v62, $0xF;
	v63 =	vsel vm4, v1, v60  }
0x15f: {  	v7 =	vbroadcast v38, $0xF;
	v0 =	vsel vm5, v63, v61  }
0x160: {  	v8 =	vbroadcast v24, $0xF;
	v9, _, _ =	vpop (xrf2);
	v0 =	vsel vm6, v0, v6  }
0x161: {  	v10 =	vbroadcast v9, $0xF;
	v0 =	vsel vm7, v0, v7  }
0x162: {  	v11 =	vbroadcast v30, $0xF;
	v0 =	vsel vm8, v0, v8  }
0x163: {  	v32 =	vbroadcast v21, $0xF;
	v33, _, _ =	vpop (xrf2);
	v0 =	vsel vm9, v0, v10  }
0x164: {  	v3 =	vbroadcast v33, $0xF;
	v0 =	vsel vm10, v0, v11  }
0x165: {  	v34 =	vbroadcast v52, $0xF;
	v0 =	vsel vm11, v0, v32  }
0x166: {  	v0 =	vsel vm12, v0, v3  }
0x167: {  	v35, _, _ =	vpop (xrf2);
	v0 =	vsel vm13, v0, v34  }
0x168: {  	v0 =	vsel vm14, v0, v35  }
0x169: {  	v0 =	vsub.f32 $0.0e+00, v0;
	_ =	sdelay $0x1  }
0x16a: {  	v0 =	vmul.f32 $1.442695020e+00, v0;
	_ =	sdelay $0x1  }
0x16b: {  	(erf) = vpow2.f32 v0;
	_ =	sdelay $0x8  }
0x16c: {  	v0 =	vpop (erf)  }
0x16d: {  	v0 =	vadd.f32 $1.000000000e+00, v0;
	_ =	sdelay $0x1  }
0x16e: {  	(erf) = vrcp.f32 v0;
	_ =	sdelay $0x8  }
0x16f: {  	s12 =	sadd.s32 $0x10, s12;
	v0 =	vpop (erf)  }
0x170: {  	s11 =	sshra.s32 s13, $0x2;
	[tilespmem:s12+$0x0] =	vst v0  }
0x171: {  	v32 =	vld [tilespmem:s11+$0x3B0]  }
0x172: {  	v35 =	vld [tilespmem:s11+$0x83B0]  }
0x173: {  	v0 =	vld [tilespmem:s11+$0x3D0]  }
0x174: {  	v36 =	vld [tilespmem:s11+$0x83D0]  }
0x175: {  	v29 =	vld [tilespmem:s11+$0x3A0]  }
0x176: {  	v34 =	vld [tilespmem:s11+$0x83A0]  }
0x177: {  	v37 =	vld [tilespmem:s11+$0x3C0]  }
0x178: {  	v38 =	vld [tilespmem:s11+$0x83C0]  }
0x179: {  	v33 =	vld [tilespmem:s11+$0x330]  }
0x17a: {  	v39 =	vld [tilespmem:s11+$0x360]  }
0x17b: {  	v27 =	vld [tilespmem:s11+$0x390]  }
0x17c: {  	v52 =	vld [tilespmem:s11+$0x8390]  }
0x17d: {  	v40 =	vld [tilespmem:s11+$0x2F0]  }
0x17e: {  	v41 =	vld [tilespmem:s11+$0x82F0]  }
0x17f: {  	v47 =	vld [tilespmem:s11+$0x320]  }
0x180: {  	v48 =	vld [tilespmem:s11+$0x8320]  }
0x181: {  	v42 =	vld [tilespmem:s11+$0x350]  }
0x182: {  	v43 =	vld [tilespmem:s11+$0x8350]  }
0x183: {  	v23 =	vld [tilespmem:s11+$0x380]  }
0x184: {  	v62 =	vld [tilespmem:s11+$0x8380]  }
0x185: {  	v46 =	vld [tilespmem:s11+$0x82E0]  }
0x186: {  	v57 =	vld [tilespmem:s11+$0x310]  }
0x187: {  	v60 =	vld [tilespmem:s11+$0x8310]  }
0x188: {  	v44 =	vld [tilespmem:s11+$0x340]  }
0x189: {  	v45 =	vld [tilespmem:s11+$0x8340]  }
0x18a: {  	v49 =	vld [tilespmem:s11+$0x2A0]  }
0x18b: {  	v58 =	vld [tilespmem:s11+$0x2D0]  }
0x18c: {  	v61 =	vld [tilespmem:s11+$0x82D0]  }
0x18d: {  	v63 =	vld [tilespmem:s11+$0x300]  }
0x18e: {  	v50 =	vld [tilespmem:s11+$0x230]  }
0x18f: {  	v51 =	vld [tilespmem:s11+$0x8230]  }
0x190: {  	v53 =	vld [tilespmem:s11+$0x290]  }
0x191: {  	v54 =	vld [tilespmem:s11+$0x8290]  }
0x192: {  	v1 =	vld [tilespmem:s11+$0x2C0]  }
0x193: {  	v2 =	vld [tilespmem:s11+$0x82C0]  }
0x194: {  	v3 =	vld [tilespmem:s11+$0x250]  }
0x195: {  	v4 =	vld [tilespmem:s11+$0x8250]  }
0x196: {  	v55 =	vld [tilespmem:s11+$0x280]  }
0x197: {  	v56 =	vld [tilespmem:s11+$0x8280]  }
0x198: {  	v59 =	vld [tilespmem:s11+$0x1E0]  }
0x199: {  	v5 =	vld [tilespmem:s11+$0x210]  }
0x19a: {  	v6 =	vld [tilespmem:s11+$0x8210]  }
0x19b: {  	v7 =	vld [tilespmem:s11+$0x240]  }
0x19c: {  	v8 =	vld [tilespmem:s11+$0x8240]  }
0x19d: {  	v21 =	vld [tilespmem:s11+$0x1D0]  }
0x19e: {  	v9 =	vld [tilespmem:s11+$0x200]  }
0x19f: {  	v10 =	vld [tilespmem:s11+$0x8200]  }
0x1a0: {  	v11 =	vld [tilespmem:s11+$0x190]  }
0x1a1: {  	v12 =	vld [tilespmem:s11+$0x8190]  }
0x1a2: {  	v22 =	vld [tilespmem:s11+$0x1C0]  }
0x1a3: {  	v19 =	vld [tilespmem:s11+$0x81C0]  }
0x1a4: {  	v26 =	vld [tilespmem:s11+$0x80F0]  }
0x1a5: {  	v20 =	vld [tilespmem:s11+$0x120]  }
0x1a6: {  	v13 =	vld [tilespmem:s11+$0x150]  }
0x1a7: {  	v24 =	vld [tilespmem:s11+$0x8150]  }
0x1a8: {  	v15 =	vld [tilespmem:s11+$0x180]  }
0x1a9: {  	v16 =	vld [tilespmem:s11+$0x8180]  }
0x1aa: {  	v25 =	vld [tilespmem:s11+$0xB0]  }
0x1ab: {  	v28 =	vld [tilespmem:s11+$0x80B0]  }
0x1ac: {  	v30 =	vld [tilespmem:s11+$0xE0]  }
0x1ad: {  	v31 =	vld [tilespmem:s11+$0x80E0]  }
0x1ae: {  	v14 =	vld [tilespmem:s11+$0x110]  }
0x1af: {  	v18 =	vld [tilespmem:s11+$0x140]  }
0x1b0: {  	v17 =	vld [tilespmem:s11+$0x8140]  }
0x1b1: {  	[tilespmem:$0x1FED0] =	vst v36;
	v36 =	vld [tilespmem:s11+$0x8330]  }
0x1b2: {  	[tilespmem:$0x1FEE0] =	vst v37;
	v37 =	vld [tilespmem:s11+$0x2E0]  }
0x1b3: {  	[tilespmem:$0x1FF00] =	vst v39;
	v39 =	vld [tilespmem:s11+$0x270]  }
0x1b4: {  	[tilespmem:$0x1FD50] =	vst v41;
	v41 =	vld [tilespmem:s11+$0x8270]  }
0x1b5: {  	[tilespmem:$0x1FD60] =	vst v0;
	v0 =	vld [tilespmem:s11+$0x8300]  }
0x1b6: {  	[tilespmem:$0x1FD80] =	vst v51;
	v51 =	vld [tilespmem:s11+$0x260]  }
0x1b7: {  	[tilespmem:$0x1FEF0] =	vst v38;
	v38 =	vld [tilespmem:s11+$0x8260]  }
0x1b8: {  	[tilespmem:$0x1FF50] =	vst v49;
	v49 =	vld [tilespmem:s11+$0x220]  }
0x1b9: {  	[tilespmem:$0x1FD70] =	vst v50;
	v50 =	vld [tilespmem:s11+$0x8220]  }
0x1ba: {  	[tilespmem:$0x1FF30] =	vst v44;
	v44 =	vld [tilespmem:s11+$0x1B0]  }
0x1bb: {  	[tilespmem:$0x1FF40] =	vst v45;
	v45 =	vld [tilespmem:s11+$0x81B0]  }
0x1bc: {  	[tilespmem:$0x1FF10] =	vst v42;
	v42 =	vld [tilespmem:s11+$0x170]  }
0x1bd: {  	[tilespmem:$0x1FF20] =	vst v43;
	v43 =	vld [tilespmem:s11+$0x8170]  }
0x1be: {  	[tilespmem:$0x1FF90] =	vst v56;
	v56 =	vld [tilespmem:s11+$0x1A0]  }
0x1bf: {  	[tilespmem:$0x1FFA0] =	vst v59;
	v59 =	vld [tilespmem:s11+$0x81A0]  }
0x1c0: {  	[tilespmem:$0x1FF60] =	vst v53;
	v53 =	vld [tilespmem:s11+$0x81D0]  }
0x1c1: {  	[tilespmem:$0x1FD40] =	vst v40;
	v40 =	vld [tilespmem:s11+$0x160]  }
0x1c2: {  	[tilespmem:$0x1FF80] =	vst v55;
	v55 =	vld [tilespmem:s11+$0x8160]  }
0x1c3: {  	[tilespmem:$0x1FF70] =	vst v54;
	v54 =	vld [tilespmem:s11+$0xF0]  }
0x1c4: {  	v62 =	vmul.f32 v62, v23;
	v23 =	vld [tilespmem:s11+$0x8110]  }
0x1c5: {  	v52 =	vmul.f32 v52, v27;
	v27 =	vld [tilespmem:s11+$0x30];
	v57 =	vmul.f32 v60, v57  }
0x1c6: {  	v1 =	vmul.f32 v2, v1;
	v32 =	vmul.f32 v35, v32;
	v35 =	vld [tilespmem:s11+$0x80A0];
	v62 =	vadd.f32 $0.0e+00, v62  }
0x1c7: {  	v47 =	vmul.f32 v48, v47;
	v48 =	vld [tilespmem:s11+$0xD0];
	v60 =	vmul.f32 v61, v58  }
0x1c8: {  	v1 =	vadd.f32 $0.0e+00, v1;
	v52 =	vadd.f32 v52, v62;
	v62 =	vmul.f32 v34, v29;
	v29 =	vld [tilespmem:s11+$0x8030]  }
0x1c9: {  	v34 =	vld [tilespmem:s11+$0xA0]  }
0x1ca: {  	v1 =	vadd.f32 v60, v1;
	v60 =	vmul.f32 v6, v5;
	v5 =	vld [tilespmem:s11+$0xC0];
	v0 =	vmul.f32 v0, v63  }
0x1cb: {  	v61 =	vmul.f32 v36, v33;
	v33 =	vld [tilespmem:s11+$0x8100]  }
0x1cc: {  	v36 =	vld [tilespmem:s11+$0x20];
	v0 =	vadd.f32 $0.0e+00, v0  }
0x1cd: {  	v7 =	vmul.f32 v8, v7;
	v37 =	vmul.f32 v46, v37;
	v46 =	vld [tilespmem:$0x1FD40];
	v63 =	vadd.f32 v62, v52  }
0x1ce: {  	v52 =	vmul.f32 v38, v51;
	v51 =	vmul.f32 v17, v18;
	v17 =	vld [tilespmem:$0x1FD60];
	v0 =	vadd.f32 v57, v0  }
0x1cf: {  	v3 =	vmul.f32 v4, v3;
	v62 =	vadd.f32 $0.0e+00, v7;
	v38 =	vld [tilespmem:s11+$0x10];
	v2 =	vadd.f32 v32, v63  }
0x1d0: {  	v1 =	vadd.f32 v37, v1;
	v37 =	vld [tilespmem:s11+$0x8020];
	v0 =	vadd.f32 v47, v0  }
0x1d1: {  	(xrf2) =	vadd.scan.msk.f32 $0xffff, v2;
	v2 =	vadd.f32 v3, v62;
	v47 =	vld [tilespmem:$0x1FD50]  }
0x1d2: {  	v32 =	vld [tilespmem:s11+$0x100];
	v0 =	vadd.f32 v61, v0  }
0x1d3: {  	v63 =	vmul.f32 v10, v9;
	v2 =	vadd.f32 v52, v2;
	v52 =	vld [tilespmem:$0x1FD70]  }
0x1d4: {  	v61 =	vmul.f32 v16, v15;
	v16 =	vmov v53;
	v53 =	vld [tilespmem:$0x1FD80];
	(xrf2) =	vadd.scan.msk.f32 $0xffff, v0  }
0x1d5: {  	v9 =	vld [tilespmem:s11+$0x8080];
	v58 =	vadd.f32 $0.0e+00, v63;
	v62 =	vmul.f32 v41, v39  }
0x1d6: {  	v42 =	vmul.f32 v43, v42;
	v63 =	vld [tilespmem:s11+$0x80C0];
	v7 =	vmul.f32 v47, v46  }
0x1d7: {  	v57 =	vld [tilespmem:s11+$0x80D0];
	v2 =	vadd.f32 v62, v2;
	v0 =	vadd.f32 v60, v58;
	v47 =	vmul.f32 v50, v49  }
0x1d8: {  	v39 =	vld [tilespmem:s11+$0x8090];
	v49 =	vadd.f32 $0.0e+00, v61;
	v50 =	vmul.f32 v12, v11;
	v1 =	vadd.f32 v7, v1  }
0x1d9: {  	p0 =	sne.s32 s13, $0x1F000;
	v3 =	vld [tilespmem:s11+$0x80];
	v58 =	vmul.f32 v59, v56;
	v0 =	vadd.f32 v47, v0;
	v4 =	vmul.f32 v53, v52  }
.Ltmp0:
0x1da: {  	v41 =	vld [tilespmem:s11+$0x8000];
	v59 =	vadd.f32 $0.0e+00, v51;
	v60 =	vmul.f32 v24, v13;
	(xrf2) =	vadd.scan.msk.f32 $0xffff, v1;
	v1 =	vadd.f32 v50, v49;
	(pc) =	sbr.rel @p0 .LBB2_2-.Ltmp0, $4  }
0x1db: {  	v18 =	vmovc v22;
	v62 =	vmul.f32 v45, v44;
	v44 =	vld [tilespmem:s11+$0x8010];
	v61 =	vmul.f32 v63, v5;
	v0 =	vadd.f32 v4, v0  }
0x1dc: {  	v45 =	vld [tilespmem:s11+$0x40];
	v63 =	vmul.f32 v55, v40;
	(xrf2) =	vadd.scan.msk.f32 $0xffff, v2;
	v2 =	vadd.f32 v60, v59;
	v1 =	vadd.f32 v58, v1  }
0x1dd: {  	v15 =	vmov v21;
	v48 =	vmul.f32 v57, v48;
	v46 =	vld [tilespmem:s11+$0x90];
	v51 =	vadd.f32 $0.0e+00, v61;
	v52, _, _ =	vpop (xrf2)  }
0x1de: {  	s13 =	sadd.s32 $0x1000, s13;
	v47 =	vld [tilespmem:s11+$0x0];
	v50 =	vmul.f32 v9, v3;
	(xrf2) =	vadd.scan.msk.f32 $0xffff, v0;
	v49 =	vadd.f32 v63, v2;
	v40 =	vadd.f32 v62, v1;
	v21, _, _ =	vpop (xrf2)  }
0x1df: {  	v0 =	vld [tilespmem:s11+$0x8040]  }
0x1e0: {  	v2 =	vld [tilespmem:s11+$0x50]  }
0x1e1: {  	v6 =	vld [tilespmem:s11+$0x8050]  }
0x1e2: {  	v9 =	vld [tilespmem:s11+$0x60]  }
0x1e3: {  	v11 =	vld [tilespmem:s11+$0x8060]  }
0x1e4: {  	v12 =	vld [tilespmem:s11+$0x70]  }
0x1e5: {  	v24 =	vmul.f32 v26, v54;
	v26 =	vld [tilespmem:s11+$0x8070]  }
0x1e6: {  	v25 =	vmul.f32 v28, v25;
	v28 =	vld [tilespmem:s11+$0x8120]  }
0x1e7: {  	v7 =	vmul.f32 v31, v30;
	v31 =	vld [tilespmem:s11+$0x130]  }
0x1e8: {  	v30 =	vmul.f32 v33, v32;
	v33 =	vld [tilespmem:s11+$0x8130]  }
0x1e9: {  	v13 =	vmul.f32 v37, v36;
	v36 =	vld [tilespmem:s11+$0x81E0]  }
0x1ea: {  	v4 =	vadd.f32 v48, v51;
	v48 =	vld [tilespmem:$0x1FF90]  }
0x1eb: {  	v51 =	vld [tilespmem:s11+$0x82B0]  }
0x1ec: {  	v55 =	vld [tilespmem:$0x1FF60]  }
0x1ed: {  	v56 =	vld [tilespmem:$0x1FF70]  }
0x1ee: {  	v57 =	vld [tilespmem:s11+$0x8360]  }
0x1ef: {  	v60 =	vld [tilespmem:$0x1FF30]  }
0x1f0: {  	v22 =	vmul.f32 v35, v34;
	v34 =	vmul.f32 v29, v27;
	v61 =	vld [tilespmem:$0x1FF40]  }
0x1f1: {  	v35 =	vmul.f32 v23, v14;
	v62 =	vld [tilespmem:s11+$0x370];
	v3 =	vadd.f32 $0.0e+00, v50;
	v5 =	vmul.f32 v41, v47  }
0x1f2: {  	v8 =	vadd.f32 v42, v49;
	v42 =	vld [tilespmem:s11+$0x81F0];
	v1 =	vmul.f32 v39, v46;
	v0 =	vmul.f32 v0, v45  }
0x1f3: {  	v10 =	vmul.f32 v44, v38;
	v49 =	vld [tilespmem:s11+$0x2B0];
	v4 =	vadd.f32 v7, v4;
	v5 =	vadd.f32 $0.0e+00, v5  }
0x1f4: {  	v50 =	vld [tilespmem:$0x1FFA0];
	v1 =	vadd.f32 v1, v3;
	v2 =	vmul.f32 v6, v2;
	v0 =	vadd.f32 $0.0e+00, v0  }
0x1f5: {  	v38 =	vmul.f32 v19, v18;
	v39 =	vld [tilespmem:s11+$0x1F0];
	v4 =	vadd.f32 v24, v4;
	v5 =	vadd.f32 v10, v5  }
0x1f6: {  	v47 =	vld [tilespmem:$0x1FF80];
	v32 =	vmul.f32 v11, v9;
	v1 =	vadd.f32 v22, v1;
	v0 =	vadd.f32 v2, v0  }
0x1f7: {  	(xrf2) =	vadd.scan.msk.f32 $0xffff, v40;
	v3 =	vadd.f32 $0.0e+00, v30;
	v37 =	vmul.f32 v26, v12;
	v45 =	vld [tilespmem:s11+$0x82A0];
	v5 =	vadd.f32 v13, v5  }
0x1f8: {  	(xrf2) =	vadd.scan.msk.f32 $0xffff, v8;
	v41 =	vmul.f32 v28, v20;
	v20 =	vld [tilespmem:$0x1FF50];
	v1 =	vadd.f32 v25, v1;
	v0 =	vadd.f32 v32, v0  }
0x1f9: {  	v44 =	vmul.f32 v16, v15;
	v26 =	vld [tilespmem:$0x1FF20];
	(xrf2) =	vadd.scan.msk.f32 $0xffff, v4;
	v3 =	vadd.f32 v35, v3;
	v40 =	vadd.f32 v34, v5  }
0x1fa: {  	v43 =	vadd.f32 $0.0e+00, v38;
	v46 =	vmul.f32 v33, v31;
	v33 =	vld [tilespmem:$0x1FEE0];
	(xrf2) =	vadd.scan.msk.f32 $0xffff, v1;
	v0 =	vadd.f32 v37, v0  }
0x1fb: {  	v3 =	vadd.f32 v41, v3;
	v25 =	vld [tilespmem:$0x1FF10];
	v5 =	vmul.f32 v48, v47;
	(xrf2) =	vadd.scan.msk.f32 $0xffff, v40  }
0x1fc: {  	v2 =	vmul.f32 v36, v50;
	v1 =	vadd.f32 v44, v43;
	v32 =	vld [tilespmem:$0x1FF00];
	(xrf2) =	vadd.scan.msk.f32 $0xffff, v0  }
0x1fd: {  	v4 =	vmul.f32 v56, v55;
	v53 =	vadd.f32 v46, v3;
	v34 =	vld [tilespmem:$0x1FEF0];
	v54 =	vadd.f32 $0.0e+00, v5  }
0x1fe: {  	v58, _, _ =	vpop (xrf2);
	v6 =	vmul.f32 v61, v60;
	v22 =	vld [tilespmem:s11+$0x8370];
	v59 =	vmul.f32 v42, v39;
	v1 =	vadd.f32 v2, v1  }
0x1ff: {  	v63, _, _ =	vpop (xrf2);
	v37 =	vld [tilespmem:$0x1FED0];
	v3 =	vadd.f32 v4, v54;
	v4 =	vmul.f32 v45, v20;
	(xrf2) =	vadd.scan.msk.f32 $0xffff, v53  }
0x200: {  	v27 =	vld [tilespmem:s11+$0x3E0];
	v24 =	vadd.f32 $0.0e+00, v6;
	v23, _, _ =	vpop (xrf2);
	v6 =	vmul.f32 v26, v25;
	v1 =	vadd.f32 v59, v1  }
0x201: {  	v30 =	vld [tilespmem:s11+$0x83E0];
	v29 =	vmul.f32 v51, v49;
	v28, _, _ =	vpop (xrf2);
	v3 =	vadd.f32 v4, v3  }
0x202: {  	v38 =	vld [tilespmem:s11+$0x83F0];
	v31, _, _ =	vpop (xrf2);
	v2 =	vadd.f32 v6, v24;
	v5 =	vmul.f32 v57, v32;
	v6 =	vmul.f32 v34, v33;
	(xrf2) =	vadd.scan.msk.f32 $0xffff, v1  }
0x203: {  	v35 =	vld [tilespmem:s11+$0x3F0];
	v40 =	vmul.f32 v22, v62;
	v36, _, _ =	vpop (xrf2);
	v3 =	vadd.f32 v29, v3  }
0x204: {  	v4 =	vmul.f32 v37, v17;
	v2 =	vadd.f32 v5, v2;
	v6 =	vadd.f32 $0.0e+00, v6;
	v39, _, _ =	vpop (xrf2)  }
0x205: {  	(xrf2) =	vadd.scan.msk.f32 $0xffff, v3;
	v41, _, _ =	vpop (xrf2)  }
0x206: {  	v43 =	vmul.f32 v30, v27;
	v2 =	vadd.f32 v40, v2;
	v42 =	vadd.f32 v4, v6;
	v44, _, _ =	vpop (xrf2)  }
0x207: {  	v45 =	vbroadcast v41, $0xF;
	v5 =	vbroadcast v44, $0xF  }
0x208: {  	v47 =	vmul.f32 v38, v35;
	v46 =	vbroadcast v39, $0xF;
	v3 =	vadd.f32 v43, v42;
	(xrf2) =	vadd.scan.msk.f32 $0xffff, v2  }
0x209: {  	v1 =	vbroadcast v36, $0xF;
	v49, _, _ =	vpop (xrf2);
	v48 =	vsel vm0, v45, v5  }
0x20a: {  	v3 =	vadd.f32 v47, v3;
	v5 =	vbroadcast v49, $0xF;
	v2 =	vsel vm1, v48, v46  }
0x20b: {  	v50 =	vbroadcast v31, $0xF;
	v1 =	vsel vm2, v2, v1  }
0x20c: {  	v51 =	vbroadcast v28, $0xF;
	v53, _, _ =	vpop (xrf2);
	(xrf2) =	vadd.scan.msk.f32 $0xffff, v3;
	v1 =	vsel vm3, v1, v5  }
0x20d: {  	v54 =	vbroadcast v53, $0xF;
	v1 =	vsel vm4, v1, v50  }
0x20e: {  	v0 =	vbroadcast v23, $0xF;
	v1 =	vsel vm5, v1, v51  }
0x20f: {  	v55 =	vbroadcast v63, $0xF;
	v56, _, _ =	vpop (xrf2);
	v1 =	vsel vm6, v1, v54  }
0x210: {  	v57 =	vbroadcast v56, $0xF;
	v0 =	vsel vm7, v1, v0  }
0x211: {  	v58 =	vbroadcast v58, $0xF;
	v0 =	vsel vm8, v0, v55  }
0x212: {  	v59 =	vbroadcast v21, $0xF;
	v60, _, _ =	vpop (xrf2);
	v0 =	vsel vm9, v0, v57  }
0x213: {  	v61 =	vbroadcast v60, $0xF;
	v0 =	vsel vm10, v0, v58  }
0x214: {  	v62 =	vbroadcast v52, $0xF;
	v0 =	vsel vm11, v0, v59  }
0x215: {  	v0 =	vsel vm12, v0, v61  }
0x216: {  	v63, _, _ =	vpop (xrf2);
	v0 =	vsel vm13, v0, v62  }
0x217: {  	v0 =	vsel vm14, v0, v63  }
0x218: {  	v0 =	vsub.f32 $0.0e+00, v0;
	_ =	sdelay $0x1  }
0x219: {  	v0 =	vmul.f32 $1.442695020e+00, v0;
	_ =	sdelay $0x1  }
0x21a: {  	(erf) = vpow2.f32 v0;
	_ =	sdelay $0x8  }
0x21b: {  	v0 =	vpop (erf)  }
0x21c: {  	v0 =	vadd.f32 $1.000000000e+00, v0;
	_ =	sdelay $0x1  }
0x21d: {  	(erf) = vrcp.f32 v0;
	_ =	sdelay $0x7  }
0x21e: {  	s10 =	sadd.s32 $0x1, s10  }
0x21f: {  	s31 =	sadd.s32 $0x10, s12;
	p0 =	sne.s32 s10, s6;
	v0 =	vpop (erf)  }
.Ltmp1:
0x220: {  	[tilespmem:s31+$0x0] =	vst v0;
	(pc) =	sbr.rel @p0 .LBB2_1-.Ltmp1, $4  }
0x221: {  	[hbm4b:s5+s2] =	stream.linear.scatter [tilespmem:s9], [sflag:$0x1], $0x200, $0x38;
	[tilespmem:$0x10200] =	vst v63  }
0x222: {  	_ =	swait.ge [sflag:s7], $0x200  }
0x223: {  	[sflag:s7] =	ssyncset.done $0x0  }
0x224: {  	[sflag:s7] =	ssyncadd.s32 $0xFFFFFE00  }
0x225: {  	_ =	sfence.sel $0x180000  }
0x226: {  	[bflag:$0x0] =	sbarrier.arrive $0xFFFF  }
0x227: {  	p0 =	sne.s32 s1, $0x0;
	_ =	strace $0x9000004A  }
0x228: {  	s0 =	sadd.s32 @!p0 $0x100000, s0;
	[bflag:$0x2] =	sbarrier.arrive $0xFFFF  }
0x229: {  	[sflag:s0] =	ssyncadd.tile.s32 @!p0 $0x1;
	_ =	shalt  }
.Lfunc_end2:
_tile_overlayer_lowered:
.L_overlay_start_2:
0x22a: {  	(tag) =	ssettag $0x2  }
0x22b: {  	s0 =	rddreg [dreg:$0x0];
	s2 =	stileid.u32  }
0x22c: {  	s1 =	rddreg [dreg:$0x1];
	p0 =	sne.s32 s2, $0x0  }
0x22d: {  	s3 =	rddreg [dreg:$0x2];
	[bflag:$0x3] =	sbarrier.arrive $0xFFFF;
	s2 =	simm.s32 @!p0 $0x1C01  }
0x22e: {  	[timem:s3], [sflag:s2] =	dma.local @!p0 [hbm:s0], s1  }
0x22f: {  	s0 =	simm.s32 @!p0 $0x1  }
0x230: {  	_ =	swait.ge @!p0 [sflag:s0], s1  }
0x231: {  	s1 =	ssub.s32 @!p0 $0x0, s1;
	[sflag:s0] =	ssyncset.done @!p0 $0x0  }
0x232: {  	[sflag:s0] =	ssyncadd.s32 @!p0 s1  }
0x233: {  	[bflag:$0x3] =	sbarrier.arrive $0xFFFF  }
0x234: {  	_ =	shalt  }

</sc_bundles>
